<compile_context>
chip_gen: v7x
topology: tpu7x:2x2x1
jax: 0.10.2.dev20260603
libtpu: 0.0.44.dev20260713+nightly
codegen_flags: <defaults>
</compile_context>

<pallas_src>
import functools

import jax
import jax.numpy as jnp
from jax import lax
from jax.experimental import pallas as pl
from jax.experimental.pallas import tpu as pltpu
from jax.experimental.pallas import tpu_sc as plsc

_DPAD = 8
_ROWS = 16384




def _tw_body(scale, nblocks, tablet_hbm, w_ref, b_ref, out_ref, tbuf, sem):
    i = pl.program_id(0)
    slot = lax.rem(i, 2)

    def issue(j, s):
        pltpu.make_async_copy(
            tablet_hbm.at[:, pl.ds(j * _ROWS, _ROWS)], tbuf.at[s], sem.at[s]
        ).start()

    @pl.when(i == 0)
    def _():
        issue(0, 0)

    @pl.when(i + 1 < nblocks)
    def _():
        issue(i + 1, 1 - slot)

    pltpu.make_async_copy(
        tablet_hbm.at[:, pl.ds(0, _ROWS)], tbuf.at[slot], sem.at[slot]
    ).wait()
    w = w_ref[...] * scale
    tw = (
        lax.dot_general(
            tbuf[slot],
            w,
            dimension_numbers=(((0,), (0,)), ((), ())),
            preferred_element_type=jnp.float32,
        )
        + b_ref[...] * scale
    )
    c = tw.shape[1]
    out_ref[...] = jnp.concatenate(
        [tw, jnp.zeros((_ROWS, 128 - c), jnp.float32)], axis=1
    )


def _make_tw_main(vocab, d, c, seq_len):
    nblocks = vocab // _ROWS
    return pl.pallas_call(
        functools.partial(_tw_body, 1.0 / float(seq_len), nblocks),
        grid=(nblocks,),
        in_specs=[
            pl.BlockSpec(memory_space=pl.ANY),
            pl.BlockSpec((d, c), lambda i: (0, 0)),
            pl.BlockSpec((1, c), lambda i: (0, 0)),
        ],
        out_specs=pl.BlockSpec((_ROWS, 128), lambda i: (i, 0)),
        out_shape=jax.ShapeDtypeStruct((vocab, 128), jnp.float32),
        scratch_shapes=[
            pltpu.VMEM((2, d, _ROWS), jnp.float32),
            pltpu.SemaphoreType.DMA((2,)),
        ],
        compiler_params=pltpu.CompilerParams(
            fuse_transposed_lhs_in_matmul=True
        ),
    )


def _tail_body(scale, alias_ref, ttail_ref, w_ref, b_ref, out_ref):
    w = w_ref[...] * scale
    tw = (
        jnp.dot(ttail_ref[...], w, preferred_element_type=jnp.float32)
        + b_ref[...] * scale
    )
    rows, c = tw.shape
    out_ref[...] = jnp.concatenate(
        [tw, jnp.zeros((rows, 128 - c), jnp.float32)], axis=1
    )


def _make_tw_tail(vocab, d, c, seq_len, tail):
    base_blk = (vocab - tail) // 64
    return pl.pallas_call(
        functools.partial(_tail_body, 1.0 / float(seq_len)),
        grid=(tail // 64,),
        in_specs=[
            pl.BlockSpec(memory_space=pl.ANY),
            pl.BlockSpec((64, d), lambda i: (i, 0)),
            pl.BlockSpec((d, c), lambda i: (0, 0)),
            pl.BlockSpec((1, c), lambda i: (0, 0)),
        ],
        out_specs=pl.BlockSpec((64, 128), lambda i: (base_blk + i, 0)),
        out_shape=jax.ShapeDtypeStruct((vocab, 128), jnp.float32),
        input_output_aliases={0: 0},
    )




def _lane_gather(v, idx):
    dn = lax.GatherDimensionNumbers(
        offset_dims=(), collapsed_slice_dims=(0,), start_index_map=(0,)
    )
    return lax.gather(
        v,
        idx[:, None],
        dn,
        slice_sizes=(1,),
        mode=lax.GatherScatterMode.PROMISE_IN_BOUNDS,
    )


def _make_sc(batch, seq_len, c, vocab):
    info = plsc.get_sparse_core_info()
    nc, ns = info.num_cores, info.num_subcores
    nw = nc * ns
    rpw = batch // nw
    cr = 16
    n_chunks = rpw // cr
    tpc = cr * seq_len
    steps = seq_len // 2

    mesh = plsc.VectorSubcoreMesh(core_axis_name="c", subcore_axis_name="s")

    @functools.partial(
        pl.kernel,
        mesh=mesh,
        out_type=jax.ShapeDtypeStruct((batch * c,), jnp.float32),
        scratch_types=[
            pltpu.VMEM((seq_len, cr), jnp.int32),
            pltpu.VMEM((seq_len, cr), jnp.int32),
            pltpu.VMEM((tpc,), jnp.int32),
            pltpu.VMEM((tpc,), jnp.int32),
            pltpu.VMEM((tpc, _DPAD), jnp.float32),
            pltpu.VMEM((tpc, _DPAD), jnp.float32),
            pltpu.VMEM((rpw * c,), jnp.float32),
            pltpu.SemaphoreType.DMA,
            pltpu.SemaphoreType.DMA,
            pltpu.SemaphoreType.DMA,
            pltpu.SemaphoreType.DMA,
        ],
        compiler_params=pltpu.CompilerParams(
            needs_layout_passes=False, use_tc_tiling_on_sc=False
        ),
    )
    def sc_kernel(
        xt_hbm, tw_hbm, out_hbm,
        ibt0, ibt1, ib0, ib1, db0, db1, outbuf,
        sem_t0, sem_t1, sem_g0, sem_g1,
    ):
        wid = lax.axis_index("s") * nc + lax.axis_index("c")
        row0 = wid * rpw
        iota = lax.iota(jnp.int32, 16)
        riota = lax.shift_right_logical(iota, 3)
        cpat = lax.bitwise_and(iota, 7)
        opat = lax.bitwise_and(iota, 3)
        fold8 = lax.bitwise_and(iota + 8, 15)
        omask = iota < 4
        riota200 = iota * seq_len

        def issue_ibt(g, ibt, sem):
            col = row0 + g * cr
            pltpu.async_copy(xt_hbm.at[:, pl.ds(col, cr)], ibt, sem)

        def wait_ibt(ibt, sem):
            pltpu.make_async_copy(
                xt_hbm.at[:, pl.ds(0, cr)], ibt, sem
            ).wait()

        def transpose(ibt, ib):
            def body(i, _):
                l0 = i * 4
                for k in range(4):
                    v = lax.shift_left(ibt[l0 + k], 4)
                    plsc.store_scatter(ib, [riota200 + (l0 + k)], v)
                return 0

            lax.fori_loop(0, seq_len // 4, body, 0)

        def issue_gathers(ib, db, sem):
            def body(r, _):
                pltpu.async_copy(
                    tw_hbm.at[ib.at[pl.ds(r * seq_len, seq_len)]],
                    db.at[pl.ds(r * seq_len, seq_len), :],
                    sem,
                )
                return 0

            lax.fori_loop(0, cr, body, 0)

        def wait_gathers(ib, db, sem):
            def body(r, _):
                pltpu.make_async_copy(
                    tw_hbm.at[ib.at[pl.ds(r * seq_len, seq_len)]],
                    db.at[pl.ds(r * seq_len, seq_len), :],
                    sem,
                ).wait()
                return 0

            lax.fori_loop(0, cr, body, 0)

        def accum(g, db):
            def row_body(r, _):
                base = r * seq_len
                acc = jnp.zeros((16,), jnp.float32)
                for s in range(steps):
                    ridx = riota + (base + 2 * s)
                    acc = acc + plsc.load_gather(db, [ridx, cpat])
                a1 = acc + _lane_gather(acc, fold8)
                oidx = (g * cr + r) * c + opat
                plsc.store_scatter(outbuf, [oidx], a1, mask=omask)
                return 0

            lax.fori_loop(0, cr, row_body, 0)

        issue_ibt(0, ibt0, sem_t0)
        wait_ibt(ibt0, sem_t0)
        transpose(ibt0, ib0)
        issue_gathers(ib0, db0, sem_g0)
        issue_ibt(1, ibt1, sem_t1)

        def body2(k, _):
            g0 = 2 * k
            wait_gathers(ib0, db0, sem_g0)
            wait_ibt(ibt1, sem_t1)
            transpose(ibt1, ib1)
            issue_gathers(ib1, db1, sem_g1)

            @pl.when(g0 + 2 < n_chunks)
            def _():
                issue_ibt(g0 + 2, ibt0, sem_t0)

            accum(g0, db0)

            wait_gathers(ib1, db1, sem_g1)

            @pl.when(g0 + 2 < n_chunks)
            def _():
                wait_ibt(ibt0, sem_t0)
                transpose(ibt0, ib0)
                issue_gathers(ib0, db0, sem_g0)

            @pl.when(g0 + 3 < n_chunks)
            def _():
                issue_ibt(g0 + 3, ibt1, sem_t1)

            accum(g0 + 1, db1)
            return 0

        lax.fori_loop(0, n_chunks // 2, body2, 0)
        pltpu.sync_copy(outbuf, out_hbm.at[pl.ds(row0 * c, rpw * c)])

    return sc_kernel


def kernel(x, table, W, b):
    batch, seq_len = x.shape
    vocab, d = table.shape
    c = W.shape[1]
    b1 = b.reshape(1, c)
    tail = vocab - (vocab // _ROWS) * _ROWS
    tw128 = _make_tw_main(vocab, d, c, seq_len)(table.T, W, b1)
    if tail:
        ttail = lax.slice(table, (vocab - tail, 0), (vocab, d))
        tw128 = _make_tw_tail(vocab, d, c, seq_len, tail)(
            tw128, ttail, W, b1
        )
    tw = tw128.reshape(vocab * (128 // _DPAD), _DPAD)
    out_flat = _make_sc(batch, seq_len, c, vocab)(x.T, tw)
    return out_flat.reshape(batch, c)

# --- scband reference (transcript-rebuilt; emitter-appended) ---
"""Pipeline reference for scband-avg-word-emb-classifier-10316511445276 (READ-ONLY COPY).

The authoritative reference and input builder live on the scoring server;
editing this copy changes nothing except your own understanding.
"""

import jax, jax.numpy as jnp
import numpy as np

VOCAB = 1000000
EMBED_DIM = 32
NUM_CLASSES = 4
BATCH = 16384
SEQ_LEN = 200

def setup_inputs(seed: int = 0) -> dict:
    key = jax.random.key(seed)
    k1, k2, k3, k4 = jax.random.split(key, 4)
    x = jax.random.randint(k1, (BATCH, SEQ_LEN), 0, VOCAB, dtype=jnp.int64 if jax.config.jax_enable_x64 else jnp.int32)
    table = jax.random.normal(k2, (VOCAB, EMBED_DIM), dtype=jnp.float32)
    W = jax.random.normal(k3, (EMBED_DIM, NUM_CLASSES), dtype=jnp.float32) * (1.0 / np.sqrt(EMBED_DIM))
    b = jnp.zeros((NUM_CLASSES,), dtype=jnp.float32)
    return {"x": x, "table": table, "W": W, "b": b}

def reference(x, table, W, b):
    # embedding lookup: [B, L, D]
    emb = jnp.take(table, x, axis=0)
    # average over sequence dimension: [B, D]
    avg_emb = jnp.mean(emb, axis=1)
    # linear classifier: [B, num_classes]
    logits = avg_emb @ W + b
    return logits

if __name__ == "__main__":
    import jax
    _d = setup_inputs()
    print(jax.jit(kernel)(*tuple(_d.values())))

</pallas_src>

<mosaic_0001>
#map = affine_map<(d0, d1) -> (0, 0)>
#map1 = affine_map<(d0, d1) -> (0)>
module attributes {stable_mosaic.version = 14 : i64} {
  func.func @sc_kernel(%arg0: i32, %arg1: i32, %arg2: memref<200x16384xi32, #tpu.memory_space<hbm>>, %arg3: memref<16000000x8xf32, #tpu.memory_space<hbm>>, %arg4: memref<65536xf32, #tpu.memory_space<hbm>>, %arg5: memref<200x16xi32, #tpu.memory_space<vmem>>, %arg6: memref<200x16xi32, #tpu.memory_space<vmem>>, %arg7: memref<3200xi32, #tpu.memory_space<vmem>>, %arg8: memref<3200xi32, #tpu.memory_space<vmem>>, %arg9: memref<3200x8xf32, #tpu.memory_space<vmem>>, %arg10: memref<3200x8xf32, #tpu.memory_space<vmem>>, %arg11: memref<2048xf32, #tpu.memory_space<vmem>>, %arg12: memref<!tpu.dma_semaphore, #tpu.memory_space<semaphore_mem>>, %arg13: memref<!tpu.dma_semaphore, #tpu.memory_space<semaphore_mem>>, %arg14: memref<!tpu.dma_semaphore, #tpu.memory_space<semaphore_mem>>, %arg15: memref<!tpu.dma_semaphore, #tpu.memory_space<semaphore_mem>>) attributes {dimension_semantics = [#tpu.dimension_semantics<core_parallel>, #tpu.dimension_semantics<subcore_parallel>], iteration_bounds = array<i64: 2, 16>, scalar_prefetch = 0 : i64, scratch_operands = 11 : i64, tpu.core_type = #tpu.core_type<sc_vector_subcore>, window_params = [{transform_indices = #map}, {transform_indices = #map}, {transform_indices = #map1}]} {
    %mul3A = arith.constant 2 : i32
    %mul3A_0 = arith.muli %arg1, %mul3A : i32
    %add3A = arith.addi %mul3A_0, %arg0 : i32
    %mul3A_1 = arith.constant 512 : i32
    %mul3A_2 = arith.muli %add3A, %mul3A_1 : i32
    %iota3A = tpu.iota {dimensions = array<i32: 0>} : vector<16xi32>
    %shift_right_logical3A = arith.constant 3 : i32
    %shift_right_logical3A_3 = vector.broadcast %shift_right_logical3A : i32 to vector<16xi32>
    %shift_right_logical3A_4 = arith.shrui %iota3A, %shift_right_logical3A_3 : vector<16xi32>
    %and3A = arith.constant 7 : i32
    %and3A_5 = vector.broadcast %and3A : i32 to vector<16xi32>
    %and3A_6 = arith.andi %iota3A, %and3A_5 : vector<16xi32>
    %and3A_7 = arith.constant 3 : i32
    %and3A_8 = vector.broadcast %and3A_7 : i32 to vector<16xi32>
    %and3A_9 = arith.andi %iota3A, %and3A_8 : vector<16xi32>
    %add3A_10 = arith.constant 8 : i32
    %add3A_11 = vector.broadcast %add3A_10 : i32 to vector<16xi32>
    %add3A_12 = arith.addi %iota3A, %add3A_11 : vector<16xi32>
    %and3A_13 = arith.constant 15 : i32
    %and3A_14 = vector.broadcast %and3A_13 : i32 to vector<16xi32>
    %and3A_15 = arith.andi %add3A_12, %and3A_14 : vector<16xi32>
    %lt3A = arith.constant 4 : i32
    %lt3A_16 = vector.broadcast %lt3A : i32 to vector<16xi32>
    %lt3A_17 = arith.cmpi slt, %iota3A, %lt3A_16 : vector<16xi32>
    %mul3A_18 = arith.constant 200 : i32
    %mul3A_19 = vector.broadcast %mul3A_18 : i32 to vector<16xi32>
    %mul3A_20 = arith.muli %iota3A, %mul3A_19 : vector<16xi32>
    %add3A_21 = arith.constant 0 : i32
    %add3A_22 = arith.addi %mul3A_2, %add3A_21 : i32
    %dma_start3A = arith.constant 0 : i32
    %dma_start3A_23 = tpu.memref_slice %arg2[%dma_start3A, %add3A_22] : memref<200x16384xi32, #tpu.memory_space<hbm>> -> memref<200x16xi32, #tpu.memory_space<hbm>>
    %dma_start3A_24 = arith.constant 0 : i32
    %dma_start3A_25 = tpu.memref_slice %arg2[%dma_start3A_24, %add3A_22] : memref<200x16384xi32, #tpu.memory_space<hbm>> -> memref<200x16xi32, #tpu.memory_space<hbm>>
    tpu.enqueue_dma source(%dma_start3A_25 : memref<200x16xi32, #tpu.memory_space<hbm>>) target(%arg5 : memref<200x16xi32, #tpu.memory_space<vmem>>) target_semaphore(%arg12 : memref<!tpu.dma_semaphore, #tpu.memory_space<semaphore_mem>>)
    %dma_wait3A = arith.constant 0 : i32
    %dma_wait3A_26 = arith.constant 0 : i32
    %dma_wait3A_27 = tpu.memref_slice %arg2[%dma_wait3A, %dma_wait3A_26] : memref<200x16384xi32, #tpu.memory_space<hbm>> -> memref<200x16xi32, #tpu.memory_space<hbm>>
    %dma_wait3A_28 = arith.constant 0 : i32
    %dma_wait3A_29 = arith.constant 0 : i32
    %dma_wait3A_30 = tpu.memref_slice %arg2[%dma_wait3A_28, %dma_wait3A_29] : memref<200x16384xi32, #tpu.memory_space<hbm>> -> memref<200x16xi32, #tpu.memory_space<hbm>>
    tpu.wait_dma2 semaphore(%arg12 : memref<!tpu.dma_semaphore, #tpu.memory_space<semaphore_mem>>) src(%dma_wait3A_30 : memref<200x16xi32, #tpu.memory_space<hbm>>) dst(%arg5 : memref<200x16xi32, #tpu.memory_space<vmem>>)
    %scan3A = arith.constant 0 : i32
    %scan3A_31 = arith.constant 0 : i32
    %scan3A_32 = arith.constant 50 : i32
    %scan3A_33 = arith.addi %scan3A_31, %scan3A_32 : i32
    %scan3A_34 = arith.constant 1 : i32
    %scan3A_35 = scf.for %scan3A_59 = %scan3A_31 to %scan3A_33 step %scan3A_34 iter_args(%scan3A_60 = %scan3A) -> (i32)  : i32 {
      %mul3A_61 = arith.constant 4 : i32
      %mul3A_62 = arith.muli %scan3A_59, %mul3A_61 : i32
      %add3A_63 = arith.constant 0 : i32
      %add3A_64 = arith.addi %mul3A_62, %add3A_63 : i32
      %get3A = arith.index_cast %add3A_64 : i32 to index
      %get3A_65 = arith.constant 0 : index
      %get3A_66 = tpu.vector_load %arg5[%get3A, %get3A_65] {strides = array<i32>} : memref<200x16xi32, #tpu.memory_space<vmem>>, vector<16xi32>,
      %shift_left3A = arith.constant 4 : i32
      %shift_left3A_67 = vector.broadcast %shift_left3A : i32 to vector<16xi32>
      %shift_left3A_68 = arith.shli %get3A_66, %shift_left3A_67 : vector<16xi32>
      %add3A_69 = arith.constant 0 : i32
      %add3A_70 = arith.addi %mul3A_62, %add3A_69 : i32
      %add3A_71 = vector.broadcast %add3A_70 : i32 to vector<16xi32>
      %add3A_72 = arith.addi %mul3A_20, %add3A_71 : vector<16xi32>
      tpu.vector_store_idx %arg7[%add3A_72], %shift_left3A_68 : memref<3200xi32, #tpu.memory_space<vmem>>[vector<16xi32>], vector<16xi32>,
      %add3A_73 = arith.constant 1 : i32
      %add3A_74 = arith.addi %mul3A_62, %add3A_73 : i32
      %get3A_75 = arith.index_cast %add3A_74 : i32 to index
      %get3A_76 = arith.constant 0 : index
      %get3A_77 = tpu.vector_load %arg5[%get3A_75, %get3A_76] {strides = array<i32>} : memref<200x16xi32, #tpu.memory_space<vmem>>, vector<16xi32>,
      %shift_left3A_78 = arith.constant 4 : i32
      %shift_left3A_79 = vector.broadcast %shift_left3A_78 : i32 to vector<16xi32>
      %shift_left3A_80 = arith.shli %get3A_77, %shift_left3A_79 : vector<16xi32>
      %add3A_81 = arith.constant 1 : i32
      %add3A_82 = arith.addi %mul3A_62, %add3A_81 : i32
      %add3A_83 = vector.broadcast %add3A_82 : i32 to vector<16xi32>
      %add3A_84 = arith.addi %mul3A_20, %add3A_83 : vector<16xi32>
      tpu.vector_store_idx %arg7[%add3A_84], %shift_left3A_80 : memref<3200xi32, #tpu.memory_space<vmem>>[vector<16xi32>], vector<16xi32>,
      %add3A_85 = arith.constant 2 : i32
      %add3A_86 = arith.addi %mul3A_62, %add3A_85 : i32
      %get3A_87 = arith.index_cast %add3A_86 : i32 to index
      %get3A_88 = arith.constant 0 : index
      %get3A_89 = tpu.vector_load %arg5[%get3A_87, %get3A_88] {strides = array<i32>} : memref<200x16xi32, #tpu.memory_space<vmem>>, vector<16xi32>,
      %shift_left3A_90 = arith.constant 4 : i32
      %shift_left3A_91 = vector.broadcast %shift_left3A_90 : i32 to vector<16xi32>
      %shift_left3A_92 = arith.shli %get3A_89, %shift_left3A_91 : vector<16xi32>
      %add3A_93 = arith.constant 2 : i32
      %add3A_94 = arith.addi %mul3A_62, %add3A_93 : i32
      %add3A_95 = vector.broadcast %add3A_94 : i32 to vector<16xi32>
      %add3A_96 = arith.addi %mul3A_20, %add3A_95 : vector<16xi32>
      tpu.vector_store_idx %arg7[%add3A_96], %shift_left3A_92 : memref<3200xi32, #tpu.memory_space<vmem>>[vector<16xi32>], vector<16xi32>,
      %add3A_97 = arith.constant 3 : i32
      %add3A_98 = arith.addi %mul3A_62, %add3A_97 : i32
      %get3A_99 = arith.index_cast %add3A_98 : i32 to index
      %get3A_100 = arith.constant 0 : index
      %get3A_101 = tpu.vector_load %arg5[%get3A_99, %get3A_100] {strides = array<i32>} : memref<200x16xi32, #tpu.memory_space<vmem>>, vector<16xi32>,
      %shift_left3A_102 = arith.constant 4 : i32
      %shift_left3A_103 = vector.broadcast %shift_left3A_102 : i32 to vector<16xi32>
      %shift_left3A_104 = arith.shli %get3A_101, %shift_left3A_103 : vector<16xi32>
      %add3A_105 = arith.constant 3 : i32
      %add3A_106 = arith.addi %mul3A_62, %add3A_105 : i32
      %add3A_107 = vector.broadcast %add3A_106 : i32 to vector<16xi32>
      %add3A_108 = arith.addi %mul3A_20, %add3A_107 : vector<16xi32>
      tpu.vector_store_idx %arg7[%add3A_108], %shift_left3A_104 : memref<3200xi32, #tpu.memory_space<vmem>>[vector<16xi32>], vector<16xi32>,
      %scan3A_109 = arith.constant 0 : i32
      scf.yield %scan3A_109 : i32
    }
    %scan3A_36 = arith.constant 50 : i32
    %scan3A_37 = arith.constant 0 : i32
    %scan3A_38 = arith.constant 0 : i32
    %scan3A_39 = arith.constant 16 : i32
    %scan3A_40 = arith.addi %scan3A_38, %scan3A_39 : i32
    %scan3A_41 = arith.constant 1 : i32
    %scan3A_42 = scf.for %scan3A_59 = %scan3A_38 to %scan3A_40 step %scan3A_41 iter_args(%scan3A_60 = %scan3A_37) -> (i32)  : i32 {
      %mul3A_61 = arith.constant 200 : i32
      %mul3A_62 = arith.muli %scan3A_59, %mul3A_61 : i32
      %mul3A_63 = arith.constant 200 : i32
      %mul3A_64 = arith.muli %scan3A_59, %mul3A_63 : i32
      %dma_start3A_65 = arith.constant 0 : i32
      %dma_start3A_66 = tpu.memref_slice %arg9[%mul3A_64, %dma_start3A_65] : memref<3200x8xf32, #tpu.memory_space<vmem>> -> memref<200x8xf32, #tpu.memory_space<vmem>>
      %dma_start3A_67 = tpu.memref_slice %arg7[%mul3A_62] : memref<3200xi32, #tpu.memory_space<vmem>> -> memref<200xi32, #tpu.memory_space<vmem>>
      %dma_start3A_68 = arith.constant 0 : i32
      %dma_start3A_69 = arith.constant 0 : i32
      %dma_start3A_70 = tpu.memref_slice %arg3[%dma_start3A_68, %dma_start3A_69] : memref<16000000x8xf32, #tpu.memory_space<hbm>> -> memref<16000000x8xf32, #tpu.memory_space<hbm>>
      tpu.enqueue_indirect_dma source(%dma_start3A_70 : memref<16000000x8xf32, #tpu.memory_space<hbm>>) target(%dma_start3A_66 : memref<200x8xf32, #tpu.memory_space<vmem>>) offsets(%dma_start3A_67 : memref<200xi32, #tpu.memory_space<vmem>>) semaphore(%arg14 : memref<!tpu.dma_semaphore, #tpu.memory_space<semaphore_mem>>)
      %scan3A_71 = arith.constant 0 : i32
      scf.yield %scan3A_71 : i32
    }
    %scan3A_43 = arith.constant 16 : i32
    %add3A_44 = arith.constant 16 : i32
    %add3A_45 = arith.addi %mul3A_2, %add3A_44 : i32
    %dma_start3A_46 = arith.constant 0 : i32
    %dma_start3A_47 = tpu.memref_slice %arg2[%dma_start3A_46, %add3A_45] : memref<200x16384xi32, #tpu.memory_space<hbm>> -> memref<200x16xi32, #tpu.memory_space<hbm>>
    %dma_start3A_48 = arith.constant 0 : i32
    %dma_start3A_49 = tpu.memref_slice %arg2[%dma_start3A_48, %add3A_45] : memref<200x16384xi32, #tpu.memory_space<hbm>> -> memref<200x16xi32, #tpu.memory_space<hbm>>
    tpu.enqueue_dma source(%dma_start3A_49 : memref<200x16xi32, #tpu.memory_space<hbm>>) target(%arg6 : memref<200x16xi32, #tpu.memory_space<vmem>>) target_semaphore(%arg13 : memref<!tpu.dma_semaphore, #tpu.memory_space<semaphore_mem>>)
    %scan3A_50 = arith.constant 0 : i32
    %scan3A_51 = arith.constant 0 : i32
    %scan3A_52 = arith.constant 16 : i32
    %scan3A_53 = arith.addi %scan3A_51, %scan3A_52 : i32
    %scan3A_54 = arith.constant 1 : i32
    %scan3A_55 = scf.for %scan3A_59 = %scan3A_51 to %scan3A_53 step %scan3A_54 iter_args(%scan3A_60 = %scan3A_50) -> (i32)  : i32 {
      %mul3A_61 = arith.constant 2 : i32
      %mul3A_62 = arith.muli %mul3A_61, %scan3A_59 : i32
      %scan3A_63 = arith.constant 0 : i32
      %scan3A_64 = arith.constant 0 : i32
      %scan3A_65 = arith.constant 16 : i32
      %scan3A_66 = arith.addi %scan3A_64, %scan3A_65 : i32
      %scan3A_67 = arith.constant 1 : i32
      %scan3A_68 = scf.for %scan3A_133 = %scan3A_64 to %scan3A_66 step %scan3A_67 iter_args(%scan3A_134 = %scan3A_63) -> (i32)  : i32 {
        %mul3A_135 = arith.constant 200 : i32
        %mul3A_136 = arith.muli %scan3A_133, %mul3A_135 : i32
        %mul3A_137 = arith.constant 200 : i32
        %mul3A_138 = arith.muli %scan3A_133, %mul3A_137 : i32
        %dma_wait3A_139 = arith.constant 0 : i32
        %dma_wait3A_140 = tpu.memref_slice %arg9[%mul3A_138, %dma_wait3A_139] : memref<3200x8xf32, #tpu.memory_space<vmem>> -> memref<200x8xf32, #tpu.memory_space<vmem>>
        %dma_wait3A_141 = tpu.memref_slice %arg7[%mul3A_136] : memref<3200xi32, #tpu.memory_space<vmem>> -> memref<200xi32, #tpu.memory_space<vmem>>
        %dma_wait3A_142 = arith.constant 0 : i32
        %dma_wait3A_143 = arith.constant 0 : i32
        %dma_wait3A_144 = tpu.memref_slice %arg3[%dma_wait3A_142, %dma_wait3A_143] : memref<16000000x8xf32, #tpu.memory_space<hbm>> -> memref<16000000x8xf32, #tpu.memory_space<hbm>>
        tpu.wait_indirect_dma semaphore(%arg14 : memref<!tpu.dma_semaphore, #tpu.memory_space<semaphore_mem>>) src(%dma_wait3A_144 : memref<16000000x8xf32, #tpu.memory_space<hbm>>) dst(%dma_wait3A_140 : memref<200x8xf32, #tpu.memory_space<vmem>>)
        %scan3A_145 = arith.constant 0 : i32
        scf.yield %scan3A_145 : i32
      }
      %scan3A_69 = arith.constant 16 : i32
      %dma_wait3A_70 = arith.constant 0 : i32
      %dma_wait3A_71 = arith.constant 0 : i32
      %dma_wait3A_72 = tpu.memref_slice %arg2[%dma_wait3A_70, %dma_wait3A_71] : memref<200x16384xi32, #tpu.memory_space<hbm>> -> memref<200x16xi32, #tpu.memory_space<hbm>>
      %dma_wait3A_73 = arith.constant 0 : i32
      %dma_wait3A_74 = arith.constant 0 : i32
      %dma_wait3A_75 = tpu.memref_slice %arg2[%dma_wait3A_73, %dma_wait3A_74] : memref<200x16384xi32, #tpu.memory_space<hbm>> -> memref<200x16xi32, #tpu.memory_space<hbm>>
      tpu.wait_dma2 semaphore(%arg13 : memref<!tpu.dma_semaphore, #tpu.memory_space<semaphore_mem>>) src(%dma_wait3A_75 : memref<200x16xi32, #tpu.memory_space<hbm>>) dst(%arg6 : memref<200x16xi32, #tpu.memory_space<vmem>>)
      %scan3A_76 = arith.constant 0 : i32
      %scan3A_77 = arith.constant 0 : i32
      %scan3A_78 = arith.constant 50 : i32
      %scan3A_79 = arith.addi %scan3A_77, %scan3A_78 : i32
      %scan3A_80 = arith.constant 1 : i32
      %scan3A_81 = scf.for %scan3A_133 = %scan3A_77 to %scan3A_79 step %scan3A_80 iter_args(%scan3A_134 = %scan3A_76) -> (i32)  : i32 {
        %mul3A_135 = arith.constant 4 : i32
        %mul3A_136 = arith.muli %scan3A_133, %mul3A_135 : i32
        %add3A_137 = arith.constant 0 : i32
        %add3A_138 = arith.addi %mul3A_136, %add3A_137 : i32
        %get3A = arith.index_cast %add3A_138 : i32 to index
        %get3A_139 = arith.constant 0 : index
        %get3A_140 = tpu.vector_load %arg6[%get3A, %get3A_139] {strides = array<i32>} : memref<200x16xi32, #tpu.memory_space<vmem>>, vector<16xi32>,
        %shift_left3A = arith.constant 4 : i32
        %shift_left3A_141 = vector.broadcast %shift_left3A : i32 to vector<16xi32>
        %shift_left3A_142 = arith.shli %get3A_140, %shift_left3A_141 : vector<16xi32>
        %add3A_143 = arith.constant 0 : i32
        %add3A_144 = arith.addi %mul3A_136, %add3A_143 : i32
        %add3A_145 = vector.broadcast %add3A_144 : i32 to vector<16xi32>
        %add3A_146 = arith.addi %mul3A_20, %add3A_145 : vector<16xi32>
        tpu.vector_store_idx %arg8[%add3A_146], %shift_left3A_142 : memref<3200xi32, #tpu.memory_space<vmem>>[vector<16xi32>], vector<16xi32>,
        %add3A_147 = arith.constant 1 : i32
        %add3A_148 = arith.addi %mul3A_136, %add3A_147 : i32
        %get3A_149 = arith.index_cast %add3A_148 : i32 to index
        %get3A_150 = arith.constant 0 : index
        %get3A_151 = tpu.vector_load %arg6[%get3A_149, %get3A_150] {strides = array<i32>} : memref<200x16xi32, #tpu.memory_space<vmem>>, vector<16xi32>,
        %shift_left3A_152 = arith.constant 4 : i32
        %shift_left3A_153 = vector.broadcast %shift_left3A_152 : i32 to vector<16xi32>
        %shift_left3A_154 = arith.shli %get3A_151, %shift_left3A_153 : vector<16xi32>
        %add3A_155 = arith.constant 1 : i32
        %add3A_156 = arith.addi %mul3A_136, %add3A_155 : i32
        %add3A_157 = vector.broadcast %add3A_156 : i32 to vector<16xi32>
        %add3A_158 = arith.addi %mul3A_20, %add3A_157 : vector<16xi32>
        tpu.vector_store_idx %arg8[%add3A_158], %shift_left3A_154 : memref<3200xi32, #tpu.memory_space<vmem>>[vector<16xi32>], vector<16xi32>,
        %add3A_159 = arith.constant 2 : i32
        %add3A_160 = arith.addi %mul3A_136, %add3A_159 : i32
        %get3A_161 = arith.index_cast %add3A_160 : i32 to index
        %get3A_162 = arith.constant 0 : index
        %get3A_163 = tpu.vector_load %arg6[%get3A_161, %get3A_162] {strides = array<i32>} : memref<200x16xi32, #tpu.memory_space<vmem>>, vector<16xi32>,
        %shift_left3A_164 = arith.constant 4 : i32
        %shift_left3A_165 = vector.broadcast %shift_left3A_164 : i32 to vector<16xi32>
        %shift_left3A_166 = arith.shli %get3A_163, %shift_left3A_165 : vector<16xi32>
        %add3A_167 = arith.constant 2 : i32
        %add3A_168 = arith.addi %mul3A_136, %add3A_167 : i32
        %add3A_169 = vector.broadcast %add3A_168 : i32 to vector<16xi32>
        %add3A_170 = arith.addi %mul3A_20, %add3A_169 : vector<16xi32>
        tpu.vector_store_idx %arg8[%add3A_170], %shift_left3A_166 : memref<3200xi32, #tpu.memory_space<vmem>>[vector<16xi32>], vector<16xi32>,
        %add3A_171 = arith.constant 3 : i32
        %add3A_172 = arith.addi %mul3A_136, %add3A_171 : i32
        %get3A_173 = arith.index_cast %add3A_172 : i32 to index
        %get3A_174 = arith.constant 0 : index
        %get3A_175 = tpu.vector_load %arg6[%get3A_173, %get3A_174] {strides = array<i32>} : memref<200x16xi32, #tpu.memory_space<vmem>>, vector<16xi32>,
        %shift_left3A_176 = arith.constant 4 : i32
        %shift_left3A_177 = vector.broadcast %shift_left3A_176 : i32 to vector<16xi32>
        %shift_left3A_178 = arith.shli %get3A_175, %shift_left3A_177 : vector<16xi32>
        %add3A_179 = arith.constant 3 : i32
        %add3A_180 = arith.addi %mul3A_136, %add3A_179 : i32
        %add3A_181 = vector.broadcast %add3A_180 : i32 to vector<16xi32>
        %add3A_182 = arith.addi %mul3A_20, %add3A_181 : vector<16xi32>
        tpu.vector_store_idx %arg8[%add3A_182], %shift_left3A_178 : memref<3200xi32, #tpu.memory_space<vmem>>[vector<16xi32>], vector<16xi32>,
        %scan3A_183 = arith.constant 0 : i32
        scf.yield %scan3A_183 : i32
      }
      %scan3A_82 = arith.constant 50 : i32
      %scan3A_83 = arith.constant 0 : i32
      %scan3A_84 = arith.constant 0 : i32
      %scan3A_85 = arith.constant 16 : i32
      %scan3A_86 = arith.addi %scan3A_84, %scan3A_85 : i32
      %scan3A_87 = arith.constant 1 : i32
      %scan3A_88 = scf.for %scan3A_133 = %scan3A_84 to %scan3A_86 step %scan3A_87 iter_args(%scan3A_134 = %scan3A_83) -> (i32)  : i32 {
        %mul3A_135 = arith.constant 200 : i32
        %mul3A_136 = arith.muli %scan3A_133, %mul3A_135 : i32
        %mul3A_137 = arith.constant 200 : i32
        %mul3A_138 = arith.muli %scan3A_133, %mul3A_137 : i32
        %dma_start3A_139 = arith.constant 0 : i32
        %dma_start3A_140 = tpu.memref_slice %arg10[%mul3A_138, %dma_start3A_139] : memref<3200x8xf32, #tpu.memory_space<vmem>> -> memref<200x8xf32, #tpu.memory_space<vmem>>
        %dma_start3A_141 = tpu.memref_slice %arg8[%mul3A_136] : memref<3200xi32, #tpu.memory_space<vmem>> -> memref<200xi32, #tpu.memory_space<vmem>>
        %dma_start3A_142 = arith.constant 0 : i32
        %dma_start3A_143 = arith.constant 0 : i32
        %dma_start3A_144 = tpu.memref_slice %arg3[%dma_start3A_142, %dma_start3A_143] : memref<16000000x8xf32, #tpu.memory_space<hbm>> -> memref<16000000x8xf32, #tpu.memory_space<hbm>>
        tpu.enqueue_indirect_dma source(%dma_start3A_144 : memref<16000000x8xf32, #tpu.memory_space<hbm>>) target(%dma_start3A_140 : memref<200x8xf32, #tpu.memory_space<vmem>>) offsets(%dma_start3A_141 : memref<200xi32, #tpu.memory_space<vmem>>) semaphore(%arg15 : memref<!tpu.dma_semaphore, #tpu.memory_space<semaphore_mem>>)
        %scan3A_145 = arith.constant 0 : i32
        scf.yield %scan3A_145 : i32
      }
      %scan3A_89 = arith.constant 16 : i32
      %add3A_90 = arith.constant 2 : i32
      %add3A_91 = arith.addi %mul3A_62, %add3A_90 : i32
      %lt3A_92 = arith.constant 32 : i32
      %lt3A_93 = arith.cmpi slt, %add3A_91, %lt3A_92 : i32
      %convert_element_type3A = arith.extui %lt3A_93 : i1 to i32
      %cond3A = arith.constant 0 : i32
      %cond3A_94 = arith.cmpi ne, %convert_element_type3A, %cond3A : i32
      scf.if %cond3A_94 {
        %add3A_133 = arith.constant 2 : i32
        %add3A_134 = arith.addi %mul3A_62, %add3A_133 : i32
        %mul3A_135 = arith.constant 16 : i32
        %mul3A_136 = arith.muli %add3A_134, %mul3A_135 : i32
        %add3A_137 = arith.addi %mul3A_2, %mul3A_136 : i32
        %dma_start3A_138 = arith.constant 0 : i32
        %dma_start3A_139 = tpu.memref_slice %arg2[%dma_start3A_138, %add3A_137] : memref<200x16384xi32, #tpu.memory_space<hbm>> -> memref<200x16xi32, #tpu.memory_space<hbm>>
        %dma_start3A_140 = arith.constant 0 : i32
        %dma_start3A_141 = tpu.memref_slice %arg2[%dma_start3A_140, %add3A_137] : memref<200x16384xi32, #tpu.memory_space<hbm>> -> memref<200x16xi32, #tpu.memory_space<hbm>>
        tpu.enqueue_dma source(%dma_start3A_141 : memref<200x16xi32, #tpu.memory_space<hbm>>) target(%arg5 : memref<200x16xi32, #tpu.memory_space<vmem>>) target_semaphore(%arg12 : memref<!tpu.dma_semaphore, #tpu.memory_space<semaphore_mem>>)
      } else {
      }
      %scan3A_95 = arith.constant 0 : i32
      %scan3A_96 = arith.constant 0 : i32
      %scan3A_97 = arith.constant 16 : i32
      %scan3A_98 = arith.addi %scan3A_96, %scan3A_97 : i32
      %scan3A_99 = arith.constant 1 : i32
      %scan3A_100 = scf.for %scan3A_133 = %scan3A_96 to %scan3A_98 step %scan3A_99 iter_args(%scan3A_134 = %scan3A_95) -> (i32)  : i32 {
        %mul3A_135 = arith.constant 200 : i32
        %mul3A_136 = arith.muli %scan3A_133, %mul3A_135 : i32
        %broadcast_in_dim3A = arith.constant 0.000000e+00 : f32
        %broadcast_in_dim3A_137 = vector.broadcast %broadcast_in_dim3A : f32 to vector<16xf32>
        %add3A_138 = arith.constant 0 : i32
        %add3A_139 = arith.addi %mul3A_136, %add3A_138 : i32
        %add3A_140 = vector.broadcast %add3A_139 : i32 to vector<16xi32>
        %add3A_141 = arith.addi %shift_right_logical3A_4, %add3A_140 : vector<16xi32>
        %gather3A = tpu.vector_load_idx %arg9[%add3A_141, %and3A_6] : memref<3200x8xf32, #tpu.memory_space<vmem>>[vector<16xi32>, vector<16xi32>], vector<16xf32>,
        %add3A_142 = arith.addf %broadcast_in_dim3A_137, %gather3A : vector<16xf32>
        %add3A_143 = arith.constant 2 : i32
        %add3A_144 = arith.addi %mul3A_136, %add3A_143 : i32
        %add3A_145 = vector.broadcast %add3A_144 : i32 to vector<16xi32>
        %add3A_146 = arith.addi %shift_right_logical3A_4, %add3A_145 : vector<16xi32>
        %gather3A_147 = tpu.vector_load_idx %arg9[%add3A_146, %and3A_6] : memref<3200x8xf32, #tpu.memory_space<vmem>>[vector<16xi32>, vector<16xi32>], vector<16xf32>,
        %add3A_148 = arith.addf %add3A_142, %gather3A_147 : vector<16xf32>
        %add3A_149 = arith.constant 4 : i32
        %add3A_150 = arith.addi %mul3A_136, %add3A_149 : i32
        %add3A_151 = vector.broadcast %add3A_150 : i32 to vector<16xi32>
        %add3A_152 = arith.addi %shift_right_logical3A_4, %add3A_151 : vector<16xi32>
        %gather3A_153 = tpu.vector_load_idx %arg9[%add3A_152, %and3A_6] : memref<3200x8xf32, #tpu.memory_space<vmem>>[vector<16xi32>, vector<16xi32>], vector<16xf32>,
        %add3A_154 = arith.addf %add3A_148, %gather3A_153 : vector<16xf32>
        %add3A_155 = arith.constant 6 : i32
        %add3A_156 = arith.addi %mul3A_136, %add3A_155 : i32
        %add3A_157 = vector.broadcast %add3A_156 : i32 to vector<16xi32>
        %add3A_158 = arith.addi %shift_right_logical3A_4, %add3A_157 : vector<16xi32>
        %gather3A_159 = tpu.vector_load_idx %arg9[%add3A_158, %and3A_6] : memref<3200x8xf32, #tpu.memory_space<vmem>>[vector<16xi32>, vector<16xi32>], vector<16xf32>,
        %add3A_160 = arith.addf %add3A_154, %gather3A_159 : vector<16xf32>
        %add3A_161 = arith.constant 8 : i32
        %add3A_162 = arith.addi %mul3A_136, %add3A_161 : i32
        %add3A_163 = vector.broadcast %add3A_162 : i32 to vector<16xi32>
        %add3A_164 = arith.addi %shift_right_logical3A_4, %add3A_163 : vector<16xi32>
        %gather3A_165 = tpu.vector_load_idx %arg9[%add3A_164, %and3A_6] : memref<3200x8xf32, #tpu.memory_space<vmem>>[vector<16xi32>, vector<16xi32>], vector<16xf32>,
        %add3A_166 = arith.addf %add3A_160, %gather3A_165 : vector<16xf32>
        %add3A_167 = arith.constant 10 : i32
        %add3A_168 = arith.addi %mul3A_136, %add3A_167 : i32
        %add3A_169 = vector.broadcast %add3A_168 : i32 to vector<16xi32>
        %add3A_170 = arith.addi %shift_right_logical3A_4, %add3A_169 : vector<16xi32>
        %gather3A_171 = tpu.vector_load_idx %arg9[%add3A_170, %and3A_6] : memref<3200x8xf32, #tpu.memory_space<vmem>>[vector<16xi32>, vector<16xi32>], vector<16xf32>,
        %add3A_172 = arith.addf %add3A_166, %gather3A_171 : vector<16xf32>
        %add3A_173 = arith.constant 12 : i32
        %add3A_174 = arith.addi %mul3A_136, %add3A_173 : i32
        %add3A_175 = vector.broadcast %add3A_174 : i32 to vector<16xi32>
        %add3A_176 = arith.addi %shift_right_logical3A_4, %add3A_175 : vector<16xi32>
        %gather3A_177 = tpu.vector_load_idx %arg9[%add3A_176, %and3A_6] : memref<3200x8xf32, #tpu.memory_space<vmem>>[vector<16xi32>, vector<16xi32>], vector<16xf32>,
        %add3A_178 = arith.addf %add3A_172, %gather3A_177 : vector<16xf32>
        %add3A_179 = arith.constant 14 : i32
        %add3A_180 = arith.addi %mul3A_136, %add3A_179 : i32
        %add3A_181 = vector.broadcast %add3A_180 : i32 to vector<16xi32>
        %add3A_182 = arith.addi %shift_right_logical3A_4, %add3A_181 : vector<16xi32>
        %gather3A_183 = tpu.vector_load_idx %arg9[%add3A_182, %and3A_6] : memref<3200x8xf32, #tpu.memory_space<vmem>>[vector<16xi32>, vector<16xi32>], vector<16xf32>,
        %add3A_184 = arith.addf %add3A_178, %gather3A_183 : vector<16xf32>
        %add3A_185 = arith.constant 16 : i32
        %add3A_186 = arith.addi %mul3A_136, %add3A_185 : i32
        %add3A_187 = vector.broadcast %add3A_186 : i32 to vector<16xi32>
        %add3A_188 = arith.addi %shift_right_logical3A_4, %add3A_187 : vector<16xi32>
        %gather3A_189 = tpu.vector_load_idx %arg9[%add3A_188, %and3A_6] : memref<3200x8xf32, #tpu.memory_space<vmem>>[vector<16xi32>, vector<16xi32>], vector<16xf32>,
        %add3A_190 = arith.addf %add3A_184, %gather3A_189 : vector<16xf32>
        %add3A_191 = arith.constant 18 : i32
        %add3A_192 = arith.addi %mul3A_136, %add3A_191 : i32
        %add3A_193 = vector.broadcast %add3A_192 : i32 to vector<16xi32>
        %add3A_194 = arith.addi %shift_right_logical3A_4, %add3A_193 : vector<16xi32>
        %gather3A_195 = tpu.vector_load_idx %arg9[%add3A_194, %and3A_6] : memref<3200x8xf32, #tpu.memory_space<vmem>>[vector<16xi32>, vector<16xi32>], vector<16xf32>,
        %add3A_196 = arith.addf %add3A_190, %gather3A_195 : vector<16xf32>
        %add3A_197 = arith.constant 20 : i32
        %add3A_198 = arith.addi %mul3A_136, %add3A_197 : i32
        %add3A_199 = vector.broadcast %add3A_198 : i32 to vector<16xi32>
        %add3A_200 = arith.addi %shift_right_logical3A_4, %add3A_199 : vector<16xi32>
        %gather3A_201 = tpu.vector_load_idx %arg9[%add3A_200, %and3A_6] : memref<3200x8xf32, #tpu.memory_space<vmem>>[vector<16xi32>, vector<16xi32>], vector<16xf32>,
        %add3A_202 = arith.addf %add3A_196, %gather3A_201 : vector<16xf32>
        %add3A_203 = arith.constant 22 : i32
        %add3A_204 = arith.addi %mul3A_136, %add3A_203 : i32
        %add3A_205 = vector.broadcast %add3A_204 : i32 to vector<16xi32>
        %add3A_206 = arith.addi %shift_right_logical3A_4, %add3A_205 : vector<16xi32>
        %gather3A_207 = tpu.vector_load_idx %arg9[%add3A_206, %and3A_6] : memref<3200x8xf32, #tpu.memory_space<vmem>>[vector<16xi32>, vector<16xi32>], vector<16xf32>,
        %add3A_208 = arith.addf %add3A_202, %gather3A_207 : vector<16xf32>
        %add3A_209 = arith.constant 24 : i32
        %add3A_210 = arith.addi %mul3A_136, %add3A_209 : i32
        %add3A_211 = vector.broadcast %add3A_210 : i32 to vector<16xi32>
        %add3A_212 = arith.addi %shift_right_logical3A_4, %add3A_211 : vector<16xi32>
        %gather3A_213 = tpu.vector_load_idx %arg9[%add3A_212, %and3A_6] : memref<3200x8xf32, #tpu.memory_space<vmem>>[vector<16xi32>, vector<16xi32>], vector<16xf32>,
        %add3A_214 = arith.addf %add3A_208, %gather3A_213 : vector<16xf32>
        %add3A_215 = arith.constant 26 : i32
        %add3A_216 = arith.addi %mul3A_136, %add3A_215 : i32
        %add3A_217 = vector.broadcast %add3A_216 : i32 to vector<16xi32>
        %add3A_218 = arith.addi %shift_right_logical3A_4, %add3A_217 : vector<16xi32>
        %gather3A_219 = tpu.vector_load_idx %arg9[%add3A_218, %and3A_6] : memref<3200x8xf32, #tpu.memory_space<vmem>>[vector<16xi32>, vector<16xi32>], vector<16xf32>,
        %add3A_220 = arith.addf %add3A_214, %gather3A_219 : vector<16xf32>
        %add3A_221 = arith.constant 28 : i32
        %add3A_222 = arith.addi %mul3A_136, %add3A_221 : i32
        %add3A_223 = vector.broadcast %add3A_222 : i32 to vector<16xi32>
        %add3A_224 = arith.addi %shift_right_logical3A_4, %add3A_223 : vector<16xi32>
        %gather3A_225 = tpu.vector_load_idx %arg9[%add3A_224, %and3A_6] : memref<3200x8xf32, #tpu.memory_space<vmem>>[vector<16xi32>, vector<16xi32>], vector<16xf32>,
        %add3A_226 = arith.addf %add3A_220, %gather3A_225 : vector<16xf32>
        %add3A_227 = arith.constant 30 : i32
        %add3A_228 = arith.addi %mul3A_136, %add3A_227 : i32
        %add3A_229 = vector.broadcast %add3A_228 : i32 to vector<16xi32>
        %add3A_230 = arith.addi %shift_right_logical3A_4, %add3A_229 : vector<16xi32>
        %gather3A_231 = tpu.vector_load_idx %arg9[%add3A_230, %and3A_6] : memref<3200x8xf32, #tpu.memory_space<vmem>>[vector<16xi32>, vector<16xi32>], vector<16xf32>,
        %add3A_232 = arith.addf %add3A_226, %gather3A_231 : vector<16xf32>
        %add3A_233 = arith.constant 32 : i32
        %add3A_234 = arith.addi %mul3A_136, %add3A_233 : i32
        %add3A_235 = vector.broadcast %add3A_234 : i32 to vector<16xi32>
        %add3A_236 = arith.addi %shift_right_logical3A_4, %add3A_235 : vector<16xi32>
        %gather3A_237 = tpu.vector_load_idx %arg9[%add3A_236, %and3A_6] : memref<3200x8xf32, #tpu.memory_space<vmem>>[vector<16xi32>, vector<16xi32>], vector<16xf32>,
        %add3A_238 = arith.addf %add3A_232, %gather3A_237 : vector<16xf32>
        %add3A_239 = arith.constant 34 : i32
        %add3A_240 = arith.addi %mul3A_136, %add3A_239 : i32
        %add3A_241 = vector.broadcast %add3A_240 : i32 to vector<16xi32>
        %add3A_242 = arith.addi %shift_right_logical3A_4, %add3A_241 : vector<16xi32>
        %gather3A_243 = tpu.vector_load_idx %arg9[%add3A_242, %and3A_6] : memref<3200x8xf32, #tpu.memory_space<vmem>>[vector<16xi32>, vector<16xi32>], vector<16xf32>,
        %add3A_244 = arith.addf %add3A_238, %gather3A_243 : vector<16xf32>
        %add3A_245 = arith.constant 36 : i32
        %add3A_246 = arith.addi %mul3A_136, %add3A_245 : i32
        %add3A_247 = vector.broadcast %add3A_246 : i32 to vector<16xi32>
        %add3A_248 = arith.addi %shift_right_logical3A_4, %add3A_247 : vector<16xi32>
        %gather3A_249 = tpu.vector_load_idx %arg9[%add3A_248, %and3A_6] : memref<3200x8xf32, #tpu.memory_space<vmem>>[vector<16xi32>, vector<16xi32>], vector<16xf32>,
        %add3A_250 = arith.addf %add3A_244, %gather3A_249 : vector<16xf32>
        %add3A_251 = arith.constant 38 : i32
        %add3A_252 = arith.addi %mul3A_136, %add3A_251 : i32
        %add3A_253 = vector.broadcast %add3A_252 : i32 to vector<16xi32>
        %add3A_254 = arith.addi %shift_right_logical3A_4, %add3A_253 : vector<16xi32>
        %gather3A_255 = tpu.vector_load_idx %arg9[%add3A_254, %and3A_6] : memref<3200x8xf32, #tpu.memory_space<vmem>>[vector<16xi32>, vector<16xi32>], vector<16xf32>,
        %add3A_256 = arith.addf %add3A_250, %gather3A_255 : vector<16xf32>
        %add3A_257 = arith.constant 40 : i32
        %add3A_258 = arith.addi %mul3A_136, %add3A_257 : i32
        %add3A_259 = vector.broadcast %add3A_258 : i32 to vector<16xi32>
        %add3A_260 = arith.addi %shift_right_logical3A_4, %add3A_259 : vector<16xi32>
        %gather3A_261 = tpu.vector_load_idx %arg9[%add3A_260, %and3A_6] : memref<3200x8xf32, #tpu.memory_space<vmem>>[vector<16xi32>, vector<16xi32>], vector<16xf32>,
        %add3A_262 = arith.addf %add3A_256, %gather3A_261 : vector<16xf32>
        %add3A_263 = arith.constant 42 : i32
        %add3A_264 = arith.addi %mul3A_136, %add3A_263 : i32
        %add3A_265 = vector.broadcast %add3A_264 : i32 to vector<16xi32>
        %add3A_266 = arith.addi %shift_right_logical3A_4, %add3A_265 : vector<16xi32>
        %gather3A_267 = tpu.vector_load_idx %arg9[%add3A_266, %and3A_6] : memref<3200x8xf32, #tpu.memory_space<vmem>>[vector<16xi32>, vector<16xi32>], vector<16xf32>,
        %add3A_268 = arith.addf %add3A_262, %gather3A_267 : vector<16xf32>
        %add3A_269 = arith.constant 44 : i32
        %add3A_270 = arith.addi %mul3A_136, %add3A_269 : i32
        %add3A_271 = vector.broadcast %add3A_270 : i32 to vector<16xi32>
        %add3A_272 = arith.addi %shift_right_logical3A_4, %add3A_271 : vector<16xi32>
        %gather3A_273 = tpu.vector_load_idx %arg9[%add3A_272, %and3A_6] : memref<3200x8xf32, #tpu.memory_space<vmem>>[vector<16xi32>, vector<16xi32>], vector<16xf32>,
        %add3A_274 = arith.addf %add3A_268, %gather3A_273 : vector<16xf32>
        %add3A_275 = arith.constant 46 : i32
        %add3A_276 = arith.addi %mul3A_136, %add3A_275 : i32
        %add3A_277 = vector.broadcast %add3A_276 : i32 to vector<16xi32>
        %add3A_278 = arith.addi %shift_right_logical3A_4, %add3A_277 : vector<16xi32>
        %gather3A_279 = tpu.vector_load_idx %arg9[%add3A_278, %and3A_6] : memref<3200x8xf32, #tpu.memory_space<vmem>>[vector<16xi32>, vector<16xi32>], vector<16xf32>,
        %add3A_280 = arith.addf %add3A_274, %gather3A_279 : vector<16xf32>
        %add3A_281 = arith.constant 48 : i32
        %add3A_282 = arith.addi %mul3A_136, %add3A_281 : i32
        %add3A_283 = vector.broadcast %add3A_282 : i32 to vector<16xi32>
        %add3A_284 = arith.addi %shift_right_logical3A_4, %add3A_283 : vector<16xi32>
        %gather3A_285 = tpu.vector_load_idx %arg9[%add3A_284, %and3A_6] : memref<3200x8xf32, #tpu.memory_space<vmem>>[vector<16xi32>, vector<16xi32>], vector<16xf32>,
        %add3A_286 = arith.addf %add3A_280, %gather3A_285 : vector<16xf32>
        %add3A_287 = arith.constant 50 : i32
        %add3A_288 = arith.addi %mul3A_136, %add3A_287 : i32
        %add3A_289 = vector.broadcast %add3A_288 : i32 to vector<16xi32>
        %add3A_290 = arith.addi %shift_right_logical3A_4, %add3A_289 : vector<16xi32>
        %gather3A_291 = tpu.vector_load_idx %arg9[%add3A_290, %and3A_6] : memref<3200x8xf32, #tpu.memory_space<vmem>>[vector<16xi32>, vector<16xi32>], vector<16xf32>,
        %add3A_292 = arith.addf %add3A_286, %gather3A_291 : vector<16xf32>
        %add3A_293 = arith.constant 52 : i32
        %add3A_294 = arith.addi %mul3A_136, %add3A_293 : i32
        %add3A_295 = vector.broadcast %add3A_294 : i32 to vector<16xi32>
        %add3A_296 = arith.addi %shift_right_logical3A_4, %add3A_295 : vector<16xi32>
        %gather3A_297 = tpu.vector_load_idx %arg9[%add3A_296, %and3A_6] : memref<3200x8xf32, #tpu.memory_space<vmem>>[vector<16xi32>, vector<16xi32>], vector<16xf32>,
        %add3A_298 = arith.addf %add3A_292, %gather3A_297 : vector<16xf32>
        %add3A_299 = arith.constant 54 : i32
        %add3A_300 = arith.addi %mul3A_136, %add3A_299 : i32
        %add3A_301 = vector.broadcast %add3A_300 : i32 to vector<16xi32>
        %add3A_302 = arith.addi %shift_right_logical3A_4, %add3A_301 : vector<16xi32>
        %gather3A_303 = tpu.vector_load_idx %arg9[%add3A_302, %and3A_6] : memref<3200x8xf32, #tpu.memory_space<vmem>>[vector<16xi32>, vector<16xi32>], vector<16xf32>,
        %add3A_304 = arith.addf %add3A_298, %gather3A_303 : vector<16xf32>
        %add3A_305 = arith.constant 56 : i32
        %add3A_306 = arith.addi %mul3A_136, %add3A_305 : i32
        %add3A_307 = vector.broadcast %add3A_306 : i32 to vector<16xi32>
        %add3A_308 = arith.addi %shift_right_logical3A_4, %add3A_307 : vector<16xi32>
        %gather3A_309 = tpu.vector_load_idx %arg9[%add3A_308, %and3A_6] : memref<3200x8xf32, #tpu.memory_space<vmem>>[vector<16xi32>, vector<16xi32>], vector<16xf32>,
        %add3A_310 = arith.addf %add3A_304, %gather3A_309 : vector<16xf32>
        %add3A_311 = arith.constant 58 : i32
        %add3A_312 = arith.addi %mul3A_136, %add3A_311 : i32
        %add3A_313 = vector.broadcast %add3A_312 : i32 to vector<16xi32>
        %add3A_314 = arith.addi %shift_right_logical3A_4, %add3A_313 : vector<16xi32>
        %gather3A_315 = tpu.vector_load_idx %arg9[%add3A_314, %and3A_6] : memref<3200x8xf32, #tpu.memory_space<vmem>>[vector<16xi32>, vector<16xi32>], vector<16xf32>,
        %add3A_316 = arith.addf %add3A_310, %gather3A_315 : vector<16xf32>
        %add3A_317 = arith.constant 60 : i32
        %add3A_318 = arith.addi %mul3A_136, %add3A_317 : i32
        %add3A_319 = vector.broadcast %add3A_318 : i32 to vector<16xi32>
        %add3A_320 = arith.addi %shift_right_logical3A_4, %add3A_319 : vector<16xi32>
        %gather3A_321 = tpu.vector_load_idx %arg9[%add3A_320, %and3A_6] : memref<3200x8xf32, #tpu.memory_space<vmem>>[vector<16xi32>, vector<16xi32>], vector<16xf32>,
        %add3A_322 = arith.addf %add3A_316, %gather3A_321 : vector<16xf32>
        %add3A_323 = arith.constant 62 : i32
        %add3A_324 = arith.addi %mul3A_136, %add3A_323 : i32
        %add3A_325 = vector.broadcast %add3A_324 : i32 to vector<16xi32>
        %add3A_326 = arith.addi %shift_right_logical3A_4, %add3A_325 : vector<16xi32>
        %gather3A_327 = tpu.vector_load_idx %arg9[%add3A_326, %and3A_6] : memref<3200x8xf32, #tpu.memory_space<vmem>>[vector<16xi32>, vector<16xi32>], vector<16xf32>,
        %add3A_328 = arith.addf %add3A_322, %gather3A_327 : vector<16xf32>
        %add3A_329 = arith.constant 64 : i32
        %add3A_330 = arith.addi %mul3A_136, %add3A_329 : i32
        %add3A_331 = vector.broadcast %add3A_330 : i32 to vector<16xi32>
        %add3A_332 = arith.addi %shift_right_logical3A_4, %add3A_331 : vector<16xi32>
        %gather3A_333 = tpu.vector_load_idx %arg9[%add3A_332, %and3A_6] : memref<3200x8xf32, #tpu.memory_space<vmem>>[vector<16xi32>, vector<16xi32>], vector<16xf32>,
        %add3A_334 = arith.addf %add3A_328, %gather3A_333 : vector<16xf32>
        %add3A_335 = arith.constant 66 : i32
        %add3A_336 = arith.addi %mul3A_136, %add3A_335 : i32
        %add3A_337 = vector.broadcast %add3A_336 : i32 to vector<16xi32>
        %add3A_338 = arith.addi %shift_right_logical3A_4, %add3A_337 : vector<16xi32>
        %gather3A_339 = tpu.vector_load_idx %arg9[%add3A_338, %and3A_6] : memref<3200x8xf32, #tpu.memory_space<vmem>>[vector<16xi32>, vector<16xi32>], vector<16xf32>,
        %add3A_340 = arith.addf %add3A_334, %gather3A_339 : vector<16xf32>
        %add3A_341 = arith.constant 68 : i32
        %add3A_342 = arith.addi %mul3A_136, %add3A_341 : i32
        %add3A_343 = vector.broadcast %add3A_342 : i32 to vector<16xi32>
        %add3A_344 = arith.addi %shift_right_logical3A_4, %add3A_343 : vector<16xi32>
        %gather3A_345 = tpu.vector_load_idx %arg9[%add3A_344, %and3A_6] : memref<3200x8xf32, #tpu.memory_space<vmem>>[vector<16xi32>, vector<16xi32>], vector<16xf32>,
        %add3A_346 = arith.addf %add3A_340, %gather3A_345 : vector<16xf32>
        %add3A_347 = arith.constant 70 : i32
        %add3A_348 = arith.addi %mul3A_136, %add3A_347 : i32
        %add3A_349 = vector.broadcast %add3A_348 : i32 to vector<16xi32>
        %add3A_350 = arith.addi %shift_right_logical3A_4, %add3A_349 : vector<16xi32>
        %gather3A_351 = tpu.vector_load_idx %arg9[%add3A_350, %and3A_6] : memref<3200x8xf32, #tpu.memory_space<vmem>>[vector<16xi32>, vector<16xi32>], vector<16xf32>,
        %add3A_352 = arith.addf %add3A_346, %gather3A_351 : vector<16xf32>
        %add3A_353 = arith.constant 72 : i32
        %add3A_354 = arith.addi %mul3A_136, %add3A_353 : i32
        %add3A_355 = vector.broadcast %add3A_354 : i32 to vector<16xi32>
        %add3A_356 = arith.addi %shift_right_logical3A_4, %add3A_355 : vector<16xi32>
        %gather3A_357 = tpu.vector_load_idx %arg9[%add3A_356, %and3A_6] : memref<3200x8xf32, #tpu.memory_space<vmem>>[vector<16xi32>, vector<16xi32>], vector<16xf32>,
        %add3A_358 = arith.addf %add3A_352, %gather3A_357 : vector<16xf32>
        %add3A_359 = arith.constant 74 : i32
        %add3A_360 = arith.addi %mul3A_136, %add3A_359 : i32
        %add3A_361 = vector.broadcast %add3A_360 : i32 to vector<16xi32>
        %add3A_362 = arith.addi %shift_right_logical3A_4, %add3A_361 : vector<16xi32>
        %gather3A_363 = tpu.vector_load_idx %arg9[%add3A_362, %and3A_6] : memref<3200x8xf32, #tpu.memory_space<vmem>>[vector<16xi32>, vector<16xi32>], vector<16xf32>,
        %add3A_364 = arith.addf %add3A_358, %gather3A_363 : vector<16xf32>
        %add3A_365 = arith.constant 76 : i32
        %add3A_366 = arith.addi %mul3A_136, %add3A_365 : i32
        %add3A_367 = vector.broadcast %add3A_366 : i32 to vector<16xi32>
        %add3A_368 = arith.addi %shift_right_logical3A_4, %add3A_367 : vector<16xi32>
        %gather3A_369 = tpu.vector_load_idx %arg9[%add3A_368, %and3A_6] : memref<3200x8xf32, #tpu.memory_space<vmem>>[vector<16xi32>, vector<16xi32>], vector<16xf32>,
        %add3A_370 = arith.addf %add3A_364, %gather3A_369 : vector<16xf32>
        %add3A_371 = arith.constant 78 : i32
        %add3A_372 = arith.addi %mul3A_136, %add3A_371 : i32
        %add3A_373 = vector.broadcast %add3A_372 : i32 to vector<16xi32>
        %add3A_374 = arith.addi %shift_right_logical3A_4, %add3A_373 : vector<16xi32>
        %gather3A_375 = tpu.vector_load_idx %arg9[%add3A_374, %and3A_6] : memref<3200x8xf32, #tpu.memory_space<vmem>>[vector<16xi32>, vector<16xi32>], vector<16xf32>,
        %add3A_376 = arith.addf %add3A_370, %gather3A_375 : vector<16xf32>
        %add3A_377 = arith.constant 80 : i32
        %add3A_378 = arith.addi %mul3A_136, %add3A_377 : i32
        %add3A_379 = vector.broadcast %add3A_378 : i32 to vector<16xi32>
        %add3A_380 = arith.addi %shift_right_logical3A_4, %add3A_379 : vector<16xi32>
        %gather3A_381 = tpu.vector_load_idx %arg9[%add3A_380, %and3A_6] : memref<3200x8xf32, #tpu.memory_space<vmem>>[vector<16xi32>, vector<16xi32>], vector<16xf32>,
        %add3A_382 = arith.addf %add3A_376, %gather3A_381 : vector<16xf32>
        %add3A_383 = arith.constant 82 : i32
        %add3A_384 = arith.addi %mul3A_136, %add3A_383 : i32
        %add3A_385 = vector.broadcast %add3A_384 : i32 to vector<16xi32>
        %add3A_386 = arith.addi %shift_right_logical3A_4, %add3A_385 : vector<16xi32>
        %gather3A_387 = tpu.vector_load_idx %arg9[%add3A_386, %and3A_6] : memref<3200x8xf32, #tpu.memory_space<vmem>>[vector<16xi32>, vector<16xi32>], vector<16xf32>,
        %add3A_388 = arith.addf %add3A_382, %gather3A_387 : vector<16xf32>
        %add3A_389 = arith.constant 84 : i32
        %add3A_390 = arith.addi %mul3A_136, %add3A_389 : i32
        %add3A_391 = vector.broadcast %add3A_390 : i32 to vector<16xi32>
        %add3A_392 = arith.addi %shift_right_logical3A_4, %add3A_391 : vector<16xi32>
        %gather3A_393 = tpu.vector_load_idx %arg9[%add3A_392, %and3A_6] : memref<3200x8xf32, #tpu.memory_space<vmem>>[vector<16xi32>, vector<16xi32>], vector<16xf32>,
        %add3A_394 = arith.addf %add3A_388, %gather3A_393 : vector<16xf32>
        %add3A_395 = arith.constant 86 : i32
        %add3A_396 = arith.addi %mul3A_136, %add3A_395 : i32
        %add3A_397 = vector.broadcast %add3A_396 : i32 to vector<16xi32>
        %add3A_398 = arith.addi %shift_right_logical3A_4, %add3A_397 : vector<16xi32>
        %gather3A_399 = tpu.vector_load_idx %arg9[%add3A_398, %and3A_6] : memref<3200x8xf32, #tpu.memory_space<vmem>>[vector<16xi32>, vector<16xi32>], vector<16xf32>,
        %add3A_400 = arith.addf %add3A_394, %gather3A_399 : vector<16xf32>
        %add3A_401 = arith.constant 88 : i32
        %add3A_402 = arith.addi %mul3A_136, %add3A_401 : i32
        %add3A_403 = vector.broadcast %add3A_402 : i32 to vector<16xi32>
        %add3A_404 = arith.addi %shift_right_logical3A_4, %add3A_403 : vector<16xi32>
        %gather3A_405 = tpu.vector_load_idx %arg9[%add3A_404, %and3A_6] : memref<3200x8xf32, #tpu.memory_space<vmem>>[vector<16xi32>, vector<16xi32>], vector<16xf32>,
        %add3A_406 = arith.addf %add3A_400, %gather3A_405 : vector<16xf32>
        %add3A_407 = arith.constant 90 : i32
        %add3A_408 = arith.addi %mul3A_136, %add3A_407 : i32
        %add3A_409 = vector.broadcast %add3A_408 : i32 to vector<16xi32>
        %add3A_410 = arith.addi %shift_right_logical3A_4, %add3A_409 : vector<16xi32>
        %gather3A_411 = tpu.vector_load_idx %arg9[%add3A_410, %and3A_6] : memref<3200x8xf32, #tpu.memory_space<vmem>>[vector<16xi32>, vector<16xi32>], vector<16xf32>,
        %add3A_412 = arith.addf %add3A_406, %gather3A_411 : vector<16xf32>
        %add3A_413 = arith.constant 92 : i32
        %add3A_414 = arith.addi %mul3A_136, %add3A_413 : i32
        %add3A_415 = vector.broadcast %add3A_414 : i32 to vector<16xi32>
        %add3A_416 = arith.addi %shift_right_logical3A_4, %add3A_415 : vector<16xi32>
        %gather3A_417 = tpu.vector_load_idx %arg9[%add3A_416, %and3A_6] : memref<3200x8xf32, #tpu.memory_space<vmem>>[vector<16xi32>, vector<16xi32>], vector<16xf32>,
        %add3A_418 = arith.addf %add3A_412, %gather3A_417 : vector<16xf32>
        %add3A_419 = arith.constant 94 : i32
        %add3A_420 = arith.addi %mul3A_136, %add3A_419 : i32
        %add3A_421 = vector.broadcast %add3A_420 : i32 to vector<16xi32>
        %add3A_422 = arith.addi %shift_right_logical3A_4, %add3A_421 : vector<16xi32>
        %gather3A_423 = tpu.vector_load_idx %arg9[%add3A_422, %and3A_6] : memref<3200x8xf32, #tpu.memory_space<vmem>>[vector<16xi32>, vector<16xi32>], vector<16xf32>,
        %add3A_424 = arith.addf %add3A_418, %gather3A_423 : vector<16xf32>
        %add3A_425 = arith.constant 96 : i32
        %add3A_426 = arith.addi %mul3A_136, %add3A_425 : i32
        %add3A_427 = vector.broadcast %add3A_426 : i32 to vector<16xi32>
        %add3A_428 = arith.addi %shift_right_logical3A_4, %add3A_427 : vector<16xi32>
        %gather3A_429 = tpu.vector_load_idx %arg9[%add3A_428, %and3A_6] : memref<3200x8xf32, #tpu.memory_space<vmem>>[vector<16xi32>, vector<16xi32>], vector<16xf32>,
        %add3A_430 = arith.addf %add3A_424, %gather3A_429 : vector<16xf32>
        %add3A_431 = arith.constant 98 : i32
        %add3A_432 = arith.addi %mul3A_136, %add3A_431 : i32
        %add3A_433 = vector.broadcast %add3A_432 : i32 to vector<16xi32>
        %add3A_434 = arith.addi %shift_right_logical3A_4, %add3A_433 : vector<16xi32>
        %gather3A_435 = tpu.vector_load_idx %arg9[%add3A_434, %and3A_6] : memref<3200x8xf32, #tpu.memory_space<vmem>>[vector<16xi32>, vector<16xi32>], vector<16xf32>,
        %add3A_436 = arith.addf %add3A_430, %gather3A_435 : vector<16xf32>
        %add3A_437 = arith.constant 100 : i32
        %add3A_438 = arith.addi %mul3A_136, %add3A_437 : i32
        %add3A_439 = vector.broadcast %add3A_438 : i32 to vector<16xi32>
        %add3A_440 = arith.addi %shift_right_logical3A_4, %add3A_439 : vector<16xi32>
        %gather3A_441 = tpu.vector_load_idx %arg9[%add3A_440, %and3A_6] : memref<3200x8xf32, #tpu.memory_space<vmem>>[vector<16xi32>, vector<16xi32>], vector<16xf32>,
        %add3A_442 = arith.addf %add3A_436, %gather3A_441 : vector<16xf32>
        %add3A_443 = arith.constant 102 : i32
        %add3A_444 = arith.addi %mul3A_136, %add3A_443 : i32
        %add3A_445 = vector.broadcast %add3A_444 : i32 to vector<16xi32>
        %add3A_446 = arith.addi %shift_right_logical3A_4, %add3A_445 : vector<16xi32>
        %gather3A_447 = tpu.vector_load_idx %arg9[%add3A_446, %and3A_6] : memref<3200x8xf32, #tpu.memory_space<vmem>>[vector<16xi32>, vector<16xi32>], vector<16xf32>,
        %add3A_448 = arith.addf %add3A_442, %gather3A_447 : vector<16xf32>
        %add3A_449 = arith.constant 104 : i32
        %add3A_450 = arith.addi %mul3A_136, %add3A_449 : i32
        %add3A_451 = vector.broadcast %add3A_450 : i32 to vector<16xi32>
        %add3A_452 = arith.addi %shift_right_logical3A_4, %add3A_451 : vector<16xi32>
        %gather3A_453 = tpu.vector_load_idx %arg9[%add3A_452, %and3A_6] : memref<3200x8xf32, #tpu.memory_space<vmem>>[vector<16xi32>, vector<16xi32>], vector<16xf32>,
        %add3A_454 = arith.addf %add3A_448, %gather3A_453 : vector<16xf32>
        %add3A_455 = arith.constant 106 : i32
        %add3A_456 = arith.addi %mul3A_136, %add3A_455 : i32
        %add3A_457 = vector.broadcast %add3A_456 : i32 to vector<16xi32>
        %add3A_458 = arith.addi %shift_right_logical3A_4, %add3A_457 : vector<16xi32>
        %gather3A_459 = tpu.vector_load_idx %arg9[%add3A_458, %and3A_6] : memref<3200x8xf32, #tpu.memory_space<vmem>>[vector<16xi32>, vector<16xi32>], vector<16xf32>,
        %add3A_460 = arith.addf %add3A_454, %gather3A_459 : vector<16xf32>
        %add3A_461 = arith.constant 108 : i32
        %add3A_462 = arith.addi %mul3A_136, %add3A_461 : i32
        %add3A_463 = vector.broadcast %add3A_462 : i32 to vector<16xi32>
        %add3A_464 = arith.addi %shift_right_logical3A_4, %add3A_463 : vector<16xi32>
        %gather3A_465 = tpu.vector_load_idx %arg9[%add3A_464, %and3A_6] : memref<3200x8xf32, #tpu.memory_space<vmem>>[vector<16xi32>, vector<16xi32>], vector<16xf32>,
        %add3A_466 = arith.addf %add3A_460, %gather3A_465 : vector<16xf32>
        %add3A_467 = arith.constant 110 : i32
        %add3A_468 = arith.addi %mul3A_136, %add3A_467 : i32
        %add3A_469 = vector.broadcast %add3A_468 : i32 to vector<16xi32>
        %add3A_470 = arith.addi %shift_right_logical3A_4, %add3A_469 : vector<16xi32>
        %gather3A_471 = tpu.vector_load_idx %arg9[%add3A_470, %and3A_6] : memref<3200x8xf32, #tpu.memory_space<vmem>>[vector<16xi32>, vector<16xi32>], vector<16xf32>,
        %add3A_472 = arith.addf %add3A_466, %gather3A_471 : vector<16xf32>
        %add3A_473 = arith.constant 112 : i32
        %add3A_474 = arith.addi %mul3A_136, %add3A_473 : i32
        %add3A_475 = vector.broadcast %add3A_474 : i32 to vector<16xi32>
        %add3A_476 = arith.addi %shift_right_logical3A_4, %add3A_475 : vector<16xi32>
        %gather3A_477 = tpu.vector_load_idx %arg9[%add3A_476, %and3A_6] : memref<3200x8xf32, #tpu.memory_space<vmem>>[vector<16xi32>, vector<16xi32>], vector<16xf32>,
        %add3A_478 = arith.addf %add3A_472, %gather3A_477 : vector<16xf32>
        %add3A_479 = arith.constant 114 : i32
        %add3A_480 = arith.addi %mul3A_136, %add3A_479 : i32
        %add3A_481 = vector.broadcast %add3A_480 : i32 to vector<16xi32>
        %add3A_482 = arith.addi %shift_right_logical3A_4, %add3A_481 : vector<16xi32>
        %gather3A_483 = tpu.vector_load_idx %arg9[%add3A_482, %and3A_6] : memref<3200x8xf32, #tpu.memory_space<vmem>>[vector<16xi32>, vector<16xi32>], vector<16xf32>,
        %add3A_484 = arith.addf %add3A_478, %gather3A_483 : vector<16xf32>
        %add3A_485 = arith.constant 116 : i32
        %add3A_486 = arith.addi %mul3A_136, %add3A_485 : i32
        %add3A_487 = vector.broadcast %add3A_486 : i32 to vector<16xi32>
        %add3A_488 = arith.addi %shift_right_logical3A_4, %add3A_487 : vector<16xi32>
        %gather3A_489 = tpu.vector_load_idx %arg9[%add3A_488, %and3A_6] : memref<3200x8xf32, #tpu.memory_space<vmem>>[vector<16xi32>, vector<16xi32>], vector<16xf32>,
        %add3A_490 = arith.addf %add3A_484, %gather3A_489 : vector<16xf32>
        %add3A_491 = arith.constant 118 : i32
        %add3A_492 = arith.addi %mul3A_136, %add3A_491 : i32
        %add3A_493 = vector.broadcast %add3A_492 : i32 to vector<16xi32>
        %add3A_494 = arith.addi %shift_right_logical3A_4, %add3A_493 : vector<16xi32>
        %gather3A_495 = tpu.vector_load_idx %arg9[%add3A_494, %and3A_6] : memref<3200x8xf32, #tpu.memory_space<vmem>>[vector<16xi32>, vector<16xi32>], vector<16xf32>,
        %add3A_496 = arith.addf %add3A_490, %gather3A_495 : vector<16xf32>
        %add3A_497 = arith.constant 120 : i32
        %add3A_498 = arith.addi %mul3A_136, %add3A_497 : i32
        %add3A_499 = vector.broadcast %add3A_498 : i32 to vector<16xi32>
        %add3A_500 = arith.addi %shift_right_logical3A_4, %add3A_499 : vector<16xi32>
        %gather3A_501 = tpu.vector_load_idx %arg9[%add3A_500, %and3A_6] : memref<3200x8xf32, #tpu.memory_space<vmem>>[vector<16xi32>, vector<16xi32>], vector<16xf32>,
        %add3A_502 = arith.addf %add3A_496, %gather3A_501 : vector<16xf32>
        %add3A_503 = arith.constant 122 : i32
        %add3A_504 = arith.addi %mul3A_136, %add3A_503 : i32
        %add3A_505 = vector.broadcast %add3A_504 : i32 to vector<16xi32>
        %add3A_506 = arith.addi %shift_right_logical3A_4, %add3A_505 : vector<16xi32>
        %gather3A_507 = tpu.vector_load_idx %arg9[%add3A_506, %and3A_6] : memref<3200x8xf32, #tpu.memory_space<vmem>>[vector<16xi32>, vector<16xi32>], vector<16xf32>,
        %add3A_508 = arith.addf %add3A_502, %gather3A_507 : vector<16xf32>
        %add3A_509 = arith.constant 124 : i32
        %add3A_510 = arith.addi %mul3A_136, %add3A_509 : i32
        %add3A_511 = vector.broadcast %add3A_510 : i32 to vector<16xi32>
        %add3A_512 = arith.addi %shift_right_logical3A_4, %add3A_511 : vector<16xi32>
        %gather3A_513 = tpu.vector_load_idx %arg9[%add3A_512, %and3A_6] : memref<3200x8xf32, #tpu.memory_space<vmem>>[vector<16xi32>, vector<16xi32>], vector<16xf32>,
        %add3A_514 = arith.addf %add3A_508, %gather3A_513 : vector<16xf32>
        %add3A_515 = arith.constant 126 : i32
        %add3A_516 = arith.addi %mul3A_136, %add3A_515 : i32
        %add3A_517 = vector.broadcast %add3A_516 : i32 to vector<16xi32>
        %add3A_518 = arith.addi %shift_right_logical3A_4, %add3A_517 : vector<16xi32>
        %gather3A_519 = tpu.vector_load_idx %arg9[%add3A_518, %and3A_6] : memref<3200x8xf32, #tpu.memory_space<vmem>>[vector<16xi32>, vector<16xi32>], vector<16xf32>,
        %add3A_520 = arith.addf %add3A_514, %gather3A_519 : vector<16xf32>
        %add3A_521 = arith.constant 128 : i32
        %add3A_522 = arith.addi %mul3A_136, %add3A_521 : i32
        %add3A_523 = vector.broadcast %add3A_522 : i32 to vector<16xi32>
        %add3A_524 = arith.addi %shift_right_logical3A_4, %add3A_523 : vector<16xi32>
        %gather3A_525 = tpu.vector_load_idx %arg9[%add3A_524, %and3A_6] : memref<3200x8xf32, #tpu.memory_space<vmem>>[vector<16xi32>, vector<16xi32>], vector<16xf32>,
        %add3A_526 = arith.addf %add3A_520, %gather3A_525 : vector<16xf32>
        %add3A_527 = arith.constant 130 : i32
        %add3A_528 = arith.addi %mul3A_136, %add3A_527 : i32
        %add3A_529 = vector.broadcast %add3A_528 : i32 to vector<16xi32>
        %add3A_530 = arith.addi %shift_right_logical3A_4, %add3A_529 : vector<16xi32>
        %gather3A_531 = tpu.vector_load_idx %arg9[%add3A_530, %and3A_6] : memref<3200x8xf32, #tpu.memory_space<vmem>>[vector<16xi32>, vector<16xi32>], vector<16xf32>,
        %add3A_532 = arith.addf %add3A_526, %gather3A_531 : vector<16xf32>
        %add3A_533 = arith.constant 132 : i32
        %add3A_534 = arith.addi %mul3A_136, %add3A_533 : i32
        %add3A_535 = vector.broadcast %add3A_534 : i32 to vector<16xi32>
        %add3A_536 = arith.addi %shift_right_logical3A_4, %add3A_535 : vector<16xi32>
        %gather3A_537 = tpu.vector_load_idx %arg9[%add3A_536, %and3A_6] : memref<3200x8xf32, #tpu.memory_space<vmem>>[vector<16xi32>, vector<16xi32>], vector<16xf32>,
        %add3A_538 = arith.addf %add3A_532, %gather3A_537 : vector<16xf32>
        %add3A_539 = arith.constant 134 : i32
        %add3A_540 = arith.addi %mul3A_136, %add3A_539 : i32
        %add3A_541 = vector.broadcast %add3A_540 : i32 to vector<16xi32>
        %add3A_542 = arith.addi %shift_right_logical3A_4, %add3A_541 : vector<16xi32>
        %gather3A_543 = tpu.vector_load_idx %arg9[%add3A_542, %and3A_6] : memref<3200x8xf32, #tpu.memory_space<vmem>>[vector<16xi32>, vector<16xi32>], vector<16xf32>,
        %add3A_544 = arith.addf %add3A_538, %gather3A_543 : vector<16xf32>
        %add3A_545 = arith.constant 136 : i32
        %add3A_546 = arith.addi %mul3A_136, %add3A_545 : i32
        %add3A_547 = vector.broadcast %add3A_546 : i32 to vector<16xi32>
        %add3A_548 = arith.addi %shift_right_logical3A_4, %add3A_547 : vector<16xi32>
        %gather3A_549 = tpu.vector_load_idx %arg9[%add3A_548, %and3A_6] : memref<3200x8xf32, #tpu.memory_space<vmem>>[vector<16xi32>, vector<16xi32>], vector<16xf32>,
        %add3A_550 = arith.addf %add3A_544, %gather3A_549 : vector<16xf32>
        %add3A_551 = arith.constant 138 : i32
        %add3A_552 = arith.addi %mul3A_136, %add3A_551 : i32
        %add3A_553 = vector.broadcast %add3A_552 : i32 to vector<16xi32>
        %add3A_554 = arith.addi %shift_right_logical3A_4, %add3A_553 : vector<16xi32>
        %gather3A_555 = tpu.vector_load_idx %arg9[%add3A_554, %and3A_6] : memref<3200x8xf32, #tpu.memory_space<vmem>>[vector<16xi32>, vector<16xi32>], vector<16xf32>,
        %add3A_556 = arith.addf %add3A_550, %gather3A_555 : vector<16xf32>
        %add3A_557 = arith.constant 140 : i32
        %add3A_558 = arith.addi %mul3A_136, %add3A_557 : i32
        %add3A_559 = vector.broadcast %add3A_558 : i32 to vector<16xi32>
        %add3A_560 = arith.addi %shift_right_logical3A_4, %add3A_559 : vector<16xi32>
        %gather3A_561 = tpu.vector_load_idx %arg9[%add3A_560, %and3A_6] : memref<3200x8xf32, #tpu.memory_space<vmem>>[vector<16xi32>, vector<16xi32>], vector<16xf32>,
        %add3A_562 = arith.addf %add3A_556, %gather3A_561 : vector<16xf32>
        %add3A_563 = arith.constant 142 : i32
        %add3A_564 = arith.addi %mul3A_136, %add3A_563 : i32
        %add3A_565 = vector.broadcast %add3A_564 : i32 to vector<16xi32>
        %add3A_566 = arith.addi %shift_right_logical3A_4, %add3A_565 : vector<16xi32>
        %gather3A_567 = tpu.vector_load_idx %arg9[%add3A_566, %and3A_6] : memref<3200x8xf32, #tpu.memory_space<vmem>>[vector<16xi32>, vector<16xi32>], vector<16xf32>,
        %add3A_568 = arith.addf %add3A_562, %gather3A_567 : vector<16xf32>
        %add3A_569 = arith.constant 144 : i32
        %add3A_570 = arith.addi %mul3A_136, %add3A_569 : i32
        %add3A_571 = vector.broadcast %add3A_570 : i32 to vector<16xi32>
        %add3A_572 = arith.addi %shift_right_logical3A_4, %add3A_571 : vector<16xi32>
        %gather3A_573 = tpu.vector_load_idx %arg9[%add3A_572, %and3A_6] : memref<3200x8xf32, #tpu.memory_space<vmem>>[vector<16xi32>, vector<16xi32>], vector<16xf32>,
        %add3A_574 = arith.addf %add3A_568, %gather3A_573 : vector<16xf32>
        %add3A_575 = arith.constant 146 : i32
        %add3A_576 = arith.addi %mul3A_136, %add3A_575 : i32
        %add3A_577 = vector.broadcast %add3A_576 : i32 to vector<16xi32>
        %add3A_578 = arith.addi %shift_right_logical3A_4, %add3A_577 : vector<16xi32>
        %gather3A_579 = tpu.vector_load_idx %arg9[%add3A_578, %and3A_6] : memref<3200x8xf32, #tpu.memory_space<vmem>>[vector<16xi32>, vector<16xi32>], vector<16xf32>,
        %add3A_580 = arith.addf %add3A_574, %gather3A_579 : vector<16xf32>
        %add3A_581 = arith.constant 148 : i32
        %add3A_582 = arith.addi %mul3A_136, %add3A_581 : i32
        %add3A_583 = vector.broadcast %add3A_582 : i32 to vector<16xi32>
        %add3A_584 = arith.addi %shift_right_logical3A_4, %add3A_583 : vector<16xi32>
        %gather3A_585 = tpu.vector_load_idx %arg9[%add3A_584, %and3A_6] : memref<3200x8xf32, #tpu.memory_space<vmem>>[vector<16xi32>, vector<16xi32>], vector<16xf32>,
        %add3A_586 = arith.addf %add3A_580, %gather3A_585 : vector<16xf32>
        %add3A_587 = arith.constant 150 : i32
        %add3A_588 = arith.addi %mul3A_136, %add3A_587 : i32
        %add3A_589 = vector.broadcast %add3A_588 : i32 to vector<16xi32>
        %add3A_590 = arith.addi %shift_right_logical3A_4, %add3A_589 : vector<16xi32>
        %gather3A_591 = tpu.vector_load_idx %arg9[%add3A_590, %and3A_6] : memref<3200x8xf32, #tpu.memory_space<vmem>>[vector<16xi32>, vector<16xi32>], vector<16xf32>,
        %add3A_592 = arith.addf %add3A_586, %gather3A_591 : vector<16xf32>
        %add3A_593 = arith.constant 152 : i32
        %add3A_594 = arith.addi %mul3A_136, %add3A_593 : i32
        %add3A_595 = vector.broadcast %add3A_594 : i32 to vector<16xi32>
        %add3A_596 = arith.addi %shift_right_logical3A_4, %add3A_595 : vector<16xi32>
        %gather3A_597 = tpu.vector_load_idx %arg9[%add3A_596, %and3A_6] : memref<3200x8xf32, #tpu.memory_space<vmem>>[vector<16xi32>, vector<16xi32>], vector<16xf32>,
        %add3A_598 = arith.addf %add3A_592, %gather3A_597 : vector<16xf32>
        %add3A_599 = arith.constant 154 : i32
        %add3A_600 = arith.addi %mul3A_136, %add3A_599 : i32
        %add3A_601 = vector.broadcast %add3A_600 : i32 to vector<16xi32>
        %add3A_602 = arith.addi %shift_right_logical3A_4, %add3A_601 : vector<16xi32>
        %gather3A_603 = tpu.vector_load_idx %arg9[%add3A_602, %and3A_6] : memref<3200x8xf32, #tpu.memory_space<vmem>>[vector<16xi32>, vector<16xi32>], vector<16xf32>,
        %add3A_604 = arith.addf %add3A_598, %gather3A_603 : vector<16xf32>
        %add3A_605 = arith.constant 156 : i32
        %add3A_606 = arith.addi %mul3A_136, %add3A_605 : i32
        %add3A_607 = vector.broadcast %add3A_606 : i32 to vector<16xi32>
        %add3A_608 = arith.addi %shift_right_logical3A_4, %add3A_607 : vector<16xi32>
        %gather3A_609 = tpu.vector_load_idx %arg9[%add3A_608, %and3A_6] : memref<3200x8xf32, #tpu.memory_space<vmem>>[vector<16xi32>, vector<16xi32>], vector<16xf32>,
        %add3A_610 = arith.addf %add3A_604, %gather3A_609 : vector<16xf32>
        %add3A_611 = arith.constant 158 : i32
        %add3A_612 = arith.addi %mul3A_136, %add3A_611 : i32
        %add3A_613 = vector.broadcast %add3A_612 : i32 to vector<16xi32>
        %add3A_614 = arith.addi %shift_right_logical3A_4, %add3A_613 : vector<16xi32>
        %gather3A_615 = tpu.vector_load_idx %arg9[%add3A_614, %and3A_6] : memref<3200x8xf32, #tpu.memory_space<vmem>>[vector<16xi32>, vector<16xi32>], vector<16xf32>,
        %add3A_616 = arith.addf %add3A_610, %gather3A_615 : vector<16xf32>
        %add3A_617 = arith.constant 160 : i32
        %add3A_618 = arith.addi %mul3A_136, %add3A_617 : i32
        %add3A_619 = vector.broadcast %add3A_618 : i32 to vector<16xi32>
        %add3A_620 = arith.addi %shift_right_logical3A_4, %add3A_619 : vector<16xi32>
        %gather3A_621 = tpu.vector_load_idx %arg9[%add3A_620, %and3A_6] : memref<3200x8xf32, #tpu.memory_space<vmem>>[vector<16xi32>, vector<16xi32>], vector<16xf32>,
        %add3A_622 = arith.addf %add3A_616, %gather3A_621 : vector<16xf32>
        %add3A_623 = arith.constant 162 : i32
        %add3A_624 = arith.addi %mul3A_136, %add3A_623 : i32
        %add3A_625 = vector.broadcast %add3A_624 : i32 to vector<16xi32>
        %add3A_626 = arith.addi %shift_right_logical3A_4, %add3A_625 : vector<16xi32>
        %gather3A_627 = tpu.vector_load_idx %arg9[%add3A_626, %and3A_6] : memref<3200x8xf32, #tpu.memory_space<vmem>>[vector<16xi32>, vector<16xi32>], vector<16xf32>,
        %add3A_628 = arith.addf %add3A_622, %gather3A_627 : vector<16xf32>
        %add3A_629 = arith.constant 164 : i32
        %add3A_630 = arith.addi %mul3A_136, %add3A_629 : i32
        %add3A_631 = vector.broadcast %add3A_630 : i32 to vector<16xi32>
        %add3A_632 = arith.addi %shift_right_logical3A_4, %add3A_631 : vector<16xi32>
        %gather3A_633 = tpu.vector_load_idx %arg9[%add3A_632, %and3A_6] : memref<3200x8xf32, #tpu.memory_space<vmem>>[vector<16xi32>, vector<16xi32>], vector<16xf32>,
        %add3A_634 = arith.addf %add3A_628, %gather3A_633 : vector<16xf32>
        %add3A_635 = arith.constant 166 : i32
        %add3A_636 = arith.addi %mul3A_136, %add3A_635 : i32
        %add3A_637 = vector.broadcast %add3A_636 : i32 to vector<16xi32>
        %add3A_638 = arith.addi %shift_right_logical3A_4, %add3A_637 : vector<16xi32>
        %gather3A_639 = tpu.vector_load_idx %arg9[%add3A_638, %and3A_6] : memref<3200x8xf32, #tpu.memory_space<vmem>>[vector<16xi32>, vector<16xi32>], vector<16xf32>,
        %add3A_640 = arith.addf %add3A_634, %gather3A_639 : vector<16xf32>
        %add3A_641 = arith.constant 168 : i32
        %add3A_642 = arith.addi %mul3A_136, %add3A_641 : i32
        %add3A_643 = vector.broadcast %add3A_642 : i32 to vector<16xi32>
        %add3A_644 = arith.addi %shift_right_logical3A_4, %add3A_643 : vector<16xi32>
        %gather3A_645 = tpu.vector_load_idx %arg9[%add3A_644, %and3A_6] : memref<3200x8xf32, #tpu.memory_space<vmem>>[vector<16xi32>, vector<16xi32>], vector<16xf32>,
        %add3A_646 = arith.addf %add3A_640, %gather3A_645 : vector<16xf32>
        %add3A_647 = arith.constant 170 : i32
        %add3A_648 = arith.addi %mul3A_136, %add3A_647 : i32
        %add3A_649 = vector.broadcast %add3A_648 : i32 to vector<16xi32>
        %add3A_650 = arith.addi %shift_right_logical3A_4, %add3A_649 : vector<16xi32>
        %gather3A_651 = tpu.vector_load_idx %arg9[%add3A_650, %and3A_6] : memref<3200x8xf32, #tpu.memory_space<vmem>>[vector<16xi32>, vector<16xi32>], vector<16xf32>,
        %add3A_652 = arith.addf %add3A_646, %gather3A_651 : vector<16xf32>
        %add3A_653 = arith.constant 172 : i32
        %add3A_654 = arith.addi %mul3A_136, %add3A_653 : i32
        %add3A_655 = vector.broadcast %add3A_654 : i32 to vector<16xi32>
        %add3A_656 = arith.addi %shift_right_logical3A_4, %add3A_655 : vector<16xi32>
        %gather3A_657 = tpu.vector_load_idx %arg9[%add3A_656, %and3A_6] : memref<3200x8xf32, #tpu.memory_space<vmem>>[vector<16xi32>, vector<16xi32>], vector<16xf32>,
        %add3A_658 = arith.addf %add3A_652, %gather3A_657 : vector<16xf32>
        %add3A_659 = arith.constant 174 : i32
        %add3A_660 = arith.addi %mul3A_136, %add3A_659 : i32
        %add3A_661 = vector.broadcast %add3A_660 : i32 to vector<16xi32>
        %add3A_662 = arith.addi %shift_right_logical3A_4, %add3A_661 : vector<16xi32>
        %gather3A_663 = tpu.vector_load_idx %arg9[%add3A_662, %and3A_6] : memref<3200x8xf32, #tpu.memory_space<vmem>>[vector<16xi32>, vector<16xi32>], vector<16xf32>,
        %add3A_664 = arith.addf %add3A_658, %gather3A_663 : vector<16xf32>
        %add3A_665 = arith.constant 176 : i32
        %add3A_666 = arith.addi %mul3A_136, %add3A_665 : i32
        %add3A_667 = vector.broadcast %add3A_666 : i32 to vector<16xi32>
        %add3A_668 = arith.addi %shift_right_logical3A_4, %add3A_667 : vector<16xi32>
        %gather3A_669 = tpu.vector_load_idx %arg9[%add3A_668, %and3A_6] : memref<3200x8xf32, #tpu.memory_space<vmem>>[vector<16xi32>, vector<16xi32>], vector<16xf32>,
        %add3A_670 = arith.addf %add3A_664, %gather3A_669 : vector<16xf32>
        %add3A_671 = arith.constant 178 : i32
        %add3A_672 = arith.addi %mul3A_136, %add3A_671 : i32
        %add3A_673 = vector.broadcast %add3A_672 : i32 to vector<16xi32>
        %add3A_674 = arith.addi %shift_right_logical3A_4, %add3A_673 : vector<16xi32>
        %gather3A_675 = tpu.vector_load_idx %arg9[%add3A_674, %and3A_6] : memref<3200x8xf32, #tpu.memory_space<vmem>>[vector<16xi32>, vector<16xi32>], vector<16xf32>,
        %add3A_676 = arith.addf %add3A_670, %gather3A_675 : vector<16xf32>
        %add3A_677 = arith.constant 180 : i32
        %add3A_678 = arith.addi %mul3A_136, %add3A_677 : i32
        %add3A_679 = vector.broadcast %add3A_678 : i32 to vector<16xi32>
        %add3A_680 = arith.addi %shift_right_logical3A_4, %add3A_679 : vector<16xi32>
        %gather3A_681 = tpu.vector_load_idx %arg9[%add3A_680, %and3A_6] : memref<3200x8xf32, #tpu.memory_space<vmem>>[vector<16xi32>, vector<16xi32>], vector<16xf32>,
        %add3A_682 = arith.addf %add3A_676, %gather3A_681 : vector<16xf32>
        %add3A_683 = arith.constant 182 : i32
        %add3A_684 = arith.addi %mul3A_136, %add3A_683 : i32
        %add3A_685 = vector.broadcast %add3A_684 : i32 to vector<16xi32>
        %add3A_686 = arith.addi %shift_right_logical3A_4, %add3A_685 : vector<16xi32>
        %gather3A_687 = tpu.vector_load_idx %arg9[%add3A_686, %and3A_6] : memref<3200x8xf32, #tpu.memory_space<vmem>>[vector<16xi32>, vector<16xi32>], vector<16xf32>,
        %add3A_688 = arith.addf %add3A_682, %gather3A_687 : vector<16xf32>
        %add3A_689 = arith.constant 184 : i32
        %add3A_690 = arith.addi %mul3A_136, %add3A_689 : i32
        %add3A_691 = vector.broadcast %add3A_690 : i32 to vector<16xi32>
        %add3A_692 = arith.addi %shift_right_logical3A_4, %add3A_691 : vector<16xi32>
        %gather3A_693 = tpu.vector_load_idx %arg9[%add3A_692, %and3A_6] : memref<3200x8xf32, #tpu.memory_space<vmem>>[vector<16xi32>, vector<16xi32>], vector<16xf32>,
        %add3A_694 = arith.addf %add3A_688, %gather3A_693 : vector<16xf32>
        %add3A_695 = arith.constant 186 : i32
        %add3A_696 = arith.addi %mul3A_136, %add3A_695 : i32
        %add3A_697 = vector.broadcast %add3A_696 : i32 to vector<16xi32>
        %add3A_698 = arith.addi %shift_right_logical3A_4, %add3A_697 : vector<16xi32>
        %gather3A_699 = tpu.vector_load_idx %arg9[%add3A_698, %and3A_6] : memref<3200x8xf32, #tpu.memory_space<vmem>>[vector<16xi32>, vector<16xi32>], vector<16xf32>,
        %add3A_700 = arith.addf %add3A_694, %gather3A_699 : vector<16xf32>
        %add3A_701 = arith.constant 188 : i32
        %add3A_702 = arith.addi %mul3A_136, %add3A_701 : i32
        %add3A_703 = vector.broadcast %add3A_702 : i32 to vector<16xi32>
        %add3A_704 = arith.addi %shift_right_logical3A_4, %add3A_703 : vector<16xi32>
        %gather3A_705 = tpu.vector_load_idx %arg9[%add3A_704, %and3A_6] : memref<3200x8xf32, #tpu.memory_space<vmem>>[vector<16xi32>, vector<16xi32>], vector<16xf32>,
        %add3A_706 = arith.addf %add3A_700, %gather3A_705 : vector<16xf32>
        %add3A_707 = arith.constant 190 : i32
        %add3A_708 = arith.addi %mul3A_136, %add3A_707 : i32
        %add3A_709 = vector.broadcast %add3A_708 : i32 to vector<16xi32>
        %add3A_710 = arith.addi %shift_right_logical3A_4, %add3A_709 : vector<16xi32>
        %gather3A_711 = tpu.vector_load_idx %arg9[%add3A_710, %and3A_6] : memref<3200x8xf32, #tpu.memory_space<vmem>>[vector<16xi32>, vector<16xi32>], vector<16xf32>,
        %add3A_712 = arith.addf %add3A_706, %gather3A_711 : vector<16xf32>
        %add3A_713 = arith.constant 192 : i32
        %add3A_714 = arith.addi %mul3A_136, %add3A_713 : i32
        %add3A_715 = vector.broadcast %add3A_714 : i32 to vector<16xi32>
        %add3A_716 = arith.addi %shift_right_logical3A_4, %add3A_715 : vector<16xi32>
        %gather3A_717 = tpu.vector_load_idx %arg9[%add3A_716, %and3A_6] : memref<3200x8xf32, #tpu.memory_space<vmem>>[vector<16xi32>, vector<16xi32>], vector<16xf32>,
        %add3A_718 = arith.addf %add3A_712, %gather3A_717 : vector<16xf32>
        %add3A_719 = arith.constant 194 : i32
        %add3A_720 = arith.addi %mul3A_136, %add3A_719 : i32
        %add3A_721 = vector.broadcast %add3A_720 : i32 to vector<16xi32>
        %add3A_722 = arith.addi %shift_right_logical3A_4, %add3A_721 : vector<16xi32>
        %gather3A_723 = tpu.vector_load_idx %arg9[%add3A_722, %and3A_6] : memref<3200x8xf32, #tpu.memory_space<vmem>>[vector<16xi32>, vector<16xi32>], vector<16xf32>,
        %add3A_724 = arith.addf %add3A_718, %gather3A_723 : vector<16xf32>
        %add3A_725 = arith.constant 196 : i32
        %add3A_726 = arith.addi %mul3A_136, %add3A_725 : i32
        %add3A_727 = vector.broadcast %add3A_726 : i32 to vector<16xi32>
        %add3A_728 = arith.addi %shift_right_logical3A_4, %add3A_727 : vector<16xi32>
        %gather3A_729 = tpu.vector_load_idx %arg9[%add3A_728, %and3A_6] : memref<3200x8xf32, #tpu.memory_space<vmem>>[vector<16xi32>, vector<16xi32>], vector<16xf32>,
        %add3A_730 = arith.addf %add3A_724, %gather3A_729 : vector<16xf32>
        %add3A_731 = arith.constant 198 : i32
        %add3A_732 = arith.addi %mul3A_136, %add3A_731 : i32
        %add3A_733 = vector.broadcast %add3A_732 : i32 to vector<16xi32>
        %add3A_734 = arith.addi %shift_right_logical3A_4, %add3A_733 : vector<16xi32>
        %gather3A_735 = tpu.vector_load_idx %arg9[%add3A_734, %and3A_6] : memref<3200x8xf32, #tpu.memory_space<vmem>>[vector<16xi32>, vector<16xi32>], vector<16xf32>,
        %add3A_736 = arith.addf %add3A_730, %gather3A_735 : vector<16xf32>
        %broadcast_in_dim3A_737 = vector.shape_cast %and3A_15 : vector<16xi32> to vector<16x1xi32>
        %gather3A_738 = vector.shape_cast %broadcast_in_dim3A_737 : vector<16x1xi32> to vector<16xi32>
        %gather3A_739 = tpu.dynamic_gather %add3A_736[%gather3A_738] in [0] : vector<16xf32>, vector<16xi32> -> vector<16xf32>
        %add3A_740 = arith.addf %add3A_736, %gather3A_739 : vector<16xf32>
        %mul3A_741 = arith.constant 16 : i32
        %mul3A_742 = arith.muli %mul3A_62, %mul3A_741 : i32
        %add3A_743 = arith.addi %mul3A_742, %scan3A_133 : i32
        %mul3A_744 = arith.constant 4 : i32
        %mul3A_745 = arith.muli %add3A_743, %mul3A_744 : i32
        %add3A_746 = vector.broadcast %mul3A_745 : i32 to vector<16xi32>
        %add3A_747 = arith.addi %add3A_746, %and3A_9 : vector<16xi32>
        tpu.vector_store_idx %arg11[%add3A_747], %add3A_740 masked %lt3A_17 : memref<2048xf32, #tpu.memory_space<vmem>>[vector<16xi32>], vector<16xf32>, vector<16xi1>
        %scan3A_748 = arith.constant 0 : i32
        scf.yield %scan3A_748 : i32
      }
      %scan3A_101 = arith.constant 16 : i32
      %scan3A_102 = arith.constant 0 : i32
      %scan3A_103 = arith.constant 0 : i32
      %scan3A_104 = arith.constant 16 : i32
      %scan3A_105 = arith.addi %scan3A_103, %scan3A_104 : i32
      %scan3A_106 = arith.constant 1 : i32
      %scan3A_107 = scf.for %scan3A_133 = %scan3A_103 to %scan3A_105 step %scan3A_106 iter_args(%scan3A_134 = %scan3A_102) -> (i32)  : i32 {
        %mul3A_135 = arith.constant 200 : i32
        %mul3A_136 = arith.muli %scan3A_133, %mul3A_135 : i32
        %mul3A_137 = arith.constant 200 : i32
        %mul3A_138 = arith.muli %scan3A_133, %mul3A_137 : i32
        %dma_wait3A_139 = arith.constant 0 : i32
        %dma_wait3A_140 = tpu.memref_slice %arg10[%mul3A_138, %dma_wait3A_139] : memref<3200x8xf32, #tpu.memory_space<vmem>> -> memref<200x8xf32, #tpu.memory_space<vmem>>
        %dma_wait3A_141 = tpu.memref_slice %arg8[%mul3A_136] : memref<3200xi32, #tpu.memory_space<vmem>> -> memref<200xi32, #tpu.memory_space<vmem>>
        %dma_wait3A_142 = arith.constant 0 : i32
        %dma_wait3A_143 = arith.constant 0 : i32
        %dma_wait3A_144 = tpu.memref_slice %arg3[%dma_wait3A_142, %dma_wait3A_143] : memref<16000000x8xf32, #tpu.memory_space<hbm>> -> memref<16000000x8xf32, #tpu.memory_space<hbm>>
        tpu.wait_indirect_dma semaphore(%arg15 : memref<!tpu.dma_semaphore, #tpu.memory_space<semaphore_mem>>) src(%dma_wait3A_144 : memref<16000000x8xf32, #tpu.memory_space<hbm>>) dst(%dma_wait3A_140 : memref<200x8xf32, #tpu.memory_space<vmem>>)
        %scan3A_145 = arith.constant 0 : i32
        scf.yield %scan3A_145 : i32
      }
      %scan3A_108 = arith.constant 16 : i32
      %add3A_109 = arith.constant 2 : i32
      %add3A_110 = arith.addi %mul3A_62, %add3A_109 : i32
      %lt3A_111 = arith.constant 32 : i32
      %lt3A_112 = arith.cmpi slt, %add3A_110, %lt3A_111 : i32
      %convert_element_type3A_113 = arith.extui %lt3A_112 : i1 to i32
      %cond3A_114 = arith.constant 0 : i32
      %cond3A_115 = arith.cmpi ne, %convert_element_type3A_113, %cond3A_114 : i32
      scf.if %cond3A_115 {
        %dma_wait3A_133 = arith.constant 0 : i32
        %dma_wait3A_134 = arith.constant 0 : i32
        %dma_wait3A_135 = tpu.memref_slice %arg2[%dma_wait3A_133, %dma_wait3A_134] : memref<200x16384xi32, #tpu.memory_space<hbm>> -> memref<200x16xi32, #tpu.memory_space<hbm>>
        %dma_wait3A_136 = arith.constant 0 : i32
        %dma_wait3A_137 = arith.constant 0 : i32
        %dma_wait3A_138 = tpu.memref_slice %arg2[%dma_wait3A_136, %dma_wait3A_137] : memref<200x16384xi32, #tpu.memory_space<hbm>> -> memref<200x16xi32, #tpu.memory_space<hbm>>
        tpu.wait_dma2 semaphore(%arg12 : memref<!tpu.dma_semaphore, #tpu.memory_space<semaphore_mem>>) src(%dma_wait3A_138 : memref<200x16xi32, #tpu.memory_space<hbm>>) dst(%arg5 : memref<200x16xi32, #tpu.memory_space<vmem>>)
        %scan3A_139 = arith.constant 0 : i32
        %scan3A_140 = arith.constant 0 : i32
        %scan3A_141 = arith.constant 50 : i32
        %scan3A_142 = arith.addi %scan3A_140, %scan3A_141 : i32
        %scan3A_143 = arith.constant 1 : i32
        %scan3A_144 = scf.for %scan3A_153 = %scan3A_140 to %scan3A_142 step %scan3A_143 iter_args(%scan3A_154 = %scan3A_139) -> (i32)  : i32 {
          %mul3A_155 = arith.constant 4 : i32
          %mul3A_156 = arith.muli %scan3A_153, %mul3A_155 : i32
          %add3A_157 = arith.constant 0 : i32
          %add3A_158 = arith.addi %mul3A_156, %add3A_157 : i32
          %get3A = arith.index_cast %add3A_158 : i32 to index
          %get3A_159 = arith.constant 0 : index
          %get3A_160 = tpu.vector_load %arg5[%get3A, %get3A_159] {strides = array<i32>} : memref<200x16xi32, #tpu.memory_space<vmem>>, vector<16xi32>,
          %shift_left3A = arith.constant 4 : i32
          %shift_left3A_161 = vector.broadcast %shift_left3A : i32 to vector<16xi32>
          %shift_left3A_162 = arith.shli %get3A_160, %shift_left3A_161 : vector<16xi32>
          %add3A_163 = arith.constant 0 : i32
          %add3A_164 = arith.addi %mul3A_156, %add3A_163 : i32
          %add3A_165 = vector.broadcast %add3A_164 : i32 to vector<16xi32>
          %add3A_166 = arith.addi %mul3A_20, %add3A_165 : vector<16xi32>
          tpu.vector_store_idx %arg7[%add3A_166], %shift_left3A_162 : memref<3200xi32, #tpu.memory_space<vmem>>[vector<16xi32>], vector<16xi32>,
          %add3A_167 = arith.constant 1 : i32
          %add3A_168 = arith.addi %mul3A_156, %add3A_167 : i32
          %get3A_169 = arith.index_cast %add3A_168 : i32 to index
          %get3A_170 = arith.constant 0 : index
          %get3A_171 = tpu.vector_load %arg5[%get3A_169, %get3A_170] {strides = array<i32>} : memref<200x16xi32, #tpu.memory_space<vmem>>, vector<16xi32>,
          %shift_left3A_172 = arith.constant 4 : i32
          %shift_left3A_173 = vector.broadcast %shift_left3A_172 : i32 to vector<16xi32>
          %shift_left3A_174 = arith.shli %get3A_171, %shift_left3A_173 : vector<16xi32>
          %add3A_175 = arith.constant 1 : i32
          %add3A_176 = arith.addi %mul3A_156, %add3A_175 : i32
          %add3A_177 = vector.broadcast %add3A_176 : i32 to vector<16xi32>
          %add3A_178 = arith.addi %mul3A_20, %add3A_177 : vector<16xi32>
          tpu.vector_store_idx %arg7[%add3A_178], %shift_left3A_174 : memref<3200xi32, #tpu.memory_space<vmem>>[vector<16xi32>], vector<16xi32>,
          %add3A_179 = arith.constant 2 : i32
          %add3A_180 = arith.addi %mul3A_156, %add3A_179 : i32
          %get3A_181 = arith.index_cast %add3A_180 : i32 to index
          %get3A_182 = arith.constant 0 : index
          %get3A_183 = tpu.vector_load %arg5[%get3A_181, %get3A_182] {strides = array<i32>} : memref<200x16xi32, #tpu.memory_space<vmem>>, vector<16xi32>,
          %shift_left3A_184 = arith.constant 4 : i32
          %shift_left3A_185 = vector.broadcast %shift_left3A_184 : i32 to vector<16xi32>
          %shift_left3A_186 = arith.shli %get3A_183, %shift_left3A_185 : vector<16xi32>
          %add3A_187 = arith.constant 2 : i32
          %add3A_188 = arith.addi %mul3A_156, %add3A_187 : i32
          %add3A_189 = vector.broadcast %add3A_188 : i32 to vector<16xi32>
          %add3A_190 = arith.addi %mul3A_20, %add3A_189 : vector<16xi32>
          tpu.vector_store_idx %arg7[%add3A_190], %shift_left3A_186 : memref<3200xi32, #tpu.memory_space<vmem>>[vector<16xi32>], vector<16xi32>,
          %add3A_191 = arith.constant 3 : i32
          %add3A_192 = arith.addi %mul3A_156, %add3A_191 : i32
          %get3A_193 = arith.index_cast %add3A_192 : i32 to index
          %get3A_194 = arith.constant 0 : index
          %get3A_195 = tpu.vector_load %arg5[%get3A_193, %get3A_194] {strides = array<i32>} : memref<200x16xi32, #tpu.memory_space<vmem>>, vector<16xi32>,
          %shift_left3A_196 = arith.constant 4 : i32
          %shift_left3A_197 = vector.broadcast %shift_left3A_196 : i32 to vector<16xi32>
          %shift_left3A_198 = arith.shli %get3A_195, %shift_left3A_197 : vector<16xi32>
          %add3A_199 = arith.constant 3 : i32
          %add3A_200 = arith.addi %mul3A_156, %add3A_199 : i32
          %add3A_201 = vector.broadcast %add3A_200 : i32 to vector<16xi32>
          %add3A_202 = arith.addi %mul3A_20, %add3A_201 : vector<16xi32>
          tpu.vector_store_idx %arg7[%add3A_202], %shift_left3A_198 : memref<3200xi32, #tpu.memory_space<vmem>>[vector<16xi32>], vector<16xi32>,
          %scan3A_203 = arith.constant 0 : i32
          scf.yield %scan3A_203 : i32
        }
        %scan3A_145 = arith.constant 50 : i32
        %scan3A_146 = arith.constant 0 : i32
        %scan3A_147 = arith.constant 0 : i32
        %scan3A_148 = arith.constant 16 : i32
        %scan3A_149 = arith.addi %scan3A_147, %scan3A_148 : i32
        %scan3A_150 = arith.constant 1 : i32
        %scan3A_151 = scf.for %scan3A_153 = %scan3A_147 to %scan3A_149 step %scan3A_150 iter_args(%scan3A_154 = %scan3A_146) -> (i32)  : i32 {
          %mul3A_155 = arith.constant 200 : i32
          %mul3A_156 = arith.muli %scan3A_153, %mul3A_155 : i32
          %mul3A_157 = arith.constant 200 : i32
          %mul3A_158 = arith.muli %scan3A_153, %mul3A_157 : i32
          %dma_start3A_159 = arith.constant 0 : i32
          %dma_start3A_160 = tpu.memref_slice %arg9[%mul3A_158, %dma_start3A_159] : memref<3200x8xf32, #tpu.memory_space<vmem>> -> memref<200x8xf32, #tpu.memory_space<vmem>>
          %dma_start3A_161 = tpu.memref_slice %arg7[%mul3A_156] : memref<3200xi32, #tpu.memory_space<vmem>> -> memref<200xi32, #tpu.memory_space<vmem>>
          %dma_start3A_162 = arith.constant 0 : i32
          %dma_start3A_163 = arith.constant 0 : i32
          %dma_start3A_164 = tpu.memref_slice %arg3[%dma_start3A_162, %dma_start3A_163] : memref<16000000x8xf32, #tpu.memory_space<hbm>> -> memref<16000000x8xf32, #tpu.memory_space<hbm>>
          tpu.enqueue_indirect_dma source(%dma_start3A_164 : memref<16000000x8xf32, #tpu.memory_space<hbm>>) target(%dma_start3A_160 : memref<200x8xf32, #tpu.memory_space<vmem>>) offsets(%dma_start3A_161 : memref<200xi32, #tpu.memory_space<vmem>>) semaphore(%arg14 : memref<!tpu.dma_semaphore, #tpu.memory_space<semaphore_mem>>)
          %scan3A_165 = arith.constant 0 : i32
          scf.yield %scan3A_165 : i32
        }
        %scan3A_152 = arith.constant 16 : i32
      } else {
      }
      %add3A_116 = arith.constant 3 : i32
      %add3A_117 = arith.addi %mul3A_62, %add3A_116 : i32
      %lt3A_118 = arith.constant 32 : i32
      %lt3A_119 = arith.cmpi slt, %add3A_117, %lt3A_118 : i32
      %convert_element_type3A_120 = arith.extui %lt3A_119 : i1 to i32
      %cond3A_121 = arith.constant 0 : i32
      %cond3A_122 = arith.cmpi ne, %convert_element_type3A_120, %cond3A_121 : i32
      scf.if %cond3A_122 {
        %add3A_133 = arith.constant 3 : i32
        %add3A_134 = arith.addi %mul3A_62, %add3A_133 : i32
        %mul3A_135 = arith.constant 16 : i32
        %mul3A_136 = arith.muli %add3A_134, %mul3A_135 : i32
        %add3A_137 = arith.addi %mul3A_2, %mul3A_136 : i32
        %dma_start3A_138 = arith.constant 0 : i32
        %dma_start3A_139 = tpu.memref_slice %arg2[%dma_start3A_138, %add3A_137] : memref<200x16384xi32, #tpu.memory_space<hbm>> -> memref<200x16xi32, #tpu.memory_space<hbm>>
        %dma_start3A_140 = arith.constant 0 : i32
        %dma_start3A_141 = tpu.memref_slice %arg2[%dma_start3A_140, %add3A_137] : memref<200x16384xi32, #tpu.memory_space<hbm>> -> memref<200x16xi32, #tpu.memory_space<hbm>>
        tpu.enqueue_dma source(%dma_start3A_141 : memref<200x16xi32, #tpu.memory_space<hbm>>) target(%arg6 : memref<200x16xi32, #tpu.memory_space<vmem>>) target_semaphore(%arg13 : memref<!tpu.dma_semaphore, #tpu.memory_space<semaphore_mem>>)
      } else {
      }
      %add3A_123 = arith.constant 1 : i32
      %add3A_124 = arith.addi %mul3A_62, %add3A_123 : i32
      %scan3A_125 = arith.constant 0 : i32
      %scan3A_126 = arith.constant 0 : i32
      %scan3A_127 = arith.constant 16 : i32
      %scan3A_128 = arith.addi %scan3A_126, %scan3A_127 : i32
      %scan3A_129 = arith.constant 1 : i32
      %scan3A_130 = scf.for %scan3A_133 = %scan3A_126 to %scan3A_128 step %scan3A_129 iter_args(%scan3A_134 = %scan3A_125) -> (i32)  : i32 {
        %mul3A_135 = arith.constant 200 : i32
        %mul3A_136 = arith.muli %scan3A_133, %mul3A_135 : i32
        %broadcast_in_dim3A = arith.constant 0.000000e+00 : f32
        %broadcast_in_dim3A_137 = vector.broadcast %broadcast_in_dim3A : f32 to vector<16xf32>
        %add3A_138 = arith.constant 0 : i32
        %add3A_139 = arith.addi %mul3A_136, %add3A_138 : i32
        %add3A_140 = vector.broadcast %add3A_139 : i32 to vector<16xi32>
        %add3A_141 = arith.addi %shift_right_logical3A_4, %add3A_140 : vector<16xi32>
        %gather3A = tpu.vector_load_idx %arg10[%add3A_141, %and3A_6] : memref<3200x8xf32, #tpu.memory_space<vmem>>[vector<16xi32>, vector<16xi32>], vector<16xf32>,
        %add3A_142 = arith.addf %broadcast_in_dim3A_137, %gather3A : vector<16xf32>
        %add3A_143 = arith.constant 2 : i32
        %add3A_144 = arith.addi %mul3A_136, %add3A_143 : i32
        %add3A_145 = vector.broadcast %add3A_144 : i32 to vector<16xi32>
        %add3A_146 = arith.addi %shift_right_logical3A_4, %add3A_145 : vector<16xi32>
        %gather3A_147 = tpu.vector_load_idx %arg10[%add3A_146, %and3A_6] : memref<3200x8xf32, #tpu.memory_space<vmem>>[vector<16xi32>, vector<16xi32>], vector<16xf32>,
        %add3A_148 = arith.addf %add3A_142, %gather3A_147 : vector<16xf32>
        %add3A_149 = arith.constant 4 : i32
        %add3A_150 = arith.addi %mul3A_136, %add3A_149 : i32
        %add3A_151 = vector.broadcast %add3A_150 : i32 to vector<16xi32>
        %add3A_152 = arith.addi %shift_right_logical3A_4, %add3A_151 : vector<16xi32>
        %gather3A_153 = tpu.vector_load_idx %arg10[%add3A_152, %and3A_6] : memref<3200x8xf32, #tpu.memory_space<vmem>>[vector<16xi32>, vector<16xi32>], vector<16xf32>,
        %add3A_154 = arith.addf %add3A_148, %gather3A_153 : vector<16xf32>
        %add3A_155 = arith.constant 6 : i32
        %add3A_156 = arith.addi %mul3A_136, %add3A_155 : i32
        %add3A_157 = vector.broadcast %add3A_156 : i32 to vector<16xi32>
        %add3A_158 = arith.addi %shift_right_logical3A_4, %add3A_157 : vector<16xi32>
        %gather3A_159 = tpu.vector_load_idx %arg10[%add3A_158, %and3A_6] : memref<3200x8xf32, #tpu.memory_space<vmem>>[vector<16xi32>, vector<16xi32>], vector<16xf32>,
        %add3A_160 = arith.addf %add3A_154, %gather3A_159 : vector<16xf32>
        %add3A_161 = arith.constant 8 : i32
        %add3A_162 = arith.addi %mul3A_136, %add3A_161 : i32
        %add3A_163 = vector.broadcast %add3A_162 : i32 to vector<16xi32>
        %add3A_164 = arith.addi %shift_right_logical3A_4, %add3A_163 : vector<16xi32>
        %gather3A_165 = tpu.vector_load_idx %arg10[%add3A_164, %and3A_6] : memref<3200x8xf32, #tpu.memory_space<vmem>>[vector<16xi32>, vector<16xi32>], vector<16xf32>,
        %add3A_166 = arith.addf %add3A_160, %gather3A_165 : vector<16xf32>
        %add3A_167 = arith.constant 10 : i32
        %add3A_168 = arith.addi %mul3A_136, %add3A_167 : i32
        %add3A_169 = vector.broadcast %add3A_168 : i32 to vector<16xi32>
        %add3A_170 = arith.addi %shift_right_logical3A_4, %add3A_169 : vector<16xi32>
        %gather3A_171 = tpu.vector_load_idx %arg10[%add3A_170, %and3A_6] : memref<3200x8xf32, #tpu.memory_space<vmem>>[vector<16xi32>, vector<16xi32>], vector<16xf32>,
        %add3A_172 = arith.addf %add3A_166, %gather3A_171 : vector<16xf32>
        %add3A_173 = arith.constant 12 : i32
        %add3A_174 = arith.addi %mul3A_136, %add3A_173 : i32
        %add3A_175 = vector.broadcast %add3A_174 : i32 to vector<16xi32>
        %add3A_176 = arith.addi %shift_right_logical3A_4, %add3A_175 : vector<16xi32>
        %gather3A_177 = tpu.vector_load_idx %arg10[%add3A_176, %and3A_6] : memref<3200x8xf32, #tpu.memory_space<vmem>>[vector<16xi32>, vector<16xi32>], vector<16xf32>,
        %add3A_178 = arith.addf %add3A_172, %gather3A_177 : vector<16xf32>
        %add3A_179 = arith.constant 14 : i32
        %add3A_180 = arith.addi %mul3A_136, %add3A_179 : i32
        %add3A_181 = vector.broadcast %add3A_180 : i32 to vector<16xi32>
        %add3A_182 = arith.addi %shift_right_logical3A_4, %add3A_181 : vector<16xi32>
        %gather3A_183 = tpu.vector_load_idx %arg10[%add3A_182, %and3A_6] : memref<3200x8xf32, #tpu.memory_space<vmem>>[vector<16xi32>, vector<16xi32>], vector<16xf32>,
        %add3A_184 = arith.addf %add3A_178, %gather3A_183 : vector<16xf32>
        %add3A_185 = arith.constant 16 : i32
        %add3A_186 = arith.addi %mul3A_136, %add3A_185 : i32
        %add3A_187 = vector.broadcast %add3A_186 : i32 to vector<16xi32>
        %add3A_188 = arith.addi %shift_right_logical3A_4, %add3A_187 : vector<16xi32>
        %gather3A_189 = tpu.vector_load_idx %arg10[%add3A_188, %and3A_6] : memref<3200x8xf32, #tpu.memory_space<vmem>>[vector<16xi32>, vector<16xi32>], vector<16xf32>,
        %add3A_190 = arith.addf %add3A_184, %gather3A_189 : vector<16xf32>
        %add3A_191 = arith.constant 18 : i32
        %add3A_192 = arith.addi %mul3A_136, %add3A_191 : i32
        %add3A_193 = vector.broadcast %add3A_192 : i32 to vector<16xi32>
        %add3A_194 = arith.addi %shift_right_logical3A_4, %add3A_193 : vector<16xi32>
        %gather3A_195 = tpu.vector_load_idx %arg10[%add3A_194, %and3A_6] : memref<3200x8xf32, #tpu.memory_space<vmem>>[vector<16xi32>, vector<16xi32>], vector<16xf32>,
        %add3A_196 = arith.addf %add3A_190, %gather3A_195 : vector<16xf32>
        %add3A_197 = arith.constant 20 : i32
        %add3A_198 = arith.addi %mul3A_136, %add3A_197 : i32
        %add3A_199 = vector.broadcast %add3A_198 : i32 to vector<16xi32>
        %add3A_200 = arith.addi %shift_right_logical3A_4, %add3A_199 : vector<16xi32>
        %gather3A_201 = tpu.vector_load_idx %arg10[%add3A_200, %and3A_6] : memref<3200x8xf32, #tpu.memory_space<vmem>>[vector<16xi32>, vector<16xi32>], vector<16xf32>,
        %add3A_202 = arith.addf %add3A_196, %gather3A_201 : vector<16xf32>
        %add3A_203 = arith.constant 22 : i32
        %add3A_204 = arith.addi %mul3A_136, %add3A_203 : i32
        %add3A_205 = vector.broadcast %add3A_204 : i32 to vector<16xi32>
        %add3A_206 = arith.addi %shift_right_logical3A_4, %add3A_205 : vector<16xi32>
        %gather3A_207 = tpu.vector_load_idx %arg10[%add3A_206, %and3A_6] : memref<3200x8xf32, #tpu.memory_space<vmem>>[vector<16xi32>, vector<16xi32>], vector<16xf32>,
        %add3A_208 = arith.addf %add3A_202, %gather3A_207 : vector<16xf32>
        %add3A_209 = arith.constant 24 : i32
        %add3A_210 = arith.addi %mul3A_136, %add3A_209 : i32
        %add3A_211 = vector.broadcast %add3A_210 : i32 to vector<16xi32>
        %add3A_212 = arith.addi %shift_right_logical3A_4, %add3A_211 : vector<16xi32>
        %gather3A_213 = tpu.vector_load_idx %arg10[%add3A_212, %and3A_6] : memref<3200x8xf32, #tpu.memory_space<vmem>>[vector<16xi32>, vector<16xi32>], vector<16xf32>,
        %add3A_214 = arith.addf %add3A_208, %gather3A_213 : vector<16xf32>
        %add3A_215 = arith.constant 26 : i32
        %add3A_216 = arith.addi %mul3A_136, %add3A_215 : i32
        %add3A_217 = vector.broadcast %add3A_216 : i32 to vector<16xi32>
        %add3A_218 = arith.addi %shift_right_logical3A_4, %add3A_217 : vector<16xi32>
        %gather3A_219 = tpu.vector_load_idx %arg10[%add3A_218, %and3A_6] : memref<3200x8xf32, #tpu.memory_space<vmem>>[vector<16xi32>, vector<16xi32>], vector<16xf32>,
        %add3A_220 = arith.addf %add3A_214, %gather3A_219 : vector<16xf32>
        %add3A_221 = arith.constant 28 : i32
        %add3A_222 = arith.addi %mul3A_136, %add3A_221 : i32
        %add3A_223 = vector.broadcast %add3A_222 : i32 to vector<16xi32>
        %add3A_224 = arith.addi %shift_right_logical3A_4, %add3A_223 : vector<16xi32>
        %gather3A_225 = tpu.vector_load_idx %arg10[%add3A_224, %and3A_6] : memref<3200x8xf32, #tpu.memory_space<vmem>>[vector<16xi32>, vector<16xi32>], vector<16xf32>,
        %add3A_226 = arith.addf %add3A_220, %gather3A_225 : vector<16xf32>
        %add3A_227 = arith.constant 30 : i32
        %add3A_228 = arith.addi %mul3A_136, %add3A_227 : i32
        %add3A_229 = vector.broadcast %add3A_228 : i32 to vector<16xi32>
        %add3A_230 = arith.addi %shift_right_logical3A_4, %add3A_229 : vector<16xi32>
        %gather3A_231 = tpu.vector_load_idx %arg10[%add3A_230, %and3A_6] : memref<3200x8xf32, #tpu.memory_space<vmem>>[vector<16xi32>, vector<16xi32>], vector<16xf32>,
        %add3A_232 = arith.addf %add3A_226, %gather3A_231 : vector<16xf32>
        %add3A_233 = arith.constant 32 : i32
        %add3A_234 = arith.addi %mul3A_136, %add3A_233 : i32
        %add3A_235 = vector.broadcast %add3A_234 : i32 to vector<16xi32>
        %add3A_236 = arith.addi %shift_right_logical3A_4, %add3A_235 : vector<16xi32>
        %gather3A_237 = tpu.vector_load_idx %arg10[%add3A_236, %and3A_6] : memref<3200x8xf32, #tpu.memory_space<vmem>>[vector<16xi32>, vector<16xi32>], vector<16xf32>,
        %add3A_238 = arith.addf %add3A_232, %gather3A_237 : vector<16xf32>
        %add3A_239 = arith.constant 34 : i32
        %add3A_240 = arith.addi %mul3A_136, %add3A_239 : i32
        %add3A_241 = vector.broadcast %add3A_240 : i32 to vector<16xi32>
        %add3A_242 = arith.addi %shift_right_logical3A_4, %add3A_241 : vector<16xi32>
        %gather3A_243 = tpu.vector_load_idx %arg10[%add3A_242, %and3A_6] : memref<3200x8xf32, #tpu.memory_space<vmem>>[vector<16xi32>, vector<16xi32>], vector<16xf32>,
        %add3A_244 = arith.addf %add3A_238, %gather3A_243 : vector<16xf32>
        %add3A_245 = arith.constant 36 : i32
        %add3A_246 = arith.addi %mul3A_136, %add3A_245 : i32
        %add3A_247 = vector.broadcast %add3A_246 : i32 to vector<16xi32>
        %add3A_248 = arith.addi %shift_right_logical3A_4, %add3A_247 : vector<16xi32>
        %gather3A_249 = tpu.vector_load_idx %arg10[%add3A_248, %and3A_6] : memref<3200x8xf32, #tpu.memory_space<vmem>>[vector<16xi32>, vector<16xi32>], vector<16xf32>,
        %add3A_250 = arith.addf %add3A_244, %gather3A_249 : vector<16xf32>
        %add3A_251 = arith.constant 38 : i32
        %add3A_252 = arith.addi %mul3A_136, %add3A_251 : i32
        %add3A_253 = vector.broadcast %add3A_252 : i32 to vector<16xi32>
        %add3A_254 = arith.addi %shift_right_logical3A_4, %add3A_253 : vector<16xi32>
        %gather3A_255 = tpu.vector_load_idx %arg10[%add3A_254, %and3A_6] : memref<3200x8xf32, #tpu.memory_space<vmem>>[vector<16xi32>, vector<16xi32>], vector<16xf32>,
        %add3A_256 = arith.addf %add3A_250, %gather3A_255 : vector<16xf32>
        %add3A_257 = arith.constant 40 : i32
        %add3A_258 = arith.addi %mul3A_136, %add3A_257 : i32
        %add3A_259 = vector.broadcast %add3A_258 : i32 to vector<16xi32>
        %add3A_260 = arith.addi %shift_right_logical3A_4, %add3A_259 : vector<16xi32>
        %gather3A_261 = tpu.vector_load_idx %arg10[%add3A_260, %and3A_6] : memref<3200x8xf32, #tpu.memory_space<vmem>>[vector<16xi32>, vector<16xi32>], vector<16xf32>,
        %add3A_262 = arith.addf %add3A_256, %gather3A_261 : vector<16xf32>
        %add3A_263 = arith.constant 42 : i32
        %add3A_264 = arith.addi %mul3A_136, %add3A_263 : i32
        %add3A_265 = vector.broadcast %add3A_264 : i32 to vector<16xi32>
        %add3A_266 = arith.addi %shift_right_logical3A_4, %add3A_265 : vector<16xi32>
        %gather3A_267 = tpu.vector_load_idx %arg10[%add3A_266, %and3A_6] : memref<3200x8xf32, #tpu.memory_space<vmem>>[vector<16xi32>, vector<16xi32>], vector<16xf32>,
        %add3A_268 = arith.addf %add3A_262, %gather3A_267 : vector<16xf32>
        %add3A_269 = arith.constant 44 : i32
        %add3A_270 = arith.addi %mul3A_136, %add3A_269 : i32
        %add3A_271 = vector.broadcast %add3A_270 : i32 to vector<16xi32>
        %add3A_272 = arith.addi %shift_right_logical3A_4, %add3A_271 : vector<16xi32>
        %gather3A_273 = tpu.vector_load_idx %arg10[%add3A_272, %and3A_6] : memref<3200x8xf32, #tpu.memory_space<vmem>>[vector<16xi32>, vector<16xi32>], vector<16xf32>,
        %add3A_274 = arith.addf %add3A_268, %gather3A_273 : vector<16xf32>
        %add3A_275 = arith.constant 46 : i32
        %add3A_276 = arith.addi %mul3A_136, %add3A_275 : i32
        %add3A_277 = vector.broadcast %add3A_276 : i32 to vector<16xi32>
        %add3A_278 = arith.addi %shift_right_logical3A_4, %add3A_277 : vector<16xi32>
        %gather3A_279 = tpu.vector_load_idx %arg10[%add3A_278, %and3A_6] : memref<3200x8xf32, #tpu.memory_space<vmem>>[vector<16xi32>, vector<16xi32>], vector<16xf32>,
        %add3A_280 = arith.addf %add3A_274, %gather3A_279 : vector<16xf32>
        %add3A_281 = arith.constant 48 : i32
        %add3A_282 = arith.addi %mul3A_136, %add3A_281 : i32
        %add3A_283 = vector.broadcast %add3A_282 : i32 to vector<16xi32>
        %add3A_284 = arith.addi %shift_right_logical3A_4, %add3A_283 : vector<16xi32>
        %gather3A_285 = tpu.vector_load_idx %arg10[%add3A_284, %and3A_6] : memref<3200x8xf32, #tpu.memory_space<vmem>>[vector<16xi32>, vector<16xi32>], vector<16xf32>,
        %add3A_286 = arith.addf %add3A_280, %gather3A_285 : vector<16xf32>
        %add3A_287 = arith.constant 50 : i32
        %add3A_288 = arith.addi %mul3A_136, %add3A_287 : i32
        %add3A_289 = vector.broadcast %add3A_288 : i32 to vector<16xi32>
        %add3A_290 = arith.addi %shift_right_logical3A_4, %add3A_289 : vector<16xi32>
        %gather3A_291 = tpu.vector_load_idx %arg10[%add3A_290, %and3A_6] : memref<3200x8xf32, #tpu.memory_space<vmem>>[vector<16xi32>, vector<16xi32>], vector<16xf32>,
        %add3A_292 = arith.addf %add3A_286, %gather3A_291 : vector<16xf32>
        %add3A_293 = arith.constant 52 : i32
        %add3A_294 = arith.addi %mul3A_136, %add3A_293 : i32
        %add3A_295 = vector.broadcast %add3A_294 : i32 to vector<16xi32>
        %add3A_296 = arith.addi %shift_right_logical3A_4, %add3A_295 : vector<16xi32>
        %gather3A_297 = tpu.vector_load_idx %arg10[%add3A_296, %and3A_6] : memref<3200x8xf32, #tpu.memory_space<vmem>>[vector<16xi32>, vector<16xi32>], vector<16xf32>,
        %add3A_298 = arith.addf %add3A_292, %gather3A_297 : vector<16xf32>
        %add3A_299 = arith.constant 54 : i32
        %add3A_300 = arith.addi %mul3A_136, %add3A_299 : i32
        %add3A_301 = vector.broadcast %add3A_300 : i32 to vector<16xi32>
        %add3A_302 = arith.addi %shift_right_logical3A_4, %add3A_301 : vector<16xi32>
        %gather3A_303 = tpu.vector_load_idx %arg10[%add3A_302, %and3A_6] : memref<3200x8xf32, #tpu.memory_space<vmem>>[vector<16xi32>, vector<16xi32>], vector<16xf32>,
        %add3A_304 = arith.addf %add3A_298, %gather3A_303 : vector<16xf32>
        %add3A_305 = arith.constant 56 : i32
        %add3A_306 = arith.addi %mul3A_136, %add3A_305 : i32
        %add3A_307 = vector.broadcast %add3A_306 : i32 to vector<16xi32>
        %add3A_308 = arith.addi %shift_right_logical3A_4, %add3A_307 : vector<16xi32>
        %gather3A_309 = tpu.vector_load_idx %arg10[%add3A_308, %and3A_6] : memref<3200x8xf32, #tpu.memory_space<vmem>>[vector<16xi32>, vector<16xi32>], vector<16xf32>,
        %add3A_310 = arith.addf %add3A_304, %gather3A_309 : vector<16xf32>
        %add3A_311 = arith.constant 58 : i32
        %add3A_312 = arith.addi %mul3A_136, %add3A_311 : i32
        %add3A_313 = vector.broadcast %add3A_312 : i32 to vector<16xi32>
        %add3A_314 = arith.addi %shift_right_logical3A_4, %add3A_313 : vector<16xi32>
        %gather3A_315 = tpu.vector_load_idx %arg10[%add3A_314, %and3A_6] : memref<3200x8xf32, #tpu.memory_space<vmem>>[vector<16xi32>, vector<16xi32>], vector<16xf32>,
        %add3A_316 = arith.addf %add3A_310, %gather3A_315 : vector<16xf32>
        %add3A_317 = arith.constant 60 : i32
        %add3A_318 = arith.addi %mul3A_136, %add3A_317 : i32
        %add3A_319 = vector.broadcast %add3A_318 : i32 to vector<16xi32>
        %add3A_320 = arith.addi %shift_right_logical3A_4, %add3A_319 : vector<16xi32>
        %gather3A_321 = tpu.vector_load_idx %arg10[%add3A_320, %and3A_6] : memref<3200x8xf32, #tpu.memory_space<vmem>>[vector<16xi32>, vector<16xi32>], vector<16xf32>,
        %add3A_322 = arith.addf %add3A_316, %gather3A_321 : vector<16xf32>
        %add3A_323 = arith.constant 62 : i32
        %add3A_324 = arith.addi %mul3A_136, %add3A_323 : i32
        %add3A_325 = vector.broadcast %add3A_324 : i32 to vector<16xi32>
        %add3A_326 = arith.addi %shift_right_logical3A_4, %add3A_325 : vector<16xi32>
        %gather3A_327 = tpu.vector_load_idx %arg10[%add3A_326, %and3A_6] : memref<3200x8xf32, #tpu.memory_space<vmem>>[vector<16xi32>, vector<16xi32>], vector<16xf32>,
        %add3A_328 = arith.addf %add3A_322, %gather3A_327 : vector<16xf32>
        %add3A_329 = arith.constant 64 : i32
        %add3A_330 = arith.addi %mul3A_136, %add3A_329 : i32
        %add3A_331 = vector.broadcast %add3A_330 : i32 to vector<16xi32>
        %add3A_332 = arith.addi %shift_right_logical3A_4, %add3A_331 : vector<16xi32>
        %gather3A_333 = tpu.vector_load_idx %arg10[%add3A_332, %and3A_6] : memref<3200x8xf32, #tpu.memory_space<vmem>>[vector<16xi32>, vector<16xi32>], vector<16xf32>,
        %add3A_334 = arith.addf %add3A_328, %gather3A_333 : vector<16xf32>
        %add3A_335 = arith.constant 66 : i32
        %add3A_336 = arith.addi %mul3A_136, %add3A_335 : i32
        %add3A_337 = vector.broadcast %add3A_336 : i32 to vector<16xi32>
        %add3A_338 = arith.addi %shift_right_logical3A_4, %add3A_337 : vector<16xi32>
        %gather3A_339 = tpu.vector_load_idx %arg10[%add3A_338, %and3A_6] : memref<3200x8xf32, #tpu.memory_space<vmem>>[vector<16xi32>, vector<16xi32>], vector<16xf32>,
        %add3A_340 = arith.addf %add3A_334, %gather3A_339 : vector<16xf32>
        %add3A_341 = arith.constant 68 : i32
        %add3A_342 = arith.addi %mul3A_136, %add3A_341 : i32
        %add3A_343 = vector.broadcast %add3A_342 : i32 to vector<16xi32>
        %add3A_344 = arith.addi %shift_right_logical3A_4, %add3A_343 : vector<16xi32>
        %gather3A_345 = tpu.vector_load_idx %arg10[%add3A_344, %and3A_6] : memref<3200x8xf32, #tpu.memory_space<vmem>>[vector<16xi32>, vector<16xi32>], vector<16xf32>,
        %add3A_346 = arith.addf %add3A_340, %gather3A_345 : vector<16xf32>
        %add3A_347 = arith.constant 70 : i32
        %add3A_348 = arith.addi %mul3A_136, %add3A_347 : i32
        %add3A_349 = vector.broadcast %add3A_348 : i32 to vector<16xi32>
        %add3A_350 = arith.addi %shift_right_logical3A_4, %add3A_349 : vector<16xi32>
        %gather3A_351 = tpu.vector_load_idx %arg10[%add3A_350, %and3A_6] : memref<3200x8xf32, #tpu.memory_space<vmem>>[vector<16xi32>, vector<16xi32>], vector<16xf32>,
        %add3A_352 = arith.addf %add3A_346, %gather3A_351 : vector<16xf32>
        %add3A_353 = arith.constant 72 : i32
        %add3A_354 = arith.addi %mul3A_136, %add3A_353 : i32
        %add3A_355 = vector.broadcast %add3A_354 : i32 to vector<16xi32>
        %add3A_356 = arith.addi %shift_right_logical3A_4, %add3A_355 : vector<16xi32>
        %gather3A_357 = tpu.vector_load_idx %arg10[%add3A_356, %and3A_6] : memref<3200x8xf32, #tpu.memory_space<vmem>>[vector<16xi32>, vector<16xi32>], vector<16xf32>,
        %add3A_358 = arith.addf %add3A_352, %gather3A_357 : vector<16xf32>
        %add3A_359 = arith.constant 74 : i32
        %add3A_360 = arith.addi %mul3A_136, %add3A_359 : i32
        %add3A_361 = vector.broadcast %add3A_360 : i32 to vector<16xi32>
        %add3A_362 = arith.addi %shift_right_logical3A_4, %add3A_361 : vector<16xi32>
        %gather3A_363 = tpu.vector_load_idx %arg10[%add3A_362, %and3A_6] : memref<3200x8xf32, #tpu.memory_space<vmem>>[vector<16xi32>, vector<16xi32>], vector<16xf32>,
        %add3A_364 = arith.addf %add3A_358, %gather3A_363 : vector<16xf32>
        %add3A_365 = arith.constant 76 : i32
        %add3A_366 = arith.addi %mul3A_136, %add3A_365 : i32
        %add3A_367 = vector.broadcast %add3A_366 : i32 to vector<16xi32>
        %add3A_368 = arith.addi %shift_right_logical3A_4, %add3A_367 : vector<16xi32>
        %gather3A_369 = tpu.vector_load_idx %arg10[%add3A_368, %and3A_6] : memref<3200x8xf32, #tpu.memory_space<vmem>>[vector<16xi32>, vector<16xi32>], vector<16xf32>,
        %add3A_370 = arith.addf %add3A_364, %gather3A_369 : vector<16xf32>
        %add3A_371 = arith.constant 78 : i32
        %add3A_372 = arith.addi %mul3A_136, %add3A_371 : i32
        %add3A_373 = vector.broadcast %add3A_372 : i32 to vector<16xi32>
        %add3A_374 = arith.addi %shift_right_logical3A_4, %add3A_373 : vector<16xi32>
        %gather3A_375 = tpu.vector_load_idx %arg10[%add3A_374, %and3A_6] : memref<3200x8xf32, #tpu.memory_space<vmem>>[vector<16xi32>, vector<16xi32>], vector<16xf32>,
        %add3A_376 = arith.addf %add3A_370, %gather3A_375 : vector<16xf32>
        %add3A_377 = arith.constant 80 : i32
        %add3A_378 = arith.addi %mul3A_136, %add3A_377 : i32
        %add3A_379 = vector.broadcast %add3A_378 : i32 to vector<16xi32>
        %add3A_380 = arith.addi %shift_right_logical3A_4, %add3A_379 : vector<16xi32>
        %gather3A_381 = tpu.vector_load_idx %arg10[%add3A_380, %and3A_6] : memref<3200x8xf32, #tpu.memory_space<vmem>>[vector<16xi32>, vector<16xi32>], vector<16xf32>,
        %add3A_382 = arith.addf %add3A_376, %gather3A_381 : vector<16xf32>
        %add3A_383 = arith.constant 82 : i32
        %add3A_384 = arith.addi %mul3A_136, %add3A_383 : i32
        %add3A_385 = vector.broadcast %add3A_384 : i32 to vector<16xi32>
        %add3A_386 = arith.addi %shift_right_logical3A_4, %add3A_385 : vector<16xi32>
        %gather3A_387 = tpu.vector_load_idx %arg10[%add3A_386, %and3A_6] : memref<3200x8xf32, #tpu.memory_space<vmem>>[vector<16xi32>, vector<16xi32>], vector<16xf32>,
        %add3A_388 = arith.addf %add3A_382, %gather3A_387 : vector<16xf32>
        %add3A_389 = arith.constant 84 : i32
        %add3A_390 = arith.addi %mul3A_136, %add3A_389 : i32
        %add3A_391 = vector.broadcast %add3A_390 : i32 to vector<16xi32>
        %add3A_392 = arith.addi %shift_right_logical3A_4, %add3A_391 : vector<16xi32>
        %gather3A_393 = tpu.vector_load_idx %arg10[%add3A_392, %and3A_6] : memref<3200x8xf32, #tpu.memory_space<vmem>>[vector<16xi32>, vector<16xi32>], vector<16xf32>,
        %add3A_394 = arith.addf %add3A_388, %gather3A_393 : vector<16xf32>
        %add3A_395 = arith.constant 86 : i32
        %add3A_396 = arith.addi %mul3A_136, %add3A_395 : i32
        %add3A_397 = vector.broadcast %add3A_396 : i32 to vector<16xi32>
        %add3A_398 = arith.addi %shift_right_logical3A_4, %add3A_397 : vector<16xi32>
        %gather3A_399 = tpu.vector_load_idx %arg10[%add3A_398, %and3A_6] : memref<3200x8xf32, #tpu.memory_space<vmem>>[vector<16xi32>, vector<16xi32>], vector<16xf32>,
        %add3A_400 = arith.addf %add3A_394, %gather3A_399 : vector<16xf32>
        %add3A_401 = arith.constant 88 : i32
        %add3A_402 = arith.addi %mul3A_136, %add3A_401 : i32
        %add3A_403 = vector.broadcast %add3A_402 : i32 to vector<16xi32>
        %add3A_404 = arith.addi %shift_right_logical3A_4, %add3A_403 : vector<16xi32>
        %gather3A_405 = tpu.vector_load_idx %arg10[%add3A_404, %and3A_6] : memref<3200x8xf32, #tpu.memory_space<vmem>>[vector<16xi32>, vector<16xi32>], vector<16xf32>,
        %add3A_406 = arith.addf %add3A_400, %gather3A_405 : vector<16xf32>
        %add3A_407 = arith.constant 90 : i32
        %add3A_408 = arith.addi %mul3A_136, %add3A_407 : i32
        %add3A_409 = vector.broadcast %add3A_408 : i32 to vector<16xi32>
        %add3A_410 = arith.addi %shift_right_logical3A_4, %add3A_409 : vector<16xi32>
        %gather3A_411 = tpu.vector_load_idx %arg10[%add3A_410, %and3A_6] : memref<3200x8xf32, #tpu.memory_space<vmem>>[vector<16xi32>, vector<16xi32>], vector<16xf32>,
        %add3A_412 = arith.addf %add3A_406, %gather3A_411 : vector<16xf32>
        %add3A_413 = arith.constant 92 : i32
        %add3A_414 = arith.addi %mul3A_136, %add3A_413 : i32
        %add3A_415 = vector.broadcast %add3A_414 : i32 to vector<16xi32>
        %add3A_416 = arith.addi %shift_right_logical3A_4, %add3A_415 : vector<16xi32>
        %gather3A_417 = tpu.vector_load_idx %arg10[%add3A_416, %and3A_6] : memref<3200x8xf32, #tpu.memory_space<vmem>>[vector<16xi32>, vector<16xi32>], vector<16xf32>,
        %add3A_418 = arith.addf %add3A_412, %gather3A_417 : vector<16xf32>
        %add3A_419 = arith.constant 94 : i32
        %add3A_420 = arith.addi %mul3A_136, %add3A_419 : i32
        %add3A_421 = vector.broadcast %add3A_420 : i32 to vector<16xi32>
        %add3A_422 = arith.addi %shift_right_logical3A_4, %add3A_421 : vector<16xi32>
        %gather3A_423 = tpu.vector_load_idx %arg10[%add3A_422, %and3A_6] : memref<3200x8xf32, #tpu.memory_space<vmem>>[vector<16xi32>, vector<16xi32>], vector<16xf32>,
        %add3A_424 = arith.addf %add3A_418, %gather3A_423 : vector<16xf32>
        %add3A_425 = arith.constant 96 : i32
        %add3A_426 = arith.addi %mul3A_136, %add3A_425 : i32
        %add3A_427 = vector.broadcast %add3A_426 : i32 to vector<16xi32>
        %add3A_428 = arith.addi %shift_right_logical3A_4, %add3A_427 : vector<16xi32>
        %gather3A_429 = tpu.vector_load_idx %arg10[%add3A_428, %and3A_6] : memref<3200x8xf32, #tpu.memory_space<vmem>>[vector<16xi32>, vector<16xi32>], vector<16xf32>,
        %add3A_430 = arith.addf %add3A_424, %gather3A_429 : vector<16xf32>
        %add3A_431 = arith.constant 98 : i32
        %add3A_432 = arith.addi %mul3A_136, %add3A_431 : i32
        %add3A_433 = vector.broadcast %add3A_432 : i32 to vector<16xi32>
        %add3A_434 = arith.addi %shift_right_logical3A_4, %add3A_433 : vector<16xi32>
        %gather3A_435 = tpu.vector_load_idx %arg10[%add3A_434, %and3A_6] : memref<3200x8xf32, #tpu.memory_space<vmem>>[vector<16xi32>, vector<16xi32>], vector<16xf32>,
        %add3A_436 = arith.addf %add3A_430, %gather3A_435 : vector<16xf32>
        %add3A_437 = arith.constant 100 : i32
        %add3A_438 = arith.addi %mul3A_136, %add3A_437 : i32
        %add3A_439 = vector.broadcast %add3A_438 : i32 to vector<16xi32>
        %add3A_440 = arith.addi %shift_right_logical3A_4, %add3A_439 : vector<16xi32>
        %gather3A_441 = tpu.vector_load_idx %arg10[%add3A_440, %and3A_6] : memref<3200x8xf32, #tpu.memory_space<vmem>>[vector<16xi32>, vector<16xi32>], vector<16xf32>,
        %add3A_442 = arith.addf %add3A_436, %gather3A_441 : vector<16xf32>
        %add3A_443 = arith.constant 102 : i32
        %add3A_444 = arith.addi %mul3A_136, %add3A_443 : i32
        %add3A_445 = vector.broadcast %add3A_444 : i32 to vector<16xi32>
        %add3A_446 = arith.addi %shift_right_logical3A_4, %add3A_445 : vector<16xi32>
        %gather3A_447 = tpu.vector_load_idx %arg10[%add3A_446, %and3A_6] : memref<3200x8xf32, #tpu.memory_space<vmem>>[vector<16xi32>, vector<16xi32>], vector<16xf32>,
        %add3A_448 = arith.addf %add3A_442, %gather3A_447 : vector<16xf32>
        %add3A_449 = arith.constant 104 : i32
        %add3A_450 = arith.addi %mul3A_136, %add3A_449 : i32
        %add3A_451 = vector.broadcast %add3A_450 : i32 to vector<16xi32>
        %add3A_452 = arith.addi %shift_right_logical3A_4, %add3A_451 : vector<16xi32>
        %gather3A_453 = tpu.vector_load_idx %arg10[%add3A_452, %and3A_6] : memref<3200x8xf32, #tpu.memory_space<vmem>>[vector<16xi32>, vector<16xi32>], vector<16xf32>,
        %add3A_454 = arith.addf %add3A_448, %gather3A_453 : vector<16xf32>
        %add3A_455 = arith.constant 106 : i32
        %add3A_456 = arith.addi %mul3A_136, %add3A_455 : i32
        %add3A_457 = vector.broadcast %add3A_456 : i32 to vector<16xi32>
        %add3A_458 = arith.addi %shift_right_logical3A_4, %add3A_457 : vector<16xi32>
        %gather3A_459 = tpu.vector_load_idx %arg10[%add3A_458, %and3A_6] : memref<3200x8xf32, #tpu.memory_space<vmem>>[vector<16xi32>, vector<16xi32>], vector<16xf32>,
        %add3A_460 = arith.addf %add3A_454, %gather3A_459 : vector<16xf32>
        %add3A_461 = arith.constant 108 : i32
        %add3A_462 = arith.addi %mul3A_136, %add3A_461 : i32
        %add3A_463 = vector.broadcast %add3A_462 : i32 to vector<16xi32>
        %add3A_464 = arith.addi %shift_right_logical3A_4, %add3A_463 : vector<16xi32>
        %gather3A_465 = tpu.vector_load_idx %arg10[%add3A_464, %and3A_6] : memref<3200x8xf32, #tpu.memory_space<vmem>>[vector<16xi32>, vector<16xi32>], vector<16xf32>,
        %add3A_466 = arith.addf %add3A_460, %gather3A_465 : vector<16xf32>
        %add3A_467 = arith.constant 110 : i32
        %add3A_468 = arith.addi %mul3A_136, %add3A_467 : i32
        %add3A_469 = vector.broadcast %add3A_468 : i32 to vector<16xi32>
        %add3A_470 = arith.addi %shift_right_logical3A_4, %add3A_469 : vector<16xi32>
        %gather3A_471 = tpu.vector_load_idx %arg10[%add3A_470, %and3A_6] : memref<3200x8xf32, #tpu.memory_space<vmem>>[vector<16xi32>, vector<16xi32>], vector<16xf32>,
        %add3A_472 = arith.addf %add3A_466, %gather3A_471 : vector<16xf32>
        %add3A_473 = arith.constant 112 : i32
        %add3A_474 = arith.addi %mul3A_136, %add3A_473 : i32
        %add3A_475 = vector.broadcast %add3A_474 : i32 to vector<16xi32>
        %add3A_476 = arith.addi %shift_right_logical3A_4, %add3A_475 : vector<16xi32>
        %gather3A_477 = tpu.vector_load_idx %arg10[%add3A_476, %and3A_6] : memref<3200x8xf32, #tpu.memory_space<vmem>>[vector<16xi32>, vector<16xi32>], vector<16xf32>,
        %add3A_478 = arith.addf %add3A_472, %gather3A_477 : vector<16xf32>
        %add3A_479 = arith.constant 114 : i32
        %add3A_480 = arith.addi %mul3A_136, %add3A_479 : i32
        %add3A_481 = vector.broadcast %add3A_480 : i32 to vector<16xi32>
        %add3A_482 = arith.addi %shift_right_logical3A_4, %add3A_481 : vector<16xi32>
        %gather3A_483 = tpu.vector_load_idx %arg10[%add3A_482, %and3A_6] : memref<3200x8xf32, #tpu.memory_space<vmem>>[vector<16xi32>, vector<16xi32>], vector<16xf32>,
        %add3A_484 = arith.addf %add3A_478, %gather3A_483 : vector<16xf32>
        %add3A_485 = arith.constant 116 : i32
        %add3A_486 = arith.addi %mul3A_136, %add3A_485 : i32
        %add3A_487 = vector.broadcast %add3A_486 : i32 to vector<16xi32>
        %add3A_488 = arith.addi %shift_right_logical3A_4, %add3A_487 : vector<16xi32>
        %gather3A_489 = tpu.vector_load_idx %arg10[%add3A_488, %and3A_6] : memref<3200x8xf32, #tpu.memory_space<vmem>>[vector<16xi32>, vector<16xi32>], vector<16xf32>,
        %add3A_490 = arith.addf %add3A_484, %gather3A_489 : vector<16xf32>
        %add3A_491 = arith.constant 118 : i32
        %add3A_492 = arith.addi %mul3A_136, %add3A_491 : i32
        %add3A_493 = vector.broadcast %add3A_492 : i32 to vector<16xi32>
        %add3A_494 = arith.addi %shift_right_logical3A_4, %add3A_493 : vector<16xi32>
        %gather3A_495 = tpu.vector_load_idx %arg10[%add3A_494, %and3A_6] : memref<3200x8xf32, #tpu.memory_space<vmem>>[vector<16xi32>, vector<16xi32>], vector<16xf32>,
        %add3A_496 = arith.addf %add3A_490, %gather3A_495 : vector<16xf32>
        %add3A_497 = arith.constant 120 : i32
        %add3A_498 = arith.addi %mul3A_136, %add3A_497 : i32
        %add3A_499 = vector.broadcast %add3A_498 : i32 to vector<16xi32>
        %add3A_500 = arith.addi %shift_right_logical3A_4, %add3A_499 : vector<16xi32>
        %gather3A_501 = tpu.vector_load_idx %arg10[%add3A_500, %and3A_6] : memref<3200x8xf32, #tpu.memory_space<vmem>>[vector<16xi32>, vector<16xi32>], vector<16xf32>,
        %add3A_502 = arith.addf %add3A_496, %gather3A_501 : vector<16xf32>
        %add3A_503 = arith.constant 122 : i32
        %add3A_504 = arith.addi %mul3A_136, %add3A_503 : i32
        %add3A_505 = vector.broadcast %add3A_504 : i32 to vector<16xi32>
        %add3A_506 = arith.addi %shift_right_logical3A_4, %add3A_505 : vector<16xi32>
        %gather3A_507 = tpu.vector_load_idx %arg10[%add3A_506, %and3A_6] : memref<3200x8xf32, #tpu.memory_space<vmem>>[vector<16xi32>, vector<16xi32>], vector<16xf32>,
        %add3A_508 = arith.addf %add3A_502, %gather3A_507 : vector<16xf32>
        %add3A_509 = arith.constant 124 : i32
        %add3A_510 = arith.addi %mul3A_136, %add3A_509 : i32
        %add3A_511 = vector.broadcast %add3A_510 : i32 to vector<16xi32>
        %add3A_512 = arith.addi %shift_right_logical3A_4, %add3A_511 : vector<16xi32>
        %gather3A_513 = tpu.vector_load_idx %arg10[%add3A_512, %and3A_6] : memref<3200x8xf32, #tpu.memory_space<vmem>>[vector<16xi32>, vector<16xi32>], vector<16xf32>,
        %add3A_514 = arith.addf %add3A_508, %gather3A_513 : vector<16xf32>
        %add3A_515 = arith.constant 126 : i32
        %add3A_516 = arith.addi %mul3A_136, %add3A_515 : i32
        %add3A_517 = vector.broadcast %add3A_516 : i32 to vector<16xi32>
        %add3A_518 = arith.addi %shift_right_logical3A_4, %add3A_517 : vector<16xi32>
        %gather3A_519 = tpu.vector_load_idx %arg10[%add3A_518, %and3A_6] : memref<3200x8xf32, #tpu.memory_space<vmem>>[vector<16xi32>, vector<16xi32>], vector<16xf32>,
        %add3A_520 = arith.addf %add3A_514, %gather3A_519 : vector<16xf32>
        %add3A_521 = arith.constant 128 : i32
        %add3A_522 = arith.addi %mul3A_136, %add3A_521 : i32
        %add3A_523 = vector.broadcast %add3A_522 : i32 to vector<16xi32>
        %add3A_524 = arith.addi %shift_right_logical3A_4, %add3A_523 : vector<16xi32>
        %gather3A_525 = tpu.vector_load_idx %arg10[%add3A_524, %and3A_6] : memref<3200x8xf32, #tpu.memory_space<vmem>>[vector<16xi32>, vector<16xi32>], vector<16xf32>,
        %add3A_526 = arith.addf %add3A_520, %gather3A_525 : vector<16xf32>
        %add3A_527 = arith.constant 130 : i32
        %add3A_528 = arith.addi %mul3A_136, %add3A_527 : i32
        %add3A_529 = vector.broadcast %add3A_528 : i32 to vector<16xi32>
        %add3A_530 = arith.addi %shift_right_logical3A_4, %add3A_529 : vector<16xi32>
        %gather3A_531 = tpu.vector_load_idx %arg10[%add3A_530, %and3A_6] : memref<3200x8xf32, #tpu.memory_space<vmem>>[vector<16xi32>, vector<16xi32>], vector<16xf32>,
        %add3A_532 = arith.addf %add3A_526, %gather3A_531 : vector<16xf32>
        %add3A_533 = arith.constant 132 : i32
        %add3A_534 = arith.addi %mul3A_136, %add3A_533 : i32
        %add3A_535 = vector.broadcast %add3A_534 : i32 to vector<16xi32>
        %add3A_536 = arith.addi %shift_right_logical3A_4, %add3A_535 : vector<16xi32>
        %gather3A_537 = tpu.vector_load_idx %arg10[%add3A_536, %and3A_6] : memref<3200x8xf32, #tpu.memory_space<vmem>>[vector<16xi32>, vector<16xi32>], vector<16xf32>,
        %add3A_538 = arith.addf %add3A_532, %gather3A_537 : vector<16xf32>
        %add3A_539 = arith.constant 134 : i32
        %add3A_540 = arith.addi %mul3A_136, %add3A_539 : i32
        %add3A_541 = vector.broadcast %add3A_540 : i32 to vector<16xi32>
        %add3A_542 = arith.addi %shift_right_logical3A_4, %add3A_541 : vector<16xi32>
        %gather3A_543 = tpu.vector_load_idx %arg10[%add3A_542, %and3A_6] : memref<3200x8xf32, #tpu.memory_space<vmem>>[vector<16xi32>, vector<16xi32>], vector<16xf32>,
        %add3A_544 = arith.addf %add3A_538, %gather3A_543 : vector<16xf32>
        %add3A_545 = arith.constant 136 : i32
        %add3A_546 = arith.addi %mul3A_136, %add3A_545 : i32
        %add3A_547 = vector.broadcast %add3A_546 : i32 to vector<16xi32>
        %add3A_548 = arith.addi %shift_right_logical3A_4, %add3A_547 : vector<16xi32>
        %gather3A_549 = tpu.vector_load_idx %arg10[%add3A_548, %and3A_6] : memref<3200x8xf32, #tpu.memory_space<vmem>>[vector<16xi32>, vector<16xi32>], vector<16xf32>,
        %add3A_550 = arith.addf %add3A_544, %gather3A_549 : vector<16xf32>
        %add3A_551 = arith.constant 138 : i32
        %add3A_552 = arith.addi %mul3A_136, %add3A_551 : i32
        %add3A_553 = vector.broadcast %add3A_552 : i32 to vector<16xi32>
        %add3A_554 = arith.addi %shift_right_logical3A_4, %add3A_553 : vector<16xi32>
        %gather3A_555 = tpu.vector_load_idx %arg10[%add3A_554, %and3A_6] : memref<3200x8xf32, #tpu.memory_space<vmem>>[vector<16xi32>, vector<16xi32>], vector<16xf32>,
        %add3A_556 = arith.addf %add3A_550, %gather3A_555 : vector<16xf32>
        %add3A_557 = arith.constant 140 : i32
        %add3A_558 = arith.addi %mul3A_136, %add3A_557 : i32
        %add3A_559 = vector.broadcast %add3A_558 : i32 to vector<16xi32>
        %add3A_560 = arith.addi %shift_right_logical3A_4, %add3A_559 : vector<16xi32>
        %gather3A_561 = tpu.vector_load_idx %arg10[%add3A_560, %and3A_6] : memref<3200x8xf32, #tpu.memory_space<vmem>>[vector<16xi32>, vector<16xi32>], vector<16xf32>,
        %add3A_562 = arith.addf %add3A_556, %gather3A_561 : vector<16xf32>
        %add3A_563 = arith.constant 142 : i32
        %add3A_564 = arith.addi %mul3A_136, %add3A_563 : i32
        %add3A_565 = vector.broadcast %add3A_564 : i32 to vector<16xi32>
        %add3A_566 = arith.addi %shift_right_logical3A_4, %add3A_565 : vector<16xi32>
        %gather3A_567 = tpu.vector_load_idx %arg10[%add3A_566, %and3A_6] : memref<3200x8xf32, #tpu.memory_space<vmem>>[vector<16xi32>, vector<16xi32>], vector<16xf32>,
        %add3A_568 = arith.addf %add3A_562, %gather3A_567 : vector<16xf32>
        %add3A_569 = arith.constant 144 : i32
        %add3A_570 = arith.addi %mul3A_136, %add3A_569 : i32
        %add3A_571 = vector.broadcast %add3A_570 : i32 to vector<16xi32>
        %add3A_572 = arith.addi %shift_right_logical3A_4, %add3A_571 : vector<16xi32>
        %gather3A_573 = tpu.vector_load_idx %arg10[%add3A_572, %and3A_6] : memref<3200x8xf32, #tpu.memory_space<vmem>>[vector<16xi32>, vector<16xi32>], vector<16xf32>,
        %add3A_574 = arith.addf %add3A_568, %gather3A_573 : vector<16xf32>
        %add3A_575 = arith.constant 146 : i32
        %add3A_576 = arith.addi %mul3A_136, %add3A_575 : i32
        %add3A_577 = vector.broadcast %add3A_576 : i32 to vector<16xi32>
        %add3A_578 = arith.addi %shift_right_logical3A_4, %add3A_577 : vector<16xi32>
        %gather3A_579 = tpu.vector_load_idx %arg10[%add3A_578, %and3A_6] : memref<3200x8xf32, #tpu.memory_space<vmem>>[vector<16xi32>, vector<16xi32>], vector<16xf32>,
        %add3A_580 = arith.addf %add3A_574, %gather3A_579 : vector<16xf32>
        %add3A_581 = arith.constant 148 : i32
        %add3A_582 = arith.addi %mul3A_136, %add3A_581 : i32
        %add3A_583 = vector.broadcast %add3A_582 : i32 to vector<16xi32>
        %add3A_584 = arith.addi %shift_right_logical3A_4, %add3A_583 : vector<16xi32>
        %gather3A_585 = tpu.vector_load_idx %arg10[%add3A_584, %and3A_6] : memref<3200x8xf32, #tpu.memory_space<vmem>>[vector<16xi32>, vector<16xi32>], vector<16xf32>,
        %add3A_586 = arith.addf %add3A_580, %gather3A_585 : vector<16xf32>
        %add3A_587 = arith.constant 150 : i32
        %add3A_588 = arith.addi %mul3A_136, %add3A_587 : i32
        %add3A_589 = vector.broadcast %add3A_588 : i32 to vector<16xi32>
        %add3A_590 = arith.addi %shift_right_logical3A_4, %add3A_589 : vector<16xi32>
        %gather3A_591 = tpu.vector_load_idx %arg10[%add3A_590, %and3A_6] : memref<3200x8xf32, #tpu.memory_space<vmem>>[vector<16xi32>, vector<16xi32>], vector<16xf32>,
        %add3A_592 = arith.addf %add3A_586, %gather3A_591 : vector<16xf32>
        %add3A_593 = arith.constant 152 : i32
        %add3A_594 = arith.addi %mul3A_136, %add3A_593 : i32
        %add3A_595 = vector.broadcast %add3A_594 : i32 to vector<16xi32>
        %add3A_596 = arith.addi %shift_right_logical3A_4, %add3A_595 : vector<16xi32>
        %gather3A_597 = tpu.vector_load_idx %arg10[%add3A_596, %and3A_6] : memref<3200x8xf32, #tpu.memory_space<vmem>>[vector<16xi32>, vector<16xi32>], vector<16xf32>,
        %add3A_598 = arith.addf %add3A_592, %gather3A_597 : vector<16xf32>
        %add3A_599 = arith.constant 154 : i32
        %add3A_600 = arith.addi %mul3A_136, %add3A_599 : i32
        %add3A_601 = vector.broadcast %add3A_600 : i32 to vector<16xi32>
        %add3A_602 = arith.addi %shift_right_logical3A_4, %add3A_601 : vector<16xi32>
        %gather3A_603 = tpu.vector_load_idx %arg10[%add3A_602, %and3A_6] : memref<3200x8xf32, #tpu.memory_space<vmem>>[vector<16xi32>, vector<16xi32>], vector<16xf32>,
        %add3A_604 = arith.addf %add3A_598, %gather3A_603 : vector<16xf32>
        %add3A_605 = arith.constant 156 : i32
        %add3A_606 = arith.addi %mul3A_136, %add3A_605 : i32
        %add3A_607 = vector.broadcast %add3A_606 : i32 to vector<16xi32>
        %add3A_608 = arith.addi %shift_right_logical3A_4, %add3A_607 : vector<16xi32>
        %gather3A_609 = tpu.vector_load_idx %arg10[%add3A_608, %and3A_6] : memref<3200x8xf32, #tpu.memory_space<vmem>>[vector<16xi32>, vector<16xi32>], vector<16xf32>,
        %add3A_610 = arith.addf %add3A_604, %gather3A_609 : vector<16xf32>
        %add3A_611 = arith.constant 158 : i32
        %add3A_612 = arith.addi %mul3A_136, %add3A_611 : i32
        %add3A_613 = vector.broadcast %add3A_612 : i32 to vector<16xi32>
        %add3A_614 = arith.addi %shift_right_logical3A_4, %add3A_613 : vector<16xi32>
        %gather3A_615 = tpu.vector_load_idx %arg10[%add3A_614, %and3A_6] : memref<3200x8xf32, #tpu.memory_space<vmem>>[vector<16xi32>, vector<16xi32>], vector<16xf32>,
        %add3A_616 = arith.addf %add3A_610, %gather3A_615 : vector<16xf32>
        %add3A_617 = arith.constant 160 : i32
        %add3A_618 = arith.addi %mul3A_136, %add3A_617 : i32
        %add3A_619 = vector.broadcast %add3A_618 : i32 to vector<16xi32>
        %add3A_620 = arith.addi %shift_right_logical3A_4, %add3A_619 : vector<16xi32>
        %gather3A_621 = tpu.vector_load_idx %arg10[%add3A_620, %and3A_6] : memref<3200x8xf32, #tpu.memory_space<vmem>>[vector<16xi32>, vector<16xi32>], vector<16xf32>,
        %add3A_622 = arith.addf %add3A_616, %gather3A_621 : vector<16xf32>
        %add3A_623 = arith.constant 162 : i32
        %add3A_624 = arith.addi %mul3A_136, %add3A_623 : i32
        %add3A_625 = vector.broadcast %add3A_624 : i32 to vector<16xi32>
        %add3A_626 = arith.addi %shift_right_logical3A_4, %add3A_625 : vector<16xi32>
        %gather3A_627 = tpu.vector_load_idx %arg10[%add3A_626, %and3A_6] : memref<3200x8xf32, #tpu.memory_space<vmem>>[vector<16xi32>, vector<16xi32>], vector<16xf32>,
        %add3A_628 = arith.addf %add3A_622, %gather3A_627 : vector<16xf32>
        %add3A_629 = arith.constant 164 : i32
        %add3A_630 = arith.addi %mul3A_136, %add3A_629 : i32
        %add3A_631 = vector.broadcast %add3A_630 : i32 to vector<16xi32>
        %add3A_632 = arith.addi %shift_right_logical3A_4, %add3A_631 : vector<16xi32>
        %gather3A_633 = tpu.vector_load_idx %arg10[%add3A_632, %and3A_6] : memref<3200x8xf32, #tpu.memory_space<vmem>>[vector<16xi32>, vector<16xi32>], vector<16xf32>,
        %add3A_634 = arith.addf %add3A_628, %gather3A_633 : vector<16xf32>
        %add3A_635 = arith.constant 166 : i32
        %add3A_636 = arith.addi %mul3A_136, %add3A_635 : i32
        %add3A_637 = vector.broadcast %add3A_636 : i32 to vector<16xi32>
        %add3A_638 = arith.addi %shift_right_logical3A_4, %add3A_637 : vector<16xi32>
        %gather3A_639 = tpu.vector_load_idx %arg10[%add3A_638, %and3A_6] : memref<3200x8xf32, #tpu.memory_space<vmem>>[vector<16xi32>, vector<16xi32>], vector<16xf32>,
        %add3A_640 = arith.addf %add3A_634, %gather3A_639 : vector<16xf32>
        %add3A_641 = arith.constant 168 : i32
        %add3A_642 = arith.addi %mul3A_136, %add3A_641 : i32
        %add3A_643 = vector.broadcast %add3A_642 : i32 to vector<16xi32>
        %add3A_644 = arith.addi %shift_right_logical3A_4, %add3A_643 : vector<16xi32>
        %gather3A_645 = tpu.vector_load_idx %arg10[%add3A_644, %and3A_6] : memref<3200x8xf32, #tpu.memory_space<vmem>>[vector<16xi32>, vector<16xi32>], vector<16xf32>,
        %add3A_646 = arith.addf %add3A_640, %gather3A_645 : vector<16xf32>
        %add3A_647 = arith.constant 170 : i32
        %add3A_648 = arith.addi %mul3A_136, %add3A_647 : i32
        %add3A_649 = vector.broadcast %add3A_648 : i32 to vector<16xi32>
        %add3A_650 = arith.addi %shift_right_logical3A_4, %add3A_649 : vector<16xi32>
        %gather3A_651 = tpu.vector_load_idx %arg10[%add3A_650, %and3A_6] : memref<3200x8xf32, #tpu.memory_space<vmem>>[vector<16xi32>, vector<16xi32>], vector<16xf32>,
        %add3A_652 = arith.addf %add3A_646, %gather3A_651 : vector<16xf32>
        %add3A_653 = arith.constant 172 : i32
        %add3A_654 = arith.addi %mul3A_136, %add3A_653 : i32
        %add3A_655 = vector.broadcast %add3A_654 : i32 to vector<16xi32>
        %add3A_656 = arith.addi %shift_right_logical3A_4, %add3A_655 : vector<16xi32>
        %gather3A_657 = tpu.vector_load_idx %arg10[%add3A_656, %and3A_6] : memref<3200x8xf32, #tpu.memory_space<vmem>>[vector<16xi32>, vector<16xi32>], vector<16xf32>,
        %add3A_658 = arith.addf %add3A_652, %gather3A_657 : vector<16xf32>
        %add3A_659 = arith.constant 174 : i32
        %add3A_660 = arith.addi %mul3A_136, %add3A_659 : i32
        %add3A_661 = vector.broadcast %add3A_660 : i32 to vector<16xi32>
        %add3A_662 = arith.addi %shift_right_logical3A_4, %add3A_661 : vector<16xi32>
        %gather3A_663 = tpu.vector_load_idx %arg10[%add3A_662, %and3A_6] : memref<3200x8xf32, #tpu.memory_space<vmem>>[vector<16xi32>, vector<16xi32>], vector<16xf32>,
        %add3A_664 = arith.addf %add3A_658, %gather3A_663 : vector<16xf32>
        %add3A_665 = arith.constant 176 : i32
        %add3A_666 = arith.addi %mul3A_136, %add3A_665 : i32
        %add3A_667 = vector.broadcast %add3A_666 : i32 to vector<16xi32>
        %add3A_668 = arith.addi %shift_right_logical3A_4, %add3A_667 : vector<16xi32>
        %gather3A_669 = tpu.vector_load_idx %arg10[%add3A_668, %and3A_6] : memref<3200x8xf32, #tpu.memory_space<vmem>>[vector<16xi32>, vector<16xi32>], vector<16xf32>,
        %add3A_670 = arith.addf %add3A_664, %gather3A_669 : vector<16xf32>
        %add3A_671 = arith.constant 178 : i32
        %add3A_672 = arith.addi %mul3A_136, %add3A_671 : i32
        %add3A_673 = vector.broadcast %add3A_672 : i32 to vector<16xi32>
        %add3A_674 = arith.addi %shift_right_logical3A_4, %add3A_673 : vector<16xi32>
        %gather3A_675 = tpu.vector_load_idx %arg10[%add3A_674, %and3A_6] : memref<3200x8xf32, #tpu.memory_space<vmem>>[vector<16xi32>, vector<16xi32>], vector<16xf32>,
        %add3A_676 = arith.addf %add3A_670, %gather3A_675 : vector<16xf32>
        %add3A_677 = arith.constant 180 : i32
        %add3A_678 = arith.addi %mul3A_136, %add3A_677 : i32
        %add3A_679 = vector.broadcast %add3A_678 : i32 to vector<16xi32>
        %add3A_680 = arith.addi %shift_right_logical3A_4, %add3A_679 : vector<16xi32>
        %gather3A_681 = tpu.vector_load_idx %arg10[%add3A_680, %and3A_6] : memref<3200x8xf32, #tpu.memory_space<vmem>>[vector<16xi32>, vector<16xi32>], vector<16xf32>,
        %add3A_682 = arith.addf %add3A_676, %gather3A_681 : vector<16xf32>
        %add3A_683 = arith.constant 182 : i32
        %add3A_684 = arith.addi %mul3A_136, %add3A_683 : i32
        %add3A_685 = vector.broadcast %add3A_684 : i32 to vector<16xi32>
        %add3A_686 = arith.addi %shift_right_logical3A_4, %add3A_685 : vector<16xi32>
        %gather3A_687 = tpu.vector_load_idx %arg10[%add3A_686, %and3A_6] : memref<3200x8xf32, #tpu.memory_space<vmem>>[vector<16xi32>, vector<16xi32>], vector<16xf32>,
        %add3A_688 = arith.addf %add3A_682, %gather3A_687 : vector<16xf32>
        %add3A_689 = arith.constant 184 : i32
        %add3A_690 = arith.addi %mul3A_136, %add3A_689 : i32
        %add3A_691 = vector.broadcast %add3A_690 : i32 to vector<16xi32>
        %add3A_692 = arith.addi %shift_right_logical3A_4, %add3A_691 : vector<16xi32>
        %gather3A_693 = tpu.vector_load_idx %arg10[%add3A_692, %and3A_6] : memref<3200x8xf32, #tpu.memory_space<vmem>>[vector<16xi32>, vector<16xi32>], vector<16xf32>,
        %add3A_694 = arith.addf %add3A_688, %gather3A_693 : vector<16xf32>
        %add3A_695 = arith.constant 186 : i32
        %add3A_696 = arith.addi %mul3A_136, %add3A_695 : i32
        %add3A_697 = vector.broadcast %add3A_696 : i32 to vector<16xi32>
        %add3A_698 = arith.addi %shift_right_logical3A_4, %add3A_697 : vector<16xi32>
        %gather3A_699 = tpu.vector_load_idx %arg10[%add3A_698, %and3A_6] : memref<3200x8xf32, #tpu.memory_space<vmem>>[vector<16xi32>, vector<16xi32>], vector<16xf32>,
        %add3A_700 = arith.addf %add3A_694, %gather3A_699 : vector<16xf32>
        %add3A_701 = arith.constant 188 : i32
        %add3A_702 = arith.addi %mul3A_136, %add3A_701 : i32
        %add3A_703 = vector.broadcast %add3A_702 : i32 to vector<16xi32>
        %add3A_704 = arith.addi %shift_right_logical3A_4, %add3A_703 : vector<16xi32>
        %gather3A_705 = tpu.vector_load_idx %arg10[%add3A_704, %and3A_6] : memref<3200x8xf32, #tpu.memory_space<vmem>>[vector<16xi32>, vector<16xi32>], vector<16xf32>,
        %add3A_706 = arith.addf %add3A_700, %gather3A_705 : vector<16xf32>
        %add3A_707 = arith.constant 190 : i32
        %add3A_708 = arith.addi %mul3A_136, %add3A_707 : i32
        %add3A_709 = vector.broadcast %add3A_708 : i32 to vector<16xi32>
        %add3A_710 = arith.addi %shift_right_logical3A_4, %add3A_709 : vector<16xi32>
        %gather3A_711 = tpu.vector_load_idx %arg10[%add3A_710, %and3A_6] : memref<3200x8xf32, #tpu.memory_space<vmem>>[vector<16xi32>, vector<16xi32>], vector<16xf32>,
        %add3A_712 = arith.addf %add3A_706, %gather3A_711 : vector<16xf32>
        %add3A_713 = arith.constant 192 : i32
        %add3A_714 = arith.addi %mul3A_136, %add3A_713 : i32
        %add3A_715 = vector.broadcast %add3A_714 : i32 to vector<16xi32>
        %add3A_716 = arith.addi %shift_right_logical3A_4, %add3A_715 : vector<16xi32>
        %gather3A_717 = tpu.vector_load_idx %arg10[%add3A_716, %and3A_6] : memref<3200x8xf32, #tpu.memory_space<vmem>>[vector<16xi32>, vector<16xi32>], vector<16xf32>,
        %add3A_718 = arith.addf %add3A_712, %gather3A_717 : vector<16xf32>
        %add3A_719 = arith.constant 194 : i32
        %add3A_720 = arith.addi %mul3A_136, %add3A_719 : i32
        %add3A_721 = vector.broadcast %add3A_720 : i32 to vector<16xi32>
        %add3A_722 = arith.addi %shift_right_logical3A_4, %add3A_721 : vector<16xi32>
        %gather3A_723 = tpu.vector_load_idx %arg10[%add3A_722, %and3A_6] : memref<3200x8xf32, #tpu.memory_space<vmem>>[vector<16xi32>, vector<16xi32>], vector<16xf32>,
        %add3A_724 = arith.addf %add3A_718, %gather3A_723 : vector<16xf32>
        %add3A_725 = arith.constant 196 : i32
        %add3A_726 = arith.addi %mul3A_136, %add3A_725 : i32
        %add3A_727 = vector.broadcast %add3A_726 : i32 to vector<16xi32>
        %add3A_728 = arith.addi %shift_right_logical3A_4, %add3A_727 : vector<16xi32>
        %gather3A_729 = tpu.vector_load_idx %arg10[%add3A_728, %and3A_6] : memref<3200x8xf32, #tpu.memory_space<vmem>>[vector<16xi32>, vector<16xi32>], vector<16xf32>,
        %add3A_730 = arith.addf %add3A_724, %gather3A_729 : vector<16xf32>
        %add3A_731 = arith.constant 198 : i32
        %add3A_732 = arith.addi %mul3A_136, %add3A_731 : i32
        %add3A_733 = vector.broadcast %add3A_732 : i32 to vector<16xi32>
        %add3A_734 = arith.addi %shift_right_logical3A_4, %add3A_733 : vector<16xi32>
        %gather3A_735 = tpu.vector_load_idx %arg10[%add3A_734, %and3A_6] : memref<3200x8xf32, #tpu.memory_space<vmem>>[vector<16xi32>, vector<16xi32>], vector<16xf32>,
        %add3A_736 = arith.addf %add3A_730, %gather3A_735 : vector<16xf32>
        %broadcast_in_dim3A_737 = vector.shape_cast %and3A_15 : vector<16xi32> to vector<16x1xi32>
        %gather3A_738 = vector.shape_cast %broadcast_in_dim3A_737 : vector<16x1xi32> to vector<16xi32>
        %gather3A_739 = tpu.dynamic_gather %add3A_736[%gather3A_738] in [0] : vector<16xf32>, vector<16xi32> -> vector<16xf32>
        %add3A_740 = arith.addf %add3A_736, %gather3A_739 : vector<16xf32>
        %mul3A_741 = arith.constant 16 : i32
        %mul3A_742 = arith.muli %add3A_124, %mul3A_741 : i32
        %add3A_743 = arith.addi %mul3A_742, %scan3A_133 : i32
        %mul3A_744 = arith.constant 4 : i32
        %mul3A_745 = arith.muli %add3A_743, %mul3A_744 : i32
        %add3A_746 = vector.broadcast %mul3A_745 : i32 to vector<16xi32>
        %add3A_747 = arith.addi %add3A_746, %and3A_9 : vector<16xi32>
        tpu.vector_store_idx %arg11[%add3A_747], %add3A_740 masked %lt3A_17 : memref<2048xf32, #tpu.memory_space<vmem>>[vector<16xi32>], vector<16xf32>, vector<16xi1>
        %scan3A_748 = arith.constant 0 : i32
        scf.yield %scan3A_748 : i32
      }
      %scan3A_131 = arith.constant 16 : i32
      %scan3A_132 = arith.constant 0 : i32
      scf.yield %scan3A_132 : i32
    }
    %scan3A_56 = arith.constant 16 : i32
    %mul3A_57 = arith.constant 4 : i32
    %mul3A_58 = arith.muli %mul3A_2, %mul3A_57 : i32
    "tpu.region"() ({
      %run_scoped3A = tpu.sem_alloc : memref<!tpu.dma_semaphore, #tpu.memory_space<semaphore_mem>>
      %dma_start3A_59 = tpu.memref_slice %arg4[%mul3A_58] : memref<65536xf32, #tpu.memory_space<hbm>> -> memref<2048xf32, #tpu.memory_space<hbm>>
      %dma_start3A_60 = tpu.memref_slice %arg4[%mul3A_58] : memref<65536xf32, #tpu.memory_space<hbm>> -> memref<2048xf32, #tpu.memory_space<hbm>>
      tpu.enqueue_dma source(%arg11 : memref<2048xf32, #tpu.memory_space<vmem>>) target(%dma_start3A_60 : memref<2048xf32, #tpu.memory_space<hbm>>) target_semaphore(%run_scoped3A : memref<!tpu.dma_semaphore, #tpu.memory_space<semaphore_mem>>)
      %dma_wait3A_61 = tpu.memref_slice %arg4[%mul3A_58] : memref<65536xf32, #tpu.memory_space<hbm>> -> memref<2048xf32, #tpu.memory_space<hbm>>
      %dma_wait3A_62 = tpu.memref_slice %arg4[%mul3A_58] : memref<65536xf32, #tpu.memory_space<hbm>> -> memref<2048xf32, #tpu.memory_space<hbm>>
      tpu.wait_dma2 semaphore(%run_scoped3A : memref<!tpu.dma_semaphore, #tpu.memory_space<semaphore_mem>>) src(%arg11 : memref<2048xf32, #tpu.memory_space<vmem>>) dst(%dma_wait3A_62 : memref<2048xf32, #tpu.memory_space<hbm>>)
      tpu.yield
    }) : () -> ()
    return
  }
}

module attributes {stable_mosaic.version = 14 : i64} {
  func.func @_tw_body(%arg0: i32, %arg1: memref<32x1000000xf32, #tpu.memory_space<any>>, %arg2: memref<32x4xf32, #tpu.memory_space<vmem>>, %arg3: memref<1x4xf32, #tpu.memory_space<vmem>>, %arg4: memref<16384x128xf32, #tpu.memory_space<vmem>>, %arg5: memref<2x32x16384xf32, #tpu.memory_space<vmem>>, %arg6: memref<2x!tpu.dma_semaphore, #tpu.memory_space<semaphore_mem>>) attributes {dimension_semantics = [#tpu.dimension_semantics<arbitrary>], iteration_bounds = array<i64: 61>, scalar_prefetch = 0 : i64, scratch_operands = 2 : i64, tpu.core_type = #tpu.core_type<tc>, window_params = [{}, {pipeline_mode = #tpu.pipeline_mode<synchronous>, transform_indices = @transform_1, window_bounds = array<i64: 32, 4>}, {pipeline_mode = #tpu.pipeline_mode<synchronous>, transform_indices = @transform_2, window_bounds = array<i64: 1, 4>}, {transform_indices = @transform_3, window_bounds = array<i64: 16384, 128>}]} {
    %rem3A = arith.constant 2 : i32
    %rem3A_0 = arith.remsi %arg0, %rem3A : i32
    %eq3A = arith.constant 0 : i32
    %eq3A_1 = arith.cmpi eq, %arg0, %eq3A : i32
    %convert_element_type3A = arith.extui %eq3A_1 : i1 to i32
    %cond3A = arith.constant 0 : i32
    %cond3A_2 = arith.cmpi ne, %convert_element_type3A, %cond3A : i32
    scf.if %cond3A_2 {
      %dma_start3A = arith.constant 0 : i32
      %dma_start3A_37 = arith.constant 0 : i32
      %dma_start3A_38 = tpu.memref_slice %arg6[%dma_start3A_37] : memref<2x!tpu.dma_semaphore, #tpu.memory_space<semaphore_mem>> -> memref<1x!tpu.dma_semaphore, #tpu.memory_space<semaphore_mem>>
      %dma_start3A_39 = tpu.memref_squeeze %dma_start3A_38 : memref<1x!tpu.dma_semaphore, #tpu.memory_space<semaphore_mem>> -> memref<!tpu.dma_semaphore, #tpu.memory_space<semaphore_mem>>
      %dma_start3A_40 = arith.constant 0 : i32
      %dma_start3A_41 = arith.constant 0 : i32
      %dma_start3A_42 = tpu.memref_slice %arg5[%dma_start3A, %dma_start3A_40, %dma_start3A_41] : memref<2x32x16384xf32, #tpu.memory_space<vmem>> -> memref<1x32x16384xf32, #tpu.memory_space<vmem>>
      %dma_start3A_43 = tpu.memref_squeeze %dma_start3A_42 : memref<1x32x16384xf32, #tpu.memory_space<vmem>> -> memref<32x16384xf32, #tpu.memory_space<vmem>>
      %dma_start3A_44 = arith.constant 0 : i32
      %dma_start3A_45 = arith.constant 0 : i32
      %dma_start3A_46 = tpu.memref_slice %arg1[%dma_start3A_44, %dma_start3A_45] : memref<32x1000000xf32, #tpu.memory_space<any>> -> memref<32x16384xf32, #tpu.memory_space<any>>
      tpu.enqueue_dma source(%dma_start3A_46 : memref<32x16384xf32, #tpu.memory_space<any>>) target(%dma_start3A_43 : memref<32x16384xf32, #tpu.memory_space<vmem>>) target_semaphore(%dma_start3A_39 : memref<!tpu.dma_semaphore, #tpu.memory_space<semaphore_mem>>)
    } else {
    }
    %add3A = arith.constant 1 : i32
    %add3A_3 = arith.addi %arg0, %add3A : i32
    %lt3A = arith.constant 61 : i32
    %lt3A_4 = arith.cmpi slt, %add3A_3, %lt3A : i32
    %convert_element_type3A_5 = arith.extui %lt3A_4 : i1 to i32
    %cond3A_6 = arith.constant 0 : i32
    %cond3A_7 = arith.cmpi ne, %convert_element_type3A_5, %cond3A_6 : i32
    scf.if %cond3A_7 {
      %add3A_37 = arith.constant 1 : i32
      %add3A_38 = arith.addi %arg0, %add3A_37 : i32
      %sub3A = arith.constant 1 : i32
      %sub3A_39 = arith.subi %sub3A, %rem3A_0 : i32
      %mul3A_40 = arith.constant 16384 : i32
      %mul3A_41 = arith.muli %add3A_38, %mul3A_40 : i32
      %dma_start3A = tpu.memref_slice %arg6[%sub3A_39] : memref<2x!tpu.dma_semaphore, #tpu.memory_space<semaphore_mem>> -> memref<1x!tpu.dma_semaphore, #tpu.memory_space<semaphore_mem>>
      %dma_start3A_42 = tpu.memref_squeeze %dma_start3A : memref<1x!tpu.dma_semaphore, #tpu.memory_space<semaphore_mem>> -> memref<!tpu.dma_semaphore, #tpu.memory_space<semaphore_mem>>
      %dma_start3A_43 = arith.constant 0 : i32
      %dma_start3A_44 = arith.constant 0 : i32
      %dma_start3A_45 = tpu.memref_slice %arg5[%sub3A_39, %dma_start3A_43, %dma_start3A_44] : memref<2x32x16384xf32, #tpu.memory_space<vmem>> -> memref<1x32x16384xf32, #tpu.memory_space<vmem>>
      %dma_start3A_46 = tpu.memref_squeeze %dma_start3A_45 : memref<1x32x16384xf32, #tpu.memory_space<vmem>> -> memref<32x16384xf32, #tpu.memory_space<vmem>>
      %dma_start3A_47 = arith.constant 0 : i32
      %dma_start3A_48 = tpu.memref_slice %arg1[%dma_start3A_47, %mul3A_41] : memref<32x1000000xf32, #tpu.memory_space<any>> -> memref<32x16384xf32, #tpu.memory_space<any>>
      tpu.enqueue_dma source(%dma_start3A_48 : memref<32x16384xf32, #tpu.memory_space<any>>) target(%dma_start3A_46 : memref<32x16384xf32, #tpu.memory_space<vmem>>) target_semaphore(%dma_start3A_42 : memref<!tpu.dma_semaphore, #tpu.memory_space<semaphore_mem>>)
    } else {
    }
    %dma_wait3A = tpu.memref_slice %arg6[%rem3A_0] : memref<2x!tpu.dma_semaphore, #tpu.memory_space<semaphore_mem>> -> memref<1x!tpu.dma_semaphore, #tpu.memory_space<semaphore_mem>>
    %dma_wait3A_8 = tpu.memref_squeeze %dma_wait3A : memref<1x!tpu.dma_semaphore, #tpu.memory_space<semaphore_mem>> -> memref<!tpu.dma_semaphore, #tpu.memory_space<semaphore_mem>>
    %dma_wait3A_9 = arith.constant 0 : i32
    %dma_wait3A_10 = arith.constant 0 : i32
    %dma_wait3A_11 = tpu.memref_slice %arg5[%rem3A_0, %dma_wait3A_9, %dma_wait3A_10] : memref<2x32x16384xf32, #tpu.memory_space<vmem>> -> memref<1x32x16384xf32, #tpu.memory_space<vmem>>
    %dma_wait3A_12 = tpu.memref_squeeze %dma_wait3A_11 : memref<1x32x16384xf32, #tpu.memory_space<vmem>> -> memref<32x16384xf32, #tpu.memory_space<vmem>>
    %dma_wait3A_13 = arith.constant 0 : i32
    %dma_wait3A_14 = arith.constant 0 : i32
    %dma_wait3A_15 = tpu.memref_slice %arg1[%dma_wait3A_13, %dma_wait3A_14] : memref<32x1000000xf32, #tpu.memory_space<any>> -> memref<32x16384xf32, #tpu.memory_space<any>>
    tpu.wait_dma2 semaphore(%dma_wait3A_8 : memref<!tpu.dma_semaphore, #tpu.memory_space<semaphore_mem>>) src(%dma_wait3A_15 : memref<32x16384xf32, #tpu.memory_space<any>>) dst(%dma_wait3A_12 : memref<32x16384xf32, #tpu.memory_space<vmem>>)
    %get3A = arith.constant 0 : index
    %get3A_16 = arith.constant 0 : index
    %get3A_17 = vector.load %arg2[%get3A, %get3A_16] : memref<32x4xf32, #tpu.memory_space<vmem>>, vector<32x4xf32>
    %mul3A = arith.constant 5.000000e-03 : f32
    %mul3A_18 = vector.broadcast %mul3A : f32 to vector<32x4xf32>
    %mul3A_19 = arith.mulf %get3A_17, %mul3A_18 : vector<32x4xf32>
    %get3A_20 = arith.index_cast %rem3A_0 : i32 to index
    %get3A_21 = arith.constant 0 : index
    %get3A_22 = arith.constant 0 : index
    %get3A_23 = vector.load %arg5[%get3A_20, %get3A_21, %get3A_22] : memref<2x32x16384xf32, #tpu.memory_space<vmem>>, vector<1x32x16384xf32>
    %get3A_24 = vector.shape_cast %get3A_23 : vector<1x32x16384xf32> to vector<32x16384xf32>
    %dot_general3A = arith.constant dense<0.000000e+00> : vector<16384x4xf32>
    %dot_general3A_25 = tpu.matmul %get3A_24, %mul3A_19, %dot_general3A {dimension_numbers = #tpu.dot_dimension_numbers<[0], [0], [1], [1], [0, 1, 1, 1], [], []>, transpose_lhs_hint = true} : vector<32x16384xf32>, vector<32x4xf32>, vector<16384x4xf32> -> vector<16384x4xf32>
    %get3A_26 = arith.constant 0 : index
    %get3A_27 = arith.constant 0 : index
    %get3A_28 = vector.load %arg3[%get3A_26, %get3A_27] : memref<1x4xf32, #tpu.memory_space<vmem>>, vector<1x4xf32>
    %mul3A_29 = arith.constant 5.000000e-03 : f32
    %mul3A_30 = vector.broadcast %mul3A_29 : f32 to vector<1x4xf32>
    %mul3A_31 = arith.mulf %get3A_28, %mul3A_30 : vector<1x4xf32>
    %add3A_32 = vector.broadcast %mul3A_31 : vector<1x4xf32> to vector<16384x4xf32>
    %add3A_33 = arith.addf %dot_general3A_25, %add3A_32 : vector<16384x4xf32>
    %broadcast_in_dim3A = arith.constant 0.000000e+00 : f32
    %broadcast_in_dim3A_34 = vector.broadcast %broadcast_in_dim3A : f32 to vector<16384x124xf32>
    %concatenate3A = tpu.concatenate %add3A_33, %broadcast_in_dim3A_34 in 1 : vector<16384x4xf32>, vector<16384x124xf32> -> vector<16384x128xf32>
    %swap3A = arith.constant 0 : index
    %swap3A_35 = arith.constant 0 : index
    %swap3A_36 = vector.load %arg4[%swap3A, %swap3A_35] : memref<16384x128xf32, #tpu.memory_space<vmem>>, vector<16384x128xf32>
    tpu.vector_store %arg4[%swap3A, %swap3A_35], %concatenate3A {strides = array<i32>} : memref<16384x128xf32, #tpu.memory_space<vmem>>, vector<16384x128xf32>,
    return
  }
  func.func @transform_1(%arg0: i32) -> (i32, i32) {
    %c0_i32 = arith.constant 0 : i32
    %c0_i32_0 = arith.constant 0 : i32
    %c0_i32_1 = arith.constant 0 : i32
    return %c0_i32, %c0_i32_0 : i32, i32
  }
  func.func @transform_2(%arg0: i32) -> (i32, i32) {
    %c0_i32 = arith.constant 0 : i32
    %c0_i32_0 = arith.constant 0 : i32
    %c0_i32_1 = arith.constant 0 : i32
    return %c0_i32, %c0_i32_0 : i32, i32
  }
  func.func @transform_3(%arg0: i32) -> (i32, i32) {
    %c0_i32 = arith.constant 0 : i32
    %c0_i32_0 = arith.constant 0 : i32
    return %arg0, %c0_i32 : i32, i32
  }
}

module attributes {stable_mosaic.version = 14 : i64} {
  func.func @_tail_body(%arg0: i32, %arg1: memref<1000000x128xf32, #tpu.memory_space<any>>, %arg2: memref<64x32xf32, #tpu.memory_space<vmem>>, %arg3: memref<32x4xf32, #tpu.memory_space<vmem>>, %arg4: memref<1x4xf32, #tpu.memory_space<vmem>>, %arg5: memref<64x128xf32, #tpu.memory_space<vmem>>) attributes {dimension_semantics = [#tpu.dimension_semantics<arbitrary>], iteration_bounds = array<i64: 9>, scalar_prefetch = 0 : i64, scratch_operands = 0 : i64, tpu.core_type = #tpu.core_type<tc>, window_params = [{}, {transform_indices = @transform_1, window_bounds = array<i64: 64, 32>}, {pipeline_mode = #tpu.pipeline_mode<synchronous>, transform_indices = @transform_2, window_bounds = array<i64: 32, 4>}, {pipeline_mode = #tpu.pipeline_mode<synchronous>, transform_indices = @transform_3, window_bounds = array<i64: 1, 4>}, {transform_indices = @transform_4, window_bounds = array<i64: 64, 128>}]} {
    %get3A = arith.constant 0 : index
    %get3A_0 = arith.constant 0 : index
    %get3A_1 = vector.load %arg3[%get3A, %get3A_0] : memref<32x4xf32, #tpu.memory_space<vmem>>, vector<32x4xf32>
    %mul3A = arith.constant 5.000000e-03 : f32
    %mul3A_2 = vector.broadcast %mul3A : f32 to vector<32x4xf32>
    %mul3A_3 = arith.mulf %get3A_1, %mul3A_2 : vector<32x4xf32>
    %get3A_4 = arith.constant 0 : index
    %get3A_5 = arith.constant 0 : index
    %get3A_6 = vector.load %arg2[%get3A_4, %get3A_5] : memref<64x32xf32, #tpu.memory_space<vmem>>, vector<64x32xf32>
    %dot_general3A = arith.constant dense<0.000000e+00> : vector<64x4xf32>
    %dot_general3A_7 = tpu.matmul %get3A_6, %mul3A_3, %dot_general3A {dimension_numbers = #tpu.dot_dimension_numbers<[1], [0], [0], [1], [0, 0, 1, 1], [], []>, transpose_lhs_hint = false} : vector<64x32xf32>, vector<32x4xf32>, vector<64x4xf32> -> vector<64x4xf32>
    %get3A_8 = arith.constant 0 : index
    %get3A_9 = arith.constant 0 : index
    %get3A_10 = vector.load %arg4[%get3A_8, %get3A_9] : memref<1x4xf32, #tpu.memory_space<vmem>>, vector<1x4xf32>
    %mul3A_11 = arith.constant 5.000000e-03 : f32
    %mul3A_12 = vector.broadcast %mul3A_11 : f32 to vector<1x4xf32>
    %mul3A_13 = arith.mulf %get3A_10, %mul3A_12 : vector<1x4xf32>
    %add3A = vector.broadcast %mul3A_13 : vector<1x4xf32> to vector<64x4xf32>
    %add3A_14 = arith.addf %dot_general3A_7, %add3A : vector<64x4xf32>
    %broadcast_in_dim3A = arith.constant 0.000000e+00 : f32
    %broadcast_in_dim3A_15 = vector.broadcast %broadcast_in_dim3A : f32 to vector<64x124xf32>
    %concatenate3A = tpu.concatenate %add3A_14, %broadcast_in_dim3A_15 in 1 : vector<64x4xf32>, vector<64x124xf32> -> vector<64x128xf32>
    %swap3A = arith.constant 0 : index
    %swap3A_16 = arith.constant 0 : index
    %swap3A_17 = vector.load %arg5[%swap3A, %swap3A_16] : memref<64x128xf32, #tpu.memory_space<vmem>>, vector<64x128xf32>
    tpu.vector_store %arg5[%swap3A, %swap3A_16], %concatenate3A {strides = array<i32>} : memref<64x128xf32, #tpu.memory_space<vmem>>, vector<64x128xf32>,
    return
  }
  func.func @transform_1(%arg0: i32) -> (i32, i32) {
    %c0_i32 = arith.constant 0 : i32
    %c0_i32_0 = arith.constant 0 : i32
    return %arg0, %c0_i32 : i32, i32
  }
  func.func @transform_2(%arg0: i32) -> (i32, i32) {
    %c0_i32 = arith.constant 0 : i32
    %c0_i32_0 = arith.constant 0 : i32
    %c0_i32_1 = arith.constant 0 : i32
    return %c0_i32, %c0_i32_0 : i32, i32
  }
  func.func @transform_3(%arg0: i32) -> (i32, i32) {
    %c0_i32 = arith.constant 0 : i32
    %c0_i32_0 = arith.constant 0 : i32
    %c0_i32_1 = arith.constant 0 : i32
    return %c0_i32, %c0_i32_0 : i32, i32
  }
  func.func @transform_4(%arg0: i32) -> (i32, i32) {
    %add3A = arith.constant 15616 : i32
    %add3A_0 = arith.addi %add3A, %arg0 : i32
    %c0_i32 = arith.constant 0 : i32
    %c0_i32_1 = arith.constant 0 : i32
    return %add3A_0, %c0_i32 : i32, i32
  }
}

</mosaic_0001>

<sc_bundles>
// kernel: kernel.5.cloned.1.call-start
scs
__scs_entry_jumppad:
0x0: {  	(pc) =	sbr.rel $0x88, $3  }
0x1: {  	(tag) =	ssettag $0x0;
	lr =	simm.s32 $0x1  }
0x2: {  	[smem:$0x3F9D] =	sst lr;
	_ =	strace $0xD0000000  }
0x3: {  	_ = 	snop  }
0x4: {  	_ = 	snop  }
0x5: {  	_ = 	snop  }
0x6: {  	_ = 	snop  }
0x7: {  	_ = 	snop  }
__scs_overlays_trampoline_lowered:
0x8: {  	[smem:$0x3FAC] =	sst s0  }
0x9: {  	[smem:$0x3FAD] =	sst s1  }
0xa: {  	[smem:$0x3FAE] =	sst s2  }
0xb: {  	[smem:$0x3FAF] =	sst s3  }
0xc: {  	[smem:$0x3FB0] =	sst s4  }
0xd: {  	[smem:$0x3FB1] =	sst s5  }
0xe: {  	[smem:$0x3FB2] =	sst s6  }
0xf: {  	[smem:$0x3FB3] =	sst s7  }
0x10: {  	[smem:$0x3FB4] =	sst s8  }
0x11: {  	[smem:$0x3FB5] =	sst s9;
	s0 =	simm.s32 @!p0 $0x0  }
0x12: {  	s1 =	sld [smem:$0x3F9B];
	s0 =	simm.s32 @p0 $0x1  }
0x13: {  	[smem:$0x3FB6] =	sst s0;
	s0 =	simm.s32 @!p1 $0x0  }
0x14: {  	s2 =	sld [smem:$0x3F9A];
	s0 =	simm.s32 @p1 $0x1  }
0x15: {  	[smem:$0x3FB7] =	sst s0;
	s0 =	simm.s32 @!p2 $0x0  }
0x16: {  	s3 =	sld [smem:$0x3FDB];
	s0 =	simm.s32 @p2 $0x1  }
0x17: {  	s4 =	simm.s32 $0x1BF5;
	[smem:$0x3FB9] =	sst s0  }
0x18: {  	s0 =	sld [smem:$0x3F9C];
	_ =	swait.ge [sflag:s4], $0x0  }
0x19: {  	s7 =	sld [smem:$0x3F9D]  }
0x1a: {  	s8 =	sadd.s32 $0xFFFFE003, lr  }
0x1b: {  	s9 =	sadd.s32 $0xFFFFFEF7, lr;
	s5 =	simm.s32 $0xFFFFFFFF;
	p2 =	slt.u32 s8, $0xFFFFF086  }
0x1c: {  	p1 =	slt.u32 s9, $0xF7A;
	s5 =	simm.s32 @!p2 $0x0  }
0x1d: {  	s5 =	simm.s32 @p1 $0x1;
	p0 =	seq.s32 s7, s2  }
0x1e: {  	s7 =	smul.u32 @!p0 $0xF7A, s2;
	p2 =	seq.s32 @!p0 s5, $0x0  }
0x1f: {  	s9 =	smul.u32 $0xF7A, s1;
	s8 =	simm.s32 @!p0 $0x1BF5;
	p2 =	por !p2, p0  }
0x20: {  	[sflag:s8] =	ssyncset.s32 @!p0 $0xFFFFF086;
	s6 =	sadd.s32 @!p0 s3, s7;
	s7 =	simm.s32 @!p0 $0x108  }
0x21: {  	s3 =	sadd.s32 s3, s9;
	s6 =	sadd.s32 @!p0 $0x88, s6;
	s7 =	simm.s32 @p2 $0x1082  }
0x22: {  	[simem:s7], [sflag:s8] =	dma.local @!p0 [hbm:s6], $0xF7A  }
0x23: {  	s9 =	sor.u32 $0xD0000000, s2;
	s6 =	simm.s32 $0x108;
	_ =	swait.ge @!p0 [sflag:s8], $0x0  }
0x24: {  	s3 =	sadd.s32 $0x88, s3;
	s6 =	simm.s32 @!p1 $0x1082;
	[sflag:s4] =	ssyncset.s32 $0xFFFFF086  }
0x25: {  	[simem:s6], [sflag:s4] =	dma.local [hbm:s3], $0xF7A  }
0x26: {  	[smem:$0x3F9D] =	sst s1;
	(tag) =	ssettag s2;
	_ =	strace s9  }
0x27: {  	s1 =	sld [smem:$0x3FAD]  }
0x28: {  	s2 =	sld [smem:$0x3FAE]  }
0x29: {  	s4 =	sld [smem:$0x3FB0]  }
0x2a: {  	p0 =	seq.s32 s5, $0x0;
	s5 =	sld [smem:$0x3FB1]  }
0x2b: {  	s6 =	sld [smem:$0x3FB2]  }
0x2c: {  	s7 =	sld [smem:$0x3FB3]  }
0x2d: {  	s3 =	simm.s32 $0x108;
	s8 =	sld [smem:$0x3FB4]  }
0x2e: {  	s3 =	simm.s32 @!p0 $0x1082;
	s9 =	sld [smem:$0x3FB5]  }
0x2f: {  	lr =	sadd.s32 s0, s3;
	s0 =	sld [smem:$0x3FAC]  }
0x30: {  	s3 =	sld [smem:$0x3FAF]  }
0x31: {  	[smem:$0x3FB8] =	sst s10  }
0x32: {  	s10 =	sld [smem:$0x3FB6];
	_ =	sdelay $0x3  }
0x33: {  	p0 =	seq.s32 s10, $0x1;
	s10 =	sld [smem:$0x3FB8];
	_ =	sdelay $0x3  }
0x34: {  	[smem:$0x3FB8] =	sst s10  }
0x35: {  	s10 =	sld [smem:$0x3FB7];
	_ =	sdelay $0x3  }
0x36: {  	p1 =	seq.s32 s10, $0x1;
	s10 =	sld [smem:$0x3FB8];
	_ =	sdelay $0x3  }
0x37: {  	[smem:$0x3FB8] =	sst s10  }
0x38: {  	s10 =	sld [smem:$0x3FB9]  }
0x39: {  	_ = 	snop;
	(pc) =	sbr.ind lr, $3  }
0x3a: {  	_ = 	snop  }
0x3b: {  	_ = 	snop  }
0x3c: {  	p2 =	seq.s32 s10, $0x1;
	s10 =	sld [smem:$0x3FB8]  }
0x3d: {  	_ =	shalt  }
0x3e: {  	_ =	shalt  }
0x3f: {  	_ =	shalt  }
0x40: {  	_ =	shalt  }
0x41: {  	_ =	shalt  }
0x42: {  	_ =	shalt  }
0x43: {  	_ =	shalt  }
0x44: {  	_ =	shalt  }
0x45: {  	_ =	shalt  }
0x46: {  	_ =	shalt  }
0x47: {  	_ =	shalt  }
0x48: {  	_ =	shalt  }
0x49: {  	_ =	shalt  }
0x4a: {  	_ =	shalt  }
0x4b: {  	_ =	shalt  }
0x4c: {  	_ =	shalt  }
0x4d: {  	_ =	shalt  }
0x4e: {  	_ =	shalt  }
0x4f: {  	_ =	shalt  }
0x50: {  	_ =	shalt  }
0x51: {  	_ =	shalt  }
0x52: {  	_ =	shalt  }
0x53: {  	_ =	shalt  }
0x54: {  	_ =	shalt  }
0x55: {  	_ =	shalt  }
0x56: {  	_ =	shalt  }
0x57: {  	_ =	shalt  }
0x58: {  	_ =	shalt  }
0x59: {  	_ =	shalt  }
0x5a: {  	_ =	shalt  }
0x5b: {  	_ =	shalt  }
0x5c: {  	_ =	shalt  }
0x5d: {  	_ =	shalt  }
0x5e: {  	_ =	shalt  }
0x5f: {  	_ =	shalt  }
0x60: {  	_ =	shalt  }
0x61: {  	_ =	shalt  }
0x62: {  	_ =	shalt  }
0x63: {  	_ =	shalt  }
0x64: {  	_ =	shalt  }
0x65: {  	_ =	shalt  }
0x66: {  	_ =	shalt  }
0x67: {  	_ =	shalt  }
0x68: {  	_ =	shalt  }
0x69: {  	_ =	shalt  }
0x6a: {  	_ =	shalt  }
0x6b: {  	_ =	shalt  }
0x6c: {  	_ =	shalt  }
0x6d: {  	_ =	shalt  }
0x6e: {  	_ =	shalt  }
0x6f: {  	_ =	shalt  }
0x70: {  	_ =	shalt  }
0x71: {  	_ =	shalt  }
0x72: {  	_ =	shalt  }
0x73: {  	_ =	shalt  }
0x74: {  	_ =	shalt  }
0x75: {  	_ =	shalt  }
0x76: {  	_ =	shalt  }
0x77: {  	_ =	shalt  }
0x78: {  	_ =	shalt  }
0x79: {  	_ =	shalt  }
0x7a: {  	_ =	shalt  }
0x7b: {  	_ =	shalt  }
0x7c: {  	_ =	shalt  }
0x7d: {  	_ =	shalt  }
0x7e: {  	_ =	shalt  }
0x7f: {  	_ =	shalt  }
0x80: {  	_ =	shalt  }
0x81: {  	_ =	shalt  }
0x82: {  	_ =	shalt  }
0x83: {  	_ =	shalt  }
0x84: {  	_ =	shalt  }
0x85: {  	_ =	shalt  }
0x86: {  	_ =	shalt  }
0x87: {  	_ =	shalt  }
.Lfunc_end0:
.L_simem_size_0:
called_computation_lowered:
.L_overlay_start_0:
0x88: {  	s2 =	sld [smem:$0x3FD9]  }
0x89: {  	s3 =	sld [smem:$0x3FFE];
	_ =	sdelay $0x1  }
0x8a: {  	s1 =	srdreg.scid  }
0x8b: {  	s0 =	sand.u32 $0x1, s1  }
0x8c: {  	s17 =	sshll.u32 s0, $0xA;
	s2 =	sadd.s32 s3, s2  }
0x8d: {  	s2 =	sadd.s32 s2, s17  }
0x8e: {  	[smem:$0x3FC4] =	sst s2  }
0x8f: {  	_ = 	snop  }
0x90: {  	s2 =	sld [smem:$0x3FD0];
	(tm) =	ssettm $0x1  }
0x91: {  	s18 =	sld [smem:$0x3FFB];
	_ =	sdelay $0x3  }
0x92: {  	_ =	strace s18  }
0x93: {  	s3 =	sld [smem:$0x3FFC];
	_ =	sdelay $0x3  }
0x94: {  	_ =	strace s3  }
0x95: {  	s3 =	sld [smem:$0x3FFD];
	_ =	sdelay $0x3  }
0x96: {  	_ =	strace s3  }
0x97: {  	_ =	strace $0x8FFFFFFF  }
0x98: {  	s19 =	sld [smem:$0x3FDB];
	_ =	sdelay $0x1  }
0x99: {  	s4 =	simm.s32 $_scs_section_size  }
0x9a: {  	s5 =	simm.s32 $_size__tile_overlayer_lowered;
	s6 =	simm.s32 $_tile_overlayer_lowered  }
0x9b: {  	s22 =	simm.s32 $0x1BFF;
	s21 =	sshll.u32 s6, $0x1;
	s3 =	sadd.s32 s4, s19  }
0x9c: {  	s7 =	simm.s32 $0x0;
	s20 =	sshll.u32 s5, $0x1;
	s5 =	sadd.s32 s21, s3  }
0x9d: {  	[timem:s7], [sflag:s22] =	dma.local [hbm:s5], s20  }
0x9e: {  	_ =	swait.ge [sflag:s22], s20  }
0x9f: {  	s4 =	ssub.s32 $0x0, s20;
	[sflag:s22] =	ssyncset.done $0x0  }
0xa0: {  	[sflag:s22] =	ssyncadd.s32 s4;
	_ =	sdelay $0x1  }
0xa1: {  	s23 =	simm.s32 $0x1B8B  }
0xa2: {  	_ =	swait.ge [sflag:s23], $0x1  }
0xa3: {  	[sflag:s23] =	ssyncset.done $0x0  }
0xa4: {  	s25 =	simm.s32 $0x1B8E;
	s24 =	sld [smem:$0x3FFE];
	[sflag:s23] =	ssyncadd.s32 $0xFFFFFFFF  }
0xa5: {  	s26 =	simm.s32 $execute0_lowered;
	[smem:$0x3FD2] =	sst s25  }
0xa6: {  	s5 =	sshll.u32 s26, $0x1;
	_ =	strace $0x80000046;
	[dreg:$0x1] =	wrdreg $0xFFFFFFFF  }
0xa7: {  	s28 =	simm.s32 $_size_execute0_lowered;
	s3 =	sadd.s32 s3, s5;
	[dreg:$0x0] =	wrdreg $0x0  }
0xa8: {  	s5 =	sshll.u32 s28, $0x1;
	[dreg:$0x2] =	wrdreg s3  }
0xa9: {  	[dreg:$0x3] =	wrdreg s5  }
0xaa: {  	[dreg:$0x4] =	wrdreg $0xC0  }
0xab: {  	_ =	task [dreg:s7], $0x5FFFF  }
0xac: {  	[dreg:$0x1] =	wrdreg $0xFFFFFFFF  }
0xad: {  	[dreg:$0x0] =	wrdreg $0x60  }
0xae: {  	[dreg:$0x2] =	wrdreg s24  }
0xaf: {  	[dreg:$0x3] =	wrdreg s2  }
0xb0: {  	[dreg:$0x4] =	wrdreg $0x9  }
0xb1: {  	_ =	task.clear_ibuf [dreg:s7], $0x5FFFF;
	_ =	strace $0x90000046  }
0xb2: {  	s29 =	simm.s32 $0x9;
	_ =	strace $0x80000048  }
0xb3: {  	_ =	swait.ge [sflag:s29], $0x1  }
0xb4: {  	[sflag:s29] =	ssyncadd.s32 $0xFFFFFFFF  }
0xb5: {  	_ =	strace $0x90000048  }
0xb6: {  	_ =	sfence  }
0xb7: {  	s30 =	sld [smem:$0x0];
	_ =	sdelay $0x2  }
0xb8: {  	s31 =	sshll.u32 s1, $0xD;
	s1 =	sshrl.u32 s1, $0x2  }
0xb9: {  	s3 =	sand.u32 $0x4000, s31;
	s1 =	sadd.s32 s1, s30  }
0xba: {  	s0 =	sor.u32 s3, s0;
	s1 =	sshll.u32 s1, $0x11  }
0xbb: {  	s0 =	sor.u32 s1, s0  }
0xbc: {  	s0 =	sadd.s32 $0x8F2B, s0  }
0xbd: {  	[sflag:s0] =	ssyncadd.remote.s32 $0x1  }
0xbe: {  	_ =	sfence.sel $0xFFFF  }
0xbf: {  	[dreg:$0x0] =	wrdreg $0xFFFFFFFF;
	(pc) =	sbr.abs _section_cstart, $3  }
0xc0: {  	[dreg:$0x1] =	wrdreg $0xFFFFFFFF  }
0xc1: {  	_ =	task.clear_ibuf [dreg:s7], $0x2FFFF;
	_ =	strace $0x9FFFFFFF  }
0xc2: {  	(tm) =	ssettm $0x7FFFFFFF  }
0xc3: {  	_ =	shalt  }
tec
execute0_lowered:
.L_overlay_start_1:
0x0: {  	(tag) =	ssettag $0x1  }
0x1: {  	s0 =	rddreg [dreg:$0x0]  }
0x2: {  	s1 =	rddreg [dreg:$0x1];
	s11 =	simm.s32 $0x0;
	s2 =	srdreg.scid  }
0x3: {  	s3 =	stileid.u32;
	s13 =	simm.s32 $0x1;
	s14 =	simm.s32 $0x1900  }
0x4: {  	s15 =	simm.s32 $0xC8;
	s16 =	simm.s32 $0x3200;
	s28 =	simm.s32 $0x2  }
0x5: {  	s29 =	simm.s32 $0x2580;
	s30 =	simm.s32 $0x9600;
	s8 =	simm.s32 $0x2E18  }
0x6: {  	s31 =	simm.s32 $0xDAC0;
	s9 =	simm.s32 $0x3070;
	s10 =	simm.s32 $0xED80  }
0x7: {  	s17 =	simm.s32 $0xF3C0;
	s18 =	simm.s32 $0xFA00;
	s19 =	simm.s32 $0x4  }
0x8: {  	s21 =	simm.s32 $0x0;
	[smem:$0x7FF] =	sst s11;
	s2 =	sand.u32 $0x1, s2  }
0x9: {  	s3 =	sshll.u32 s3, $0x1;
	s4 =	sadd.s32 $0x66C00, s0;
	_ =	strace $0x80000047  }
0xa: {  	s5 =	ssub.s32 $0x2, s2;
	s2 =	sor.u32 s2, s3;
	s3 =	sadd.s32 $0x2C00, s0  }
0xb: {  	v0 =	vimm.s32 $0xFEDCBA98;
	s6 =	sshrl.u32 s5, $0x1;
	s7 =	sshll.u32 s2, $0x6;
	s26 =	sshll.u32 s2, $0x9  }
0xc: {  	v1 =	vimm.s32 $0x76543210;
	v0 =	vunpack.c.l.s4.s8 v0;
	s2 =	sshll.u32 s2, $0x8;
	s24 =	ssub.s32 s5, s6;
	s25 =	sadd.s32 s3, s7  }
0xd: {  	v1 =	vunpack.c.l.s4.s8 v1;
	s7 =	sor.u32 $0x20, s26;
	s5 =	sor.u32 $0x30, s26;
	[dreg:$0x3] =	wrdreg s25  }
0xe: {  	v4 =	vlaneseq.u32;
	v2 =	vunpack.c.0.s8.s32 v0;
	s1 =	sadd.s32 s1, s2;
	s2 =	simm.s32 $0x2FA8;
	[dreg:$0x5] =	wrdreg s5  }
0xf: {  	v3 =	vshrl.u32 v4, $0x3;
	v5 =	vunpack.c.0.s8.s32 v1;
	s6 =	sadd.s32 $0x2, s25;
	[dreg:$0x6] =	wrdreg s1;
	s0 =	smax.u32 s24, $0x1  }
0x10: {  	v0 =	vmul.u32 $0xC8, v4;
	v1 =	vmul.u32 $0x8, v3;
	s1 =	simm.s32 $0xE100;
	v3 =	vand.u32 $0xF, v2;
	s5 =	simm.s32 $0x3138;
	[dreg:$0x4] =	wrdreg s6  }
0x11: {  	v2 =	vand.u32 $0x7, v4;
	v4 =	vand.u32 $0x3, v4;
	[dreg:$0x7] =	wrdreg s0;
	s0 =	simm.s32 $0x2EE0;
	s6 =	simm.s32 $0xE740;
	v3 =	vcombine.low v3, v5  }
.LBB2_1:
0x12: {  	[dreg:$0x8] =	wrdreg s21  }
0x13: {  	s12 =	rddreg [dreg:$0x3];
	s20 =	simm.s32 $0x10;
	s22 =	simm.s32 $0x4000  }
0x14: {  	[tilespmem:s11], [sflag:$0x1] =	stream.strided.gather [hbm4b:s12+s20], $0xC80, s22, s20, $0x38;
	[tilespmem:$0x10200] =	vst v63  }
0x15: {  	_ =	swait.ge [sflag:s13], $0xC80  }
0x16: {  	s23 =	simm.s32 $0x0;
	[sflag:s13] =	ssyncset.done $0x0  }
0x17: {  	s20 =	simm.s32 $0x20;
	v5 =	vmov s23;
	v6 =	vadd.s32 s23, v0;
	[sflag:s13] =	ssyncadd.s32 $0xFFFFF380  }
0x18: {  	v6 =	vand.u32 $0x1FF8, v6;
	v5 =	vand.u32 $0x4, v5;
	v7 =	vld [tilespmem:s20+$0xFFFFFFE0]  }
0x19: {  	v5 =	vor.u32 v5, v6;
	_ =	sdelay $0x3  }
0x1a: {  	s24 =	simm.s32 $0x1;
	v6 =	vshll.u32 v7, $0x4  }
0x1b: {  	[tilespmem:v5+s14+$0x0] =	vst.idx.msk $0xffff, v6;
	v5 =	vmov s24;
	v6 =	vadd.s32 s24, v0  }
0x1c: {  	v7 =	vld [tilespmem:s20+$0xFFFFFFF0];
	v6 =	vand.u32 $0x1FF8, v6;
	v5 =	vand.u32 $0x5, v5  }
0x1d: {  	v5 =	vor.u32 v5, v6;
	_ =	sdelay $0x3  }
0x1e: {  	s25 =	simm.s32 $0x2;
	v6 =	vshll.u32 v7, $0x4  }
0x1f: {  	[tilespmem:v5+s14+$0x0] =	vst.idx.msk $0xffff, v6;
	v5 =	vmov s25;
	v6 =	vadd.s32 s25, v0  }
0x20: {  	v7 =	vld [tilespmem:s20+$0x0];
	v6 =	vand.u32 $0x1FF8, v6;
	v5 =	vand.u32 $0x6, v5  }
0x21: {  	v5 =	vor.u32 v5, v6;
	_ =	sdelay $0x3  }
0x22: {  	v6 =	vshll.u32 v7, $0x4  }
0x23: {  	[tilespmem:v5+s14+$0x0] =	vst.idx.msk $0xffff, v6  }
0x24: {  	v6 =	vld [tilespmem:s20+$0x10]  }
0x25: {  	s26 =	simm.s32 $0x3  }
0x26: {  	v5 =	vadd.s32 s26, v0;
	_ =	sdelay $0x2  }
0x27: {  	s21 =	simm.s32 $0x7;
	s22 =	simm.s32 $0xB;
	s11 =	simm.s32 $0x4;
	v6 =	vshll.u32 v6, $0x4  }
.LBB2_2:
0x28: {  	p0 =	sne.s32 s22, $0xC7  }
0x29: {  	v7 =	vmov s11;
	v8 =	vadd.s32 s11, v0;
	[tilespmem:v5+s14+$0x0] =	vst.idx.msk $0xffff, v6;
	s20 =	sadd.s32 $0x40, s20;
	s11 =	smov.u32 s22;
	s22 =	sadd.s32 $0x4, s22  }
0x2a: {  	v5 =	vld [tilespmem:s20+$0xFFFFFFE0];
	v6 =	vand.u32 $0x1FF8, v8;
	v7 =	vand.u32 $0x4, v7  }
0x2b: {  	v6 =	vor.u32 v7, v6;
	_ =	sdelay $0x3  }
0x2c: {  	s23 =	sadd.s32 $0xFFFFFFFE, s21;
	v5 =	vshll.u32 v5, $0x4  }
0x2d: {  	[tilespmem:v6+s14+$0x0] =	vst.idx.msk $0xffff, v5;
	v5 =	vmov s23;
	v6 =	vadd.s32 s23, v0  }
0x2e: {  	v7 =	vld [tilespmem:s20+$0xFFFFFFF0];
	v6 =	vand.u32 $0x1FF8, v6;
	v5 =	vand.u32 $0x5, v5  }
0x2f: {  	v5 =	vor.u32 v5, v6;
	_ =	sdelay $0x3  }
0x30: {  	s23 =	sadd.s32 $0xFFFFFFFF, s21;
	v6 =	vshll.u32 v7, $0x4  }
0x31: {  	[tilespmem:v5+s14+$0x0] =	vst.idx.msk $0xffff, v6;
	v5 =	vmov s23;
	v6 =	vadd.s32 s23, v0  }
0x32: {  	v7 =	vld [tilespmem:s20+$0x0];
	v6 =	vand.u32 $0x1FF8, v6;
	v5 =	vand.u32 $0x6, v5  }
0x33: {  	v5 =	vor.u32 v5, v6;
	_ =	sdelay $0x3  }
0x34: {  	v6 =	vshll.u32 v7, $0x4  }
0x35: {  	[tilespmem:v5+s14+$0x0] =	vst.idx.msk $0xffff, v6  }
0x36: {  	v6 =	vld [tilespmem:s20+$0x10]  }
.Ltmp0:
0x37: {  	v5 =	vadd.s32 s21, v0;
	s21 =	smov.u32 s11;
	(pc) =	sbr.rel @p0 .LBB2_2-.Ltmp0, $2  }
0x38: {  	_ =	sdelay $0x2  }
0x39: {  	s11 =	sadd.s32 $0xFFFFFFFD, s21;
	v6 =	vshll.u32 v6, $0x4  }
0x3a: {  	_ =	sdelay $0x3  }
0x3b: {  	v7 =	vmov s11;
	v8 =	vadd.s32 s11, v0;
	[tilespmem:v5+s14+$0x0] =	vst.idx.msk $0xffff, v6;
	s23 =	sadd.s32 $0x40, s20  }
0x3c: {  	v5 =	vld [tilespmem:s23+$0xFFFFFFE0];
	v6 =	vand.u32 $0x1FF8, v8;
	v7 =	vand.u32 $0x4, v7  }
0x3d: {  	v6 =	vor.u32 v7, v6;
	_ =	sdelay $0x3  }
0x3e: {  	s24 =	sadd.s32 $0xFFFFFFFE, s21;
	v5 =	vshll.u32 v5, $0x4  }
0x3f: {  	[tilespmem:v6+s14+$0x0] =	vst.idx.msk $0xffff, v5;
	v5 =	vmov s24;
	v6 =	vadd.s32 s24, v0  }
0x40: {  	v7 =	vld [tilespmem:s23+$0xFFFFFFF0];
	v6 =	vand.u32 $0x1FF8, v6;
	v5 =	vand.u32 $0x5, v5  }
0x41: {  	v5 =	vor.u32 v5, v6;
	_ =	sdelay $0x3  }
0x42: {  	s25 =	sadd.s32 $0xFFFFFFFF, s21;
	v6 =	vshll.u32 v7, $0x4  }
0x43: {  	[tilespmem:v5+s14+$0x0] =	vst.idx.msk $0xffff, v6;
	v5 =	vmov s25;
	v6 =	vadd.s32 s25, v0  }
0x44: {  	v7 =	vld [tilespmem:s23+$0x0];
	v6 =	vand.u32 $0x1FF8, v6;
	v5 =	vand.u32 $0x6, v5  }
0x45: {  	v5 =	vor.u32 v5, v6;
	_ =	sdelay $0x3  }
0x46: {  	v6 =	vshll.u32 v7, $0x4  }
0x47: {  	[tilespmem:v5+s14+$0x0] =	vst.idx.msk $0xffff, v6  }
0x48: {  	v5 =	vld [tilespmem:s23+$0x10]  }
0x49: {  	v6 =	vadd.s32 s21, v0;
	_ =	sdelay $0x3  }
0x4a: {  	v5 =	vshll.u32 v5, $0x4  }
0x4b: {  	[tilespmem:v6+s14+$0x0] =	vst.idx.msk $0xffff, v5  }
0x4c: {  	[tilespmem:s16], [sflag:$0x3] =	stream.indirect.gather [hbm4b:s4+s15], $0x8, s14, s15, $0xb8;
	[tilespmem:$0x10200] =	vst v63  }
0x4d: {  	s26 =	simm.s32 $0x19C8;
	s12 =	simm.s32 $0x3840  }
0x4e: {  	[tilespmem:s12], [sflag:$0x3] =	stream.indirect.gather [hbm4b:s4+s15], $0x8, s26, s15, $0xb8;
	[tilespmem:$0x10200] =	vst v63  }
0x4f: {  	s20 =	simm.s32 $0x3E80;
	s12 =	simm.s32 $0x1A90  }
0x50: {  	[tilespmem:s20], [sflag:$0x3] =	stream.indirect.gather [hbm4b:s4+s15], $0x8, s12, s15, $0xb8;
	[tilespmem:$0x10200] =	vst v63  }
0x51: {  	s22 =	simm.s32 $0x44C0;
	s21 =	simm.s32 $0x1B58  }
0x52: {  	[tilespmem:s22], [sflag:$0x3] =	stream.indirect.gather [hbm4b:s4+s15], $0x8, s21, s15, $0xb8;
	[tilespmem:$0x10200] =	vst v63  }
0x53: {  	s24 =	simm.s32 $0x4B00;
	s23 =	simm.s32 $0x1C20  }
0x54: {  	[tilespmem:s24], [sflag:$0x3] =	stream.indirect.gather [hbm4b:s4+s15], $0x8, s23, s15, $0xb8;
	[tilespmem:$0x10200] =	vst v63  }
0x55: {  	s25 =	simm.s32 $0x1CE8;
	s26 =	simm.s32 $0x5140  }
0x56: {  	[tilespmem:s26], [sflag:$0x3] =	stream.indirect.gather [hbm4b:s4+s15], $0x8, s25, s15, $0xb8;
	[tilespmem:$0x10200] =	vst v63  }
0x57: {  	s12 =	simm.s32 $0x1DB0;
	s20 =	simm.s32 $0x5780  }
0x58: {  	[tilespmem:s20], [sflag:$0x3] =	stream.indirect.gather [hbm4b:s4+s15], $0x8, s12, s15, $0xb8;
	[tilespmem:$0x10200] =	vst v63  }
0x59: {  	s21 =	simm.s32 $0x1E78;
	s22 =	simm.s32 $0x5DC0  }
0x5a: {  	[tilespmem:s22], [sflag:$0x3] =	stream.indirect.gather [hbm4b:s4+s15], $0x8, s21, s15, $0xb8;
	[tilespmem:$0x10200] =	vst v63  }
0x5b: {  	s23 =	simm.s32 $0x1F40;
	s24 =	simm.s32 $0x6400  }
0x5c: {  	[tilespmem:s24], [sflag:$0x3] =	stream.indirect.gather [hbm4b:s4+s15], $0x8, s23, s15, $0xb8;
	[tilespmem:$0x10200] =	vst v63  }
0x5d: {  	s25 =	simm.s32 $0x2008;
	s26 =	simm.s32 $0x6A40  }
0x5e: {  	[tilespmem:s26], [sflag:$0x3] =	stream.indirect.gather [hbm4b:s4+s15], $0x8, s25, s15, $0xb8;
	[tilespmem:$0x10200] =	vst v63  }
0x5f: {  	s12 =	simm.s32 $0x20D0;
	s20 =	simm.s32 $0x7080  }
0x60: {  	[tilespmem:s20], [sflag:$0x3] =	stream.indirect.gather [hbm4b:s4+s15], $0x8, s12, s15, $0xb8;
	[tilespmem:$0x10200] =	vst v63  }
0x61: {  	s21 =	simm.s32 $0x2198;
	s22 =	simm.s32 $0x76C0  }
0x62: {  	[tilespmem:s22], [sflag:$0x3] =	stream.indirect.gather [hbm4b:s4+s15], $0x8, s21, s15, $0xb8;
	[tilespmem:$0x10200] =	vst v63  }
0x63: {  	s23 =	simm.s32 $0x2260;
	s24 =	simm.s32 $0x7D00  }
0x64: {  	[tilespmem:s24], [sflag:$0x3] =	stream.indirect.gather [hbm4b:s4+s15], $0x8, s23, s15, $0xb8;
	[tilespmem:$0x10200] =	vst v63  }
0x65: {  	s25 =	simm.s32 $0x2328;
	s26 =	simm.s32 $0x8340  }
0x66: {  	[tilespmem:s26], [sflag:$0x3] =	stream.indirect.gather [hbm4b:s4+s15], $0x8, s25, s15, $0xb8;
	[tilespmem:$0x10200] =	vst v63  }
0x67: {  	s12 =	simm.s32 $0x23F0;
	s20 =	simm.s32 $0x8980  }
0x68: {  	[tilespmem:s20], [sflag:$0x3] =	stream.indirect.gather [hbm4b:s4+s15], $0x8, s12, s15, $0xb8;
	[tilespmem:$0x10200] =	vst v63  }
0x69: {  	s21 =	simm.s32 $0x24B8;
	s22 =	simm.s32 $0x8FC0;
	s23 =	rddreg [dreg:$0x4]  }
0x6a: {  	[tilespmem:s22], [sflag:$0x3] =	stream.indirect.gather [hbm4b:s4+s15], $0x8, s21, s15, $0xb8;
	[tilespmem:$0x10200] =	vst v63  }
0x6b: {  	s24 =	simm.s32 $0x10;
	s25 =	simm.s32 $0x4000;
	s26 =	simm.s32 $0xC80  }
0x6c: {  	[tilespmem:s26], [sflag:$0x2] =	stream.strided.gather [hbm4b:s23+s24], $0xC80, s25, s24, $0x38;
	[tilespmem:$0x10200] =	vst v63  }
0x6d: {  	s21 =	simm.s32 $0x40;
	s22 =	simm.s32 $0x0;
	s25 =	simm.s32 $0x0  }
.LBB2_4:
0x6e: {  	s24 =	simm.s32 $0x3  }
0x6f: {  	_ =	swait.ge [sflag:s24], $0x640  }
0x70: {  	[sflag:s24] =	ssyncset.done $0x0  }
0x71: {  	[sflag:s24] =	ssyncadd.s32 $0xFFFFF9C0  }
0x72: {  	_ =	swait.ge [sflag:s24], $0x640  }
0x73: {  	[sflag:s24] =	ssyncset.done $0x0  }
0x74: {  	[sflag:s24] =	ssyncadd.s32 $0xFFFFF9C0  }
0x75: {  	_ =	swait.ge [sflag:s24], $0x640  }
0x76: {  	[sflag:s24] =	ssyncset.done $0x0  }
0x77: {  	[sflag:s24] =	ssyncadd.s32 $0xFFFFF9C0  }
0x78: {  	_ =	swait.ge [sflag:s24], $0x640  }
0x79: {  	[sflag:s24] =	ssyncset.done $0x0  }
0x7a: {  	[sflag:s24] =	ssyncadd.s32 $0xFFFFF9C0  }
0x7b: {  	_ =	swait.ge [sflag:s24], $0x640  }
0x7c: {  	[sflag:s24] =	ssyncset.done $0x0  }
0x7d: {  	[sflag:s24] =	ssyncadd.s32 $0xFFFFF9C0  }
0x7e: {  	_ =	swait.ge [sflag:s24], $0x640  }
0x7f: {  	[sflag:s24] =	ssyncset.done $0x0  }
0x80: {  	[sflag:s24] =	ssyncadd.s32 $0xFFFFF9C0  }
0x81: {  	_ =	swait.ge [sflag:s24], $0x640  }
0x82: {  	[sflag:s24] =	ssyncset.done $0x0  }
0x83: {  	[sflag:s24] =	ssyncadd.s32 $0xFFFFF9C0  }
0x84: {  	_ =	swait.ge [sflag:s24], $0x640  }
0x85: {  	[sflag:s24] =	ssyncset.done $0x0  }
0x86: {  	[sflag:s24] =	ssyncadd.s32 $0xFFFFF9C0  }
0x87: {  	_ =	swait.ge [sflag:s24], $0x640  }
0x88: {  	[sflag:s24] =	ssyncset.done $0x0  }
0x89: {  	[sflag:s24] =	ssyncadd.s32 $0xFFFFF9C0  }
0x8a: {  	_ =	swait.ge [sflag:s24], $0x640  }
0x8b: {  	[sflag:s24] =	ssyncset.done $0x0  }
0x8c: {  	[sflag:s24] =	ssyncadd.s32 $0xFFFFF9C0  }
0x8d: {  	_ =	swait.ge [sflag:s24], $0x640  }
0x8e: {  	[sflag:s24] =	ssyncset.done $0x0  }
0x8f: {  	[sflag:s24] =	ssyncadd.s32 $0xFFFFF9C0  }
0x90: {  	_ =	swait.ge [sflag:s24], $0x640  }
0x91: {  	[sflag:s24] =	ssyncset.done $0x0  }
0x92: {  	[sflag:s24] =	ssyncadd.s32 $0xFFFFF9C0  }
0x93: {  	_ =	swait.ge [sflag:s24], $0x640  }
0x94: {  	[sflag:s24] =	ssyncset.done $0x0  }
0x95: {  	[sflag:s24] =	ssyncadd.s32 $0xFFFFF9C0  }
0x96: {  	_ =	swait.ge [sflag:s24], $0x640  }
0x97: {  	[sflag:s24] =	ssyncset.done $0x0  }
0x98: {  	[sflag:s24] =	ssyncadd.s32 $0xFFFFF9C0  }
0x99: {  	_ =	swait.ge [sflag:s24], $0x640  }
0x9a: {  	[sflag:s24] =	ssyncset.done $0x0  }
0x9b: {  	[sflag:s24] =	ssyncadd.s32 $0xFFFFF9C0  }
0x9c: {  	_ =	swait.ge [sflag:s24], $0x640  }
0x9d: {  	[sflag:s24] =	ssyncset.done $0x0  }
0x9e: {  	[sflag:s24] =	ssyncadd.s32 $0xFFFFF9C0  }
0x9f: {  	_ =	swait.ge [sflag:s28], $0xC80  }
0xa0: {  	s11 =	simm.s32 $0x0;
	[sflag:s28] =	ssyncset.done $0x0  }
0xa1: {  	s20 =	simm.s32 $0xCA0;
	v5 =	vmov s11;
	v6 =	vadd.s32 s11, v0;
	[sflag:s28] =	ssyncadd.s32 $0xFFFFF380  }
0xa2: {  	v6 =	vand.u32 $0x1FF8, v6;
	v5 =	vand.u32 $0x4, v5;
	v7 =	vld [tilespmem:s20+$0xFFFFFFE0]  }
0xa3: {  	v5 =	vor.u32 v5, v6;
	_ =	sdelay $0x3  }
0xa4: {  	s23 =	simm.s32 $0x1;
	v6 =	vshll.u32 v7, $0x4  }
0xa5: {  	[tilespmem:v5+s29+$0x0] =	vst.idx.msk $0xffff, v6;
	v5 =	vmov s23;
	v6 =	vadd.s32 s23, v0  }
0xa6: {  	v7 =	vld [tilespmem:s20+$0xFFFFFFF0];
	v6 =	vand.u32 $0x1FF8, v6;
	v5 =	vand.u32 $0x5, v5  }
0xa7: {  	v5 =	vor.u32 v5, v6;
	_ =	sdelay $0x3  }
0xa8: {  	s26 =	simm.s32 $0x2;
	v6 =	vshll.u32 v7, $0x4  }
0xa9: {  	[tilespmem:v5+s29+$0x0] =	vst.idx.msk $0xffff, v6;
	v5 =	vmov s26;
	v6 =	vadd.s32 s26, v0  }
0xaa: {  	v7 =	vld [tilespmem:s20+$0x0];
	v6 =	vand.u32 $0x1FF8, v6;
	v5 =	vand.u32 $0x6, v5  }
0xab: {  	v5 =	vor.u32 v5, v6;
	_ =	sdelay $0x3  }
0xac: {  	v6 =	vshll.u32 v7, $0x4  }
0xad: {  	[tilespmem:v5+s29+$0x0] =	vst.idx.msk $0xffff, v6  }
0xae: {  	v6 =	vld [tilespmem:s20+$0x10];
	_ =	sdelay $0x1  }
0xaf: {  	v5 =	vadd.s32 s24, v0;
	_ =	sdelay $0x2  }
0xb0: {  	s11 =	simm.s32 $0x4;
	s23 =	simm.s32 $0x7;
	s26 =	simm.s32 $0xB;
	v6 =	vshll.u32 v6, $0x4  }
.LBB2_5:
0xb1: {  	p0 =	sne.s32 s26, $0xC7  }
0xb2: {  	v7 =	vmov s11;
	v8 =	vadd.s32 s11, v0;
	[tilespmem:v5+s29+$0x0] =	vst.idx.msk $0xffff, v6;
	s20 =	sadd.s32 $0x40, s20;
	s11 =	smov.u32 s26;
	s26 =	sadd.s32 $0x4, s26  }
0xb3: {  	v5 =	vld [tilespmem:s20+$0xFFFFFFE0];
	v6 =	vand.u32 $0x1FF8, v8;
	v7 =	vand.u32 $0x4, v7  }
0xb4: {  	v6 =	vor.u32 v7, v6;
	_ =	sdelay $0x3  }
0xb5: {  	s24 =	sadd.s32 $0xFFFFFFFE, s23;
	v5 =	vshll.u32 v5, $0x4  }
0xb6: {  	[tilespmem:v6+s29+$0x0] =	vst.idx.msk $0xffff, v5;
	v5 =	vmov s24;
	v6 =	vadd.s32 s24, v0  }
0xb7: {  	v7 =	vld [tilespmem:s20+$0xFFFFFFF0];
	v6 =	vand.u32 $0x1FF8, v6;
	v5 =	vand.u32 $0x5, v5  }
0xb8: {  	v5 =	vor.u32 v5, v6;
	_ =	sdelay $0x3  }
0xb9: {  	s24 =	sadd.s32 $0xFFFFFFFF, s23;
	v6 =	vshll.u32 v7, $0x4  }
0xba: {  	[tilespmem:v5+s29+$0x0] =	vst.idx.msk $0xffff, v6;
	v5 =	vmov s24;
	v6 =	vadd.s32 s24, v0  }
0xbb: {  	v7 =	vld [tilespmem:s20+$0x0];
	v6 =	vand.u32 $0x1FF8, v6;
	v5 =	vand.u32 $0x6, v5  }
0xbc: {  	v5 =	vor.u32 v5, v6;
	_ =	sdelay $0x3  }
0xbd: {  	v6 =	vshll.u32 v7, $0x4  }
0xbe: {  	[tilespmem:v5+s29+$0x0] =	vst.idx.msk $0xffff, v6  }
0xbf: {  	v6 =	vld [tilespmem:s20+$0x10]  }
.Ltmp1:
0xc0: {  	v5 =	vadd.s32 s23, v0;
	s23 =	smov.u32 s11;
	(pc) =	sbr.rel @p0 .LBB2_5-.Ltmp1, $2  }
0xc1: {  	_ =	sdelay $0x2  }
0xc2: {  	s11 =	sadd.s32 $0xFFFFFFFD, s23;
	v6 =	vshll.u32 v6, $0x4  }
0xc3: {  	_ =	sdelay $0x3  }
0xc4: {  	v7 =	vmov s11;
	v8 =	vadd.s32 s11, v0;
	[tilespmem:v5+s29+$0x0] =	vst.idx.msk $0xffff, v6;
	s26 =	sadd.s32 $0x40, s20  }
0xc5: {  	v5 =	vld [tilespmem:s26+$0xFFFFFFE0];
	v6 =	vand.u32 $0x1FF8, v8;
	v7 =	vand.u32 $0x4, v7  }
0xc6: {  	v6 =	vor.u32 v7, v6;
	_ =	sdelay $0x3  }
0xc7: {  	s12 =	sadd.s32 $0xFFFFFFFE, s23;
	v5 =	vshll.u32 v5, $0x4  }
0xc8: {  	[tilespmem:v6+s29+$0x0] =	vst.idx.msk $0xffff, v5;
	v5 =	vmov s12;
	v6 =	vadd.s32 s12, v0  }
0xc9: {  	v7 =	vld [tilespmem:s26+$0xFFFFFFF0];
	v6 =	vand.u32 $0x1FF8, v6;
	v5 =	vand.u32 $0x5, v5  }
0xca: {  	v5 =	vor.u32 v5, v6;
	_ =	sdelay $0x3  }
0xcb: {  	s24 =	sadd.s32 $0xFFFFFFFF, s23;
	v6 =	vshll.u32 v7, $0x4  }
0xcc: {  	[tilespmem:v5+s29+$0x0] =	vst.idx.msk $0xffff, v6;
	v5 =	vmov s24;
	v6 =	vadd.s32 s24, v0  }
0xcd: {  	v7 =	vld [tilespmem:s26+$0x0];
	v6 =	vand.u32 $0x1FF8, v6;
	v5 =	vand.u32 $0x6, v5  }
0xce: {  	v5 =	vor.u32 v5, v6;
	_ =	sdelay $0x3  }
0xcf: {  	v6 =	vshll.u32 v7, $0x4  }
0xd0: {  	[tilespmem:v5+s29+$0x0] =	vst.idx.msk $0xffff, v6  }
0xd1: {  	v5 =	vld [tilespmem:s26+$0x10]  }
0xd2: {  	v6 =	vadd.s32 s23, v0;
	_ =	sdelay $0x3  }
0xd3: {  	v5 =	vshll.u32 v5, $0x4  }
0xd4: {  	[tilespmem:v6+s29+$0x0] =	vst.idx.msk $0xffff, v5  }
0xd5: {  	[tilespmem:s30], [sflag:$0x4] =	stream.indirect.gather [hbm4b:s4+s15], $0x8, s29, s15, $0xb8;
	[tilespmem:$0x10200] =	vst v63  }
0xd6: {  	s12 =	simm.s32 $0x9C40;
	s26 =	simm.s32 $0x2648  }
0xd7: {  	[tilespmem:s12], [sflag:$0x4] =	stream.indirect.gather [hbm4b:s4+s15], $0x8, s26, s15, $0xb8;
	[tilespmem:$0x10200] =	vst v63  }
0xd8: {  	s20 =	simm.s32 $0x2710;
	s23 =	simm.s32 $0xA280  }
0xd9: {  	[tilespmem:s23], [sflag:$0x4] =	stream.indirect.gather [hbm4b:s4+s15], $0x8, s20, s15, $0xb8;
	[tilespmem:$0x10200] =	vst v63  }
0xda: {  	s24 =	simm.s32 $0x27D8;
	s26 =	simm.s32 $0xA8C0  }
0xdb: {  	[tilespmem:s26], [sflag:$0x4] =	stream.indirect.gather [hbm4b:s4+s15], $0x8, s24, s15, $0xb8;
	[tilespmem:$0x10200] =	vst v63  }
0xdc: {  	s20 =	simm.s32 $0x28A0;
	s23 =	simm.s32 $0xAF00  }
0xdd: {  	[tilespmem:s23], [sflag:$0x4] =	stream.indirect.gather [hbm4b:s4+s15], $0x8, s20, s15, $0xb8;
	[tilespmem:$0x10200] =	vst v63  }
0xde: {  	s24 =	simm.s32 $0x2968;
	s26 =	simm.s32 $0xB540  }
0xdf: {  	[tilespmem:s26], [sflag:$0x4] =	stream.indirect.gather [hbm4b:s4+s15], $0x8, s24, s15, $0xb8;
	[tilespmem:$0x10200] =	vst v63  }
0xe0: {  	s20 =	simm.s32 $0x2A30;
	s23 =	simm.s32 $0xBB80  }
0xe1: {  	[tilespmem:s23], [sflag:$0x4] =	stream.indirect.gather [hbm4b:s4+s15], $0x8, s20, s15, $0xb8;
	[tilespmem:$0x10200] =	vst v63  }
0xe2: {  	s24 =	simm.s32 $0x2AF8;
	s26 =	simm.s32 $0xC1C0  }
0xe3: {  	[tilespmem:s26], [sflag:$0x4] =	stream.indirect.gather [hbm4b:s4+s15], $0x8, s24, s15, $0xb8;
	[tilespmem:$0x10200] =	vst v63  }
0xe4: {  	s20 =	simm.s32 $0x2BC0;
	s23 =	simm.s32 $0xC800  }
0xe5: {  	[tilespmem:s23], [sflag:$0x4] =	stream.indirect.gather [hbm4b:s4+s15], $0x8, s20, s15, $0xb8;
	[tilespmem:$0x10200] =	vst v63  }
0xe6: {  	s24 =	simm.s32 $0x2C88;
	s26 =	simm.s32 $0xCE40  }
0xe7: {  	[tilespmem:s26], [sflag:$0x4] =	stream.indirect.gather [hbm4b:s4+s15], $0x8, s24, s15, $0xb8;
	[tilespmem:$0x10200] =	vst v63  }
0xe8: {  	s12 =	simm.s32 $0x2D50;
	s20 =	simm.s32 $0xD480  }
0xe9: {  	[tilespmem:s20], [sflag:$0x4] =	stream.indirect.gather [hbm4b:s4+s15], $0x8, s12, s15, $0xb8;
	[tilespmem:$0x10200] =	vst v63  }
0xea: {  	_ = 	snop  }
0xeb: {  	[tilespmem:s31], [sflag:$0x4] =	stream.indirect.gather [hbm4b:s4+s15], $0x8, s8, s15, $0xb8;
	[tilespmem:$0x10200] =	vst v63  }
0xec: {  	s23 =	simm.s32 $0x0  }
0xed: {  	[tilespmem:s1], [sflag:$0x4] =	stream.indirect.gather [hbm4b:s4+s15], $0x8, s0, s15, $0xb8;
	[tilespmem:$0x10200] =	vst v63  }
0xee: {  	p0 =	seq.s32 s22, $0xF;
	v5 =	vmov s23;
	s23 =	sshll.u32 s22, $0x5;
	s24 =	simm.s32 $0x2  }
0xef: {  	v5 =	vshll.u32 v5, $0x3;
	[tilespmem:s6], [sflag:$0x4] =	stream.indirect.gather [hbm4b:s4+s15], $0x8, s2, s15, $0xb8;
	[tilespmem:$0x10200] =	vst v63  }
0xf0: {  	s26 =	simm.s32 $0x4;
	v5 =	vor.u32 v1, v5;
	v6 =	vmov s24;
	s24 =	simm.s32 @!p0 $0x10;
	s20 =	sadd.s32 @!p0 s23, s7  }
0xf1: {  	v5 =	vor.u32 v2, v5;
	v6 =	vshll.u32 v6, $0x3;
	[tilespmem:s10], [sflag:$0x4] =	stream.indirect.gather [hbm4b:s4+s15], $0x8, s9, s15, $0xb8;
	[tilespmem:$0x10200] =	vst v63  }
0xf2: {  	v7 =	vmov s26;
	s26 =	simm.s32 @!p0 $0x0;
	s12 =	simm.s32 $0x6;
	s11 =	sshrl.u32 @!p0 s20, $0x3;
	v6 =	vor.u32 v1, v6  }
0xf3: {  	v7 =	vshll.u32 v7, $0x3;
	v6 =	vor.u32 v2, v6;
	[tilespmem:s17], [sflag:$0x4] =	stream.indirect.gather [hbm4b:s4+s15], $0x8, s5, s15, $0xb8;
	[tilespmem:$0x10200] =	vst v63  }
0xf4: {  	s20 =	simm.s32 @!p0 $0x4000;
	v7 =	vor.u32 v1, v7;
	v8 =	vmov s12;
	s12 =	simm.s32 $0x8;
	s11 =	sadd.s32 @!p0 s3, s11  }
0xf5: {  	v7 =	vor.u32 v2, v7;
	v8 =	vshll.u32 v8, $0x3;
	[tilespmem:s26], [sflag:$0x1] =	stream.strided.gather @!p0 [hbm4b:s11+s24], $0xC80, s20, s24, $0x38;
	[tilespmem:$0x10200] =	vst v63  }
0xf6: {  	v9 =	vmov s12;
	v8 =	vor.u32 v1, v8;
	v5 =	vld.idx.msk [tilespmem:v5+s16+$0x0], $0xffff  }
0xf7: {  	v9 =	vshll.u32 v9, $0x3;
	v8 =	vor.u32 v2, v8;
	s20 =	simm.s32 $0xA  }
0xf8: {  	v9 =	vor.u32 v1, v9;
	v6 =	vld.idx.msk [tilespmem:v6+s16+$0x0], $0xffff;
	v10 =	vmov s20  }
0xf9: {  	v9 =	vor.u32 v2, v9;
	s24 =	simm.s32 $0xC;
	v10 =	vshll.u32 v10, $0x3  }
0xfa: {  	v7 =	vld.idx.msk [tilespmem:v7+s16+$0x0], $0xffff;
	v11 =	vmov s24;
	v10 =	vor.u32 v1, v10  }
0xfb: {  	s26 =	simm.s32 $0xE;
	v11 =	vshll.u32 v11, $0x3;
	v10 =	vor.u32 v2, v10;
	v5 =	vadd.f32 $0.0e+00, v5  }
0xfc: {  	v8 =	vld.idx.msk [tilespmem:v8+s16+$0x0], $0xffff;
	v12 =	vmov s26;
	v11 =	vor.u32 v1, v11  }
0xfd: {  	s12 =	simm.s32 $0x10;
	v12 =	vshll.u32 v12, $0x3;
	v11 =	vor.u32 v2, v11;
	v5 =	vadd.f32 v6, v5  }
0xfe: {  	v25 =	vmov s12;
	v24 =	vor.u32 v1, v12;
	v6 =	vld.idx.msk [tilespmem:v9+s16+$0x0], $0xffff  }
0xff: {  	s20 =	simm.s32 $0x12;
	v12 =	vshll.u32 v25, $0x3;
	v9 =	vor.u32 v2, v24;
	v5 =	vadd.f32 v7, v5  }
0x100: {  	v27 =	vmov s20;
	v26 =	vor.u32 v1, v12;
	v7 =	vld.idx.msk [tilespmem:v10+s16+$0x0], $0xffff  }
0x101: {  	s24 =	simm.s32 $0x14;
	v12 =	vshll.u32 v27, $0x3;
	v10 =	vor.u32 v2, v26;
	v5 =	vadd.f32 v8, v5  }
0x102: {  	v29 =	vmov s24;
	v28 =	vor.u32 v1, v12;
	v8 =	vld.idx.msk [tilespmem:v11+s16+$0x0], $0xffff  }
0x103: {  	s26 =	simm.s32 $0x16;
	v12 =	vshll.u32 v29, $0x3;
	v11 =	vor.u32 v2, v28;
	v5 =	vadd.f32 v6, v5  }
0x104: {  	v31 =	vmov s26;
	v30 =	vor.u32 v1, v12;
	v6 =	vld.idx.msk [tilespmem:v9+s16+$0x0], $0xffff  }
0x105: {  	s12 =	simm.s32 $0x18;
	v12 =	vshll.u32 v31, $0x3;
	v9 =	vor.u32 v2, v30;
	v5 =	vadd.f32 v7, v5  }
0x106: {  	v33 =	vmov s12;
	v32 =	vor.u32 v1, v12;
	v7 =	vld.idx.msk [tilespmem:v10+s16+$0x0], $0xffff  }
0x107: {  	s20 =	simm.s32 $0x1A;
	v12 =	vshll.u32 v33, $0x3;
	v10 =	vor.u32 v2, v32;
	v5 =	vadd.f32 v8, v5  }
0x108: {  	v35 =	vmov s20;
	v34 =	vor.u32 v1, v12;
	v8 =	vld.idx.msk [tilespmem:v11+s16+$0x0], $0xffff  }
0x109: {  	s24 =	simm.s32 $0x1C;
	v12 =	vshll.u32 v35, $0x3;
	v11 =	vor.u32 v2, v34;
	v5 =	vadd.f32 v6, v5  }
0x10a: {  	v37 =	vmov s24;
	v36 =	vor.u32 v1, v12;
	v6 =	vld.idx.msk [tilespmem:v9+s16+$0x0], $0xffff  }
0x10b: {  	s26 =	simm.s32 $0x1E;
	v12 =	vshll.u32 v37, $0x3;
	v9 =	vor.u32 v2, v36;
	v5 =	vadd.f32 v7, v5  }
0x10c: {  	v39 =	vmov s26;
	v38 =	vor.u32 v1, v12;
	v7 =	vld.idx.msk [tilespmem:v10+s16+$0x0], $0xffff  }
0x10d: {  	s12 =	simm.s32 $0x20;
	v12 =	vshll.u32 v39, $0x3;
	v10 =	vor.u32 v2, v38;
	v5 =	vadd.f32 v8, v5  }
0x10e: {  	v41 =	vmov s12;
	v40 =	vor.u32 v1, v12;
	v8 =	vld.idx.msk [tilespmem:v11+s16+$0x0], $0xffff  }
0x10f: {  	s20 =	simm.s32 $0x22;
	v12 =	vshll.u32 v41, $0x3;
	v11 =	vor.u32 v2, v40;
	v5 =	vadd.f32 v6, v5  }
0x110: {  	v43 =	vmov s20;
	v42 =	vor.u32 v1, v12;
	v6 =	vld.idx.msk [tilespmem:v9+s16+$0x0], $0xffff  }
0x111: {  	s24 =	simm.s32 $0x24;
	v12 =	vshll.u32 v43, $0x3;
	v9 =	vor.u32 v2, v42;
	v5 =	vadd.f32 v7, v5  }
0x112: {  	v45 =	vmov s24;
	v44 =	vor.u32 v1, v12;
	v7 =	vld.idx.msk [tilespmem:v10+s16+$0x0], $0xffff  }
0x113: {  	s26 =	simm.s32 $0x26;
	v12 =	vshll.u32 v45, $0x3;
	v10 =	vor.u32 v2, v44;
	v5 =	vadd.f32 v8, v5  }
0x114: {  	v47 =	vmov s26;
	v46 =	vor.u32 v1, v12;
	v8 =	vld.idx.msk [tilespmem:v11+s16+$0x0], $0xffff  }
0x115: {  	s12 =	simm.s32 $0x28;
	v12 =	vshll.u32 v47, $0x3;
	v11 =	vor.u32 v2, v46;
	v5 =	vadd.f32 v6, v5  }
0x116: {  	v49 =	vmov s12;
	v48 =	vor.u32 v1, v12;
	v6 =	vld.idx.msk [tilespmem:v9+s16+$0x0], $0xffff  }
0x117: {  	s20 =	simm.s32 $0x2A;
	v12 =	vshll.u32 v49, $0x3;
	v9 =	vor.u32 v2, v48;
	v5 =	vadd.f32 v7, v5  }
0x118: {  	v51 =	vmov s20;
	v50 =	vor.u32 v1, v12;
	v7 =	vld.idx.msk [tilespmem:v10+s16+$0x0], $0xffff  }
0x119: {  	s24 =	simm.s32 $0x2C;
	v12 =	vshll.u32 v51, $0x3;
	v10 =	vor.u32 v2, v50;
	v5 =	vadd.f32 v8, v5  }
0x11a: {  	v53 =	vmov s24;
	v52 =	vor.u32 v1, v12;
	v8 =	vld.idx.msk [tilespmem:v11+s16+$0x0], $0xffff  }
0x11b: {  	s26 =	simm.s32 $0x2E;
	v12 =	vshll.u32 v53, $0x3;
	v11 =	vor.u32 v2, v52;
	v5 =	vadd.f32 v6, v5  }
0x11c: {  	v55 =	vmov s26;
	v54 =	vor.u32 v1, v12;
	v6 =	vld.idx.msk [tilespmem:v9+s16+$0x0], $0xffff  }
0x11d: {  	s12 =	simm.s32 $0x30;
	v12 =	vshll.u32 v55, $0x3;
	v9 =	vor.u32 v2, v54;
	v5 =	vadd.f32 v7, v5  }
0x11e: {  	v57 =	vmov s12;
	v56 =	vor.u32 v1, v12;
	v7 =	vld.idx.msk [tilespmem:v10+s16+$0x0], $0xffff  }
0x11f: {  	s20 =	simm.s32 $0x32;
	v12 =	vshll.u32 v57, $0x3;
	v10 =	vor.u32 v2, v56;
	v5 =	vadd.f32 v8, v5  }
0x120: {  	v59 =	vmov s20;
	v58 =	vor.u32 v1, v12;
	v8 =	vld.idx.msk [tilespmem:v11+s16+$0x0], $0xffff  }
0x121: {  	s24 =	simm.s32 $0x34;
	v12 =	vshll.u32 v59, $0x3;
	v11 =	vor.u32 v2, v58;
	v5 =	vadd.f32 v6, v5  }
0x122: {  	v61 =	vmov s24;
	v60 =	vor.u32 v1, v12;
	v6 =	vld.idx.msk [tilespmem:v9+s16+$0x0], $0xffff  }
0x123: {  	s26 =	simm.s32 $0x36;
	v12 =	vshll.u32 v61, $0x3;
	v9 =	vor.u32 v2, v60;
	v5 =	vadd.f32 v7, v5  }
0x124: {  	v63 =	vmov s26;
	v62 =	vor.u32 v1, v12;
	v7 =	vld.idx.msk [tilespmem:v10+s16+$0x0], $0xffff  }
0x125: {  	s12 =	simm.s32 $0x38;
	v12 =	vshll.u32 v63, $0x3;
	v10 =	vor.u32 v2, v62;
	v5 =	vadd.f32 v8, v5  }
0x126: {  	v17 =	vmov s12;
	v16 =	vor.u32 v1, v12;
	v8 =	vld.idx.msk [tilespmem:v11+s16+$0x0], $0xffff  }
0x127: {  	s20 =	simm.s32 $0x3A;
	v12 =	vshll.u32 v17, $0x3;
	v11 =	vor.u32 v2, v16;
	v5 =	vadd.f32 v6, v5  }
0x128: {  	v19 =	vmov s20;
	v18 =	vor.u32 v1, v12;
	v6 =	vld.idx.msk [tilespmem:v9+s16+$0x0], $0xffff  }
0x129: {  	s24 =	simm.s32 $0x3C;
	v12 =	vshll.u32 v19, $0x3;
	v9 =	vor.u32 v2, v18;
	v5 =	vadd.f32 v7, v5  }
0x12a: {  	v21 =	vmov s24;
	v20 =	vor.u32 v1, v12;
	v7 =	vld.idx.msk [tilespmem:v10+s16+$0x0], $0xffff  }
0x12b: {  	s26 =	simm.s32 $0x3E;
	v12 =	vshll.u32 v21, $0x3;
	v10 =	vor.u32 v2, v20;
	v5 =	vadd.f32 v8, v5  }
0x12c: {  	v23 =	vmov s26;
	v22 =	vor.u32 v1, v12;
	v8 =	vld.idx.msk [tilespmem:v11+s16+$0x0], $0xffff  }
0x12d: {  	s12 =	simm.s32 $0x40;
	v12 =	vshll.u32 v23, $0x3;
	v11 =	vor.u32 v2, v22;
	v5 =	vadd.f32 v6, v5  }
0x12e: {  	v25 =	vmov s12;
	v24 =	vor.u32 v1, v12;
	v6 =	vld.idx.msk [tilespmem:v9+s16+$0x0], $0xffff  }
0x12f: {  	s20 =	simm.s32 $0x42;
	v12 =	vshll.u32 v25, $0x3;
	v9 =	vor.u32 v2, v24;
	v5 =	vadd.f32 v7, v5  }
0x130: {  	v27 =	vmov s20;
	v26 =	vor.u32 v1, v12;
	v7 =	vld.idx.msk [tilespmem:v10+s16+$0x0], $0xffff  }
0x131: {  	s24 =	simm.s32 $0x44;
	v12 =	vshll.u32 v27, $0x3;
	v10 =	vor.u32 v2, v26;
	v5 =	vadd.f32 v8, v5  }
0x132: {  	v29 =	vmov s24;
	v28 =	vor.u32 v1, v12;
	v8 =	vld.idx.msk [tilespmem:v11+s16+$0x0], $0xffff  }
0x133: {  	s26 =	simm.s32 $0x46;
	v12 =	vshll.u32 v29, $0x3;
	v11 =	vor.u32 v2, v28;
	v5 =	vadd.f32 v6, v5  }
0x134: {  	v31 =	vmov s26;
	v30 =	vor.u32 v1, v12;
	v6 =	vld.idx.msk [tilespmem:v9+s16+$0x0], $0xffff  }
0x135: {  	s12 =	simm.s32 $0x48;
	v12 =	vshll.u32 v31, $0x3;
	v9 =	vor.u32 v2, v30;
	v5 =	vadd.f32 v7, v5  }
0x136: {  	v33 =	vmov s12;
	v32 =	vor.u32 v1, v12;
	v7 =	vld.idx.msk [tilespmem:v10+s16+$0x0], $0xffff  }
0x137: {  	s20 =	simm.s32 $0x4A;
	v12 =	vshll.u32 v33, $0x3;
	v10 =	vor.u32 v2, v32;
	v5 =	vadd.f32 v8, v5  }
0x138: {  	v35 =	vmov s20;
	v34 =	vor.u32 v1, v12;
	v8 =	vld.idx.msk [tilespmem:v11+s16+$0x0], $0xffff  }
0x139: {  	s24 =	simm.s32 $0x4C;
	v12 =	vshll.u32 v35, $0x3;
	v11 =	vor.u32 v2, v34;
	v5 =	vadd.f32 v6, v5  }
0x13a: {  	v37 =	vmov s24;
	v36 =	vor.u32 v1, v12;
	v6 =	vld.idx.msk [tilespmem:v9+s16+$0x0], $0xffff  }
0x13b: {  	s26 =	simm.s32 $0x4E;
	v12 =	vshll.u32 v37, $0x3;
	v9 =	vor.u32 v2, v36;
	v5 =	vadd.f32 v7, v5  }
0x13c: {  	v39 =	vmov s26;
	v38 =	vor.u32 v1, v12;
	v7 =	vld.idx.msk [tilespmem:v10+s16+$0x0], $0xffff  }
0x13d: {  	s12 =	simm.s32 $0x50;
	v12 =	vshll.u32 v39, $0x3;
	v10 =	vor.u32 v2, v38;
	v5 =	vadd.f32 v8, v5  }
0x13e: {  	v41 =	vmov s12;
	v40 =	vor.u32 v1, v12;
	v8 =	vld.idx.msk [tilespmem:v11+s16+$0x0], $0xffff  }
0x13f: {  	s20 =	simm.s32 $0x52;
	v12 =	vshll.u32 v41, $0x3;
	v11 =	vor.u32 v2, v40;
	v5 =	vadd.f32 v6, v5  }
0x140: {  	v43 =	vmov s20;
	v42 =	vor.u32 v1, v12;
	v6 =	vld.idx.msk [tilespmem:v9+s16+$0x0], $0xffff  }
0x141: {  	s24 =	simm.s32 $0x54;
	v12 =	vshll.u32 v43, $0x3;
	v9 =	vor.u32 v2, v42;
	v5 =	vadd.f32 v7, v5  }
0x142: {  	v45 =	vmov s24;
	v44 =	vor.u32 v1, v12;
	v7 =	vld.idx.msk [tilespmem:v10+s16+$0x0], $0xffff  }
0x143: {  	s26 =	simm.s32 $0x56;
	v12 =	vshll.u32 v45, $0x3;
	v10 =	vor.u32 v2, v44;
	v5 =	vadd.f32 v8, v5  }
0x144: {  	v47 =	vmov s26;
	v46 =	vor.u32 v1, v12;
	v8 =	vld.idx.msk [tilespmem:v11+s16+$0x0], $0xffff  }
0x145: {  	s12 =	simm.s32 $0x58;
	v12 =	vshll.u32 v47, $0x3;
	v11 =	vor.u32 v2, v46;
	v5 =	vadd.f32 v6, v5  }
0x146: {  	v49 =	vmov s12;
	v48 =	vor.u32 v1, v12;
	v6 =	vld.idx.msk [tilespmem:v9+s16+$0x0], $0xffff  }
0x147: {  	s20 =	simm.s32 $0x5A;
	v12 =	vshll.u32 v49, $0x3;
	v9 =	vor.u32 v2, v48;
	v5 =	vadd.f32 v7, v5  }
0x148: {  	v51 =	vmov s20;
	v50 =	vor.u32 v1, v12;
	v7 =	vld.idx.msk [tilespmem:v10+s16+$0x0], $0xffff  }
0x149: {  	s24 =	simm.s32 $0x5C;
	v12 =	vshll.u32 v51, $0x3;
	v10 =	vor.u32 v2, v50;
	v5 =	vadd.f32 v8, v5  }
0x14a: {  	v53 =	vmov s24;
	v52 =	vor.u32 v1, v12;
	v8 =	vld.idx.msk [tilespmem:v11+s16+$0x0], $0xffff  }
0x14b: {  	s26 =	simm.s32 $0x5E;
	v12 =	vshll.u32 v53, $0x3;
	v11 =	vor.u32 v2, v52;
	v5 =	vadd.f32 v6, v5  }
0x14c: {  	v55 =	vmov s26;
	v54 =	vor.u32 v1, v12;
	v6 =	vld.idx.msk [tilespmem:v9+s16+$0x0], $0xffff  }
0x14d: {  	s12 =	simm.s32 $0x60;
	v12 =	vshll.u32 v55, $0x3;
	v9 =	vor.u32 v2, v54;
	v5 =	vadd.f32 v7, v5  }
0x14e: {  	v57 =	vmov s12;
	v56 =	vor.u32 v1, v12;
	v7 =	vld.idx.msk [tilespmem:v10+s16+$0x0], $0xffff  }
0x14f: {  	s20 =	simm.s32 $0x62;
	v12 =	vshll.u32 v57, $0x3;
	v10 =	vor.u32 v2, v56;
	v5 =	vadd.f32 v8, v5  }
0x150: {  	v59 =	vmov s20;
	v58 =	vor.u32 v1, v12;
	v8 =	vld.idx.msk [tilespmem:v11+s16+$0x0], $0xffff  }
0x151: {  	s24 =	simm.s32 $0x64;
	v12 =	vshll.u32 v59, $0x3;
	v11 =	vor.u32 v2, v58;
	v5 =	vadd.f32 v6, v5  }
0x152: {  	v61 =	vmov s24;
	v60 =	vor.u32 v1, v12;
	v6 =	vld.idx.msk [tilespmem:v9+s16+$0x0], $0xffff  }
0x153: {  	s26 =	simm.s32 $0x66;
	v12 =	vshll.u32 v61, $0x3;
	v9 =	vor.u32 v2, v60;
	v5 =	vadd.f32 v7, v5  }
0x154: {  	v63 =	vmov s26;
	v62 =	vor.u32 v1, v12;
	v7 =	vld.idx.msk [tilespmem:v10+s16+$0x0], $0xffff  }
0x155: {  	s12 =	simm.s32 $0x68;
	v12 =	vshll.u32 v63, $0x3;
	v10 =	vor.u32 v2, v62;
	v5 =	vadd.f32 v8, v5  }
0x156: {  	v17 =	vmov s12;
	v16 =	vor.u32 v1, v12;
	v8 =	vld.idx.msk [tilespmem:v11+s16+$0x0], $0xffff  }
0x157: {  	s20 =	simm.s32 $0x6A;
	v12 =	vshll.u32 v17, $0x3;
	v11 =	vor.u32 v2, v16;
	v5 =	vadd.f32 v6, v5  }
0x158: {  	v19 =	vmov s20;
	v18 =	vor.u32 v1, v12;
	v6 =	vld.idx.msk [tilespmem:v9+s16+$0x0], $0xffff  }
0x159: {  	s24 =	simm.s32 $0x6C;
	v12 =	vshll.u32 v19, $0x3;
	v9 =	vor.u32 v2, v18;
	v5 =	vadd.f32 v7, v5  }
0x15a: {  	v21 =	vmov s24;
	v20 =	vor.u32 v1, v12;
	v7 =	vld.idx.msk [tilespmem:v10+s16+$0x0], $0xffff  }
0x15b: {  	s26 =	simm.s32 $0x6E;
	v12 =	vshll.u32 v21, $0x3;
	v10 =	vor.u32 v2, v20;
	v5 =	vadd.f32 v8, v5  }
0x15c: {  	v23 =	vmov s26;
	v22 =	vor.u32 v1, v12;
	v8 =	vld.idx.msk [tilespmem:v11+s16+$0x0], $0xffff  }
0x15d: {  	s12 =	simm.s32 $0x70;
	v12 =	vshll.u32 v23, $0x3;
	v11 =	vor.u32 v2, v22;
	v5 =	vadd.f32 v6, v5  }
0x15e: {  	v25 =	vmov s12;
	v24 =	vor.u32 v1, v12;
	v6 =	vld.idx.msk [tilespmem:v9+s16+$0x0], $0xffff  }
0x15f: {  	s20 =	simm.s32 $0x72;
	v12 =	vshll.u32 v25, $0x3;
	v9 =	vor.u32 v2, v24;
	v5 =	vadd.f32 v7, v5  }
0x160: {  	v27 =	vmov s20;
	v26 =	vor.u32 v1, v12;
	v7 =	vld.idx.msk [tilespmem:v10+s16+$0x0], $0xffff  }
0x161: {  	s24 =	simm.s32 $0x74;
	v12 =	vshll.u32 v27, $0x3;
	v10 =	vor.u32 v2, v26;
	v5 =	vadd.f32 v8, v5  }
0x162: {  	v29 =	vmov s24;
	v28 =	vor.u32 v1, v12;
	v8 =	vld.idx.msk [tilespmem:v11+s16+$0x0], $0xffff  }
0x163: {  	s26 =	simm.s32 $0x76;
	v12 =	vshll.u32 v29, $0x3;
	v11 =	vor.u32 v2, v28;
	v5 =	vadd.f32 v6, v5  }
0x164: {  	v31 =	vmov s26;
	v30 =	vor.u32 v1, v12;
	v6 =	vld.idx.msk [tilespmem:v9+s16+$0x0], $0xffff  }
0x165: {  	s12 =	simm.s32 $0x78;
	v12 =	vshll.u32 v31, $0x3;
	v9 =	vor.u32 v2, v30;
	v5 =	vadd.f32 v7, v5  }
0x166: {  	v33 =	vmov s12;
	v32 =	vor.u32 v1, v12;
	v7 =	vld.idx.msk [tilespmem:v10+s16+$0x0], $0xffff  }
0x167: {  	s20 =	simm.s32 $0x7A;
	v12 =	vshll.u32 v33, $0x3;
	v10 =	vor.u32 v2, v32;
	v5 =	vadd.f32 v8, v5  }
0x168: {  	v35 =	vmov s20;
	v34 =	vor.u32 v1, v12;
	v8 =	vld.idx.msk [tilespmem:v11+s16+$0x0], $0xffff  }
0x169: {  	s24 =	simm.s32 $0x7C;
	v12 =	vshll.u32 v35, $0x3;
	v11 =	vor.u32 v2, v34;
	v5 =	vadd.f32 v6, v5  }
0x16a: {  	v37 =	vmov s24;
	v36 =	vor.u32 v1, v12;
	v6 =	vld.idx.msk [tilespmem:v9+s16+$0x0], $0xffff  }
0x16b: {  	s26 =	simm.s32 $0x7E;
	v12 =	vshll.u32 v37, $0x3;
	v9 =	vor.u32 v2, v36;
	v5 =	vadd.f32 v7, v5  }
0x16c: {  	v39 =	vmov s26;
	v38 =	vor.u32 v1, v12;
	v7 =	vld.idx.msk [tilespmem:v10+s16+$0x0], $0xffff  }
0x16d: {  	s12 =	simm.s32 $0x80;
	v12 =	vshll.u32 v39, $0x3;
	v10 =	vor.u32 v2, v38;
	v5 =	vadd.f32 v8, v5  }
0x16e: {  	v41 =	vmov s12;
	v40 =	vor.u32 v1, v12;
	v8 =	vld.idx.msk [tilespmem:v11+s16+$0x0], $0xffff  }
0x16f: {  	s20 =	simm.s32 $0x82;
	v12 =	vshll.u32 v41, $0x3;
	v11 =	vor.u32 v2, v40;
	v5 =	vadd.f32 v6, v5  }
0x170: {  	v43 =	vmov s20;
	v42 =	vor.u32 v1, v12;
	v6 =	vld.idx.msk [tilespmem:v9+s16+$0x0], $0xffff  }
0x171: {  	s24 =	simm.s32 $0x84;
	v12 =	vshll.u32 v43, $0x3;
	v9 =	vor.u32 v2, v42;
	v5 =	vadd.f32 v7, v5  }
0x172: {  	v45 =	vmov s24;
	v44 =	vor.u32 v1, v12;
	v7 =	vld.idx.msk [tilespmem:v10+s16+$0x0], $0xffff  }
0x173: {  	s26 =	simm.s32 $0x86;
	v12 =	vshll.u32 v45, $0x3;
	v10 =	vor.u32 v2, v44;
	v5 =	vadd.f32 v8, v5  }
0x174: {  	v47 =	vmov s26;
	v46 =	vor.u32 v1, v12;
	v8 =	vld.idx.msk [tilespmem:v11+s16+$0x0], $0xffff  }
0x175: {  	s12 =	simm.s32 $0x88;
	v12 =	vshll.u32 v47, $0x3;
	v11 =	vor.u32 v2, v46;
	v5 =	vadd.f32 v6, v5  }
0x176: {  	v49 =	vmov s12;
	v48 =	vor.u32 v1, v12;
	v6 =	vld.idx.msk [tilespmem:v9+s16+$0x0], $0xffff  }
0x177: {  	s20 =	simm.s32 $0x8A;
	v12 =	vshll.u32 v49, $0x3;
	v9 =	vor.u32 v2, v48;
	v5 =	vadd.f32 v7, v5  }
0x178: {  	v51 =	vmov s20;
	v50 =	vor.u32 v1, v12;
	v7 =	vld.idx.msk [tilespmem:v10+s16+$0x0], $0xffff  }
0x179: {  	s24 =	simm.s32 $0x8C;
	v12 =	vshll.u32 v51, $0x3;
	v10 =	vor.u32 v2, v50;
	v5 =	vadd.f32 v8, v5  }
0x17a: {  	v53 =	vmov s24;
	v52 =	vor.u32 v1, v12;
	v8 =	vld.idx.msk [tilespmem:v11+s16+$0x0], $0xffff  }
0x17b: {  	s26 =	simm.s32 $0x8E;
	v12 =	vshll.u32 v53, $0x3;
	v11 =	vor.u32 v2, v52;
	v5 =	vadd.f32 v6, v5  }
0x17c: {  	v55 =	vmov s26;
	v54 =	vor.u32 v1, v12;
	v6 =	vld.idx.msk [tilespmem:v9+s16+$0x0], $0xffff  }
0x17d: {  	s12 =	simm.s32 $0x90;
	v12 =	vshll.u32 v55, $0x3;
	v9 =	vor.u32 v2, v54;
	v5 =	vadd.f32 v7, v5  }
0x17e: {  	v57 =	vmov s12;
	v56 =	vor.u32 v1, v12;
	v7 =	vld.idx.msk [tilespmem:v10+s16+$0x0], $0xffff  }
0x17f: {  	s20 =	simm.s32 $0x92;
	v12 =	vshll.u32 v57, $0x3;
	v10 =	vor.u32 v2, v56;
	v5 =	vadd.f32 v8, v5  }
0x180: {  	v59 =	vmov s20;
	v58 =	vor.u32 v1, v12;
	v8 =	vld.idx.msk [tilespmem:v11+s16+$0x0], $0xffff  }
0x181: {  	s24 =	simm.s32 $0x94;
	v12 =	vshll.u32 v59, $0x3;
	v11 =	vor.u32 v2, v58;
	v5 =	vadd.f32 v6, v5  }
0x182: {  	v61 =	vmov s24;
	v60 =	vor.u32 v1, v12;
	v6 =	vld.idx.msk [tilespmem:v9+s16+$0x0], $0xffff  }
0x183: {  	s26 =	simm.s32 $0x96;
	v12 =	vshll.u32 v61, $0x3;
	v9 =	vor.u32 v2, v60;
	v5 =	vadd.f32 v7, v5  }
0x184: {  	v63 =	vmov s26;
	v62 =	vor.u32 v1, v12;
	v7 =	vld.idx.msk [tilespmem:v10+s16+$0x0], $0xffff  }
0x185: {  	s12 =	simm.s32 $0x98;
	v12 =	vshll.u32 v63, $0x3;
	v10 =	vor.u32 v2, v62;
	v5 =	vadd.f32 v8, v5  }
0x186: {  	v17 =	vmov s12;
	v16 =	vor.u32 v1, v12;
	v8 =	vld.idx.msk [tilespmem:v11+s16+$0x0], $0xffff  }
0x187: {  	s20 =	simm.s32 $0x9A;
	v12 =	vshll.u32 v17, $0x3;
	v11 =	vor.u32 v2, v16;
	v5 =	vadd.f32 v6, v5  }
0x188: {  	v19 =	vmov s20;
	v18 =	vor.u32 v1, v12;
	v6 =	vld.idx.msk [tilespmem:v9+s16+$0x0], $0xffff  }
0x189: {  	s24 =	simm.s32 $0x9C;
	v12 =	vshll.u32 v19, $0x3;
	v9 =	vor.u32 v2, v18;
	v5 =	vadd.f32 v7, v5  }
0x18a: {  	v21 =	vmov s24;
	v20 =	vor.u32 v1, v12;
	v7 =	vld.idx.msk [tilespmem:v10+s16+$0x0], $0xffff  }
0x18b: {  	s26 =	simm.s32 $0x9E;
	v12 =	vshll.u32 v21, $0x3;
	v10 =	vor.u32 v2, v20;
	v5 =	vadd.f32 v8, v5  }
0x18c: {  	v23 =	vmov s26;
	v22 =	vor.u32 v1, v12;
	v8 =	vld.idx.msk [tilespmem:v11+s16+$0x0], $0xffff  }
0x18d: {  	s12 =	simm.s32 $0xA0;
	v12 =	vshll.u32 v23, $0x3;
	v11 =	vor.u32 v2, v22;
	v5 =	vadd.f32 v6, v5  }
0x18e: {  	v25 =	vmov s12;
	v24 =	vor.u32 v1, v12;
	v6 =	vld.idx.msk [tilespmem:v9+s16+$0x0], $0xffff  }
0x18f: {  	s20 =	simm.s32 $0xA2;
	v12 =	vshll.u32 v25, $0x3;
	v9 =	vor.u32 v2, v24;
	v5 =	vadd.f32 v7, v5  }
0x190: {  	v27 =	vmov s20;
	v26 =	vor.u32 v1, v12;
	v7 =	vld.idx.msk [tilespmem:v10+s16+$0x0], $0xffff  }
0x191: {  	s24 =	simm.s32 $0xA4;
	v12 =	vshll.u32 v27, $0x3;
	v10 =	vor.u32 v2, v26;
	v5 =	vadd.f32 v8, v5  }
0x192: {  	v29 =	vmov s24;
	v28 =	vor.u32 v1, v12;
	v8 =	vld.idx.msk [tilespmem:v11+s16+$0x0], $0xffff  }
0x193: {  	s26 =	simm.s32 $0xA6;
	v12 =	vshll.u32 v29, $0x3;
	v11 =	vor.u32 v2, v28;
	v5 =	vadd.f32 v6, v5  }
0x194: {  	v31 =	vmov s26;
	v30 =	vor.u32 v1, v12;
	v6 =	vld.idx.msk [tilespmem:v9+s16+$0x0], $0xffff  }
0x195: {  	s12 =	simm.s32 $0xA8;
	v12 =	vshll.u32 v31, $0x3;
	v9 =	vor.u32 v2, v30;
	v5 =	vadd.f32 v7, v5  }
0x196: {  	v33 =	vmov s12;
	v32 =	vor.u32 v1, v12;
	v7 =	vld.idx.msk [tilespmem:v10+s16+$0x0], $0xffff  }
0x197: {  	s20 =	simm.s32 $0xAA;
	v12 =	vshll.u32 v33, $0x3;
	v10 =	vor.u32 v2, v32;
	v5 =	vadd.f32 v8, v5  }
0x198: {  	v35 =	vmov s20;
	v34 =	vor.u32 v1, v12;
	v8 =	vld.idx.msk [tilespmem:v11+s16+$0x0], $0xffff  }
0x199: {  	s24 =	simm.s32 $0xAC;
	v12 =	vshll.u32 v35, $0x3;
	v11 =	vor.u32 v2, v34;
	v5 =	vadd.f32 v6, v5  }
0x19a: {  	v37 =	vmov s24;
	v36 =	vor.u32 v1, v12;
	v6 =	vld.idx.msk [tilespmem:v9+s16+$0x0], $0xffff  }
0x19b: {  	s26 =	simm.s32 $0xAE;
	v12 =	vshll.u32 v37, $0x3;
	v9 =	vor.u32 v2, v36;
	v5 =	vadd.f32 v7, v5  }
0x19c: {  	v39 =	vmov s26;
	v38 =	vor.u32 v1, v12;
	v7 =	vld.idx.msk [tilespmem:v10+s16+$0x0], $0xffff  }
0x19d: {  	s12 =	simm.s32 $0xB0;
	v12 =	vshll.u32 v39, $0x3;
	v10 =	vor.u32 v2, v38;
	v5 =	vadd.f32 v8, v5  }
0x19e: {  	v41 =	vmov s12;
	v40 =	vor.u32 v1, v12;
	v8 =	vld.idx.msk [tilespmem:v11+s16+$0x0], $0xffff  }
0x19f: {  	s20 =	simm.s32 $0xB2;
	v12 =	vshll.u32 v41, $0x3;
	v11 =	vor.u32 v2, v40;
	v5 =	vadd.f32 v6, v5  }
0x1a0: {  	v43 =	vmov s20;
	v42 =	vor.u32 v1, v12;
	v6 =	vld.idx.msk [tilespmem:v9+s16+$0x0], $0xffff  }
0x1a1: {  	s24 =	simm.s32 $0xB4;
	v12 =	vshll.u32 v43, $0x3;
	v9 =	vor.u32 v2, v42;
	v5 =	vadd.f32 v7, v5  }
0x1a2: {  	v45 =	vmov s24;
	v44 =	vor.u32 v1, v12;
	v7 =	vld.idx.msk [tilespmem:v10+s16+$0x0], $0xffff  }
0x1a3: {  	s26 =	simm.s32 $0xB6;
	v12 =	vshll.u32 v45, $0x3;
	v10 =	vor.u32 v2, v44;
	v5 =	vadd.f32 v8, v5  }
0x1a4: {  	v47 =	vmov s26;
	v46 =	vor.u32 v1, v12;
	v8 =	vld.idx.msk [tilespmem:v11+s16+$0x0], $0xffff  }
0x1a5: {  	s12 =	simm.s32 $0xB8;
	v12 =	vshll.u32 v47, $0x3;
	v11 =	vor.u32 v2, v46;
	v5 =	vadd.f32 v6, v5  }
0x1a6: {  	v49 =	vmov s12;
	v48 =	vor.u32 v1, v12;
	v6 =	vld.idx.msk [tilespmem:v9+s16+$0x0], $0xffff  }
0x1a7: {  	s20 =	simm.s32 $0xBA;
	v12 =	vshll.u32 v49, $0x3;
	v9 =	vor.u32 v2, v48;
	v5 =	vadd.f32 v7, v5  }
0x1a8: {  	v51 =	vmov s20;
	v50 =	vor.u32 v1, v12;
	v7 =	vld.idx.msk [tilespmem:v10+s16+$0x0], $0xffff  }
0x1a9: {  	s24 =	simm.s32 $0xBC;
	v12 =	vshll.u32 v51, $0x3;
	v10 =	vor.u32 v2, v50;
	v5 =	vadd.f32 v8, v5  }
0x1aa: {  	v53 =	vmov s24;
	v52 =	vor.u32 v1, v12;
	v8 =	vld.idx.msk [tilespmem:v11+s16+$0x0], $0xffff  }
0x1ab: {  	s26 =	simm.s32 $0xBE;
	v12 =	vshll.u32 v53, $0x3;
	v11 =	vor.u32 v2, v52;
	v5 =	vadd.f32 v6, v5  }
0x1ac: {  	v55 =	vmov s26;
	v54 =	vor.u32 v1, v12;
	v6 =	vld.idx.msk [tilespmem:v9+s16+$0x0], $0xffff  }
0x1ad: {  	s12 =	simm.s32 $0xC0;
	v12 =	vshll.u32 v55, $0x3;
	v9 =	vor.u32 v2, v54;
	v5 =	vadd.f32 v7, v5  }
0x1ae: {  	v57 =	vmov s12;
	v56 =	vor.u32 v1, v12;
	v7 =	vld.idx.msk [tilespmem:v10+s16+$0x0], $0xffff  }
0x1af: {  	s20 =	simm.s32 $0xC2;
	v12 =	vshll.u32 v57, $0x3;
	v10 =	vor.u32 v2, v56;
	v5 =	vadd.f32 v8, v5  }
0x1b0: {  	v59 =	vmov s20;
	v58 =	vor.u32 v1, v12;
	v8 =	vld.idx.msk [tilespmem:v11+s16+$0x0], $0xffff  }
0x1b1: {  	s24 =	simm.s32 $0xC4;
	v12 =	vshll.u32 v59, $0x3;
	v11 =	vor.u32 v2, v58;
	v5 =	vadd.f32 v6, v5  }
0x1b2: {  	v61 =	vmov s24;
	v60 =	vor.u32 v1, v12;
	v6 =	vld.idx.msk [tilespmem:v9+s16+$0x0], $0xffff  }
0x1b3: {  	s26 =	simm.s32 $0xC6;
	v12 =	vshll.u32 v61, $0x3;
	v9 =	vor.u32 v2, v60;
	v5 =	vadd.f32 v7, v5  }
0x1b4: {  	v63 =	vmov s26;
	v62 =	vor.u32 v1, v12;
	v7 =	vld.idx.msk [tilespmem:v10+s16+$0x0], $0xffff  }
0x1b5: {  	v12 =	vshll.u32 v63, $0x3;
	v10 =	vor.u32 v2, v62;
	v5 =	vadd.f32 v8, v5  }
0x1b6: {  	v15 =	vor.u32 v1, v12;
	v8 =	vld.idx.msk [tilespmem:v11+s16+$0x0], $0xffff  }
0x1b7: {  	v11 =	vor.u32 v2, v15;
	v5 =	vadd.f32 v6, v5  }
0x1b8: {  	v6 =	vld.idx.msk [tilespmem:v9+s16+$0x0], $0xffff  }
0x1b9: {  	v5 =	vadd.f32 v7, v5  }
0x1ba: {  	v7 =	vld.idx.msk [tilespmem:v10+s16+$0x0], $0xffff  }
0x1bb: {  	v5 =	vadd.f32 v8, v5  }
0x1bc: {  	v8 =	vld.idx.msk [tilespmem:v11+s16+$0x0], $0xffff  }
0x1bd: {  	v5 =	vadd.f32 v6, v5;
	_ =	sdelay $0x1  }
0x1be: {  	s12 =	simm.s32 $0xC8;
	v5 =	vadd.f32 v7, v5  }
0x1bf: {  	v6 =	vmov s12  }
0x1c0: {  	s20 =	simm.s32 $0xCA;
	v6 =	vshll.u32 v6, $0x3;
	v5 =	vadd.f32 v8, v5  }
0x1c1: {  	v6 =	vor.u32 v1, v6;
	v7 =	vmov s20;
	v8 =	vor.u32 s25, v4  }
0x1c2: {  	s24 =	simm.s32 $0xCC;
	v6 =	vor.u32 v2, v6;
	v7 =	vshll.u32 v7, $0x3;
	v16 =	vperm.xlane v5, v3  }
0x1c3: {  	v17 =	vmov s24;
	v7 =	vor.u32 v1, v7  }
0x1c4: {  	s26 =	simm.s32 $0xCE;
	v10 =	vshll.u32 v17, $0x3;
	v7 =	vor.u32 v2, v7;
	v5 =	vadd.f32 v16, v5  }
0x1c5: {  	v19 =	vmov s26;
	v18 =	vor.u32 v1, v10  }
0x1c6: {  	v10 =	vshll.u32 v19, $0x3;
	v9 =	vor.u32 v2, v18;
	s12 =	simm.s32 $0xD0;
	[tilespmem:v8+s18+$0x0] =	vst.idx.msk $0xf, v5  }
0x1c7: {  	v8 =	vmov s12;
	v5 =	vld.idx.msk [tilespmem:v6+s16+$0x0], $0xffff;
	v6 =	vor.u32 v1, v10  }
0x1c8: {  	s20 =	simm.s32 $0xD2;
	v8 =	vshll.u32 v8, $0x3;
	v6 =	vor.u32 v2, v6  }
0x1c9: {  	v20 =	vmov s20;
	v7 =	vld.idx.msk [tilespmem:v7+s16+$0x0], $0xffff;
	v8 =	vor.u32 v1, v8  }
0x1ca: {  	s24 =	simm.s32 $0xD4;
	v10 =	vshll.u32 v20, $0x3;
	v8 =	vor.u32 v2, v8  }
0x1cb: {  	v21 =	vmov s24;
	v9 =	vld.idx.msk [tilespmem:v9+s16+$0x0], $0xffff;
	v10 =	vor.u32 v1, v10  }
0x1cc: {  	s26 =	simm.s32 $0xD6;
	v11 =	vshll.u32 v21, $0x3;
	v10 =	vor.u32 v2, v10;
	v5 =	vadd.f32 $0.0e+00, v5  }
0x1cd: {  	v22 =	vmov s26;
	v11 =	vor.u32 v1, v11;
	v6 =	vld.idx.msk [tilespmem:v6+s16+$0x0], $0xffff  }
0x1ce: {  	v12 =	vshll.u32 v22, $0x3;
	v11 =	vor.u32 v2, v11;
	s12 =	simm.s32 $0xD8;
	v5 =	vadd.f32 v7, v5  }
0x1cf: {  	v23 =	vmov s12;
	v7 =	vld.idx.msk [tilespmem:v8+s16+$0x0], $0xffff;
	v8 =	vor.u32 v1, v12  }
0x1d0: {  	s20 =	simm.s32 $0xDA;
	v12 =	vshll.u32 v23, $0x3;
	v8 =	vor.u32 v2, v8;
	v5 =	vadd.f32 v9, v5  }
0x1d1: {  	v26 =	vmov s20;
	v24 =	vld.idx.msk [tilespmem:v10+s16+$0x0], $0xffff;
	v25 =	vor.u32 v1, v12  }
0x1d2: {  	s24 =	simm.s32 $0xDC;
	v12 =	vshll.u32 v26, $0x3;
	v10 =	vor.u32 v2, v25;
	v5 =	vadd.f32 v6, v5  }
0x1d3: {  	v28 =	vmov s24;
	v27 =	vor.u32 v1, v12;
	v6 =	vld.idx.msk [tilespmem:v11+s16+$0x0], $0xffff  }
0x1d4: {  	s26 =	simm.s32 $0xDE;
	v12 =	vshll.u32 v28, $0x3;
	v11 =	vor.u32 v2, v27;
	v5 =	vadd.f32 v7, v5  }
0x1d5: {  	v29 =	vmov s26;
	v7 =	vld.idx.msk [tilespmem:v8+s16+$0x0], $0xffff;
	v8 =	vor.u32 v1, v12  }
0x1d6: {  	s12 =	simm.s32 $0xE0;
	v12 =	vshll.u32 v29, $0x3;
	v8 =	vor.u32 v2, v8;
	v5 =	vadd.f32 v24, v5  }
0x1d7: {  	v32 =	vmov s12;
	v30 =	vld.idx.msk [tilespmem:v10+s16+$0x0], $0xffff;
	v31 =	vor.u32 v1, v12  }
0x1d8: {  	s20 =	simm.s32 $0xE2;
	v12 =	vshll.u32 v32, $0x3;
	v10 =	vor.u32 v2, v31;
	v5 =	vadd.f32 v6, v5  }
0x1d9: {  	v34 =	vmov s20;
	v33 =	vor.u32 v1, v12;
	v6 =	vld.idx.msk [tilespmem:v11+s16+$0x0], $0xffff  }
0x1da: {  	s24 =	simm.s32 $0xE4;
	v12 =	vshll.u32 v34, $0x3;
	v11 =	vor.u32 v2, v33;
	v5 =	vadd.f32 v7, v5  }
0x1db: {  	v35 =	vmov s24;
	v7 =	vld.idx.msk [tilespmem:v8+s16+$0x0], $0xffff;
	v8 =	vor.u32 v1, v12  }
0x1dc: {  	s26 =	simm.s32 $0xE6;
	v12 =	vshll.u32 v35, $0x3;
	v8 =	vor.u32 v2, v8;
	v5 =	vadd.f32 v30, v5  }
0x1dd: {  	v38 =	vmov s26;
	v36 =	vld.idx.msk [tilespmem:v10+s16+$0x0], $0xffff;
	v37 =	vor.u32 v1, v12  }
0x1de: {  	s12 =	simm.s32 $0xE8;
	v12 =	vshll.u32 v38, $0x3;
	v10 =	vor.u32 v2, v37;
	v5 =	vadd.f32 v6, v5  }
0x1df: {  	v40 =	vmov s12;
	v39 =	vor.u32 v1, v12;
	v6 =	vld.idx.msk [tilespmem:v11+s16+$0x0], $0xffff  }
0x1e0: {  	s20 =	simm.s32 $0xEA;
	v12 =	vshll.u32 v40, $0x3;
	v11 =	vor.u32 v2, v39;
	v5 =	vadd.f32 v7, v5  }
0x1e1: {  	v41 =	vmov s20;
	v7 =	vld.idx.msk [tilespmem:v8+s16+$0x0], $0xffff;
	v8 =	vor.u32 v1, v12  }
0x1e2: {  	s24 =	simm.s32 $0xEC;
	v12 =	vshll.u32 v41, $0x3;
	v8 =	vor.u32 v2, v8;
	v5 =	vadd.f32 v36, v5  }
0x1e3: {  	v44 =	vmov s24;
	v42 =	vld.idx.msk [tilespmem:v10+s16+$0x0], $0xffff;
	v43 =	vor.u32 v1, v12  }
0x1e4: {  	s26 =	simm.s32 $0xEE;
	v12 =	vshll.u32 v44, $0x3;
	v10 =	vor.u32 v2, v43;
	v5 =	vadd.f32 v6, v5  }
0x1e5: {  	v46 =	vmov s26;
	v45 =	vor.u32 v1, v12;
	v6 =	vld.idx.msk [tilespmem:v11+s16+$0x0], $0xffff  }
0x1e6: {  	s12 =	simm.s32 $0xF0;
	v12 =	vshll.u32 v46, $0x3;
	v11 =	vor.u32 v2, v45;
	v5 =	vadd.f32 v7, v5  }
0x1e7: {  	v47 =	vmov s12;
	v7 =	vld.idx.msk [tilespmem:v8+s16+$0x0], $0xffff;
	v8 =	vor.u32 v1, v12  }
0x1e8: {  	s20 =	simm.s32 $0xF2;
	v12 =	vshll.u32 v47, $0x3;
	v8 =	vor.u32 v2, v8;
	v5 =	vadd.f32 v42, v5  }
0x1e9: {  	v50 =	vmov s20;
	v48 =	vld.idx.msk [tilespmem:v10+s16+$0x0], $0xffff;
	v49 =	vor.u32 v1, v12  }
0x1ea: {  	s24 =	simm.s32 $0xF4;
	v12 =	vshll.u32 v50, $0x3;
	v10 =	vor.u32 v2, v49;
	v5 =	vadd.f32 v6, v5  }
0x1eb: {  	v52 =	vmov s24;
	v51 =	vor.u32 v1, v12;
	v6 =	vld.idx.msk [tilespmem:v11+s16+$0x0], $0xffff  }
0x1ec: {  	s26 =	simm.s32 $0xF6;
	v12 =	vshll.u32 v52, $0x3;
	v11 =	vor.u32 v2, v51;
	v5 =	vadd.f32 v7, v5  }
0x1ed: {  	v53 =	vmov s26;
	v7 =	vld.idx.msk [tilespmem:v8+s16+$0x0], $0xffff;
	v8 =	vor.u32 v1, v12  }
0x1ee: {  	s12 =	simm.s32 $0xF8;
	v12 =	vshll.u32 v53, $0x3;
	v8 =	vor.u32 v2, v8;
	v5 =	vadd.f32 v48, v5  }
0x1ef: {  	v56 =	vmov s12;
	v54 =	vld.idx.msk [tilespmem:v10+s16+$0x0], $0xffff;
	v55 =	vor.u32 v1, v12  }
0x1f0: {  	s20 =	simm.s32 $0xFA;
	v12 =	vshll.u32 v56, $0x3;
	v10 =	vor.u32 v2, v55;
	v5 =	vadd.f32 v6, v5  }
0x1f1: {  	v58 =	vmov s20;
	v57 =	vor.u32 v1, v12;
	v6 =	vld.idx.msk [tilespmem:v11+s16+$0x0], $0xffff  }
0x1f2: {  	s24 =	simm.s32 $0xFC;
	v12 =	vshll.u32 v58, $0x3;
	v11 =	vor.u32 v2, v57;
	v5 =	vadd.f32 v7, v5  }
0x1f3: {  	v59 =	vmov s24;
	v7 =	vld.idx.msk [tilespmem:v8+s16+$0x0], $0xffff;
	v8 =	vor.u32 v1, v12  }
0x1f4: {  	s26 =	simm.s32 $0xFE;
	v12 =	vshll.u32 v59, $0x3;
	v8 =	vor.u32 v2, v8;
	v5 =	vadd.f32 v54, v5  }
0x1f5: {  	v62 =	vmov s26;
	v60 =	vld.idx.msk [tilespmem:v10+s16+$0x0], $0xffff;
	v61 =	vor.u32 v1, v12  }
0x1f6: {  	s12 =	simm.s32 $0x100;
	v12 =	vshll.u32 v62, $0x3;
	v10 =	vor.u32 v2, v61;
	v5 =	vadd.f32 v6, v5  }
0x1f7: {  	v16 =	vmov s12;
	v63 =	vor.u32 v1, v12;
	v6 =	vld.idx.msk [tilespmem:v11+s16+$0x0], $0xffff  }
0x1f8: {  	s20 =	simm.s32 $0x102;
	v12 =	vshll.u32 v16, $0x3;
	v11 =	vor.u32 v2, v63;
	v5 =	vadd.f32 v7, v5  }
0x1f9: {  	v17 =	vmov s20;
	v7 =	vld.idx.msk [tilespmem:v8+s16+$0x0], $0xffff;
	v8 =	vor.u32 v1, v12  }
0x1fa: {  	s24 =	simm.s32 $0x104;
	v12 =	vshll.u32 v17, $0x3;
	v8 =	vor.u32 v2, v8;
	v5 =	vadd.f32 v60, v5  }
0x1fb: {  	v20 =	vmov s24;
	v18 =	vld.idx.msk [tilespmem:v10+s16+$0x0], $0xffff;
	v19 =	vor.u32 v1, v12  }
0x1fc: {  	s26 =	simm.s32 $0x106;
	v12 =	vshll.u32 v20, $0x3;
	v10 =	vor.u32 v2, v19;
	v5 =	vadd.f32 v6, v5  }
0x1fd: {  	v22 =	vmov s26;
	v21 =	vor.u32 v1, v12;
	v6 =	vld.idx.msk [tilespmem:v11+s16+$0x0], $0xffff  }
0x1fe: {  	s12 =	simm.s32 $0x108;
	v12 =	vshll.u32 v22, $0x3;
	v11 =	vor.u32 v2, v21;
	v5 =	vadd.f32 v7, v5  }
0x1ff: {  	v23 =	vmov s12;
	v7 =	vld.idx.msk [tilespmem:v8+s16+$0x0], $0xffff;
	v8 =	vor.u32 v1, v12  }
0x200: {  	s20 =	simm.s32 $0x10A;
	v12 =	vshll.u32 v23, $0x3;
	v8 =	vor.u32 v2, v8;
	v5 =	vadd.f32 v18, v5  }
0x201: {  	v26 =	vmov s20;
	v24 =	vld.idx.msk [tilespmem:v10+s16+$0x0], $0xffff;
	v25 =	vor.u32 v1, v12  }
0x202: {  	s24 =	simm.s32 $0x10C;
	v12 =	vshll.u32 v26, $0x3;
	v10 =	vor.u32 v2, v25;
	v5 =	vadd.f32 v6, v5  }
0x203: {  	v28 =	vmov s24;
	v27 =	vor.u32 v1, v12;
	v6 =	vld.idx.msk [tilespmem:v11+s16+$0x0], $0xffff  }
0x204: {  	s26 =	simm.s32 $0x10E;
	v12 =	vshll.u32 v28, $0x3;
	v11 =	vor.u32 v2, v27;
	v5 =	vadd.f32 v7, v5  }
0x205: {  	v29 =	vmov s26;
	v7 =	vld.idx.msk [tilespmem:v8+s16+$0x0], $0xffff;
	v8 =	vor.u32 v1, v12  }
0x206: {  	s12 =	simm.s32 $0x110;
	v12 =	vshll.u32 v29, $0x3;
	v8 =	vor.u32 v2, v8;
	v5 =	vadd.f32 v24, v5  }
0x207: {  	v32 =	vmov s12;
	v30 =	vld.idx.msk [tilespmem:v10+s16+$0x0], $0xffff;
	v31 =	vor.u32 v1, v12  }
0x208: {  	s20 =	simm.s32 $0x112;
	v12 =	vshll.u32 v32, $0x3;
	v10 =	vor.u32 v2, v31;
	v5 =	vadd.f32 v6, v5  }
0x209: {  	v34 =	vmov s20;
	v33 =	vor.u32 v1, v12;
	v6 =	vld.idx.msk [tilespmem:v11+s16+$0x0], $0xffff  }
0x20a: {  	s24 =	simm.s32 $0x114;
	v12 =	vshll.u32 v34, $0x3;
	v11 =	vor.u32 v2, v33;
	v5 =	vadd.f32 v7, v5  }
0x20b: {  	v35 =	vmov s24;
	v7 =	vld.idx.msk [tilespmem:v8+s16+$0x0], $0xffff;
	v8 =	vor.u32 v1, v12  }
0x20c: {  	s26 =	simm.s32 $0x116;
	v12 =	vshll.u32 v35, $0x3;
	v8 =	vor.u32 v2, v8;
	v5 =	vadd.f32 v30, v5  }
0x20d: {  	v38 =	vmov s26;
	v36 =	vld.idx.msk [tilespmem:v10+s16+$0x0], $0xffff;
	v37 =	vor.u32 v1, v12  }
0x20e: {  	s12 =	simm.s32 $0x118;
	v12 =	vshll.u32 v38, $0x3;
	v10 =	vor.u32 v2, v37;
	v5 =	vadd.f32 v6, v5  }
0x20f: {  	v40 =	vmov s12;
	v39 =	vor.u32 v1, v12;
	v6 =	vld.idx.msk [tilespmem:v11+s16+$0x0], $0xffff  }
0x210: {  	s20 =	simm.s32 $0x11A;
	v12 =	vshll.u32 v40, $0x3;
	v11 =	vor.u32 v2, v39;
	v5 =	vadd.f32 v7, v5  }
0x211: {  	v41 =	vmov s20;
	v7 =	vld.idx.msk [tilespmem:v8+s16+$0x0], $0xffff;
	v8 =	vor.u32 v1, v12  }
0x212: {  	s24 =	simm.s32 $0x11C;
	v12 =	vshll.u32 v41, $0x3;
	v8 =	vor.u32 v2, v8;
	v5 =	vadd.f32 v36, v5  }
0x213: {  	v44 =	vmov s24;
	v42 =	vld.idx.msk [tilespmem:v10+s16+$0x0], $0xffff;
	v43 =	vor.u32 v1, v12  }
0x214: {  	s26 =	simm.s32 $0x11E;
	v12 =	vshll.u32 v44, $0x3;
	v10 =	vor.u32 v2, v43;
	v5 =	vadd.f32 v6, v5  }
0x215: {  	v46 =	vmov s26;
	v45 =	vor.u32 v1, v12;
	v6 =	vld.idx.msk [tilespmem:v11+s16+$0x0], $0xffff  }
0x216: {  	s12 =	simm.s32 $0x120;
	v12 =	vshll.u32 v46, $0x3;
	v11 =	vor.u32 v2, v45;
	v5 =	vadd.f32 v7, v5  }
0x217: {  	v47 =	vmov s12;
	v7 =	vld.idx.msk [tilespmem:v8+s16+$0x0], $0xffff;
	v8 =	vor.u32 v1, v12  }
0x218: {  	s20 =	simm.s32 $0x122;
	v12 =	vshll.u32 v47, $0x3;
	v8 =	vor.u32 v2, v8;
	v5 =	vadd.f32 v42, v5  }
0x219: {  	v50 =	vmov s20;
	v48 =	vld.idx.msk [tilespmem:v10+s16+$0x0], $0xffff;
	v49 =	vor.u32 v1, v12  }
0x21a: {  	s24 =	simm.s32 $0x124;
	v12 =	vshll.u32 v50, $0x3;
	v10 =	vor.u32 v2, v49;
	v5 =	vadd.f32 v6, v5  }
0x21b: {  	v52 =	vmov s24;
	v51 =	vor.u32 v1, v12;
	v6 =	vld.idx.msk [tilespmem:v11+s16+$0x0], $0xffff  }
0x21c: {  	s26 =	simm.s32 $0x126;
	v12 =	vshll.u32 v52, $0x3;
	v11 =	vor.u32 v2, v51;
	v5 =	vadd.f32 v7, v5  }
0x21d: {  	v53 =	vmov s26;
	v7 =	vld.idx.msk [tilespmem:v8+s16+$0x0], $0xffff;
	v8 =	vor.u32 v1, v12  }
0x21e: {  	s12 =	simm.s32 $0x128;
	v12 =	vshll.u32 v53, $0x3;
	v8 =	vor.u32 v2, v8;
	v5 =	vadd.f32 v48, v5  }
0x21f: {  	v56 =	vmov s12;
	v54 =	vld.idx.msk [tilespmem:v10+s16+$0x0], $0xffff;
	v55 =	vor.u32 v1, v12  }
0x220: {  	s20 =	simm.s32 $0x12A;
	v12 =	vshll.u32 v56, $0x3;
	v10 =	vor.u32 v2, v55;
	v5 =	vadd.f32 v6, v5  }
0x221: {  	v58 =	vmov s20;
	v57 =	vor.u32 v1, v12;
	v6 =	vld.idx.msk [tilespmem:v11+s16+$0x0], $0xffff  }
0x222: {  	s24 =	simm.s32 $0x12C;
	v12 =	vshll.u32 v58, $0x3;
	v11 =	vor.u32 v2, v57;
	v5 =	vadd.f32 v7, v5  }
0x223: {  	v59 =	vmov s24;
	v7 =	vld.idx.msk [tilespmem:v8+s16+$0x0], $0xffff;
	v8 =	vor.u32 v1, v12  }
0x224: {  	s26 =	simm.s32 $0x12E;
	v12 =	vshll.u32 v59, $0x3;
	v8 =	vor.u32 v2, v8;
	v5 =	vadd.f32 v54, v5  }
0x225: {  	v62 =	vmov s26;
	v60 =	vld.idx.msk [tilespmem:v10+s16+$0x0], $0xffff;
	v61 =	vor.u32 v1, v12  }
0x226: {  	s12 =	simm.s32 $0x130;
	v12 =	vshll.u32 v62, $0x3;
	v10 =	vor.u32 v2, v61;
	v5 =	vadd.f32 v6, v5  }
0x227: {  	v16 =	vmov s12;
	v63 =	vor.u32 v1, v12;
	v6 =	vld.idx.msk [tilespmem:v11+s16+$0x0], $0xffff  }
0x228: {  	s20 =	simm.s32 $0x132;
	v12 =	vshll.u32 v16, $0x3;
	v11 =	vor.u32 v2, v63;
	v5 =	vadd.f32 v7, v5  }
0x229: {  	v17 =	vmov s20;
	v7 =	vld.idx.msk [tilespmem:v8+s16+$0x0], $0xffff;
	v8 =	vor.u32 v1, v12  }
0x22a: {  	s24 =	simm.s32 $0x134;
	v12 =	vshll.u32 v17, $0x3;
	v8 =	vor.u32 v2, v8;
	v5 =	vadd.f32 v60, v5  }
0x22b: {  	v20 =	vmov s24;
	v18 =	vld.idx.msk [tilespmem:v10+s16+$0x0], $0xffff;
	v19 =	vor.u32 v1, v12  }
0x22c: {  	s26 =	simm.s32 $0x136;
	v12 =	vshll.u32 v20, $0x3;
	v10 =	vor.u32 v2, v19;
	v5 =	vadd.f32 v6, v5  }
0x22d: {  	v22 =	vmov s26;
	v21 =	vor.u32 v1, v12;
	v6 =	vld.idx.msk [tilespmem:v11+s16+$0x0], $0xffff  }
0x22e: {  	s12 =	simm.s32 $0x138;
	v12 =	vshll.u32 v22, $0x3;
	v11 =	vor.u32 v2, v21;
	v5 =	vadd.f32 v7, v5  }
0x22f: {  	v23 =	vmov s12;
	v7 =	vld.idx.msk [tilespmem:v8+s16+$0x0], $0xffff;
	v8 =	vor.u32 v1, v12  }
0x230: {  	s20 =	simm.s32 $0x13A;
	v12 =	vshll.u32 v23, $0x3;
	v8 =	vor.u32 v2, v8;
	v5 =	vadd.f32 v18, v5  }
0x231: {  	v26 =	vmov s20;
	v24 =	vld.idx.msk [tilespmem:v10+s16+$0x0], $0xffff;
	v25 =	vor.u32 v1, v12  }
0x232: {  	s24 =	simm.s32 $0x13C;
	v12 =	vshll.u32 v26, $0x3;
	v10 =	vor.u32 v2, v25;
	v5 =	vadd.f32 v6, v5  }
0x233: {  	v28 =	vmov s24;
	v27 =	vor.u32 v1, v12;
	v6 =	vld.idx.msk [tilespmem:v11+s16+$0x0], $0xffff  }
0x234: {  	s26 =	simm.s32 $0x13E;
	v12 =	vshll.u32 v28, $0x3;
	v11 =	vor.u32 v2, v27;
	v5 =	vadd.f32 v7, v5  }
0x235: {  	v29 =	vmov s26;
	v7 =	vld.idx.msk [tilespmem:v8+s16+$0x0], $0xffff;
	v8 =	vor.u32 v1, v12  }
0x236: {  	s12 =	simm.s32 $0x140;
	v12 =	vshll.u32 v29, $0x3;
	v8 =	vor.u32 v2, v8;
	v5 =	vadd.f32 v24, v5  }
0x237: {  	v32 =	vmov s12;
	v30 =	vld.idx.msk [tilespmem:v10+s16+$0x0], $0xffff;
	v31 =	vor.u32 v1, v12  }
0x238: {  	s20 =	simm.s32 $0x142;
	v12 =	vshll.u32 v32, $0x3;
	v10 =	vor.u32 v2, v31;
	v5 =	vadd.f32 v6, v5  }
0x239: {  	v34 =	vmov s20;
	v33 =	vor.u32 v1, v12;
	v6 =	vld.idx.msk [tilespmem:v11+s16+$0x0], $0xffff  }
0x23a: {  	s24 =	simm.s32 $0x144;
	v12 =	vshll.u32 v34, $0x3;
	v11 =	vor.u32 v2, v33;
	v5 =	vadd.f32 v7, v5  }
0x23b: {  	v35 =	vmov s24;
	v7 =	vld.idx.msk [tilespmem:v8+s16+$0x0], $0xffff;
	v8 =	vor.u32 v1, v12  }
0x23c: {  	s26 =	simm.s32 $0x146;
	v12 =	vshll.u32 v35, $0x3;
	v8 =	vor.u32 v2, v8;
	v5 =	vadd.f32 v30, v5  }
0x23d: {  	v38 =	vmov s26;
	v36 =	vld.idx.msk [tilespmem:v10+s16+$0x0], $0xffff;
	v37 =	vor.u32 v1, v12  }
0x23e: {  	s12 =	simm.s32 $0x148;
	v12 =	vshll.u32 v38, $0x3;
	v10 =	vor.u32 v2, v37;
	v5 =	vadd.f32 v6, v5  }
0x23f: {  	v40 =	vmov s12;
	v39 =	vor.u32 v1, v12;
	v6 =	vld.idx.msk [tilespmem:v11+s16+$0x0], $0xffff  }
0x240: {  	s20 =	simm.s32 $0x14A;
	v12 =	vshll.u32 v40, $0x3;
	v11 =	vor.u32 v2, v39;
	v5 =	vadd.f32 v7, v5  }
0x241: {  	v41 =	vmov s20;
	v7 =	vld.idx.msk [tilespmem:v8+s16+$0x0], $0xffff;
	v8 =	vor.u32 v1, v12  }
0x242: {  	s24 =	simm.s32 $0x14C;
	v12 =	vshll.u32 v41, $0x3;
	v8 =	vor.u32 v2, v8;
	v5 =	vadd.f32 v36, v5  }
0x243: {  	v44 =	vmov s24;
	v42 =	vld.idx.msk [tilespmem:v10+s16+$0x0], $0xffff;
	v43 =	vor.u32 v1, v12  }
0x244: {  	s26 =	simm.s32 $0x14E;
	v12 =	vshll.u32 v44, $0x3;
	v10 =	vor.u32 v2, v43;
	v5 =	vadd.f32 v6, v5  }
0x245: {  	v46 =	vmov s26;
	v45 =	vor.u32 v1, v12;
	v6 =	vld.idx.msk [tilespmem:v11+s16+$0x0], $0xffff  }
0x246: {  	s12 =	simm.s32 $0x150;
	v12 =	vshll.u32 v46, $0x3;
	v11 =	vor.u32 v2, v45;
	v5 =	vadd.f32 v7, v5  }
0x247: {  	v47 =	vmov s12;
	v7 =	vld.idx.msk [tilespmem:v8+s16+$0x0], $0xffff;
	v8 =	vor.u32 v1, v12  }
0x248: {  	s20 =	simm.s32 $0x152;
	v12 =	vshll.u32 v47, $0x3;
	v8 =	vor.u32 v2, v8;
	v5 =	vadd.f32 v42, v5  }
0x249: {  	v50 =	vmov s20;
	v48 =	vld.idx.msk [tilespmem:v10+s16+$0x0], $0xffff;
	v49 =	vor.u32 v1, v12  }
0x24a: {  	s24 =	simm.s32 $0x154;
	v12 =	vshll.u32 v50, $0x3;
	v10 =	vor.u32 v2, v49;
	v5 =	vadd.f32 v6, v5  }
0x24b: {  	v52 =	vmov s24;
	v51 =	vor.u32 v1, v12;
	v6 =	vld.idx.msk [tilespmem:v11+s16+$0x0], $0xffff  }
0x24c: {  	s26 =	simm.s32 $0x156;
	v12 =	vshll.u32 v52, $0x3;
	v11 =	vor.u32 v2, v51;
	v5 =	vadd.f32 v7, v5  }
0x24d: {  	v53 =	vmov s26;
	v7 =	vld.idx.msk [tilespmem:v8+s16+$0x0], $0xffff;
	v8 =	vor.u32 v1, v12  }
0x24e: {  	s12 =	simm.s32 $0x158;
	v12 =	vshll.u32 v53, $0x3;
	v8 =	vor.u32 v2, v8;
	v5 =	vadd.f32 v48, v5  }
0x24f: {  	v56 =	vmov s12;
	v54 =	vld.idx.msk [tilespmem:v10+s16+$0x0], $0xffff;
	v55 =	vor.u32 v1, v12  }
0x250: {  	s20 =	simm.s32 $0x15A;
	v12 =	vshll.u32 v56, $0x3;
	v10 =	vor.u32 v2, v55;
	v5 =	vadd.f32 v6, v5  }
0x251: {  	v58 =	vmov s20;
	v57 =	vor.u32 v1, v12;
	v6 =	vld.idx.msk [tilespmem:v11+s16+$0x0], $0xffff  }
0x252: {  	s24 =	simm.s32 $0x15C;
	v12 =	vshll.u32 v58, $0x3;
	v11 =	vor.u32 v2, v57;
	v5 =	vadd.f32 v7, v5  }
0x253: {  	v59 =	vmov s24;
	v7 =	vld.idx.msk [tilespmem:v8+s16+$0x0], $0xffff;
	v8 =	vor.u32 v1, v12  }
0x254: {  	s26 =	simm.s32 $0x15E;
	v12 =	vshll.u32 v59, $0x3;
	v8 =	vor.u32 v2, v8;
	v5 =	vadd.f32 v54, v5  }
0x255: {  	v62 =	vmov s26;
	v60 =	vld.idx.msk [tilespmem:v10+s16+$0x0], $0xffff;
	v61 =	vor.u32 v1, v12  }
0x256: {  	s12 =	simm.s32 $0x160;
	v12 =	vshll.u32 v62, $0x3;
	v10 =	vor.u32 v2, v61;
	v5 =	vadd.f32 v6, v5  }
0x257: {  	v16 =	vmov s12;
	v63 =	vor.u32 v1, v12;
	v6 =	vld.idx.msk [tilespmem:v11+s16+$0x0], $0xffff  }
0x258: {  	s20 =	simm.s32 $0x162;
	v12 =	vshll.u32 v16, $0x3;
	v11 =	vor.u32 v2, v63;
	v5 =	vadd.f32 v7, v5  }
0x259: {  	v17 =	vmov s20;
	v7 =	vld.idx.msk [tilespmem:v8+s16+$0x0], $0xffff;
	v8 =	vor.u32 v1, v12  }
0x25a: {  	s24 =	simm.s32 $0x164;
	v12 =	vshll.u32 v17, $0x3;
	v8 =	vor.u32 v2, v8;
	v5 =	vadd.f32 v60, v5  }
0x25b: {  	v20 =	vmov s24;
	v18 =	vld.idx.msk [tilespmem:v10+s16+$0x0], $0xffff;
	v19 =	vor.u32 v1, v12  }
0x25c: {  	s26 =	simm.s32 $0x166;
	v12 =	vshll.u32 v20, $0x3;
	v10 =	vor.u32 v2, v19;
	v5 =	vadd.f32 v6, v5  }
0x25d: {  	v22 =	vmov s26;
	v21 =	vor.u32 v1, v12;
	v6 =	vld.idx.msk [tilespmem:v11+s16+$0x0], $0xffff  }
0x25e: {  	s12 =	simm.s32 $0x168;
	v12 =	vshll.u32 v22, $0x3;
	v11 =	vor.u32 v2, v21;
	v5 =	vadd.f32 v7, v5  }
0x25f: {  	v23 =	vmov s12;
	v7 =	vld.idx.msk [tilespmem:v8+s16+$0x0], $0xffff;
	v8 =	vor.u32 v1, v12  }
0x260: {  	s20 =	simm.s32 $0x16A;
	v12 =	vshll.u32 v23, $0x3;
	v8 =	vor.u32 v2, v8;
	v5 =	vadd.f32 v18, v5  }
0x261: {  	v26 =	vmov s20;
	v24 =	vld.idx.msk [tilespmem:v10+s16+$0x0], $0xffff;
	v25 =	vor.u32 v1, v12  }
0x262: {  	s24 =	simm.s32 $0x16C;
	v12 =	vshll.u32 v26, $0x3;
	v10 =	vor.u32 v2, v25;
	v5 =	vadd.f32 v6, v5  }
0x263: {  	v28 =	vmov s24;
	v27 =	vor.u32 v1, v12;
	v6 =	vld.idx.msk [tilespmem:v11+s16+$0x0], $0xffff  }
0x264: {  	s26 =	simm.s32 $0x16E;
	v12 =	vshll.u32 v28, $0x3;
	v11 =	vor.u32 v2, v27;
	v5 =	vadd.f32 v7, v5  }
0x265: {  	v29 =	vmov s26;
	v7 =	vld.idx.msk [tilespmem:v8+s16+$0x0], $0xffff;
	v8 =	vor.u32 v1, v12  }
0x266: {  	s12 =	simm.s32 $0x170;
	v12 =	vshll.u32 v29, $0x3;
	v8 =	vor.u32 v2, v8;
	v5 =	vadd.f32 v24, v5  }
0x267: {  	v32 =	vmov s12;
	v30 =	vld.idx.msk [tilespmem:v10+s16+$0x0], $0xffff;
	v31 =	vor.u32 v1, v12  }
0x268: {  	s20 =	simm.s32 $0x172;
	v12 =	vshll.u32 v32, $0x3;
	v10 =	vor.u32 v2, v31;
	v5 =	vadd.f32 v6, v5  }
0x269: {  	v34 =	vmov s20;
	v33 =	vor.u32 v1, v12;
	v6 =	vld.idx.msk [tilespmem:v11+s16+$0x0], $0xffff  }
0x26a: {  	s24 =	simm.s32 $0x174;
	v12 =	vshll.u32 v34, $0x3;
	v11 =	vor.u32 v2, v33;
	v5 =	vadd.f32 v7, v5  }
0x26b: {  	v35 =	vmov s24;
	v7 =	vld.idx.msk [tilespmem:v8+s16+$0x0], $0xffff;
	v8 =	vor.u32 v1, v12  }
0x26c: {  	s26 =	simm.s32 $0x176;
	v12 =	vshll.u32 v35, $0x3;
	v8 =	vor.u32 v2, v8;
	v5 =	vadd.f32 v30, v5  }
0x26d: {  	v38 =	vmov s26;
	v36 =	vld.idx.msk [tilespmem:v10+s16+$0x0], $0xffff;
	v37 =	vor.u32 v1, v12  }
0x26e: {  	s12 =	simm.s32 $0x178;
	v12 =	vshll.u32 v38, $0x3;
	v10 =	vor.u32 v2, v37;
	v5 =	vadd.f32 v6, v5  }
0x26f: {  	v40 =	vmov s12;
	v39 =	vor.u32 v1, v12;
	v6 =	vld.idx.msk [tilespmem:v11+s16+$0x0], $0xffff  }
0x270: {  	s20 =	simm.s32 $0x17A;
	v12 =	vshll.u32 v40, $0x3;
	v11 =	vor.u32 v2, v39;
	v5 =	vadd.f32 v7, v5  }
0x271: {  	v41 =	vmov s20;
	v7 =	vld.idx.msk [tilespmem:v8+s16+$0x0], $0xffff;
	v8 =	vor.u32 v1, v12  }
0x272: {  	s24 =	simm.s32 $0x17C;
	v12 =	vshll.u32 v41, $0x3;
	v8 =	vor.u32 v2, v8;
	v5 =	vadd.f32 v36, v5  }
0x273: {  	v44 =	vmov s24;
	v42 =	vld.idx.msk [tilespmem:v10+s16+$0x0], $0xffff;
	v43 =	vor.u32 v1, v12  }
0x274: {  	s26 =	simm.s32 $0x17E;
	v12 =	vshll.u32 v44, $0x3;
	v10 =	vor.u32 v2, v43;
	v5 =	vadd.f32 v6, v5  }
0x275: {  	v46 =	vmov s26;
	v45 =	vor.u32 v1, v12;
	v6 =	vld.idx.msk [tilespmem:v11+s16+$0x0], $0xffff  }
0x276: {  	s12 =	simm.s32 $0x180;
	v12 =	vshll.u32 v46, $0x3;
	v11 =	vor.u32 v2, v45;
	v5 =	vadd.f32 v7, v5  }
0x277: {  	v47 =	vmov s12;
	v7 =	vld.idx.msk [tilespmem:v8+s16+$0x0], $0xffff;
	v8 =	vor.u32 v1, v12  }
0x278: {  	s20 =	simm.s32 $0x182;
	v12 =	vshll.u32 v47, $0x3;
	v8 =	vor.u32 v2, v8;
	v5 =	vadd.f32 v42, v5  }
0x279: {  	v50 =	vmov s20;
	v48 =	vld.idx.msk [tilespmem:v10+s16+$0x0], $0xffff;
	v49 =	vor.u32 v1, v12  }
0x27a: {  	s24 =	simm.s32 $0x184;
	v12 =	vshll.u32 v50, $0x3;
	v10 =	vor.u32 v2, v49;
	v5 =	vadd.f32 v6, v5  }
0x27b: {  	v52 =	vmov s24;
	v51 =	vor.u32 v1, v12;
	v6 =	vld.idx.msk [tilespmem:v11+s16+$0x0], $0xffff  }
0x27c: {  	v12 =	vshll.u32 v52, $0x3;
	v11 =	vor.u32 v2, v51;
	v5 =	vadd.f32 v7, v5  }
0x27d: {  	s26 =	simm.s32 $0x186;
	v7 =	vld.idx.msk [tilespmem:v8+s16+$0x0], $0xffff;
	v8 =	vor.u32 v1, v12  }
0x27e: {  	v53 =	vmov s26;
	v8 =	vor.u32 v2, v8;
	v5 =	vadd.f32 v48, v5  }
0x27f: {  	s12 =	simm.s32 $0x188;
	v12 =	vshll.u32 v53, $0x3;
	v54 =	vld.idx.msk [tilespmem:v10+s16+$0x0], $0xffff  }
0x280: {  	v56 =	vmov s12;
	v55 =	vor.u32 v1, v12;
	v5 =	vadd.f32 v6, v5  }
0x281: {  	s20 =	simm.s32 $0x18A;
	v12 =	vshll.u32 v56, $0x3;
	v10 =	vor.u32 v2, v55;
	v6 =	vld.idx.msk [tilespmem:v11+s16+$0x0], $0xffff  }
0x282: {  	v58 =	vmov s20;
	v57 =	vor.u32 v1, v12;
	v5 =	vadd.f32 v7, v5  }
0x283: {  	v12 =	vshll.u32 v58, $0x3;
	v11 =	vor.u32 v2, v57;
	v7 =	vld.idx.msk [tilespmem:v8+s16+$0x0], $0xffff  }
0x284: {  	s24 =	simm.s32 $0x18C;
	v8 =	vor.u32 v1, v12;
	v5 =	vadd.f32 v54, v5  }
0x285: {  	v59 =	vmov s24;
	v8 =	vor.u32 v2, v8  }
0x286: {  	s26 =	simm.s32 $0x18E;
	v12 =	vshll.u32 v59, $0x3;
	v60 =	vld.idx.msk [tilespmem:v10+s16+$0x0], $0xffff;
	v5 =	vadd.f32 v6, v5  }
0x287: {  	v62 =	vmov s26;
	v61 =	vor.u32 v1, v12  }
0x288: {  	v10 =	vor.u32 v2, v61;
	v6 =	vld.idx.msk [tilespmem:v11+s16+$0x0], $0xffff;
	v5 =	vadd.f32 v7, v5;
	v7 =	vshll.u32 v62, $0x3  }
0x289: {  	v7 =	vor.u32 v1, v7  }
0x28a: {  	v8 =	vld.idx.msk [tilespmem:v8+s16+$0x0], $0xffff;
	v7 =	vor.u32 v2, v7  }
0x28b: {  	v5 =	vadd.f32 v60, v5;
	_ =	sdelay $0x1  }
0x28c: {  	v63 =	vld.idx.msk [tilespmem:v10+s16+$0x0], $0xffff;
	v5 =	vadd.f32 v6, v5;
	_ =	sdelay $0x1  }
0x28d: {  	v6 =	vadd.f32 v8, v5;
	v5 =	vld.idx.msk [tilespmem:v7+s16+$0x0], $0xffff;
	_ =	sdelay $0x1  }
0x28e: {  	s11 =	simm.s32 $0x190  }
0x28f: {  	s20 =	smov.u32 s25;
	s24 =	simm.s32 $0x256;
	s26 =	simm.s32 $0x31E;
	v6 =	vadd.f32 v63, v6  }
.LBB2_7:
0x290: {  	p1 =	sne.s32 s26, $0xC7E;
	v7 =	vmov s11  }
0x291: {  	s11 =	sadd.s32 $0xFFFFFF3C, s24;
	s20 =	sadd.s32 $0x4, s20;
	v7 =	vshll.u32 v7, $0x3;
	v5 =	vadd.f32 v5, v6  }
0x292: {  	v8 =	vor.u32 s20, v4;
	v6 =	vor.u32 v1, v7;
	v7 =	vmov s11  }
0x293: {  	s11 =	sadd.s32 $0xFFFFFF3E, s24;
	v6 =	vor.u32 v2, v6;
	v7 =	vshll.u32 v7, $0x3;
	v9 =	vperm.xlane v5, v3  }
0x294: {  	v10 =	vmov s11;
	v7 =	vor.u32 v1, v7  }
0x295: {  	s11 =	sadd.s32 $0xFFFFFF40, s24;
	v10 =	vshll.u32 v10, $0x3;
	v7 =	vor.u32 v2, v7;
	v5 =	vadd.f32 v9, v5  }
0x296: {  	v9 =	vor.u32 v1, v10;
	v10 =	vmov s11  }
0x297: {  	s11 =	sadd.s32 $0xFFFFFF42, s24;
	v9 =	vor.u32 v2, v9;
	v10 =	vshll.u32 v10, $0x3;
	[tilespmem:v8+s18+$0x0] =	vst.idx.msk $0xf, v5  }
0x298: {  	v8 =	vmov s11;
	v5 =	vld.idx.msk [tilespmem:v6+s16+$0x0], $0xffff;
	v6 =	vor.u32 v1, v10  }
0x299: {  	s11 =	sadd.s32 $0xFFFFFF44, s24;
	v8 =	vshll.u32 v8, $0x3;
	v6 =	vor.u32 v2, v6  }
0x29a: {  	v10 =	vmov s11;
	v8 =	vor.u32 v1, v8;
	v7 =	vld.idx.msk [tilespmem:v7+s16+$0x0], $0xffff  }
0x29b: {  	s11 =	sadd.s32 $0xFFFFFF46, s24;
	v10 =	vshll.u32 v10, $0x3;
	v8 =	vor.u32 v2, v8  }
0x29c: {  	v11 =	vmov s11;
	v10 =	vor.u32 v1, v10;
	v9 =	vld.idx.msk [tilespmem:v9+s16+$0x0], $0xffff  }
0x29d: {  	s11 =	sadd.s32 $0xFFFFFF48, s24;
	v11 =	vshll.u32 v11, $0x3;
	v10 =	vor.u32 v2, v10  }
0x29e: {  	v12 =	vmov s11;
	v11 =	vor.u32 v1, v11;
	v5 =	vadd.f32 $0.0e+00, v5;
	v6 =	vld.idx.msk [tilespmem:v6+s16+$0x0], $0xffff  }
0x29f: {  	s11 =	sadd.s32 $0xFFFFFF4A, s24;
	v12 =	vshll.u32 v12, $0x3;
	v11 =	vor.u32 v2, v11  }
0x2a0: {  	v5 =	vadd.f32 v7, v5;
	v7 =	vld.idx.msk [tilespmem:v8+s16+$0x0], $0xffff;
	v8 =	vor.u32 v1, v12;
	v12 =	vmov s11  }
0x2a1: {  	s11 =	sadd.s32 $0xFFFFFF4C, s24;
	v8 =	vor.u32 v2, v8;
	v12 =	vshll.u32 v12, $0x3  }
0x2a2: {  	v5 =	vadd.f32 v9, v5;
	v9 =	vld.idx.msk [tilespmem:v10+s16+$0x0], $0xffff;
	v10 =	vor.u32 v1, v12;
	v12 =	vmov s11  }
0x2a3: {  	s11 =	sadd.s32 $0xFFFFFF4E, s24;
	v10 =	vor.u32 v2, v10;
	v12 =	vshll.u32 v12, $0x3  }
0x2a4: {  	v5 =	vadd.f32 v6, v5;
	v6 =	vld.idx.msk [tilespmem:v11+s16+$0x0], $0xffff;
	v11 =	vor.u32 v1, v12;
	v12 =	vmov s11  }
0x2a5: {  	s11 =	sadd.s32 $0xFFFFFF50, s24;
	v11 =	vor.u32 v2, v11;
	v12 =	vshll.u32 v12, $0x3  }
0x2a6: {  	v5 =	vadd.f32 v7, v5;
	v7 =	vld.idx.msk [tilespmem:v8+s16+$0x0], $0xffff;
	v8 =	vor.u32 v1, v12;
	v12 =	vmov s11  }
0x2a7: {  	s11 =	sadd.s32 $0xFFFFFF52, s24;
	v8 =	vor.u32 v2, v8;
	v12 =	vshll.u32 v12, $0x3  }
0x2a8: {  	v5 =	vadd.f32 v9, v5;
	v9 =	vld.idx.msk [tilespmem:v10+s16+$0x0], $0xffff;
	v10 =	vor.u32 v1, v12;
	v12 =	vmov s11  }
0x2a9: {  	s11 =	sadd.s32 $0xFFFFFF54, s24;
	v10 =	vor.u32 v2, v10;
	v12 =	vshll.u32 v12, $0x3  }
0x2aa: {  	v5 =	vadd.f32 v6, v5;
	v6 =	vld.idx.msk [tilespmem:v11+s16+$0x0], $0xffff;
	v11 =	vor.u32 v1, v12;
	v12 =	vmov s11  }
0x2ab: {  	s11 =	sadd.s32 $0xFFFFFF56, s24;
	v11 =	vor.u32 v2, v11;
	v12 =	vshll.u32 v12, $0x3  }
0x2ac: {  	v5 =	vadd.f32 v7, v5;
	v7 =	vld.idx.msk [tilespmem:v8+s16+$0x0], $0xffff;
	v8 =	vor.u32 v1, v12;
	v12 =	vmov s11  }
0x2ad: {  	s11 =	sadd.s32 $0xFFFFFF58, s24;
	v8 =	vor.u32 v2, v8;
	v12 =	vshll.u32 v12, $0x3  }
0x2ae: {  	v5 =	vadd.f32 v9, v5;
	v9 =	vld.idx.msk [tilespmem:v10+s16+$0x0], $0xffff;
	v10 =	vor.u32 v1, v12;
	v12 =	vmov s11  }
0x2af: {  	s11 =	sadd.s32 $0xFFFFFF5A, s24;
	v10 =	vor.u32 v2, v10;
	v12 =	vshll.u32 v12, $0x3  }
0x2b0: {  	v5 =	vadd.f32 v6, v5;
	v6 =	vld.idx.msk [tilespmem:v11+s16+$0x0], $0xffff;
	v11 =	vor.u32 v1, v12;
	v12 =	vmov s11  }
0x2b1: {  	s11 =	sadd.s32 $0xFFFFFF5C, s24;
	v11 =	vor.u32 v2, v11;
	v12 =	vshll.u32 v12, $0x3  }
0x2b2: {  	v5 =	vadd.f32 v7, v5;
	v7 =	vld.idx.msk [tilespmem:v8+s16+$0x0], $0xffff;
	v8 =	vor.u32 v1, v12;
	v12 =	vmov s11  }
0x2b3: {  	s11 =	sadd.s32 $0xFFFFFF5E, s24;
	v8 =	vor.u32 v2, v8;
	v12 =	vshll.u32 v12, $0x3  }
0x2b4: {  	v5 =	vadd.f32 v9, v5;
	v9 =	vld.idx.msk [tilespmem:v10+s16+$0x0], $0xffff;
	v10 =	vor.u32 v1, v12;
	v12 =	vmov s11  }
0x2b5: {  	s11 =	sadd.s32 $0xFFFFFF60, s24;
	v10 =	vor.u32 v2, v10;
	v12 =	vshll.u32 v12, $0x3  }
0x2b6: {  	v5 =	vadd.f32 v6, v5;
	v6 =	vld.idx.msk [tilespmem:v11+s16+$0x0], $0xffff;
	v11 =	vor.u32 v1, v12;
	v12 =	vmov s11  }
0x2b7: {  	s11 =	sadd.s32 $0xFFFFFF62, s24;
	v11 =	vor.u32 v2, v11;
	v12 =	vshll.u32 v12, $0x3  }
0x2b8: {  	v5 =	vadd.f32 v7, v5;
	v7 =	vld.idx.msk [tilespmem:v8+s16+$0x0], $0xffff;
	v8 =	vor.u32 v1, v12;
	v12 =	vmov s11  }
0x2b9: {  	s11 =	sadd.s32 $0xFFFFFF64, s24;
	v8 =	vor.u32 v2, v8;
	v12 =	vshll.u32 v12, $0x3  }
0x2ba: {  	v5 =	vadd.f32 v9, v5;
	v9 =	vld.idx.msk [tilespmem:v10+s16+$0x0], $0xffff;
	v10 =	vor.u32 v1, v12;
	v12 =	vmov s11  }
0x2bb: {  	s11 =	sadd.s32 $0xFFFFFF66, s24;
	v10 =	vor.u32 v2, v10;
	v12 =	vshll.u32 v12, $0x3  }
0x2bc: {  	v5 =	vadd.f32 v6, v5;
	v6 =	vld.idx.msk [tilespmem:v11+s16+$0x0], $0xffff;
	v11 =	vor.u32 v1, v12;
	v12 =	vmov s11  }
0x2bd: {  	s11 =	sadd.s32 $0xFFFFFF68, s24;
	v11 =	vor.u32 v2, v11;
	v12 =	vshll.u32 v12, $0x3  }
0x2be: {  	v5 =	vadd.f32 v7, v5;
	v7 =	vld.idx.msk [tilespmem:v8+s16+$0x0], $0xffff;
	v8 =	vor.u32 v1, v12;
	v12 =	vmov s11  }
0x2bf: {  	s11 =	sadd.s32 $0xFFFFFF6A, s24;
	v8 =	vor.u32 v2, v8;
	v12 =	vshll.u32 v12, $0x3  }
0x2c0: {  	v5 =	vadd.f32 v9, v5;
	v9 =	vld.idx.msk [tilespmem:v10+s16+$0x0], $0xffff;
	v10 =	vor.u32 v1, v12;
	v12 =	vmov s11  }
0x2c1: {  	s11 =	sadd.s32 $0xFFFFFF6C, s24;
	v10 =	vor.u32 v2, v10;
	v12 =	vshll.u32 v12, $0x3  }
0x2c2: {  	v5 =	vadd.f32 v6, v5;
	v6 =	vld.idx.msk [tilespmem:v11+s16+$0x0], $0xffff;
	v11 =	vor.u32 v1, v12;
	v12 =	vmov s11  }
0x2c3: {  	s11 =	sadd.s32 $0xFFFFFF6E, s24;
	v11 =	vor.u32 v2, v11;
	v12 =	vshll.u32 v12, $0x3  }
0x2c4: {  	v5 =	vadd.f32 v7, v5;
	v7 =	vld.idx.msk [tilespmem:v8+s16+$0x0], $0xffff;
	v8 =	vor.u32 v1, v12;
	v12 =	vmov s11  }
0x2c5: {  	s11 =	sadd.s32 $0xFFFFFF70, s24;
	v8 =	vor.u32 v2, v8;
	v12 =	vshll.u32 v12, $0x3  }
0x2c6: {  	v5 =	vadd.f32 v9, v5;
	v9 =	vld.idx.msk [tilespmem:v10+s16+$0x0], $0xffff;
	v10 =	vor.u32 v1, v12;
	v12 =	vmov s11  }
0x2c7: {  	s11 =	sadd.s32 $0xFFFFFF72, s24;
	v10 =	vor.u32 v2, v10;
	v12 =	vshll.u32 v12, $0x3  }
0x2c8: {  	v5 =	vadd.f32 v6, v5;
	v6 =	vld.idx.msk [tilespmem:v11+s16+$0x0], $0xffff;
	v11 =	vor.u32 v1, v12;
	v12 =	vmov s11  }
0x2c9: {  	s11 =	sadd.s32 $0xFFFFFF74, s24;
	v11 =	vor.u32 v2, v11;
	v12 =	vshll.u32 v12, $0x3  }
0x2ca: {  	v5 =	vadd.f32 v7, v5;
	v7 =	vld.idx.msk [tilespmem:v8+s16+$0x0], $0xffff;
	v8 =	vor.u32 v1, v12;
	v12 =	vmov s11  }
0x2cb: {  	s11 =	sadd.s32 $0xFFFFFF76, s24;
	v8 =	vor.u32 v2, v8;
	v12 =	vshll.u32 v12, $0x3  }
0x2cc: {  	v5 =	vadd.f32 v9, v5;
	v9 =	vld.idx.msk [tilespmem:v10+s16+$0x0], $0xffff;
	v10 =	vor.u32 v1, v12;
	v12 =	vmov s11  }
0x2cd: {  	s11 =	sadd.s32 $0xFFFFFF78, s24;
	v10 =	vor.u32 v2, v10;
	v12 =	vshll.u32 v12, $0x3  }
0x2ce: {  	v5 =	vadd.f32 v6, v5;
	v6 =	vld.idx.msk [tilespmem:v11+s16+$0x0], $0xffff;
	v11 =	vor.u32 v1, v12;
	v12 =	vmov s11  }
0x2cf: {  	s11 =	sadd.s32 $0xFFFFFF7A, s24;
	v11 =	vor.u32 v2, v11;
	v12 =	vshll.u32 v12, $0x3  }
0x2d0: {  	v5 =	vadd.f32 v7, v5;
	v7 =	vld.idx.msk [tilespmem:v8+s16+$0x0], $0xffff;
	v8 =	vor.u32 v1, v12;
	v12 =	vmov s11  }
0x2d1: {  	s11 =	sadd.s32 $0xFFFFFF7C, s24;
	v8 =	vor.u32 v2, v8;
	v12 =	vshll.u32 v12, $0x3  }
0x2d2: {  	v5 =	vadd.f32 v9, v5;
	v9 =	vld.idx.msk [tilespmem:v10+s16+$0x0], $0xffff;
	v10 =	vor.u32 v1, v12;
	v12 =	vmov s11  }
0x2d3: {  	s11 =	sadd.s32 $0xFFFFFF7E, s24;
	v10 =	vor.u32 v2, v10;
	v12 =	vshll.u32 v12, $0x3  }
0x2d4: {  	v5 =	vadd.f32 v6, v5;
	v6 =	vld.idx.msk [tilespmem:v11+s16+$0x0], $0xffff;
	v11 =	vor.u32 v1, v12;
	v12 =	vmov s11  }
0x2d5: {  	s11 =	sadd.s32 $0xFFFFFF80, s24;
	v11 =	vor.u32 v2, v11;
	v12 =	vshll.u32 v12, $0x3  }
0x2d6: {  	v5 =	vadd.f32 v7, v5;
	v7 =	vld.idx.msk [tilespmem:v8+s16+$0x0], $0xffff;
	v8 =	vor.u32 v1, v12;
	v12 =	vmov s11  }
0x2d7: {  	s11 =	sadd.s32 $0xFFFFFF82, s24;
	v8 =	vor.u32 v2, v8;
	v12 =	vshll.u32 v12, $0x3  }
0x2d8: {  	v5 =	vadd.f32 v9, v5;
	v9 =	vld.idx.msk [tilespmem:v10+s16+$0x0], $0xffff;
	v10 =	vor.u32 v1, v12;
	v12 =	vmov s11  }
0x2d9: {  	s11 =	sadd.s32 $0xFFFFFF84, s24;
	v10 =	vor.u32 v2, v10;
	v12 =	vshll.u32 v12, $0x3  }
0x2da: {  	v5 =	vadd.f32 v6, v5;
	v6 =	vld.idx.msk [tilespmem:v11+s16+$0x0], $0xffff;
	v11 =	vor.u32 v1, v12;
	v12 =	vmov s11  }
0x2db: {  	s11 =	sadd.s32 $0xFFFFFF86, s24;
	v11 =	vor.u32 v2, v11;
	v12 =	vshll.u32 v12, $0x3  }
0x2dc: {  	v5 =	vadd.f32 v7, v5;
	v7 =	vld.idx.msk [tilespmem:v8+s16+$0x0], $0xffff;
	v8 =	vor.u32 v1, v12;
	v12 =	vmov s11  }
0x2dd: {  	s11 =	sadd.s32 $0xFFFFFF88, s24;
	v8 =	vor.u32 v2, v8;
	v12 =	vshll.u32 v12, $0x3  }
0x2de: {  	v5 =	vadd.f32 v9, v5;
	v9 =	vld.idx.msk [tilespmem:v10+s16+$0x0], $0xffff;
	v10 =	vor.u32 v1, v12;
	v12 =	vmov s11  }
0x2df: {  	s11 =	sadd.s32 $0xFFFFFF8A, s24;
	v10 =	vor.u32 v2, v10;
	v12 =	vshll.u32 v12, $0x3  }
0x2e0: {  	v5 =	vadd.f32 v6, v5;
	v6 =	vld.idx.msk [tilespmem:v11+s16+$0x0], $0xffff;
	v11 =	vor.u32 v1, v12;
	v12 =	vmov s11  }
0x2e1: {  	s11 =	sadd.s32 $0xFFFFFF8C, s24;
	v11 =	vor.u32 v2, v11;
	v12 =	vshll.u32 v12, $0x3  }
0x2e2: {  	v5 =	vadd.f32 v7, v5;
	v7 =	vld.idx.msk [tilespmem:v8+s16+$0x0], $0xffff;
	v8 =	vor.u32 v1, v12;
	v12 =	vmov s11  }
0x2e3: {  	s11 =	sadd.s32 $0xFFFFFF8E, s24;
	v8 =	vor.u32 v2, v8;
	v12 =	vshll.u32 v12, $0x3  }
0x2e4: {  	v5 =	vadd.f32 v9, v5;
	v9 =	vld.idx.msk [tilespmem:v10+s16+$0x0], $0xffff;
	v10 =	vor.u32 v1, v12;
	v12 =	vmov s11  }
0x2e5: {  	s11 =	sadd.s32 $0xFFFFFF90, s24;
	v10 =	vor.u32 v2, v10;
	v12 =	vshll.u32 v12, $0x3  }
0x2e6: {  	v5 =	vadd.f32 v6, v5;
	v6 =	vld.idx.msk [tilespmem:v11+s16+$0x0], $0xffff;
	v11 =	vor.u32 v1, v12;
	v12 =	vmov s11  }
0x2e7: {  	s11 =	sadd.s32 $0xFFFFFF92, s24;
	v11 =	vor.u32 v2, v11;
	v12 =	vshll.u32 v12, $0x3  }
0x2e8: {  	v5 =	vadd.f32 v7, v5;
	v7 =	vld.idx.msk [tilespmem:v8+s16+$0x0], $0xffff;
	v8 =	vor.u32 v1, v12;
	v12 =	vmov s11  }
0x2e9: {  	s11 =	sadd.s32 $0xFFFFFF94, s24;
	v8 =	vor.u32 v2, v8;
	v12 =	vshll.u32 v12, $0x3  }
0x2ea: {  	v5 =	vadd.f32 v9, v5;
	v9 =	vld.idx.msk [tilespmem:v10+s16+$0x0], $0xffff;
	v10 =	vor.u32 v1, v12;
	v12 =	vmov s11  }
0x2eb: {  	s11 =	sadd.s32 $0xFFFFFF96, s24;
	v10 =	vor.u32 v2, v10;
	v12 =	vshll.u32 v12, $0x3  }
0x2ec: {  	v5 =	vadd.f32 v6, v5;
	v6 =	vld.idx.msk [tilespmem:v11+s16+$0x0], $0xffff;
	v11 =	vor.u32 v1, v12;
	v12 =	vmov s11  }
0x2ed: {  	s11 =	sadd.s32 $0xFFFFFF98, s24;
	v11 =	vor.u32 v2, v11;
	v12 =	vshll.u32 v12, $0x3  }
0x2ee: {  	v5 =	vadd.f32 v7, v5;
	v7 =	vld.idx.msk [tilespmem:v8+s16+$0x0], $0xffff;
	v8 =	vor.u32 v1, v12;
	v12 =	vmov s11  }
0x2ef: {  	s11 =	sadd.s32 $0xFFFFFF9A, s24;
	v8 =	vor.u32 v2, v8;
	v12 =	vshll.u32 v12, $0x3  }
0x2f0: {  	v5 =	vadd.f32 v9, v5;
	v9 =	vld.idx.msk [tilespmem:v10+s16+$0x0], $0xffff;
	v10 =	vor.u32 v1, v12;
	v12 =	vmov s11  }
0x2f1: {  	s11 =	sadd.s32 $0xFFFFFF9C, s24;
	v10 =	vor.u32 v2, v10;
	v12 =	vshll.u32 v12, $0x3  }
0x2f2: {  	v5 =	vadd.f32 v6, v5;
	v6 =	vld.idx.msk [tilespmem:v11+s16+$0x0], $0xffff;
	v11 =	vor.u32 v1, v12;
	v12 =	vmov s11  }
0x2f3: {  	s11 =	sadd.s32 $0xFFFFFF9E, s24;
	v11 =	vor.u32 v2, v11;
	v12 =	vshll.u32 v12, $0x3  }
0x2f4: {  	v5 =	vadd.f32 v7, v5;
	v7 =	vld.idx.msk [tilespmem:v8+s16+$0x0], $0xffff;
	v8 =	vor.u32 v1, v12;
	v12 =	vmov s11  }
0x2f5: {  	s11 =	sadd.s32 $0xFFFFFFA0, s24;
	v8 =	vor.u32 v2, v8;
	v12 =	vshll.u32 v12, $0x3  }
0x2f6: {  	v5 =	vadd.f32 v9, v5;
	v9 =	vld.idx.msk [tilespmem:v10+s16+$0x0], $0xffff;
	v10 =	vor.u32 v1, v12;
	v12 =	vmov s11  }
0x2f7: {  	s11 =	sadd.s32 $0xFFFFFFA2, s24;
	v10 =	vor.u32 v2, v10;
	v12 =	vshll.u32 v12, $0x3  }
0x2f8: {  	v5 =	vadd.f32 v6, v5;
	v6 =	vld.idx.msk [tilespmem:v11+s16+$0x0], $0xffff;
	v11 =	vor.u32 v1, v12;
	v12 =	vmov s11  }
0x2f9: {  	s11 =	sadd.s32 $0xFFFFFFA4, s24;
	v11 =	vor.u32 v2, v11;
	v12 =	vshll.u32 v12, $0x3  }
0x2fa: {  	v5 =	vadd.f32 v7, v5;
	v7 =	vld.idx.msk [tilespmem:v8+s16+$0x0], $0xffff;
	v8 =	vor.u32 v1, v12;
	v12 =	vmov s11  }
0x2fb: {  	s11 =	sadd.s32 $0xFFFFFFA6, s24;
	v8 =	vor.u32 v2, v8;
	v12 =	vshll.u32 v12, $0x3  }
0x2fc: {  	v5 =	vadd.f32 v9, v5;
	v9 =	vld.idx.msk [tilespmem:v10+s16+$0x0], $0xffff;
	v10 =	vor.u32 v1, v12;
	v12 =	vmov s11  }
0x2fd: {  	s11 =	sadd.s32 $0xFFFFFFA8, s24;
	v10 =	vor.u32 v2, v10;
	v12 =	vshll.u32 v12, $0x3  }
0x2fe: {  	v5 =	vadd.f32 v6, v5;
	v6 =	vld.idx.msk [tilespmem:v11+s16+$0x0], $0xffff;
	v11 =	vor.u32 v1, v12;
	v12 =	vmov s11  }
0x2ff: {  	s11 =	sadd.s32 $0xFFFFFFAA, s24;
	v11 =	vor.u32 v2, v11;
	v12 =	vshll.u32 v12, $0x3  }
0x300: {  	v5 =	vadd.f32 v7, v5;
	v7 =	vld.idx.msk [tilespmem:v8+s16+$0x0], $0xffff;
	v8 =	vor.u32 v1, v12;
	v12 =	vmov s11  }
0x301: {  	s11 =	sadd.s32 $0xFFFFFFAC, s24;
	v8 =	vor.u32 v2, v8;
	v12 =	vshll.u32 v12, $0x3  }
0x302: {  	v5 =	vadd.f32 v9, v5;
	v9 =	vld.idx.msk [tilespmem:v10+s16+$0x0], $0xffff;
	v10 =	vor.u32 v1, v12;
	v12 =	vmov s11  }
0x303: {  	s11 =	sadd.s32 $0xFFFFFFAE, s24;
	v10 =	vor.u32 v2, v10;
	v12 =	vshll.u32 v12, $0x3  }
0x304: {  	v5 =	vadd.f32 v6, v5;
	v6 =	vld.idx.msk [tilespmem:v11+s16+$0x0], $0xffff;
	v11 =	vor.u32 v1, v12;
	v12 =	vmov s11  }
0x305: {  	s11 =	sadd.s32 $0xFFFFFFB0, s24;
	v11 =	vor.u32 v2, v11;
	v12 =	vshll.u32 v12, $0x3  }
0x306: {  	v5 =	vadd.f32 v7, v5;
	v7 =	vld.idx.msk [tilespmem:v8+s16+$0x0], $0xffff;
	v8 =	vor.u32 v1, v12;
	v12 =	vmov s11  }
0x307: {  	s11 =	sadd.s32 $0xFFFFFFB2, s24;
	v8 =	vor.u32 v2, v8;
	v12 =	vshll.u32 v12, $0x3  }
0x308: {  	v5 =	vadd.f32 v9, v5;
	v9 =	vld.idx.msk [tilespmem:v10+s16+$0x0], $0xffff;
	v10 =	vor.u32 v1, v12;
	v12 =	vmov s11  }
0x309: {  	s11 =	sadd.s32 $0xFFFFFFB4, s24;
	v10 =	vor.u32 v2, v10;
	v12 =	vshll.u32 v12, $0x3  }
0x30a: {  	v5 =	vadd.f32 v6, v5;
	v6 =	vld.idx.msk [tilespmem:v11+s16+$0x0], $0xffff;
	v11 =	vor.u32 v1, v12;
	v12 =	vmov s11  }
0x30b: {  	s11 =	sadd.s32 $0xFFFFFFB6, s24;
	v11 =	vor.u32 v2, v11;
	v12 =	vshll.u32 v12, $0x3  }
0x30c: {  	v5 =	vadd.f32 v7, v5;
	v7 =	vld.idx.msk [tilespmem:v8+s16+$0x0], $0xffff;
	v8 =	vor.u32 v1, v12;
	v12 =	vmov s11  }
0x30d: {  	s11 =	sadd.s32 $0xFFFFFFB8, s24;
	v8 =	vor.u32 v2, v8;
	v12 =	vshll.u32 v12, $0x3  }
0x30e: {  	v5 =	vadd.f32 v9, v5;
	v9 =	vld.idx.msk [tilespmem:v10+s16+$0x0], $0xffff;
	v10 =	vor.u32 v1, v12;
	v12 =	vmov s11  }
0x30f: {  	s11 =	sadd.s32 $0xFFFFFFBA, s24;
	v10 =	vor.u32 v2, v10;
	v12 =	vshll.u32 v12, $0x3  }
0x310: {  	v5 =	vadd.f32 v6, v5;
	v6 =	vld.idx.msk [tilespmem:v11+s16+$0x0], $0xffff;
	v11 =	vor.u32 v1, v12;
	v12 =	vmov s11  }
0x311: {  	s11 =	sadd.s32 $0xFFFFFFBC, s24;
	v11 =	vor.u32 v2, v11;
	v12 =	vshll.u32 v12, $0x3  }
0x312: {  	v5 =	vadd.f32 v7, v5;
	v7 =	vld.idx.msk [tilespmem:v8+s16+$0x0], $0xffff;
	v8 =	vor.u32 v1, v12;
	v12 =	vmov s11  }
0x313: {  	s11 =	sadd.s32 $0xFFFFFFBE, s24;
	v8 =	vor.u32 v2, v8;
	v12 =	vshll.u32 v12, $0x3  }
0x314: {  	v5 =	vadd.f32 v9, v5;
	v9 =	vld.idx.msk [tilespmem:v10+s16+$0x0], $0xffff;
	v10 =	vor.u32 v1, v12;
	v12 =	vmov s11  }
0x315: {  	s11 =	sadd.s32 $0xFFFFFFC0, s24;
	v10 =	vor.u32 v2, v10;
	v12 =	vshll.u32 v12, $0x3  }
0x316: {  	v5 =	vadd.f32 v6, v5;
	v6 =	vld.idx.msk [tilespmem:v11+s16+$0x0], $0xffff;
	v11 =	vor.u32 v1, v12;
	v12 =	vmov s11  }
0x317: {  	s11 =	sadd.s32 $0xFFFFFFC2, s24;
	v11 =	vor.u32 v2, v11;
	v12 =	vshll.u32 v12, $0x3  }
0x318: {  	v5 =	vadd.f32 v7, v5;
	v7 =	vld.idx.msk [tilespmem:v8+s16+$0x0], $0xffff;
	v8 =	vor.u32 v1, v12;
	v12 =	vmov s11  }
0x319: {  	s11 =	sadd.s32 $0xFFFFFFC4, s24;
	v8 =	vor.u32 v2, v8;
	v12 =	vshll.u32 v12, $0x3  }
0x31a: {  	v5 =	vadd.f32 v9, v5;
	v9 =	vld.idx.msk [tilespmem:v10+s16+$0x0], $0xffff;
	v10 =	vor.u32 v1, v12;
	v12 =	vmov s11  }
0x31b: {  	s11 =	sadd.s32 $0xFFFFFFC6, s24;
	v10 =	vor.u32 v2, v10;
	v12 =	vshll.u32 v12, $0x3  }
0x31c: {  	v5 =	vadd.f32 v6, v5;
	v6 =	vld.idx.msk [tilespmem:v11+s16+$0x0], $0xffff;
	v11 =	vor.u32 v1, v12;
	v12 =	vmov s11  }
0x31d: {  	s11 =	sadd.s32 $0xFFFFFFC8, s24;
	v11 =	vor.u32 v2, v11;
	v12 =	vshll.u32 v12, $0x3  }
0x31e: {  	v5 =	vadd.f32 v7, v5;
	v7 =	vld.idx.msk [tilespmem:v8+s16+$0x0], $0xffff;
	v8 =	vor.u32 v1, v12;
	v12 =	vmov s11  }
0x31f: {  	s11 =	sadd.s32 $0xFFFFFFCA, s24;
	v8 =	vor.u32 v2, v8;
	v12 =	vshll.u32 v12, $0x3  }
0x320: {  	v5 =	vadd.f32 v9, v5;
	v9 =	vld.idx.msk [tilespmem:v10+s16+$0x0], $0xffff;
	v10 =	vor.u32 v1, v12;
	v12 =	vmov s11  }
0x321: {  	s11 =	sadd.s32 $0xFFFFFFCC, s24;
	v10 =	vor.u32 v2, v10;
	v12 =	vshll.u32 v12, $0x3  }
0x322: {  	v5 =	vadd.f32 v6, v5;
	v6 =	vld.idx.msk [tilespmem:v11+s16+$0x0], $0xffff;
	v11 =	vor.u32 v1, v12;
	v12 =	vmov s11  }
0x323: {  	s11 =	sadd.s32 $0xFFFFFFCE, s24;
	v11 =	vor.u32 v2, v11;
	v12 =	vshll.u32 v12, $0x3  }
0x324: {  	v5 =	vadd.f32 v7, v5;
	v7 =	vld.idx.msk [tilespmem:v8+s16+$0x0], $0xffff;
	v8 =	vor.u32 v1, v12;
	v12 =	vmov s11  }
0x325: {  	s11 =	sadd.s32 $0xFFFFFFD0, s24;
	v8 =	vor.u32 v2, v8;
	v12 =	vshll.u32 v12, $0x3  }
0x326: {  	v5 =	vadd.f32 v9, v5;
	v9 =	vld.idx.msk [tilespmem:v10+s16+$0x0], $0xffff;
	v10 =	vor.u32 v1, v12;
	v12 =	vmov s11  }
0x327: {  	s11 =	sadd.s32 $0xFFFFFFD2, s24;
	v10 =	vor.u32 v2, v10;
	v12 =	vshll.u32 v12, $0x3  }
0x328: {  	v5 =	vadd.f32 v6, v5;
	v6 =	vld.idx.msk [tilespmem:v11+s16+$0x0], $0xffff;
	v11 =	vor.u32 v1, v12;
	v12 =	vmov s11  }
0x329: {  	s11 =	sadd.s32 $0xFFFFFFD4, s24;
	v11 =	vor.u32 v2, v11;
	v12 =	vshll.u32 v12, $0x3  }
0x32a: {  	v5 =	vadd.f32 v7, v5;
	v7 =	vld.idx.msk [tilespmem:v8+s16+$0x0], $0xffff;
	v8 =	vor.u32 v1, v12;
	v12 =	vmov s11  }
0x32b: {  	s11 =	sadd.s32 $0xFFFFFFD6, s24;
	v8 =	vor.u32 v2, v8;
	v12 =	vshll.u32 v12, $0x3  }
0x32c: {  	v5 =	vadd.f32 v9, v5;
	v9 =	vld.idx.msk [tilespmem:v10+s16+$0x0], $0xffff;
	v10 =	vor.u32 v1, v12;
	v12 =	vmov s11  }
0x32d: {  	s11 =	sadd.s32 $0xFFFFFFD8, s24;
	v10 =	vor.u32 v2, v10;
	v12 =	vshll.u32 v12, $0x3  }
0x32e: {  	v5 =	vadd.f32 v6, v5;
	v6 =	vld.idx.msk [tilespmem:v11+s16+$0x0], $0xffff;
	v11 =	vor.u32 v1, v12;
	v12 =	vmov s11  }
0x32f: {  	s11 =	sadd.s32 $0xFFFFFFDA, s24;
	v11 =	vor.u32 v2, v11;
	v12 =	vshll.u32 v12, $0x3  }
0x330: {  	v5 =	vadd.f32 v7, v5;
	v7 =	vld.idx.msk [tilespmem:v8+s16+$0x0], $0xffff;
	v8 =	vor.u32 v1, v12;
	v12 =	vmov s11  }
0x331: {  	s11 =	sadd.s32 $0xFFFFFFDC, s24;
	v8 =	vor.u32 v2, v8;
	v12 =	vshll.u32 v12, $0x3  }
0x332: {  	v5 =	vadd.f32 v9, v5;
	v9 =	vld.idx.msk [tilespmem:v10+s16+$0x0], $0xffff;
	v10 =	vor.u32 v1, v12;
	v12 =	vmov s11  }
0x333: {  	s11 =	sadd.s32 $0xFFFFFFDE, s24;
	v10 =	vor.u32 v2, v10;
	v12 =	vshll.u32 v12, $0x3  }
0x334: {  	v5 =	vadd.f32 v6, v5;
	v6 =	vld.idx.msk [tilespmem:v11+s16+$0x0], $0xffff;
	v11 =	vor.u32 v1, v12;
	v12 =	vmov s11  }
0x335: {  	s11 =	sadd.s32 $0xFFFFFFE0, s24;
	v11 =	vor.u32 v2, v11;
	v12 =	vshll.u32 v12, $0x3  }
0x336: {  	v5 =	vadd.f32 v7, v5;
	v7 =	vld.idx.msk [tilespmem:v8+s16+$0x0], $0xffff;
	v8 =	vor.u32 v1, v12;
	v12 =	vmov s11  }
0x337: {  	s11 =	sadd.s32 $0xFFFFFFE2, s24;
	v8 =	vor.u32 v2, v8;
	v12 =	vshll.u32 v12, $0x3  }
0x338: {  	v5 =	vadd.f32 v9, v5;
	v9 =	vld.idx.msk [tilespmem:v10+s16+$0x0], $0xffff;
	v10 =	vor.u32 v1, v12;
	v12 =	vmov s11  }
0x339: {  	s11 =	sadd.s32 $0xFFFFFFE4, s24;
	v10 =	vor.u32 v2, v10;
	v12 =	vshll.u32 v12, $0x3  }
0x33a: {  	v5 =	vadd.f32 v6, v5;
	v6 =	vld.idx.msk [tilespmem:v11+s16+$0x0], $0xffff;
	v11 =	vor.u32 v1, v12;
	v12 =	vmov s11  }
0x33b: {  	s11 =	sadd.s32 $0xFFFFFFE6, s24;
	v11 =	vor.u32 v2, v11;
	v12 =	vshll.u32 v12, $0x3  }
0x33c: {  	v5 =	vadd.f32 v7, v5;
	v7 =	vld.idx.msk [tilespmem:v8+s16+$0x0], $0xffff;
	v8 =	vor.u32 v1, v12;
	v12 =	vmov s11  }
0x33d: {  	s11 =	sadd.s32 $0xFFFFFFE8, s24;
	v8 =	vor.u32 v2, v8;
	v12 =	vshll.u32 v12, $0x3  }
0x33e: {  	v5 =	vadd.f32 v9, v5;
	v9 =	vld.idx.msk [tilespmem:v10+s16+$0x0], $0xffff;
	v10 =	vor.u32 v1, v12;
	v12 =	vmov s11  }
0x33f: {  	s11 =	sadd.s32 $0xFFFFFFEA, s24;
	v10 =	vor.u32 v2, v10;
	v12 =	vshll.u32 v12, $0x3  }
0x340: {  	v5 =	vadd.f32 v6, v5;
	v6 =	vld.idx.msk [tilespmem:v11+s16+$0x0], $0xffff;
	v11 =	vor.u32 v1, v12;
	v12 =	vmov s11  }
0x341: {  	s11 =	sadd.s32 $0xFFFFFFEC, s24;
	v11 =	vor.u32 v2, v11;
	v12 =	vshll.u32 v12, $0x3  }
0x342: {  	v5 =	vadd.f32 v7, v5;
	v7 =	vld.idx.msk [tilespmem:v8+s16+$0x0], $0xffff;
	v8 =	vor.u32 v1, v12;
	v12 =	vmov s11  }
0x343: {  	s11 =	sadd.s32 $0xFFFFFFEE, s24;
	v8 =	vor.u32 v2, v8;
	v12 =	vshll.u32 v12, $0x3  }
0x344: {  	v5 =	vadd.f32 v9, v5;
	v9 =	vld.idx.msk [tilespmem:v10+s16+$0x0], $0xffff;
	v10 =	vor.u32 v1, v12;
	v12 =	vmov s11  }
0x345: {  	s11 =	sadd.s32 $0xFFFFFFF0, s24;
	v10 =	vor.u32 v2, v10;
	v12 =	vshll.u32 v12, $0x3  }
0x346: {  	v5 =	vadd.f32 v6, v5;
	v6 =	vld.idx.msk [tilespmem:v11+s16+$0x0], $0xffff;
	v11 =	vor.u32 v1, v12;
	v12 =	vmov s11  }
0x347: {  	s11 =	sadd.s32 $0xFFFFFFF2, s24;
	v11 =	vor.u32 v2, v11;
	v12 =	vshll.u32 v12, $0x3  }
0x348: {  	v5 =	vadd.f32 v7, v5;
	v7 =	vld.idx.msk [tilespmem:v8+s16+$0x0], $0xffff;
	v8 =	vor.u32 v1, v12;
	v12 =	vmov s11  }
0x349: {  	s11 =	sadd.s32 $0xFFFFFFF4, s24;
	v8 =	vor.u32 v2, v8;
	v12 =	vshll.u32 v12, $0x3  }
0x34a: {  	v5 =	vadd.f32 v9, v5;
	v9 =	vld.idx.msk [tilespmem:v10+s16+$0x0], $0xffff;
	v10 =	vor.u32 v1, v12;
	v12 =	vmov s11  }
0x34b: {  	s11 =	sadd.s32 $0xFFFFFFF6, s24;
	v10 =	vor.u32 v2, v10;
	v12 =	vshll.u32 v12, $0x3  }
0x34c: {  	v5 =	vadd.f32 v6, v5;
	v6 =	vld.idx.msk [tilespmem:v11+s16+$0x0], $0xffff;
	v11 =	vor.u32 v1, v12;
	v12 =	vmov s11  }
0x34d: {  	s11 =	sadd.s32 $0xFFFFFFF8, s24;
	v11 =	vor.u32 v2, v11;
	v12 =	vshll.u32 v12, $0x3  }
0x34e: {  	v5 =	vadd.f32 v7, v5;
	v7 =	vld.idx.msk [tilespmem:v8+s16+$0x0], $0xffff;
	v8 =	vor.u32 v1, v12;
	v12 =	vmov s11  }
0x34f: {  	s11 =	sadd.s32 $0xFFFFFFFA, s24;
	v8 =	vor.u32 v2, v8;
	v12 =	vshll.u32 v12, $0x3  }
0x350: {  	v5 =	vadd.f32 v9, v5;
	v9 =	vld.idx.msk [tilespmem:v10+s16+$0x0], $0xffff;
	v10 =	vor.u32 v1, v12;
	v12 =	vmov s11  }
0x351: {  	s11 =	sadd.s32 $0xFFFFFFFC, s24;
	v10 =	vor.u32 v2, v10;
	v12 =	vshll.u32 v12, $0x3  }
0x352: {  	v5 =	vadd.f32 v6, v5;
	v6 =	vld.idx.msk [tilespmem:v11+s16+$0x0], $0xffff;
	v11 =	vor.u32 v1, v12;
	v12 =	vmov s11  }
0x353: {  	s11 =	sadd.s32 $0xFFFFFFFE, s24;
	v11 =	vor.u32 v2, v11;
	v12 =	vshll.u32 v12, $0x3  }
0x354: {  	v5 =	vadd.f32 v7, v5;
	v7 =	vld.idx.msk [tilespmem:v8+s16+$0x0], $0xffff;
	v8 =	vor.u32 v1, v12;
	v12 =	vmov s11  }
0x355: {  	v8 =	vor.u32 v2, v8;
	v12 =	vshll.u32 v12, $0x3  }
0x356: {  	v5 =	vadd.f32 v9, v5;
	v9 =	vld.idx.msk [tilespmem:v10+s16+$0x0], $0xffff;
	v10 =	vor.u32 v1, v12;
	v12 =	vmov s24;
	s24 =	smov.u32 s26  }
0x357: {  	v10 =	vor.u32 v2, v10;
	v12 =	vshll.u32 v12, $0x3  }
0x358: {  	v5 =	vadd.f32 v6, v5;
	v6 =	vld.idx.msk [tilespmem:v11+s16+$0x0], $0xffff;
	v11 =	vor.u32 v1, v12  }
0x359: {  	v11 =	vor.u32 v2, v11  }
0x35a: {  	v5 =	vadd.f32 v7, v5;
	v7 =	vld.idx.msk [tilespmem:v8+s16+$0x0], $0xffff;
	_ =	sdelay $0x1  }
0x35b: {  	v5 =	vadd.f32 v9, v5;
	v8 =	vld.idx.msk [tilespmem:v10+s16+$0x0], $0xffff;
	_ =	sdelay $0x1  }
.Ltmp2:
0x35c: {  	v6 =	vadd.f32 v6, v5;
	v5 =	vld.idx.msk [tilespmem:v11+s16+$0x0], $0xffff;
	(pc) =	sbr.rel @p1 .LBB2_7-.Ltmp2, $3  }
0x35d: {  	_ = 	snop  }
0x35e: {  	v6 =	vadd.f32 v7, v6;
	_ =	sdelay $0x1  }
0x35f: {  	s26 =	sadd.s32 $0xC8, s26;
	s11 =	sadd.s32 $0xFFFFFF3A, s24;
	v6 =	vadd.f32 v8, v6  }
0x360: {  	v7 =	vmov s11  }
0x361: {  	s26 =	sadd.s32 $0xFFFFFF3C, s24;
	s20 =	sadd.s32 $0x4, s20;
	v7 =	vshll.u32 v7, $0x3;
	v5 =	vadd.f32 v5, v6  }
0x362: {  	v8 =	vor.u32 s20, v4;
	v6 =	vor.u32 v1, v7;
	v7 =	vmov s26  }
0x363: {  	s12 =	sadd.s32 $0xFFFFFF3E, s24;
	v6 =	vor.u32 v2, v6;
	v7 =	vshll.u32 v7, $0x3;
	v9 =	vperm.xlane v5, v3  }
0x364: {  	v10 =	vmov s12;
	v7 =	vor.u32 v1, v7  }
0x365: {  	v10 =	vshll.u32 v10, $0x3;
	s26 =	sadd.s32 $0xFFFFFF40, s24;
	v7 =	vor.u32 v2, v7;
	v5 =	vadd.f32 v9, v5  }
0x366: {  	v35 =	vor.u32 v1, v10;
	v36 =	vmov s26  }
0x367: {  	s12 =	sadd.s32 $0xFFFFFF42, s24;
	v10 =	vshll.u32 v36, $0x3;
	v9 =	vor.u32 v2, v35;
	[tilespmem:v8+s18+$0x0] =	vst.idx.msk $0xf, v5  }
0x368: {  	v37 =	vmov s12;
	v5 =	vld.idx.msk [tilespmem:v6+s16+$0x0], $0xffff;
	v6 =	vor.u32 v1, v10  }
0x369: {  	s26 =	sadd.s32 $0xFFFFFF44, s24;
	v8 =	vshll.u32 v37, $0x3;
	v6 =	vor.u32 v2, v6  }
0x36a: {  	v38 =	vmov s26;
	v8 =	vor.u32 v1, v8;
	v7 =	vld.idx.msk [tilespmem:v7+s16+$0x0], $0xffff  }
0x36b: {  	s12 =	sadd.s32 $0xFFFFFF46, s24;
	v10 =	vshll.u32 v38, $0x3;
	v8 =	vor.u32 v2, v8  }
0x36c: {  	v11 =	vmov s12;
	v10 =	vor.u32 v1, v10;
	v9 =	vld.idx.msk [tilespmem:v9+s16+$0x0], $0xffff  }
0x36d: {  	v11 =	vshll.u32 v11, $0x3;
	s26 =	sadd.s32 $0xFFFFFF48, s24;
	v10 =	vor.u32 v2, v10;
	v5 =	vadd.f32 $0.0e+00, v5  }
0x36e: {  	v11 =	vor.u32 v1, v11;
	v12 =	vmov s26;
	v6 =	vld.idx.msk [tilespmem:v6+s16+$0x0], $0xffff  }
0x36f: {  	s12 =	sadd.s32 $0xFFFFFF4A, s24;
	v11 =	vor.u32 v2, v11;
	v12 =	vshll.u32 v12, $0x3;
	v5 =	vadd.f32 v7, v5  }
0x370: {  	v40 =	vmov s12;
	v39 =	vor.u32 v1, v12;
	v7 =	vld.idx.msk [tilespmem:v8+s16+$0x0], $0xffff  }
0x371: {  	s26 =	sadd.s32 $0xFFFFFF4C, s24;
	v12 =	vshll.u32 v40, $0x3;
	v8 =	vor.u32 v2, v39;
	v5 =	vadd.f32 v9, v5  }
0x372: {  	v43 =	vmov s26;
	v42 =	vor.u32 v1, v12;
	v41 =	vld.idx.msk [tilespmem:v10+s16+$0x0], $0xffff  }
0x373: {  	s12 =	sadd.s32 $0xFFFFFF4E, s24;
	v12 =	vshll.u32 v43, $0x3;
	v10 =	vor.u32 v2, v42;
	v5 =	vadd.f32 v6, v5  }
0x374: {  	v45 =	vmov s12;
	v44 =	vor.u32 v1, v12;
	v6 =	vld.idx.msk [tilespmem:v11+s16+$0x0], $0xffff  }
0x375: {  	s26 =	sadd.s32 $0xFFFFFF50, s24;
	v12 =	vshll.u32 v45, $0x3;
	v11 =	vor.u32 v2, v44;
	v5 =	vadd.f32 v7, v5  }
0x376: {  	v47 =	vmov s26;
	v46 =	vor.u32 v1, v12;
	v7 =	vld.idx.msk [tilespmem:v8+s16+$0x0], $0xffff  }
0x377: {  	s12 =	sadd.s32 $0xFFFFFF52, s24;
	v12 =	vshll.u32 v47, $0x3;
	v8 =	vor.u32 v2, v46;
	v5 =	vadd.f32 v41, v5  }
0x378: {  	v50 =	vmov s12;
	v49 =	vor.u32 v1, v12;
	v48 =	vld.idx.msk [tilespmem:v10+s16+$0x0], $0xffff  }
0x379: {  	s26 =	sadd.s32 $0xFFFFFF54, s24;
	v12 =	vshll.u32 v50, $0x3;
	v10 =	vor.u32 v2, v49;
	v5 =	vadd.f32 v6, v5  }
0x37a: {  	v52 =	vmov s26;
	v51 =	vor.u32 v1, v12;
	v6 =	vld.idx.msk [tilespmem:v11+s16+$0x0], $0xffff  }
0x37b: {  	s12 =	sadd.s32 $0xFFFFFF56, s24;
	v12 =	vshll.u32 v52, $0x3;
	v11 =	vor.u32 v2, v51;
	v5 =	vadd.f32 v7, v5  }
0x37c: {  	v54 =	vmov s12;
	v53 =	vor.u32 v1, v12;
	v7 =	vld.idx.msk [tilespmem:v8+s16+$0x0], $0xffff  }
0x37d: {  	s26 =	sadd.s32 $0xFFFFFF58, s24;
	v12 =	vshll.u32 v54, $0x3;
	v8 =	vor.u32 v2, v53;
	v5 =	vadd.f32 v48, v5  }
0x37e: {  	v57 =	vmov s26;
	v56 =	vor.u32 v1, v12;
	v55 =	vld.idx.msk [tilespmem:v10+s16+$0x0], $0xffff  }
0x37f: {  	s12 =	sadd.s32 $0xFFFFFF5A, s24;
	v12 =	vshll.u32 v57, $0x3;
	v10 =	vor.u32 v2, v56;
	v5 =	vadd.f32 v6, v5  }
0x380: {  	v59 =	vmov s12;
	v58 =	vor.u32 v1, v12;
	v6 =	vld.idx.msk [tilespmem:v11+s16+$0x0], $0xffff  }
0x381: {  	s26 =	sadd.s32 $0xFFFFFF5C, s24;
	v12 =	vshll.u32 v59, $0x3;
	v11 =	vor.u32 v2, v58;
	v5 =	vadd.f32 v7, v5  }
0x382: {  	v61 =	vmov s26;
	v60 =	vor.u32 v1, v12;
	v7 =	vld.idx.msk [tilespmem:v8+s16+$0x0], $0xffff  }
0x383: {  	s12 =	sadd.s32 $0xFFFFFF5E, s24;
	v12 =	vshll.u32 v61, $0x3;
	v8 =	vor.u32 v2, v60;
	v5 =	vadd.f32 v55, v5  }
0x384: {  	v16 =	vmov s12;
	v63 =	vor.u32 v1, v12;
	v62 =	vld.idx.msk [tilespmem:v10+s16+$0x0], $0xffff  }
0x385: {  	s26 =	sadd.s32 $0xFFFFFF60, s24;
	v12 =	vshll.u32 v16, $0x3;
	v10 =	vor.u32 v2, v63;
	v5 =	vadd.f32 v6, v5  }
0x386: {  	v18 =	vmov s26;
	v17 =	vor.u32 v1, v12;
	v6 =	vld.idx.msk [tilespmem:v11+s16+$0x0], $0xffff  }
0x387: {  	s12 =	sadd.s32 $0xFFFFFF62, s24;
	v12 =	vshll.u32 v18, $0x3;
	v11 =	vor.u32 v2, v17;
	v5 =	vadd.f32 v7, v5  }
0x388: {  	v20 =	vmov s12;
	v19 =	vor.u32 v1, v12;
	v7 =	vld.idx.msk [tilespmem:v8+s16+$0x0], $0xffff  }
0x389: {  	s26 =	sadd.s32 $0xFFFFFF64, s24;
	v12 =	vshll.u32 v20, $0x3;
	v8 =	vor.u32 v2, v19;
	v5 =	vadd.f32 v62, v5  }
0x38a: {  	v23 =	vmov s26;
	v22 =	vor.u32 v1, v12;
	v21 =	vld.idx.msk [tilespmem:v10+s16+$0x0], $0xffff  }
0x38b: {  	s12 =	sadd.s32 $0xFFFFFF66, s24;
	v12 =	vshll.u32 v23, $0x3;
	v10 =	vor.u32 v2, v22;
	v5 =	vadd.f32 v6, v5  }
0x38c: {  	v25 =	vmov s12;
	v24 =	vor.u32 v1, v12;
	v6 =	vld.idx.msk [tilespmem:v11+s16+$0x0], $0xffff  }
0x38d: {  	s26 =	sadd.s32 $0xFFFFFF68, s24;
	v12 =	vshll.u32 v25, $0x3;
	v11 =	vor.u32 v2, v24;
	v5 =	vadd.f32 v7, v5  }
0x38e: {  	v27 =	vmov s26;
	v26 =	vor.u32 v1, v12;
	v7 =	vld.idx.msk [tilespmem:v8+s16+$0x0], $0xffff  }
0x38f: {  	s12 =	sadd.s32 $0xFFFFFF6A, s24;
	v12 =	vshll.u32 v27, $0x3;
	v8 =	vor.u32 v2, v26;
	v5 =	vadd.f32 v21, v5  }
0x390: {  	v30 =	vmov s12;
	v29 =	vor.u32 v1, v12;
	v28 =	vld.idx.msk [tilespmem:v10+s16+$0x0], $0xffff  }
0x391: {  	s26 =	sadd.s32 $0xFFFFFF6C, s24;
	v12 =	vshll.u32 v30, $0x3;
	v10 =	vor.u32 v2, v29;
	v5 =	vadd.f32 v6, v5  }
0x392: {  	v32 =	vmov s26;
	v31 =	vor.u32 v1, v12;
	v6 =	vld.idx.msk [tilespmem:v11+s16+$0x0], $0xffff  }
0x393: {  	s12 =	sadd.s32 $0xFFFFFF6E, s24;
	v12 =	vshll.u32 v32, $0x3;
	v11 =	vor.u32 v2, v31;
	v5 =	vadd.f32 v7, v5  }
0x394: {  	v34 =	vmov s12;
	v33 =	vor.u32 v1, v12;
	v7 =	vld.idx.msk [tilespmem:v8+s16+$0x0], $0xffff  }
0x395: {  	s26 =	sadd.s32 $0xFFFFFF70, s24;
	v12 =	vshll.u32 v34, $0x3;
	v8 =	vor.u32 v2, v33;
	v5 =	vadd.f32 v28, v5  }
0x396: {  	v37 =	vmov s26;
	v36 =	vor.u32 v1, v12;
	v35 =	vld.idx.msk [tilespmem:v10+s16+$0x0], $0xffff  }
0x397: {  	s12 =	sadd.s32 $0xFFFFFF72, s24;
	v12 =	vshll.u32 v37, $0x3;
	v10 =	vor.u32 v2, v36;
	v5 =	vadd.f32 v6, v5  }
0x398: {  	v39 =	vmov s12;
	v38 =	vor.u32 v1, v12;
	v6 =	vld.idx.msk [tilespmem:v11+s16+$0x0], $0xffff  }
0x399: {  	s26 =	sadd.s32 $0xFFFFFF74, s24;
	v12 =	vshll.u32 v39, $0x3;
	v11 =	vor.u32 v2, v38;
	v5 =	vadd.f32 v7, v5  }
0x39a: {  	v41 =	vmov s26;
	v40 =	vor.u32 v1, v12;
	v7 =	vld.idx.msk [tilespmem:v8+s16+$0x0], $0xffff  }
0x39b: {  	s12 =	sadd.s32 $0xFFFFFF76, s24;
	v12 =	vshll.u32 v41, $0x3;
	v8 =	vor.u32 v2, v40;
	v5 =	vadd.f32 v35, v5  }
0x39c: {  	v44 =	vmov s12;
	v43 =	vor.u32 v1, v12;
	v42 =	vld.idx.msk [tilespmem:v10+s16+$0x0], $0xffff  }
0x39d: {  	s26 =	sadd.s32 $0xFFFFFF78, s24;
	v12 =	vshll.u32 v44, $0x3;
	v10 =	vor.u32 v2, v43;
	v5 =	vadd.f32 v6, v5  }
0x39e: {  	v46 =	vmov s26;
	v45 =	vor.u32 v1, v12;
	v6 =	vld.idx.msk [tilespmem:v11+s16+$0x0], $0xffff  }
0x39f: {  	s12 =	sadd.s32 $0xFFFFFF7A, s24;
	v12 =	vshll.u32 v46, $0x3;
	v11 =	vor.u32 v2, v45;
	v5 =	vadd.f32 v7, v5  }
0x3a0: {  	v48 =	vmov s12;
	v47 =	vor.u32 v1, v12;
	v7 =	vld.idx.msk [tilespmem:v8+s16+$0x0], $0xffff  }
0x3a1: {  	s26 =	sadd.s32 $0xFFFFFF7C, s24;
	v12 =	vshll.u32 v48, $0x3;
	v8 =	vor.u32 v2, v47;
	v5 =	vadd.f32 v42, v5  }
0x3a2: {  	v51 =	vmov s26;
	v50 =	vor.u32 v1, v12;
	v49 =	vld.idx.msk [tilespmem:v10+s16+$0x0], $0xffff  }
0x3a3: {  	s12 =	sadd.s32 $0xFFFFFF7E, s24;
	v12 =	vshll.u32 v51, $0x3;
	v10 =	vor.u32 v2, v50;
	v5 =	vadd.f32 v6, v5  }
0x3a4: {  	v53 =	vmov s12;
	v52 =	vor.u32 v1, v12;
	v6 =	vld.idx.msk [tilespmem:v11+s16+$0x0], $0xffff  }
0x3a5: {  	s26 =	sadd.s32 $0xFFFFFF80, s24;
	v12 =	vshll.u32 v53, $0x3;
	v11 =	vor.u32 v2, v52;
	v5 =	vadd.f32 v7, v5  }
0x3a6: {  	v54 =	vor.u32 v1, v12;
	v55 =	vmov s26;
	v7 =	vld.idx.msk [tilespmem:v8+s16+$0x0], $0xffff  }
0x3a7: {  	s12 =	sadd.s32 $0xFFFFFF82, s24;
	v12 =	vshll.u32 v55, $0x3;
	v8 =	vor.u32 v2, v54;
	v5 =	vadd.f32 v49, v5  }
0x3a8: {  	v58 =	vmov s12;
	v57 =	vor.u32 v1, v12;
	v56 =	vld.idx.msk [tilespmem:v10+s16+$0x0], $0xffff  }
0x3a9: {  	s26 =	sadd.s32 $0xFFFFFF84, s24;
	v12 =	vshll.u32 v58, $0x3;
	v10 =	vor.u32 v2, v57;
	v5 =	vadd.f32 v6, v5  }
0x3aa: {  	v60 =	vmov s26;
	v59 =	vor.u32 v1, v12;
	v6 =	vld.idx.msk [tilespmem:v11+s16+$0x0], $0xffff  }
0x3ab: {  	s12 =	sadd.s32 $0xFFFFFF86, s24;
	v12 =	vshll.u32 v60, $0x3;
	v11 =	vor.u32 v2, v59;
	v5 =	vadd.f32 v7, v5  }
0x3ac: {  	v61 =	vor.u32 v1, v12;
	v62 =	vmov s12;
	v7 =	vld.idx.msk [tilespmem:v8+s16+$0x0], $0xffff  }
0x3ad: {  	s26 =	sadd.s32 $0xFFFFFF88, s24;
	v12 =	vshll.u32 v62, $0x3;
	v8 =	vor.u32 v2, v61;
	v5 =	vadd.f32 v56, v5  }
0x3ae: {  	v17 =	vmov s26;
	v16 =	vor.u32 v1, v12;
	v63 =	vld.idx.msk [tilespmem:v10+s16+$0x0], $0xffff  }
0x3af: {  	s12 =	sadd.s32 $0xFFFFFF8A, s24;
	v12 =	vshll.u32 v17, $0x3;
	v10 =	vor.u32 v2, v16;
	v5 =	vadd.f32 v6, v5  }
0x3b0: {  	v19 =	vmov s12;
	v18 =	vor.u32 v1, v12;
	v6 =	vld.idx.msk [tilespmem:v11+s16+$0x0], $0xffff  }
0x3b1: {  	s26 =	sadd.s32 $0xFFFFFF8C, s24;
	v12 =	vshll.u32 v19, $0x3;
	v11 =	vor.u32 v2, v18;
	v5 =	vadd.f32 v7, v5  }
0x3b2: {  	v20 =	vor.u32 v1, v12;
	v21 =	vmov s26;
	v7 =	vld.idx.msk [tilespmem:v8+s16+$0x0], $0xffff  }
0x3b3: {  	s12 =	sadd.s32 $0xFFFFFF8E, s24;
	v12 =	vshll.u32 v21, $0x3;
	v8 =	vor.u32 v2, v20;
	v5 =	vadd.f32 v63, v5  }
0x3b4: {  	v24 =	vmov s12;
	v23 =	vor.u32 v1, v12;
	v22 =	vld.idx.msk [tilespmem:v10+s16+$0x0], $0xffff  }
0x3b5: {  	s26 =	sadd.s32 $0xFFFFFF90, s24;
	v12 =	vshll.u32 v24, $0x3;
	v10 =	vor.u32 v2, v23;
	v5 =	vadd.f32 v6, v5  }
0x3b6: {  	v26 =	vmov s26;
	v25 =	vor.u32 v1, v12;
	v6 =	vld.idx.msk [tilespmem:v11+s16+$0x0], $0xffff  }
0x3b7: {  	s12 =	sadd.s32 $0xFFFFFF92, s24;
	v12 =	vshll.u32 v26, $0x3;
	v11 =	vor.u32 v2, v25;
	v5 =	vadd.f32 v7, v5  }
0x3b8: {  	v27 =	vor.u32 v1, v12;
	v28 =	vmov s12;
	v7 =	vld.idx.msk [tilespmem:v8+s16+$0x0], $0xffff  }
0x3b9: {  	s26 =	sadd.s32 $0xFFFFFF94, s24;
	v12 =	vshll.u32 v28, $0x3;
	v8 =	vor.u32 v2, v27;
	v5 =	vadd.f32 v22, v5  }
0x3ba: {  	v31 =	vmov s26;
	v30 =	vor.u32 v1, v12;
	v29 =	vld.idx.msk [tilespmem:v10+s16+$0x0], $0xffff  }
0x3bb: {  	s12 =	sadd.s32 $0xFFFFFF96, s24;
	v12 =	vshll.u32 v31, $0x3;
	v10 =	vor.u32 v2, v30;
	v5 =	vadd.f32 v6, v5  }
0x3bc: {  	v33 =	vmov s12;
	v32 =	vor.u32 v1, v12;
	v6 =	vld.idx.msk [tilespmem:v11+s16+$0x0], $0xffff  }
0x3bd: {  	s26 =	sadd.s32 $0xFFFFFF98, s24;
	v12 =	vshll.u32 v33, $0x3;
	v11 =	vor.u32 v2, v32;
	v5 =	vadd.f32 v7, v5  }
0x3be: {  	v34 =	vor.u32 v1, v12;
	v35 =	vmov s26;
	v7 =	vld.idx.msk [tilespmem:v8+s16+$0x0], $0xffff  }
0x3bf: {  	s12 =	sadd.s32 $0xFFFFFF9A, s24;
	v12 =	vshll.u32 v35, $0x3;
	v8 =	vor.u32 v2, v34;
	v5 =	vadd.f32 v29, v5  }
0x3c0: {  	v38 =	vmov s12;
	v37 =	vor.u32 v1, v12;
	v36 =	vld.idx.msk [tilespmem:v10+s16+$0x0], $0xffff  }
0x3c1: {  	s26 =	sadd.s32 $0xFFFFFF9C, s24;
	v12 =	vshll.u32 v38, $0x3;
	v10 =	vor.u32 v2, v37;
	v5 =	vadd.f32 v6, v5  }
0x3c2: {  	v40 =	vmov s26;
	v39 =	vor.u32 v1, v12;
	v6 =	vld.idx.msk [tilespmem:v11+s16+$0x0], $0xffff  }
0x3c3: {  	s12 =	sadd.s32 $0xFFFFFF9E, s24;
	v12 =	vshll.u32 v40, $0x3;
	v11 =	vor.u32 v2, v39;
	v5 =	vadd.f32 v7, v5  }
0x3c4: {  	v41 =	vor.u32 v1, v12;
	v42 =	vmov s12;
	v7 =	vld.idx.msk [tilespmem:v8+s16+$0x0], $0xffff  }
0x3c5: {  	s26 =	sadd.s32 $0xFFFFFFA0, s24;
	v12 =	vshll.u32 v42, $0x3;
	v8 =	vor.u32 v2, v41;
	v5 =	vadd.f32 v36, v5  }
0x3c6: {  	v45 =	vmov s26;
	v44 =	vor.u32 v1, v12;
	v43 =	vld.idx.msk [tilespmem:v10+s16+$0x0], $0xffff  }
0x3c7: {  	s12 =	sadd.s32 $0xFFFFFFA2, s24;
	v12 =	vshll.u32 v45, $0x3;
	v10 =	vor.u32 v2, v44;
	v5 =	vadd.f32 v6, v5  }
0x3c8: {  	v47 =	vmov s12;
	v46 =	vor.u32 v1, v12;
	v6 =	vld.idx.msk [tilespmem:v11+s16+$0x0], $0xffff  }
0x3c9: {  	s26 =	sadd.s32 $0xFFFFFFA4, s24;
	v12 =	vshll.u32 v47, $0x3;
	v11 =	vor.u32 v2, v46;
	v5 =	vadd.f32 v7, v5  }
0x3ca: {  	v48 =	vor.u32 v1, v12;
	v49 =	vmov s26;
	v7 =	vld.idx.msk [tilespmem:v8+s16+$0x0], $0xffff  }
0x3cb: {  	s12 =	sadd.s32 $0xFFFFFFA6, s24;
	v12 =	vshll.u32 v49, $0x3;
	v8 =	vor.u32 v2, v48;
	v5 =	vadd.f32 v43, v5  }
0x3cc: {  	v52 =	vmov s12;
	v51 =	vor.u32 v1, v12;
	v50 =	vld.idx.msk [tilespmem:v10+s16+$0x0], $0xffff  }
0x3cd: {  	s26 =	sadd.s32 $0xFFFFFFA8, s24;
	v12 =	vshll.u32 v52, $0x3;
	v10 =	vor.u32 v2, v51;
	v5 =	vadd.f32 v6, v5  }
0x3ce: {  	v54 =	vmov s26;
	v53 =	vor.u32 v1, v12;
	v6 =	vld.idx.msk [tilespmem:v11+s16+$0x0], $0xffff  }
0x3cf: {  	s12 =	sadd.s32 $0xFFFFFFAA, s24;
	v12 =	vshll.u32 v54, $0x3;
	v11 =	vor.u32 v2, v53;
	v5 =	vadd.f32 v7, v5  }
0x3d0: {  	v55 =	vor.u32 v1, v12;
	v56 =	vmov s12;
	v7 =	vld.idx.msk [tilespmem:v8+s16+$0x0], $0xffff  }
0x3d1: {  	s26 =	sadd.s32 $0xFFFFFFAC, s24;
	v12 =	vshll.u32 v56, $0x3;
	v8 =	vor.u32 v2, v55;
	v5 =	vadd.f32 v50, v5  }
0x3d2: {  	v59 =	vmov s26;
	v58 =	vor.u32 v1, v12;
	v57 =	vld.idx.msk [tilespmem:v10+s16+$0x0], $0xffff  }
0x3d3: {  	s12 =	sadd.s32 $0xFFFFFFAE, s24;
	v12 =	vshll.u32 v59, $0x3;
	v10 =	vor.u32 v2, v58;
	v5 =	vadd.f32 v6, v5  }
0x3d4: {  	v61 =	vmov s12;
	v60 =	vor.u32 v1, v12;
	v6 =	vld.idx.msk [tilespmem:v11+s16+$0x0], $0xffff  }
0x3d5: {  	s26 =	sadd.s32 $0xFFFFFFB0, s24;
	v12 =	vshll.u32 v61, $0x3;
	v11 =	vor.u32 v2, v60;
	v5 =	vadd.f32 v7, v5  }
0x3d6: {  	v62 =	vor.u32 v1, v12;
	v63 =	vmov s26;
	v7 =	vld.idx.msk [tilespmem:v8+s16+$0x0], $0xffff  }
0x3d7: {  	s12 =	sadd.s32 $0xFFFFFFB2, s24;
	v12 =	vshll.u32 v63, $0x3;
	v8 =	vor.u32 v2, v62;
	v5 =	vadd.f32 v57, v5  }
0x3d8: {  	v18 =	vmov s12;
	v17 =	vor.u32 v1, v12;
	v16 =	vld.idx.msk [tilespmem:v10+s16+$0x0], $0xffff  }
0x3d9: {  	s26 =	sadd.s32 $0xFFFFFFB4, s24;
	v12 =	vshll.u32 v18, $0x3;
	v10 =	vor.u32 v2, v17;
	v5 =	vadd.f32 v6, v5  }
0x3da: {  	v20 =	vmov s26;
	v19 =	vor.u32 v1, v12;
	v6 =	vld.idx.msk [tilespmem:v11+s16+$0x0], $0xffff  }
0x3db: {  	s12 =	sadd.s32 $0xFFFFFFB6, s24;
	v12 =	vshll.u32 v20, $0x3;
	v11 =	vor.u32 v2, v19;
	v5 =	vadd.f32 v7, v5  }
0x3dc: {  	v21 =	vor.u32 v1, v12;
	v22 =	vmov s12;
	v7 =	vld.idx.msk [tilespmem:v8+s16+$0x0], $0xffff  }
0x3dd: {  	s26 =	sadd.s32 $0xFFFFFFB8, s24;
	v12 =	vshll.u32 v22, $0x3;
	v8 =	vor.u32 v2, v21;
	v5 =	vadd.f32 v16, v5  }
0x3de: {  	v25 =	vmov s26;
	v24 =	vor.u32 v1, v12;
	v23 =	vld.idx.msk [tilespmem:v10+s16+$0x0], $0xffff  }
0x3df: {  	s12 =	sadd.s32 $0xFFFFFFBA, s24;
	v12 =	vshll.u32 v25, $0x3;
	v10 =	vor.u32 v2, v24;
	v5 =	vadd.f32 v6, v5  }
0x3e0: {  	v27 =	vmov s12;
	v26 =	vor.u32 v1, v12;
	v6 =	vld.idx.msk [tilespmem:v11+s16+$0x0], $0xffff  }
0x3e1: {  	s26 =	sadd.s32 $0xFFFFFFBC, s24;
	v12 =	vshll.u32 v27, $0x3;
	v11 =	vor.u32 v2, v26;
	v5 =	vadd.f32 v7, v5  }
0x3e2: {  	v28 =	vor.u32 v1, v12;
	v29 =	vmov s26;
	v7 =	vld.idx.msk [tilespmem:v8+s16+$0x0], $0xffff  }
0x3e3: {  	s12 =	sadd.s32 $0xFFFFFFBE, s24;
	v12 =	vshll.u32 v29, $0x3;
	v8 =	vor.u32 v2, v28;
	v5 =	vadd.f32 v23, v5  }
0x3e4: {  	v32 =	vmov s12;
	v31 =	vor.u32 v1, v12;
	v30 =	vld.idx.msk [tilespmem:v10+s16+$0x0], $0xffff  }
0x3e5: {  	s26 =	sadd.s32 $0xFFFFFFC0, s24;
	v12 =	vshll.u32 v32, $0x3;
	v10 =	vor.u32 v2, v31;
	v5 =	vadd.f32 v6, v5  }
0x3e6: {  	v34 =	vmov s26;
	v33 =	vor.u32 v1, v12;
	v6 =	vld.idx.msk [tilespmem:v11+s16+$0x0], $0xffff  }
0x3e7: {  	s12 =	sadd.s32 $0xFFFFFFC2, s24;
	v12 =	vshll.u32 v34, $0x3;
	v11 =	vor.u32 v2, v33;
	v5 =	vadd.f32 v7, v5  }
0x3e8: {  	v35 =	vor.u32 v1, v12;
	v36 =	vmov s12;
	v7 =	vld.idx.msk [tilespmem:v8+s16+$0x0], $0xffff  }
0x3e9: {  	s26 =	sadd.s32 $0xFFFFFFC4, s24;
	v12 =	vshll.u32 v36, $0x3;
	v8 =	vor.u32 v2, v35;
	v5 =	vadd.f32 v30, v5  }
0x3ea: {  	v39 =	vmov s26;
	v38 =	vor.u32 v1, v12;
	v37 =	vld.idx.msk [tilespmem:v10+s16+$0x0], $0xffff  }
0x3eb: {  	s12 =	sadd.s32 $0xFFFFFFC6, s24;
	v12 =	vshll.u32 v39, $0x3;
	v10 =	vor.u32 v2, v38;
	v5 =	vadd.f32 v6, v5  }
0x3ec: {  	v41 =	vmov s12;
	v40 =	vor.u32 v1, v12;
	v6 =	vld.idx.msk [tilespmem:v11+s16+$0x0], $0xffff  }
0x3ed: {  	s26 =	sadd.s32 $0xFFFFFFC8, s24;
	v12 =	vshll.u32 v41, $0x3;
	v11 =	vor.u32 v2, v40;
	v5 =	vadd.f32 v7, v5  }
0x3ee: {  	v42 =	vor.u32 v1, v12;
	v43 =	vmov s26;
	v7 =	vld.idx.msk [tilespmem:v8+s16+$0x0], $0xffff  }
0x3ef: {  	s12 =	sadd.s32 $0xFFFFFFCA, s24;
	v12 =	vshll.u32 v43, $0x3;
	v8 =	vor.u32 v2, v42;
	v5 =	vadd.f32 v37, v5  }
0x3f0: {  	v46 =	vmov s12;
	v45 =	vor.u32 v1, v12;
	v44 =	vld.idx.msk [tilespmem:v10+s16+$0x0], $0xffff  }
0x3f1: {  	s26 =	sadd.s32 $0xFFFFFFCC, s24;
	v12 =	vshll.u32 v46, $0x3;
	v10 =	vor.u32 v2, v45;
	v5 =	vadd.f32 v6, v5  }
0x3f2: {  	v48 =	vmov s26;
	v47 =	vor.u32 v1, v12;
	v6 =	vld.idx.msk [tilespmem:v11+s16+$0x0], $0xffff  }
0x3f3: {  	s12 =	sadd.s32 $0xFFFFFFCE, s24;
	v12 =	vshll.u32 v48, $0x3;
	v11 =	vor.u32 v2, v47;
	v5 =	vadd.f32 v7, v5  }
0x3f4: {  	v49 =	vor.u32 v1, v12;
	v50 =	vmov s12;
	v7 =	vld.idx.msk [tilespmem:v8+s16+$0x0], $0xffff  }
0x3f5: {  	s26 =	sadd.s32 $0xFFFFFFD0, s24;
	v12 =	vshll.u32 v50, $0x3;
	v8 =	vor.u32 v2, v49;
	v5 =	vadd.f32 v44, v5  }
0x3f6: {  	v53 =	vmov s26;
	v52 =	vor.u32 v1, v12;
	v51 =	vld.idx.msk [tilespmem:v10+s16+$0x0], $0xffff  }
0x3f7: {  	s12 =	sadd.s32 $0xFFFFFFD2, s24;
	v12 =	vshll.u32 v53, $0x3;
	v10 =	vor.u32 v2, v52;
	v5 =	vadd.f32 v6, v5  }
0x3f8: {  	v55 =	vmov s12;
	v54 =	vor.u32 v1, v12;
	v6 =	vld.idx.msk [tilespmem:v11+s16+$0x0], $0xffff  }
0x3f9: {  	s26 =	sadd.s32 $0xFFFFFFD4, s24;
	v12 =	vshll.u32 v55, $0x3;
	v11 =	vor.u32 v2, v54;
	v5 =	vadd.f32 v7, v5  }
0x3fa: {  	v56 =	vor.u32 v1, v12;
	v57 =	vmov s26;
	v7 =	vld.idx.msk [tilespmem:v8+s16+$0x0], $0xffff  }
0x3fb: {  	s12 =	sadd.s32 $0xFFFFFFD6, s24;
	v12 =	vshll.u32 v57, $0x3;
	v8 =	vor.u32 v2, v56;
	v5 =	vadd.f32 v51, v5  }
0x3fc: {  	v60 =	vmov s12;
	v59 =	vor.u32 v1, v12;
	v58 =	vld.idx.msk [tilespmem:v10+s16+$0x0], $0xffff  }
0x3fd: {  	s26 =	sadd.s32 $0xFFFFFFD8, s24;
	v12 =	vshll.u32 v60, $0x3;
	v10 =	vor.u32 v2, v59;
	v5 =	vadd.f32 v6, v5  }
0x3fe: {  	v62 =	vmov s26;
	v61 =	vor.u32 v1, v12;
	v6 =	vld.idx.msk [tilespmem:v11+s16+$0x0], $0xffff  }
0x3ff: {  	s12 =	sadd.s32 $0xFFFFFFDA, s24;
	v12 =	vshll.u32 v62, $0x3;
	v11 =	vor.u32 v2, v61;
	v5 =	vadd.f32 v7, v5  }
0x400: {  	v63 =	vor.u32 v1, v12;
	v16 =	vmov s12;
	v7 =	vld.idx.msk [tilespmem:v8+s16+$0x0], $0xffff  }
0x401: {  	s26 =	sadd.s32 $0xFFFFFFDC, s24;
	v12 =	vshll.u32 v16, $0x3;
	v8 =	vor.u32 v2, v63;
	v5 =	vadd.f32 v58, v5  }
0x402: {  	v19 =	vmov s26;
	v18 =	vor.u32 v1, v12;
	v17 =	vld.idx.msk [tilespmem:v10+s16+$0x0], $0xffff  }
0x403: {  	s12 =	sadd.s32 $0xFFFFFFDE, s24;
	v12 =	vshll.u32 v19, $0x3;
	v10 =	vor.u32 v2, v18;
	v5 =	vadd.f32 v6, v5  }
0x404: {  	v21 =	vmov s12;
	v20 =	vor.u32 v1, v12;
	v6 =	vld.idx.msk [tilespmem:v11+s16+$0x0], $0xffff  }
0x405: {  	s26 =	sadd.s32 $0xFFFFFFE0, s24;
	v12 =	vshll.u32 v21, $0x3;
	v11 =	vor.u32 v2, v20;
	v5 =	vadd.f32 v7, v5  }
0x406: {  	v22 =	vor.u32 v1, v12;
	v23 =	vmov s26;
	v7 =	vld.idx.msk [tilespmem:v8+s16+$0x0], $0xffff  }
0x407: {  	s12 =	sadd.s32 $0xFFFFFFE2, s24;
	v12 =	vshll.u32 v23, $0x3;
	v8 =	vor.u32 v2, v22;
	v5 =	vadd.f32 v17, v5  }
0x408: {  	v26 =	vmov s12;
	v25 =	vor.u32 v1, v12;
	v24 =	vld.idx.msk [tilespmem:v10+s16+$0x0], $0xffff  }
0x409: {  	s26 =	sadd.s32 $0xFFFFFFE4, s24;
	v12 =	vshll.u32 v26, $0x3;
	v10 =	vor.u32 v2, v25;
	v5 =	vadd.f32 v6, v5  }
0x40a: {  	v28 =	vmov s26;
	v27 =	vor.u32 v1, v12;
	v6 =	vld.idx.msk [tilespmem:v11+s16+$0x0], $0xffff  }
0x40b: {  	s12 =	sadd.s32 $0xFFFFFFE6, s24;
	v12 =	vshll.u32 v28, $0x3;
	v11 =	vor.u32 v2, v27;
	v5 =	vadd.f32 v7, v5  }
0x40c: {  	v29 =	vor.u32 v1, v12;
	v30 =	vmov s12;
	v7 =	vld.idx.msk [tilespmem:v8+s16+$0x0], $0xffff  }
0x40d: {  	s26 =	sadd.s32 $0xFFFFFFE8, s24;
	v12 =	vshll.u32 v30, $0x3;
	v8 =	vor.u32 v2, v29;
	v5 =	vadd.f32 v24, v5  }
0x40e: {  	v33 =	vmov s26;
	v32 =	vor.u32 v1, v12;
	v31 =	vld.idx.msk [tilespmem:v10+s16+$0x0], $0xffff  }
0x40f: {  	s12 =	sadd.s32 $0xFFFFFFEA, s24;
	v12 =	vshll.u32 v33, $0x3;
	v10 =	vor.u32 v2, v32;
	v5 =	vadd.f32 v6, v5  }
0x410: {  	v35 =	vmov s12;
	v34 =	vor.u32 v1, v12;
	v6 =	vld.idx.msk [tilespmem:v11+s16+$0x0], $0xffff  }
0x411: {  	s26 =	sadd.s32 $0xFFFFFFEC, s24;
	v12 =	vshll.u32 v35, $0x3;
	v11 =	vor.u32 v2, v34;
	v5 =	vadd.f32 v7, v5  }
0x412: {  	v36 =	vor.u32 v1, v12;
	v37 =	vmov s26;
	v7 =	vld.idx.msk [tilespmem:v8+s16+$0x0], $0xffff  }
0x413: {  	s12 =	sadd.s32 $0xFFFFFFEE, s24;
	v12 =	vshll.u32 v37, $0x3;
	v8 =	vor.u32 v2, v36;
	v5 =	vadd.f32 v31, v5  }
0x414: {  	v40 =	vmov s12;
	v39 =	vor.u32 v1, v12;
	v38 =	vld.idx.msk [tilespmem:v10+s16+$0x0], $0xffff  }
0x415: {  	s26 =	sadd.s32 $0xFFFFFFF0, s24;
	v12 =	vshll.u32 v40, $0x3;
	v10 =	vor.u32 v2, v39;
	v5 =	vadd.f32 v6, v5  }
0x416: {  	v42 =	vmov s26;
	v41 =	vor.u32 v1, v12;
	v6 =	vld.idx.msk [tilespmem:v11+s16+$0x0], $0xffff  }
0x417: {  	s12 =	sadd.s32 $0xFFFFFFF2, s24;
	v12 =	vshll.u32 v42, $0x3;
	v11 =	vor.u32 v2, v41;
	v5 =	vadd.f32 v7, v5  }
0x418: {  	v43 =	vor.u32 v1, v12;
	v44 =	vmov s12;
	v7 =	vld.idx.msk [tilespmem:v8+s16+$0x0], $0xffff  }
0x419: {  	s26 =	sadd.s32 $0xFFFFFFF4, s24;
	v12 =	vshll.u32 v44, $0x3;
	v8 =	vor.u32 v2, v43;
	v5 =	vadd.f32 v38, v5  }
0x41a: {  	v47 =	vmov s26;
	v46 =	vor.u32 v1, v12;
	v45 =	vld.idx.msk [tilespmem:v10+s16+$0x0], $0xffff  }
0x41b: {  	s12 =	sadd.s32 $0xFFFFFFF6, s24;
	v12 =	vshll.u32 v47, $0x3;
	v10 =	vor.u32 v2, v46;
	v5 =	vadd.f32 v6, v5  }
0x41c: {  	v49 =	vmov s12;
	v48 =	vor.u32 v1, v12;
	v6 =	vld.idx.msk [tilespmem:v11+s16+$0x0], $0xffff  }
0x41d: {  	s26 =	sadd.s32 $0xFFFFFFF8, s24;
	v12 =	vshll.u32 v49, $0x3;
	v11 =	vor.u32 v2, v48;
	v5 =	vadd.f32 v7, v5  }
0x41e: {  	v50 =	vor.u32 v1, v12;
	v51 =	vmov s26;
	v7 =	vld.idx.msk [tilespmem:v8+s16+$0x0], $0xffff  }
0x41f: {  	s12 =	sadd.s32 $0xFFFFFFFA, s24;
	v12 =	vshll.u32 v51, $0x3;
	v8 =	vor.u32 v2, v50;
	v5 =	vadd.f32 v45, v5  }
0x420: {  	v54 =	vmov s12;
	v53 =	vor.u32 v1, v12;
	v52 =	vld.idx.msk [tilespmem:v10+s16+$0x0], $0xffff  }
0x421: {  	s26 =	sadd.s32 $0xFFFFFFFC, s24;
	v12 =	vshll.u32 v54, $0x3;
	v10 =	vor.u32 v2, v53;
	v5 =	vadd.f32 v6, v5  }
0x422: {  	v56 =	vmov s26;
	v55 =	vor.u32 v1, v12;
	v6 =	vld.idx.msk [tilespmem:v11+s16+$0x0], $0xffff  }
0x423: {  	s12 =	sadd.s32 $0xFFFFFFFE, s24;
	v12 =	vshll.u32 v56, $0x3;
	v11 =	vor.u32 v2, v55;
	v5 =	vadd.f32 v7, v5  }
0x424: {  	v57 =	vor.u32 v1, v12;
	v58 =	vmov s12;
	v7 =	vld.idx.msk [tilespmem:v8+s16+$0x0], $0xffff  }
0x425: {  	v12 =	vshll.u32 v58, $0x3;
	v8 =	vor.u32 v2, v57;
	v5 =	vadd.f32 v52, v5  }
0x426: {  	v61 =	vmov s24;
	v60 =	vor.u32 v1, v12;
	v59 =	vld.idx.msk [tilespmem:v10+s16+$0x0], $0xffff  }
0x427: {  	v12 =	vshll.u32 v61, $0x3;
	v10 =	vor.u32 v2, v60;
	v5 =	vadd.f32 v6, v5  }
0x428: {  	v62 =	vor.u32 v1, v12;
	v6 =	vld.idx.msk [tilespmem:v11+s16+$0x0], $0xffff  }
0x429: {  	v11 =	vor.u32 v2, v62;
	v5 =	vadd.f32 v7, v5  }
0x42a: {  	v7 =	vld.idx.msk [tilespmem:v8+s16+$0x0], $0xffff  }
0x42b: {  	v5 =	vadd.f32 v59, v5  }
0x42c: {  	v63 =	vld.idx.msk [tilespmem:v10+s16+$0x0], $0xffff  }
0x42d: {  	v5 =	vadd.f32 v6, v5  }
0x42e: {  	v6 =	vld.idx.msk [tilespmem:v11+s16+$0x0], $0xffff  }
0x42f: {  	v5 =	vadd.f32 v7, v5;
	_ =	sdelay $0x1  }
0x430: {  	v5 =	vadd.f32 v63, v5;
	_ =	sdelay $0x1  }
0x431: {  	s26 =	sadd.s32 $0x4, s20;
	v5 =	vadd.f32 v6, v5  }
0x432: {  	v6 =	vor.u32 s26, v4  }
0x433: {  	v7 =	vperm.xlane v5, v3;
	_ =	sdelay $0x1  }
0x434: {  	v5 =	vadd.f32 v7, v5;
	_ =	sdelay $0x1  }
0x435: {  	[tilespmem:v6+s18+$0x0] =	vst.idx.msk $0xf, v5  }
0x436: {  	_ =	swait.ge [sflag:s19], $0x640  }
0x437: {  	[sflag:s19] =	ssyncset.done $0x0  }
0x438: {  	[sflag:s19] =	ssyncadd.s32 $0xFFFFF9C0  }
0x439: {  	_ =	swait.ge [sflag:s19], $0x640  }
0x43a: {  	[sflag:s19] =	ssyncset.done $0x0  }
0x43b: {  	[sflag:s19] =	ssyncadd.s32 $0xFFFFF9C0  }
0x43c: {  	_ =	swait.ge [sflag:s19], $0x640  }
0x43d: {  	[sflag:s19] =	ssyncset.done $0x0  }
0x43e: {  	[sflag:s19] =	ssyncadd.s32 $0xFFFFF9C0  }
0x43f: {  	_ =	swait.ge [sflag:s19], $0x640  }
0x440: {  	[sflag:s19] =	ssyncset.done $0x0  }
0x441: {  	[sflag:s19] =	ssyncadd.s32 $0xFFFFF9C0  }
0x442: {  	_ =	swait.ge [sflag:s19], $0x640  }
0x443: {  	[sflag:s19] =	ssyncset.done $0x0  }
0x444: {  	[sflag:s19] =	ssyncadd.s32 $0xFFFFF9C0  }
0x445: {  	_ =	swait.ge [sflag:s19], $0x640  }
0x446: {  	[sflag:s19] =	ssyncset.done $0x0  }
0x447: {  	[sflag:s19] =	ssyncadd.s32 $0xFFFFF9C0  }
0x448: {  	_ =	swait.ge [sflag:s19], $0x640  }
0x449: {  	[sflag:s19] =	ssyncset.done $0x0  }
0x44a: {  	[sflag:s19] =	ssyncadd.s32 $0xFFFFF9C0  }
0x44b: {  	_ =	swait.ge [sflag:s19], $0x640  }
0x44c: {  	[sflag:s19] =	ssyncset.done $0x0  }
0x44d: {  	[sflag:s19] =	ssyncadd.s32 $0xFFFFF9C0  }
0x44e: {  	_ =	swait.ge [sflag:s19], $0x640  }
0x44f: {  	[sflag:s19] =	ssyncset.done $0x0  }
0x450: {  	[sflag:s19] =	ssyncadd.s32 $0xFFFFF9C0  }
0x451: {  	_ =	swait.ge [sflag:s19], $0x640  }
0x452: {  	[sflag:s19] =	ssyncset.done $0x0  }
0x453: {  	[sflag:s19] =	ssyncadd.s32 $0xFFFFF9C0  }
0x454: {  	_ =	swait.ge [sflag:s19], $0x640  }
0x455: {  	[sflag:s19] =	ssyncset.done $0x0  }
0x456: {  	[sflag:s19] =	ssyncadd.s32 $0xFFFFF9C0  }
0x457: {  	_ =	swait.ge [sflag:s19], $0x640  }
0x458: {  	[sflag:s19] =	ssyncset.done $0x0  }
0x459: {  	[sflag:s19] =	ssyncadd.s32 $0xFFFFF9C0  }
0x45a: {  	_ =	swait.ge [sflag:s19], $0x640  }
0x45b: {  	[sflag:s19] =	ssyncset.done $0x0  }
0x45c: {  	[sflag:s19] =	ssyncadd.s32 $0xFFFFF9C0  }
0x45d: {  	_ =	swait.ge [sflag:s19], $0x640  }
0x45e: {  	[sflag:s19] =	ssyncset.done $0x0  }
0x45f: {  	[sflag:s19] =	ssyncadd.s32 $0xFFFFF9C0  }
0x460: {  	_ =	swait.ge [sflag:s19], $0x640  }
.Ltmp3:
0x461: {  	[sflag:s19] =	ssyncset.done $0x0;
	(pc) =	sbr.rel @p0 .LBB2_12-.Ltmp3, $4  }
0x462: {  	[sflag:s19] =	ssyncadd.s32 $0xFFFFF9C0  }
0x463: {  	_ =	swait.ge [sflag:s19], $0x640  }
0x464: {  	[sflag:s19] =	ssyncset.done $0x0  }
0x465: {  	[sflag:s19] =	ssyncadd.s32 $0xFFFFF9C0  }
0x466: {  	_ =	swait.ge [sflag:s13], $0xC80  }
0x467: {  	s11 =	simm.s32 $0x0;
	[sflag:s13] =	ssyncset.done $0x0  }
0x468: {  	s20 =	simm.s32 $0x20;
	v5 =	vmov s11;
	v6 =	vadd.s32 s11, v0;
	[sflag:s13] =	ssyncadd.s32 $0xFFFFF380  }
0x469: {  	v6 =	vand.u32 $0x1FF8, v6;
	v5 =	vand.u32 $0x4, v5;
	v7 =	vld [tilespmem:s20+$0xFFFFFFE0]  }
0x46a: {  	v5 =	vor.u32 v5, v6;
	_ =	sdelay $0x3  }
0x46b: {  	s24 =	simm.s32 $0x1;
	v6 =	vshll.u32 v7, $0x4  }
0x46c: {  	[tilespmem:v5+s14+$0x0] =	vst.idx.msk $0xffff, v6;
	v5 =	vmov s24;
	v6 =	vadd.s32 s24, v0  }
0x46d: {  	v7 =	vld [tilespmem:s20+$0xFFFFFFF0];
	v6 =	vand.u32 $0x1FF8, v6;
	v5 =	vand.u32 $0x5, v5  }
0x46e: {  	v5 =	vor.u32 v5, v6;
	_ =	sdelay $0x3  }
0x46f: {  	s26 =	simm.s32 $0x2;
	v6 =	vshll.u32 v7, $0x4  }
0x470: {  	[tilespmem:v5+s14+$0x0] =	vst.idx.msk $0xffff, v6;
	v5 =	vmov s26;
	v6 =	vadd.s32 s26, v0  }
0x471: {  	v7 =	vld [tilespmem:s20+$0x0];
	v6 =	vand.u32 $0x1FF8, v6;
	v5 =	vand.u32 $0x6, v5  }
0x472: {  	v5 =	vor.u32 v5, v6;
	_ =	sdelay $0x3  }
0x473: {  	v6 =	vshll.u32 v7, $0x4  }
0x474: {  	[tilespmem:v5+s14+$0x0] =	vst.idx.msk $0xffff, v6  }
0x475: {  	v6 =	vld [tilespmem:s20+$0x10]  }
0x476: {  	s12 =	simm.s32 $0x3  }
0x477: {  	v5 =	vadd.s32 s12, v0;
	_ =	sdelay $0x2  }
0x478: {  	s11 =	simm.s32 $0x4;
	s24 =	simm.s32 $0x7;
	s26 =	simm.s32 $0xB;
	v6 =	vshll.u32 v6, $0x4  }
.LBB2_10:
0x479: {  	p0 =	sne.s32 s26, $0xC7  }
0x47a: {  	v7 =	vmov s11;
	v8 =	vadd.s32 s11, v0;
	[tilespmem:v5+s14+$0x0] =	vst.idx.msk $0xffff, v6;
	s20 =	sadd.s32 $0x40, s20;
	s11 =	smov.u32 s26;
	s26 =	sadd.s32 $0x4, s26  }
0x47b: {  	v5 =	vld [tilespmem:s20+$0xFFFFFFE0];
	v6 =	vand.u32 $0x1FF8, v8;
	v7 =	vand.u32 $0x4, v7  }
0x47c: {  	v6 =	vor.u32 v7, v6;
	_ =	sdelay $0x3  }
0x47d: {  	s12 =	sadd.s32 $0xFFFFFFFE, s24;
	v5 =	vshll.u32 v5, $0x4  }
0x47e: {  	[tilespmem:v6+s14+$0x0] =	vst.idx.msk $0xffff, v5;
	v5 =	vmov s12;
	v6 =	vadd.s32 s12, v0  }
0x47f: {  	v7 =	vld [tilespmem:s20+$0xFFFFFFF0];
	v6 =	vand.u32 $0x1FF8, v6;
	v5 =	vand.u32 $0x5, v5  }
0x480: {  	v5 =	vor.u32 v5, v6;
	_ =	sdelay $0x3  }
0x481: {  	s12 =	sadd.s32 $0xFFFFFFFF, s24;
	v6 =	vshll.u32 v7, $0x4  }
0x482: {  	[tilespmem:v5+s14+$0x0] =	vst.idx.msk $0xffff, v6;
	v5 =	vmov s12;
	v6 =	vadd.s32 s12, v0  }
0x483: {  	v7 =	vld [tilespmem:s20+$0x0];
	v6 =	vand.u32 $0x1FF8, v6;
	v5 =	vand.u32 $0x6, v5  }
0x484: {  	v5 =	vor.u32 v5, v6;
	_ =	sdelay $0x3  }
0x485: {  	v6 =	vshll.u32 v7, $0x4  }
0x486: {  	[tilespmem:v5+s14+$0x0] =	vst.idx.msk $0xffff, v6  }
0x487: {  	v6 =	vld [tilespmem:s20+$0x10]  }
.Ltmp4:
0x488: {  	v5 =	vadd.s32 s24, v0;
	s24 =	smov.u32 s11;
	(pc) =	sbr.rel @p0 .LBB2_10-.Ltmp4, $2  }
0x489: {  	_ =	sdelay $0x2  }
0x48a: {  	s11 =	sadd.s32 $0xFFFFFFFD, s24;
	v6 =	vshll.u32 v6, $0x4  }
0x48b: {  	_ =	sdelay $0x3  }
0x48c: {  	v7 =	vmov s11;
	v8 =	vadd.s32 s11, v0;
	[tilespmem:v5+s14+$0x0] =	vst.idx.msk $0xffff, v6;
	s26 =	sadd.s32 $0x40, s20  }
0x48d: {  	v5 =	vld [tilespmem:s26+$0xFFFFFFE0];
	v6 =	vand.u32 $0x1FF8, v8;
	v7 =	vand.u32 $0x4, v7  }
0x48e: {  	v6 =	vor.u32 v7, v6;
	_ =	sdelay $0x3  }
0x48f: {  	s12 =	sadd.s32 $0xFFFFFFFE, s24;
	v5 =	vshll.u32 v5, $0x4  }
0x490: {  	[tilespmem:v6+s14+$0x0] =	vst.idx.msk $0xffff, v5;
	v5 =	vmov s12;
	v6 =	vadd.s32 s12, v0  }
0x491: {  	v7 =	vld [tilespmem:s26+$0xFFFFFFF0];
	v6 =	vand.u32 $0x1FF8, v6;
	v5 =	vand.u32 $0x5, v5  }
0x492: {  	v5 =	vor.u32 v5, v6;
	_ =	sdelay $0x3  }
0x493: {  	s20 =	sadd.s32 $0xFFFFFFFF, s24;
	v6 =	vshll.u32 v7, $0x4  }
0x494: {  	v63 =	vadd.s32 s20, v0;
	v7 =	vmov s20;
	[tilespmem:v5+s14+$0x0] =	vst.idx.msk $0xffff, v6  }
0x495: {  	v6 =	vand.u32 $0x1FF8, v63;
	v7 =	vand.u32 $0x6, v7;
	v5 =	vld [tilespmem:s26+$0x0]  }
0x496: {  	v6 =	vor.u32 v7, v6;
	_ =	sdelay $0x3  }
0x497: {  	v5 =	vshll.u32 v5, $0x4  }
0x498: {  	[tilespmem:v6+s14+$0x0] =	vst.idx.msk $0xffff, v5  }
0x499: {  	v5 =	vld [tilespmem:s26+$0x10]  }
0x49a: {  	v6 =	vadd.s32 s24, v0;
	_ =	sdelay $0x3  }
0x49b: {  	v5 =	vshll.u32 v5, $0x4  }
0x49c: {  	[tilespmem:v6+s14+$0x0] =	vst.idx.msk $0xffff, v5  }
0x49d: {  	[tilespmem:s16], [sflag:$0x3] =	stream.indirect.gather [hbm4b:s4+s15], $0x8, s14, s15, $0xb8;
	[tilespmem:$0x10200] =	vst v63  }
0x49e: {  	s24 =	simm.s32 $0x19C8;
	s26 =	simm.s32 $0x3840  }
0x49f: {  	[tilespmem:s26], [sflag:$0x3] =	stream.indirect.gather [hbm4b:s4+s15], $0x8, s24, s15, $0xb8;
	[tilespmem:$0x10200] =	vst v63  }
0x4a0: {  	s12 =	simm.s32 $0x1A90;
	s20 =	simm.s32 $0x3E80  }
0x4a1: {  	[tilespmem:s20], [sflag:$0x3] =	stream.indirect.gather [hbm4b:s4+s15], $0x8, s12, s15, $0xb8;
	[tilespmem:$0x10200] =	vst v63  }
0x4a2: {  	s24 =	simm.s32 $0x1B58;
	s26 =	simm.s32 $0x44C0  }
0x4a3: {  	[tilespmem:s26], [sflag:$0x3] =	stream.indirect.gather [hbm4b:s4+s15], $0x8, s24, s15, $0xb8;
	[tilespmem:$0x10200] =	vst v63  }
0x4a4: {  	s12 =	simm.s32 $0x1C20;
	s20 =	simm.s32 $0x4B00  }
0x4a5: {  	[tilespmem:s20], [sflag:$0x3] =	stream.indirect.gather [hbm4b:s4+s15], $0x8, s12, s15, $0xb8;
	[tilespmem:$0x10200] =	vst v63  }
0x4a6: {  	s24 =	simm.s32 $0x1CE8;
	s26 =	simm.s32 $0x5140  }
0x4a7: {  	[tilespmem:s26], [sflag:$0x3] =	stream.indirect.gather [hbm4b:s4+s15], $0x8, s24, s15, $0xb8;
	[tilespmem:$0x10200] =	vst v63  }
0x4a8: {  	s12 =	simm.s32 $0x1DB0;
	s20 =	simm.s32 $0x5780  }
0x4a9: {  	[tilespmem:s20], [sflag:$0x3] =	stream.indirect.gather [hbm4b:s4+s15], $0x8, s12, s15, $0xb8;
	[tilespmem:$0x10200] =	vst v63  }
0x4aa: {  	s24 =	simm.s32 $0x1E78;
	s26 =	simm.s32 $0x5DC0  }
0x4ab: {  	[tilespmem:s26], [sflag:$0x3] =	stream.indirect.gather [hbm4b:s4+s15], $0x8, s24, s15, $0xb8;
	[tilespmem:$0x10200] =	vst v63  }
0x4ac: {  	s12 =	simm.s32 $0x1F40;
	s20 =	simm.s32 $0x6400  }
0x4ad: {  	[tilespmem:s20], [sflag:$0x3] =	stream.indirect.gather [hbm4b:s4+s15], $0x8, s12, s15, $0xb8;
	[tilespmem:$0x10200] =	vst v63  }
0x4ae: {  	s24 =	simm.s32 $0x2008;
	s26 =	simm.s32 $0x6A40  }
0x4af: {  	[tilespmem:s26], [sflag:$0x3] =	stream.indirect.gather [hbm4b:s4+s15], $0x8, s24, s15, $0xb8;
	[tilespmem:$0x10200] =	vst v63  }
0x4b0: {  	s12 =	simm.s32 $0x20D0;
	s20 =	simm.s32 $0x7080  }
0x4b1: {  	[tilespmem:s20], [sflag:$0x3] =	stream.indirect.gather [hbm4b:s4+s15], $0x8, s12, s15, $0xb8;
	[tilespmem:$0x10200] =	vst v63  }
0x4b2: {  	s24 =	simm.s32 $0x2198;
	s26 =	simm.s32 $0x76C0  }
0x4b3: {  	[tilespmem:s26], [sflag:$0x3] =	stream.indirect.gather [hbm4b:s4+s15], $0x8, s24, s15, $0xb8;
	[tilespmem:$0x10200] =	vst v63  }
0x4b4: {  	s12 =	simm.s32 $0x2260;
	s20 =	simm.s32 $0x7D00  }
0x4b5: {  	[tilespmem:s20], [sflag:$0x3] =	stream.indirect.gather [hbm4b:s4+s15], $0x8, s12, s15, $0xb8;
	[tilespmem:$0x10200] =	vst v63  }
0x4b6: {  	s24 =	simm.s32 $0x2328;
	s26 =	simm.s32 $0x8340  }
0x4b7: {  	[tilespmem:s26], [sflag:$0x3] =	stream.indirect.gather [hbm4b:s4+s15], $0x8, s24, s15, $0xb8;
	[tilespmem:$0x10200] =	vst v63  }
0x4b8: {  	s12 =	simm.s32 $0x23F0;
	s20 =	simm.s32 $0x8980  }
0x4b9: {  	[tilespmem:s20], [sflag:$0x3] =	stream.indirect.gather [hbm4b:s4+s15], $0x8, s12, s15, $0xb8;
	[tilespmem:$0x10200] =	vst v63  }
0x4ba: {  	s20 =	rddreg [dreg:$0x5]  }
0x4bb: {  	s24 =	simm.s32 $0x24B8;
	s26 =	simm.s32 $0x8FC0;
	s11 =	sadd.s32 s23, s20  }
0x4bc: {  	[tilespmem:s26], [sflag:$0x3] =	stream.indirect.gather [hbm4b:s4+s15], $0x8, s24, s15, $0xb8;
	[tilespmem:$0x10200] =	vst v63  }
0x4bd: {  	s23 =	simm.s32 $0x10;
	s11 =	sshrl.u32 s11, $0x3  }
0x4be: {  	s24 =	simm.s32 $0x4000;
	s26 =	simm.s32 $0xC80;
	s11 =	sadd.s32 s3, s11  }
0x4bf: {  	[tilespmem:s26], [sflag:$0x2] =	stream.strided.gather [hbm4b:s11+s23], $0xC80, s24, s23, $0x38;
	[tilespmem:$0x10200] =	vst v63  }
.LBB2_12:
0x4c0: {  	s11 =	simm.s32 $0x0  }
0x4c1: {  	v5 =	vmov s11  }
0x4c2: {  	s20 =	simm.s32 $0x2;
	v5 =	vshll.u32 v5, $0x3  }
0x4c3: {  	v6 =	vmov s20;
	v5 =	vor.u32 v1, v5  }
0x4c4: {  	s23 =	simm.s32 $0x4;
	v6 =	vshll.u32 v6, $0x3;
	v5 =	vor.u32 v2, v5  }
0x4c5: {  	v7 =	vmov s23;
	v6 =	vor.u32 v1, v6  }
0x4c6: {  	s24 =	simm.s32 $0x6;
	v7 =	vshll.u32 v7, $0x3;
	v6 =	vor.u32 v2, v6  }
0x4c7: {  	v8 =	vmov s24;
	v7 =	vor.u32 v1, v7  }
0x4c8: {  	s26 =	simm.s32 $0x8;
	v8 =	vshll.u32 v8, $0x3;
	v7 =	vor.u32 v2, v7  }
0x4c9: {  	v9 =	vmov s26;
	v8 =	vor.u32 v1, v8;
	v5 =	vld.idx.msk [tilespmem:v5+s30+$0x0], $0xffff  }
0x4ca: {  	s12 =	simm.s32 $0xA;
	v9 =	vshll.u32 v9, $0x3;
	v8 =	vor.u32 v2, v8  }
0x4cb: {  	v10 =	vmov s12;
	v9 =	vor.u32 v1, v9;
	v6 =	vld.idx.msk [tilespmem:v6+s30+$0x0], $0xffff  }
0x4cc: {  	s20 =	simm.s32 $0xC;
	v10 =	vshll.u32 v10, $0x3;
	v9 =	vor.u32 v2, v9  }
0x4cd: {  	v11 =	vmov s20;
	v10 =	vor.u32 v1, v10;
	v7 =	vld.idx.msk [tilespmem:v7+s30+$0x0], $0xffff  }
0x4ce: {  	s23 =	simm.s32 $0xE;
	v11 =	vshll.u32 v11, $0x3;
	v10 =	vor.u32 v2, v10;
	v5 =	vadd.f32 $0.0e+00, v5  }
0x4cf: {  	v12 =	vmov s23;
	v11 =	vor.u32 v1, v11;
	v8 =	vld.idx.msk [tilespmem:v8+s30+$0x0], $0xffff  }
0x4d0: {  	s24 =	simm.s32 $0x10;
	v12 =	vshll.u32 v12, $0x3;
	v11 =	vor.u32 v2, v11;
	v5 =	vadd.f32 v6, v5  }
0x4d1: {  	v25 =	vmov s24;
	v24 =	vor.u32 v1, v12;
	v6 =	vld.idx.msk [tilespmem:v9+s30+$0x0], $0xffff  }
0x4d2: {  	s26 =	simm.s32 $0x12;
	v12 =	vshll.u32 v25, $0x3;
	v9 =	vor.u32 v2, v24;
	v5 =	vadd.f32 v7, v5  }
0x4d3: {  	v27 =	vmov s26;
	v26 =	vor.u32 v1, v12;
	v7 =	vld.idx.msk [tilespmem:v10+s30+$0x0], $0xffff  }
0x4d4: {  	s12 =	simm.s32 $0x14;
	v12 =	vshll.u32 v27, $0x3;
	v10 =	vor.u32 v2, v26;
	v5 =	vadd.f32 v8, v5  }
0x4d5: {  	v29 =	vmov s12;
	v28 =	vor.u32 v1, v12;
	v8 =	vld.idx.msk [tilespmem:v11+s30+$0x0], $0xffff  }
0x4d6: {  	s20 =	simm.s32 $0x16;
	v12 =	vshll.u32 v29, $0x3;
	v11 =	vor.u32 v2, v28;
	v5 =	vadd.f32 v6, v5  }
0x4d7: {  	v31 =	vmov s20;
	v30 =	vor.u32 v1, v12;
	v6 =	vld.idx.msk [tilespmem:v9+s30+$0x0], $0xffff  }
0x4d8: {  	s23 =	simm.s32 $0x18;
	v12 =	vshll.u32 v31, $0x3;
	v9 =	vor.u32 v2, v30;
	v5 =	vadd.f32 v7, v5  }
0x4d9: {  	v33 =	vmov s23;
	v32 =	vor.u32 v1, v12;
	v7 =	vld.idx.msk [tilespmem:v10+s30+$0x0], $0xffff  }
0x4da: {  	s24 =	simm.s32 $0x1A;
	v12 =	vshll.u32 v33, $0x3;
	v10 =	vor.u32 v2, v32;
	v5 =	vadd.f32 v8, v5  }
0x4db: {  	v35 =	vmov s24;
	v34 =	vor.u32 v1, v12;
	v8 =	vld.idx.msk [tilespmem:v11+s30+$0x0], $0xffff  }
0x4dc: {  	s26 =	simm.s32 $0x1C;
	v12 =	vshll.u32 v35, $0x3;
	v11 =	vor.u32 v2, v34;
	v5 =	vadd.f32 v6, v5  }
0x4dd: {  	v37 =	vmov s26;
	v36 =	vor.u32 v1, v12;
	v6 =	vld.idx.msk [tilespmem:v9+s30+$0x0], $0xffff  }
0x4de: {  	s12 =	simm.s32 $0x1E;
	v12 =	vshll.u32 v37, $0x3;
	v9 =	vor.u32 v2, v36;
	v5 =	vadd.f32 v7, v5  }
0x4df: {  	v39 =	vmov s12;
	v38 =	vor.u32 v1, v12;
	v7 =	vld.idx.msk [tilespmem:v10+s30+$0x0], $0xffff  }
0x4e0: {  	s20 =	simm.s32 $0x20;
	v12 =	vshll.u32 v39, $0x3;
	v10 =	vor.u32 v2, v38;
	v5 =	vadd.f32 v8, v5  }
0x4e1: {  	v41 =	vmov s20;
	v40 =	vor.u32 v1, v12;
	v8 =	vld.idx.msk [tilespmem:v11+s30+$0x0], $0xffff  }
0x4e2: {  	s23 =	simm.s32 $0x22;
	v12 =	vshll.u32 v41, $0x3;
	v11 =	vor.u32 v2, v40;
	v5 =	vadd.f32 v6, v5  }
0x4e3: {  	v43 =	vmov s23;
	v42 =	vor.u32 v1, v12;
	v6 =	vld.idx.msk [tilespmem:v9+s30+$0x0], $0xffff  }
0x4e4: {  	s24 =	simm.s32 $0x24;
	v12 =	vshll.u32 v43, $0x3;
	v9 =	vor.u32 v2, v42;
	v5 =	vadd.f32 v7, v5  }
0x4e5: {  	v45 =	vmov s24;
	v44 =	vor.u32 v1, v12;
	v7 =	vld.idx.msk [tilespmem:v10+s30+$0x0], $0xffff  }
0x4e6: {  	s26 =	simm.s32 $0x26;
	v12 =	vshll.u32 v45, $0x3;
	v10 =	vor.u32 v2, v44;
	v5 =	vadd.f32 v8, v5  }
0x4e7: {  	v47 =	vmov s26;
	v46 =	vor.u32 v1, v12;
	v8 =	vld.idx.msk [tilespmem:v11+s30+$0x0], $0xffff  }
0x4e8: {  	s12 =	simm.s32 $0x28;
	v12 =	vshll.u32 v47, $0x3;
	v11 =	vor.u32 v2, v46;
	v5 =	vadd.f32 v6, v5  }
0x4e9: {  	v49 =	vmov s12;
	v48 =	vor.u32 v1, v12;
	v6 =	vld.idx.msk [tilespmem:v9+s30+$0x0], $0xffff  }
0x4ea: {  	s20 =	simm.s32 $0x2A;
	v12 =	vshll.u32 v49, $0x3;
	v9 =	vor.u32 v2, v48;
	v5 =	vadd.f32 v7, v5  }
0x4eb: {  	v51 =	vmov s20;
	v50 =	vor.u32 v1, v12;
	v7 =	vld.idx.msk [tilespmem:v10+s30+$0x0], $0xffff  }
0x4ec: {  	s23 =	simm.s32 $0x2C;
	v12 =	vshll.u32 v51, $0x3;
	v10 =	vor.u32 v2, v50;
	v5 =	vadd.f32 v8, v5  }
0x4ed: {  	v53 =	vmov s23;
	v52 =	vor.u32 v1, v12;
	v8 =	vld.idx.msk [tilespmem:v11+s30+$0x0], $0xffff  }
0x4ee: {  	s24 =	simm.s32 $0x2E;
	v12 =	vshll.u32 v53, $0x3;
	v11 =	vor.u32 v2, v52;
	v5 =	vadd.f32 v6, v5  }
0x4ef: {  	v55 =	vmov s24;
	v54 =	vor.u32 v1, v12;
	v6 =	vld.idx.msk [tilespmem:v9+s30+$0x0], $0xffff  }
0x4f0: {  	s26 =	simm.s32 $0x30;
	v12 =	vshll.u32 v55, $0x3;
	v9 =	vor.u32 v2, v54;
	v5 =	vadd.f32 v7, v5  }
0x4f1: {  	v57 =	vmov s26;
	v56 =	vor.u32 v1, v12;
	v7 =	vld.idx.msk [tilespmem:v10+s30+$0x0], $0xffff  }
0x4f2: {  	s12 =	simm.s32 $0x32;
	v12 =	vshll.u32 v57, $0x3;
	v10 =	vor.u32 v2, v56;
	v5 =	vadd.f32 v8, v5  }
0x4f3: {  	v59 =	vmov s12;
	v58 =	vor.u32 v1, v12;
	v8 =	vld.idx.msk [tilespmem:v11+s30+$0x0], $0xffff  }
0x4f4: {  	s20 =	simm.s32 $0x34;
	v12 =	vshll.u32 v59, $0x3;
	v11 =	vor.u32 v2, v58;
	v5 =	vadd.f32 v6, v5  }
0x4f5: {  	v61 =	vmov s20;
	v60 =	vor.u32 v1, v12;
	v6 =	vld.idx.msk [tilespmem:v9+s30+$0x0], $0xffff  }
0x4f6: {  	s23 =	simm.s32 $0x36;
	v12 =	vshll.u32 v61, $0x3;
	v9 =	vor.u32 v2, v60;
	v5 =	vadd.f32 v7, v5  }
0x4f7: {  	v63 =	vmov s23;
	v62 =	vor.u32 v1, v12;
	v7 =	vld.idx.msk [tilespmem:v10+s30+$0x0], $0xffff  }
0x4f8: {  	s24 =	simm.s32 $0x38;
	v12 =	vshll.u32 v63, $0x3;
	v10 =	vor.u32 v2, v62;
	v5 =	vadd.f32 v8, v5  }
0x4f9: {  	v17 =	vmov s24;
	v16 =	vor.u32 v1, v12;
	v8 =	vld.idx.msk [tilespmem:v11+s30+$0x0], $0xffff  }
0x4fa: {  	s26 =	simm.s32 $0x3A;
	v12 =	vshll.u32 v17, $0x3;
	v11 =	vor.u32 v2, v16;
	v5 =	vadd.f32 v6, v5  }
0x4fb: {  	v19 =	vmov s26;
	v18 =	vor.u32 v1, v12;
	v6 =	vld.idx.msk [tilespmem:v9+s30+$0x0], $0xffff  }
0x4fc: {  	s12 =	simm.s32 $0x3C;
	v12 =	vshll.u32 v19, $0x3;
	v9 =	vor.u32 v2, v18;
	v5 =	vadd.f32 v7, v5  }
0x4fd: {  	v21 =	vmov s12;
	v20 =	vor.u32 v1, v12;
	v7 =	vld.idx.msk [tilespmem:v10+s30+$0x0], $0xffff  }
0x4fe: {  	s20 =	simm.s32 $0x3E;
	v12 =	vshll.u32 v21, $0x3;
	v10 =	vor.u32 v2, v20;
	v5 =	vadd.f32 v8, v5  }
0x4ff: {  	v23 =	vmov s20;
	v22 =	vor.u32 v1, v12;
	v8 =	vld.idx.msk [tilespmem:v11+s30+$0x0], $0xffff  }
0x500: {  	s23 =	simm.s32 $0x40;
	v12 =	vshll.u32 v23, $0x3;
	v11 =	vor.u32 v2, v22;
	v5 =	vadd.f32 v6, v5  }
0x501: {  	v25 =	vmov s23;
	v24 =	vor.u32 v1, v12;
	v6 =	vld.idx.msk [tilespmem:v9+s30+$0x0], $0xffff  }
0x502: {  	s24 =	simm.s32 $0x42;
	v12 =	vshll.u32 v25, $0x3;
	v9 =	vor.u32 v2, v24;
	v5 =	vadd.f32 v7, v5  }
0x503: {  	v27 =	vmov s24;
	v26 =	vor.u32 v1, v12;
	v7 =	vld.idx.msk [tilespmem:v10+s30+$0x0], $0xffff  }
0x504: {  	s26 =	simm.s32 $0x44;
	v12 =	vshll.u32 v27, $0x3;
	v10 =	vor.u32 v2, v26;
	v5 =	vadd.f32 v8, v5  }
0x505: {  	v29 =	vmov s26;
	v28 =	vor.u32 v1, v12;
	v8 =	vld.idx.msk [tilespmem:v11+s30+$0x0], $0xffff  }
0x506: {  	s12 =	simm.s32 $0x46;
	v12 =	vshll.u32 v29, $0x3;
	v11 =	vor.u32 v2, v28;
	v5 =	vadd.f32 v6, v5  }
0x507: {  	v31 =	vmov s12;
	v30 =	vor.u32 v1, v12;
	v6 =	vld.idx.msk [tilespmem:v9+s30+$0x0], $0xffff  }
0x508: {  	s20 =	simm.s32 $0x48;
	v12 =	vshll.u32 v31, $0x3;
	v9 =	vor.u32 v2, v30;
	v5 =	vadd.f32 v7, v5  }
0x509: {  	v33 =	vmov s20;
	v32 =	vor.u32 v1, v12;
	v7 =	vld.idx.msk [tilespmem:v10+s30+$0x0], $0xffff  }
0x50a: {  	s23 =	simm.s32 $0x4A;
	v12 =	vshll.u32 v33, $0x3;
	v10 =	vor.u32 v2, v32;
	v5 =	vadd.f32 v8, v5  }
0x50b: {  	v35 =	vmov s23;
	v34 =	vor.u32 v1, v12;
	v8 =	vld.idx.msk [tilespmem:v11+s30+$0x0], $0xffff  }
0x50c: {  	s24 =	simm.s32 $0x4C;
	v12 =	vshll.u32 v35, $0x3;
	v11 =	vor.u32 v2, v34;
	v5 =	vadd.f32 v6, v5  }
0x50d: {  	v37 =	vmov s24;
	v36 =	vor.u32 v1, v12;
	v6 =	vld.idx.msk [tilespmem:v9+s30+$0x0], $0xffff  }
0x50e: {  	s26 =	simm.s32 $0x4E;
	v12 =	vshll.u32 v37, $0x3;
	v9 =	vor.u32 v2, v36;
	v5 =	vadd.f32 v7, v5  }
0x50f: {  	v39 =	vmov s26;
	v38 =	vor.u32 v1, v12;
	v7 =	vld.idx.msk [tilespmem:v10+s30+$0x0], $0xffff  }
0x510: {  	s12 =	simm.s32 $0x50;
	v12 =	vshll.u32 v39, $0x3;
	v10 =	vor.u32 v2, v38;
	v5 =	vadd.f32 v8, v5  }
0x511: {  	v41 =	vmov s12;
	v40 =	vor.u32 v1, v12;
	v8 =	vld.idx.msk [tilespmem:v11+s30+$0x0], $0xffff  }
0x512: {  	s20 =	simm.s32 $0x52;
	v12 =	vshll.u32 v41, $0x3;
	v11 =	vor.u32 v2, v40;
	v5 =	vadd.f32 v6, v5  }
0x513: {  	v43 =	vmov s20;
	v42 =	vor.u32 v1, v12;
	v6 =	vld.idx.msk [tilespmem:v9+s30+$0x0], $0xffff  }
0x514: {  	s23 =	simm.s32 $0x54;
	v12 =	vshll.u32 v43, $0x3;
	v9 =	vor.u32 v2, v42;
	v5 =	vadd.f32 v7, v5  }
0x515: {  	v45 =	vmov s23;
	v44 =	vor.u32 v1, v12;
	v7 =	vld.idx.msk [tilespmem:v10+s30+$0x0], $0xffff  }
0x516: {  	s24 =	simm.s32 $0x56;
	v12 =	vshll.u32 v45, $0x3;
	v10 =	vor.u32 v2, v44;
	v5 =	vadd.f32 v8, v5  }
0x517: {  	v47 =	vmov s24;
	v46 =	vor.u32 v1, v12;
	v8 =	vld.idx.msk [tilespmem:v11+s30+$0x0], $0xffff  }
0x518: {  	s26 =	simm.s32 $0x58;
	v12 =	vshll.u32 v47, $0x3;
	v11 =	vor.u32 v2, v46;
	v5 =	vadd.f32 v6, v5  }
0x519: {  	v49 =	vmov s26;
	v48 =	vor.u32 v1, v12;
	v6 =	vld.idx.msk [tilespmem:v9+s30+$0x0], $0xffff  }
0x51a: {  	s12 =	simm.s32 $0x5A;
	v12 =	vshll.u32 v49, $0x3;
	v9 =	vor.u32 v2, v48;
	v5 =	vadd.f32 v7, v5  }
0x51b: {  	v51 =	vmov s12;
	v50 =	vor.u32 v1, v12;
	v7 =	vld.idx.msk [tilespmem:v10+s30+$0x0], $0xffff  }
0x51c: {  	s20 =	simm.s32 $0x5C;
	v12 =	vshll.u32 v51, $0x3;
	v10 =	vor.u32 v2, v50;
	v5 =	vadd.f32 v8, v5  }
0x51d: {  	v53 =	vmov s20;
	v52 =	vor.u32 v1, v12;
	v8 =	vld.idx.msk [tilespmem:v11+s30+$0x0], $0xffff  }
0x51e: {  	s23 =	simm.s32 $0x5E;
	v12 =	vshll.u32 v53, $0x3;
	v11 =	vor.u32 v2, v52;
	v5 =	vadd.f32 v6, v5  }
0x51f: {  	v55 =	vmov s23;
	v54 =	vor.u32 v1, v12;
	v6 =	vld.idx.msk [tilespmem:v9+s30+$0x0], $0xffff  }
0x520: {  	s24 =	simm.s32 $0x60;
	v12 =	vshll.u32 v55, $0x3;
	v9 =	vor.u32 v2, v54;
	v5 =	vadd.f32 v7, v5  }
0x521: {  	v57 =	vmov s24;
	v56 =	vor.u32 v1, v12;
	v7 =	vld.idx.msk [tilespmem:v10+s30+$0x0], $0xffff  }
0x522: {  	s26 =	simm.s32 $0x62;
	v12 =	vshll.u32 v57, $0x3;
	v10 =	vor.u32 v2, v56;
	v5 =	vadd.f32 v8, v5  }
0x523: {  	v59 =	vmov s26;
	v58 =	vor.u32 v1, v12;
	v8 =	vld.idx.msk [tilespmem:v11+s30+$0x0], $0xffff  }
0x524: {  	s12 =	simm.s32 $0x64;
	v12 =	vshll.u32 v59, $0x3;
	v11 =	vor.u32 v2, v58;
	v5 =	vadd.f32 v6, v5  }
0x525: {  	v61 =	vmov s12;
	v60 =	vor.u32 v1, v12;
	v6 =	vld.idx.msk [tilespmem:v9+s30+$0x0], $0xffff  }
0x526: {  	s20 =	simm.s32 $0x66;
	v12 =	vshll.u32 v61, $0x3;
	v9 =	vor.u32 v2, v60;
	v5 =	vadd.f32 v7, v5  }
0x527: {  	v63 =	vmov s20;
	v62 =	vor.u32 v1, v12;
	v7 =	vld.idx.msk [tilespmem:v10+s30+$0x0], $0xffff  }
0x528: {  	s23 =	simm.s32 $0x68;
	v12 =	vshll.u32 v63, $0x3;
	v10 =	vor.u32 v2, v62;
	v5 =	vadd.f32 v8, v5  }
0x529: {  	v17 =	vmov s23;
	v16 =	vor.u32 v1, v12;
	v8 =	vld.idx.msk [tilespmem:v11+s30+$0x0], $0xffff  }
0x52a: {  	s24 =	simm.s32 $0x6A;
	v12 =	vshll.u32 v17, $0x3;
	v11 =	vor.u32 v2, v16;
	v5 =	vadd.f32 v6, v5  }
0x52b: {  	v19 =	vmov s24;
	v18 =	vor.u32 v1, v12;
	v6 =	vld.idx.msk [tilespmem:v9+s30+$0x0], $0xffff  }
0x52c: {  	s26 =	simm.s32 $0x6C;
	v12 =	vshll.u32 v19, $0x3;
	v9 =	vor.u32 v2, v18;
	v5 =	vadd.f32 v7, v5  }
0x52d: {  	v21 =	vmov s26;
	v20 =	vor.u32 v1, v12;
	v7 =	vld.idx.msk [tilespmem:v10+s30+$0x0], $0xffff  }
0x52e: {  	s12 =	simm.s32 $0x6E;
	v12 =	vshll.u32 v21, $0x3;
	v10 =	vor.u32 v2, v20;
	v5 =	vadd.f32 v8, v5  }
0x52f: {  	v23 =	vmov s12;
	v22 =	vor.u32 v1, v12;
	v8 =	vld.idx.msk [tilespmem:v11+s30+$0x0], $0xffff  }
0x530: {  	s20 =	simm.s32 $0x70;
	v12 =	vshll.u32 v23, $0x3;
	v11 =	vor.u32 v2, v22;
	v5 =	vadd.f32 v6, v5  }
0x531: {  	v25 =	vmov s20;
	v24 =	vor.u32 v1, v12;
	v6 =	vld.idx.msk [tilespmem:v9+s30+$0x0], $0xffff  }
0x532: {  	s23 =	simm.s32 $0x72;
	v12 =	vshll.u32 v25, $0x3;
	v9 =	vor.u32 v2, v24;
	v5 =	vadd.f32 v7, v5  }
0x533: {  	v27 =	vmov s23;
	v26 =	vor.u32 v1, v12;
	v7 =	vld.idx.msk [tilespmem:v10+s30+$0x0], $0xffff  }
0x534: {  	s24 =	simm.s32 $0x74;
	v12 =	vshll.u32 v27, $0x3;
	v10 =	vor.u32 v2, v26;
	v5 =	vadd.f32 v8, v5  }
0x535: {  	v29 =	vmov s24;
	v28 =	vor.u32 v1, v12;
	v8 =	vld.idx.msk [tilespmem:v11+s30+$0x0], $0xffff  }
0x536: {  	s26 =	simm.s32 $0x76;
	v12 =	vshll.u32 v29, $0x3;
	v11 =	vor.u32 v2, v28;
	v5 =	vadd.f32 v6, v5  }
0x537: {  	v31 =	vmov s26;
	v30 =	vor.u32 v1, v12;
	v6 =	vld.idx.msk [tilespmem:v9+s30+$0x0], $0xffff  }
0x538: {  	s12 =	simm.s32 $0x78;
	v12 =	vshll.u32 v31, $0x3;
	v9 =	vor.u32 v2, v30;
	v5 =	vadd.f32 v7, v5  }
0x539: {  	v33 =	vmov s12;
	v32 =	vor.u32 v1, v12;
	v7 =	vld.idx.msk [tilespmem:v10+s30+$0x0], $0xffff  }
0x53a: {  	s20 =	simm.s32 $0x7A;
	v12 =	vshll.u32 v33, $0x3;
	v10 =	vor.u32 v2, v32;
	v5 =	vadd.f32 v8, v5  }
0x53b: {  	v35 =	vmov s20;
	v34 =	vor.u32 v1, v12;
	v8 =	vld.idx.msk [tilespmem:v11+s30+$0x0], $0xffff  }
0x53c: {  	s23 =	simm.s32 $0x7C;
	v12 =	vshll.u32 v35, $0x3;
	v11 =	vor.u32 v2, v34;
	v5 =	vadd.f32 v6, v5  }
0x53d: {  	v37 =	vmov s23;
	v36 =	vor.u32 v1, v12;
	v6 =	vld.idx.msk [tilespmem:v9+s30+$0x0], $0xffff  }
0x53e: {  	s24 =	simm.s32 $0x7E;
	v12 =	vshll.u32 v37, $0x3;
	v9 =	vor.u32 v2, v36;
	v5 =	vadd.f32 v7, v5  }
0x53f: {  	v39 =	vmov s24;
	v38 =	vor.u32 v1, v12;
	v7 =	vld.idx.msk [tilespmem:v10+s30+$0x0], $0xffff  }
0x540: {  	s26 =	simm.s32 $0x80;
	v12 =	vshll.u32 v39, $0x3;
	v10 =	vor.u32 v2, v38;
	v5 =	vadd.f32 v8, v5  }
0x541: {  	v41 =	vmov s26;
	v40 =	vor.u32 v1, v12;
	v8 =	vld.idx.msk [tilespmem:v11+s30+$0x0], $0xffff  }
0x542: {  	s12 =	simm.s32 $0x82;
	v12 =	vshll.u32 v41, $0x3;
	v11 =	vor.u32 v2, v40;
	v5 =	vadd.f32 v6, v5  }
0x543: {  	v43 =	vmov s12;
	v42 =	vor.u32 v1, v12;
	v6 =	vld.idx.msk [tilespmem:v9+s30+$0x0], $0xffff  }
0x544: {  	s20 =	simm.s32 $0x84;
	v12 =	vshll.u32 v43, $0x3;
	v9 =	vor.u32 v2, v42;
	v5 =	vadd.f32 v7, v5  }
0x545: {  	v45 =	vmov s20;
	v44 =	vor.u32 v1, v12;
	v7 =	vld.idx.msk [tilespmem:v10+s30+$0x0], $0xffff  }
0x546: {  	s23 =	simm.s32 $0x86;
	v12 =	vshll.u32 v45, $0x3;
	v10 =	vor.u32 v2, v44;
	v5 =	vadd.f32 v8, v5  }
0x547: {  	v47 =	vmov s23;
	v46 =	vor.u32 v1, v12;
	v8 =	vld.idx.msk [tilespmem:v11+s30+$0x0], $0xffff  }
0x548: {  	s24 =	simm.s32 $0x88;
	v12 =	vshll.u32 v47, $0x3;
	v11 =	vor.u32 v2, v46;
	v5 =	vadd.f32 v6, v5  }
0x549: {  	v49 =	vmov s24;
	v48 =	vor.u32 v1, v12;
	v6 =	vld.idx.msk [tilespmem:v9+s30+$0x0], $0xffff  }
0x54a: {  	s26 =	simm.s32 $0x8A;
	v12 =	vshll.u32 v49, $0x3;
	v9 =	vor.u32 v2, v48;
	v5 =	vadd.f32 v7, v5  }
0x54b: {  	v51 =	vmov s26;
	v50 =	vor.u32 v1, v12;
	v7 =	vld.idx.msk [tilespmem:v10+s30+$0x0], $0xffff  }
0x54c: {  	s12 =	simm.s32 $0x8C;
	v12 =	vshll.u32 v51, $0x3;
	v10 =	vor.u32 v2, v50;
	v5 =	vadd.f32 v8, v5  }
0x54d: {  	v53 =	vmov s12;
	v52 =	vor.u32 v1, v12;
	v8 =	vld.idx.msk [tilespmem:v11+s30+$0x0], $0xffff  }
0x54e: {  	s20 =	simm.s32 $0x8E;
	v12 =	vshll.u32 v53, $0x3;
	v11 =	vor.u32 v2, v52;
	v5 =	vadd.f32 v6, v5  }
0x54f: {  	v55 =	vmov s20;
	v54 =	vor.u32 v1, v12;
	v6 =	vld.idx.msk [tilespmem:v9+s30+$0x0], $0xffff  }
0x550: {  	s23 =	simm.s32 $0x90;
	v12 =	vshll.u32 v55, $0x3;
	v9 =	vor.u32 v2, v54;
	v5 =	vadd.f32 v7, v5  }
0x551: {  	v57 =	vmov s23;
	v56 =	vor.u32 v1, v12;
	v7 =	vld.idx.msk [tilespmem:v10+s30+$0x0], $0xffff  }
0x552: {  	s24 =	simm.s32 $0x92;
	v12 =	vshll.u32 v57, $0x3;
	v10 =	vor.u32 v2, v56;
	v5 =	vadd.f32 v8, v5  }
0x553: {  	v59 =	vmov s24;
	v58 =	vor.u32 v1, v12;
	v8 =	vld.idx.msk [tilespmem:v11+s30+$0x0], $0xffff  }
0x554: {  	s26 =	simm.s32 $0x94;
	v12 =	vshll.u32 v59, $0x3;
	v11 =	vor.u32 v2, v58;
	v5 =	vadd.f32 v6, v5  }
0x555: {  	v61 =	vmov s26;
	v60 =	vor.u32 v1, v12;
	v6 =	vld.idx.msk [tilespmem:v9+s30+$0x0], $0xffff  }
0x556: {  	s12 =	simm.s32 $0x96;
	v12 =	vshll.u32 v61, $0x3;
	v9 =	vor.u32 v2, v60;
	v5 =	vadd.f32 v7, v5  }
0x557: {  	v63 =	vmov s12;
	v62 =	vor.u32 v1, v12;
	v7 =	vld.idx.msk [tilespmem:v10+s30+$0x0], $0xffff  }
0x558: {  	s20 =	simm.s32 $0x98;
	v12 =	vshll.u32 v63, $0x3;
	v10 =	vor.u32 v2, v62;
	v5 =	vadd.f32 v8, v5  }
0x559: {  	v17 =	vmov s20;
	v16 =	vor.u32 v1, v12;
	v8 =	vld.idx.msk [tilespmem:v11+s30+$0x0], $0xffff  }
0x55a: {  	s23 =	simm.s32 $0x9A;
	v12 =	vshll.u32 v17, $0x3;
	v11 =	vor.u32 v2, v16;
	v5 =	vadd.f32 v6, v5  }
0x55b: {  	v19 =	vmov s23;
	v18 =	vor.u32 v1, v12;
	v6 =	vld.idx.msk [tilespmem:v9+s30+$0x0], $0xffff  }
0x55c: {  	s24 =	simm.s32 $0x9C;
	v12 =	vshll.u32 v19, $0x3;
	v9 =	vor.u32 v2, v18;
	v5 =	vadd.f32 v7, v5  }
0x55d: {  	v21 =	vmov s24;
	v20 =	vor.u32 v1, v12;
	v7 =	vld.idx.msk [tilespmem:v10+s30+$0x0], $0xffff  }
0x55e: {  	s26 =	simm.s32 $0x9E;
	v12 =	vshll.u32 v21, $0x3;
	v10 =	vor.u32 v2, v20;
	v5 =	vadd.f32 v8, v5  }
0x55f: {  	v23 =	vmov s26;
	v22 =	vor.u32 v1, v12;
	v8 =	vld.idx.msk [tilespmem:v11+s30+$0x0], $0xffff  }
0x560: {  	s12 =	simm.s32 $0xA0;
	v12 =	vshll.u32 v23, $0x3;
	v11 =	vor.u32 v2, v22;
	v5 =	vadd.f32 v6, v5  }
0x561: {  	v25 =	vmov s12;
	v24 =	vor.u32 v1, v12;
	v6 =	vld.idx.msk [tilespmem:v9+s30+$0x0], $0xffff  }
0x562: {  	s20 =	simm.s32 $0xA2;
	v12 =	vshll.u32 v25, $0x3;
	v9 =	vor.u32 v2, v24;
	v5 =	vadd.f32 v7, v5  }
0x563: {  	v27 =	vmov s20;
	v26 =	vor.u32 v1, v12;
	v7 =	vld.idx.msk [tilespmem:v10+s30+$0x0], $0xffff  }
0x564: {  	s23 =	simm.s32 $0xA4;
	v12 =	vshll.u32 v27, $0x3;
	v10 =	vor.u32 v2, v26;
	v5 =	vadd.f32 v8, v5  }
0x565: {  	v29 =	vmov s23;
	v28 =	vor.u32 v1, v12;
	v8 =	vld.idx.msk [tilespmem:v11+s30+$0x0], $0xffff  }
0x566: {  	s24 =	simm.s32 $0xA6;
	v12 =	vshll.u32 v29, $0x3;
	v11 =	vor.u32 v2, v28;
	v5 =	vadd.f32 v6, v5  }
0x567: {  	v31 =	vmov s24;
	v30 =	vor.u32 v1, v12;
	v6 =	vld.idx.msk [tilespmem:v9+s30+$0x0], $0xffff  }
0x568: {  	s26 =	simm.s32 $0xA8;
	v12 =	vshll.u32 v31, $0x3;
	v9 =	vor.u32 v2, v30;
	v5 =	vadd.f32 v7, v5  }
0x569: {  	v33 =	vmov s26;
	v32 =	vor.u32 v1, v12;
	v7 =	vld.idx.msk [tilespmem:v10+s30+$0x0], $0xffff  }
0x56a: {  	s12 =	simm.s32 $0xAA;
	v12 =	vshll.u32 v33, $0x3;
	v10 =	vor.u32 v2, v32;
	v5 =	vadd.f32 v8, v5  }
0x56b: {  	v35 =	vmov s12;
	v34 =	vor.u32 v1, v12;
	v8 =	vld.idx.msk [tilespmem:v11+s30+$0x0], $0xffff  }
0x56c: {  	s20 =	simm.s32 $0xAC;
	v12 =	vshll.u32 v35, $0x3;
	v11 =	vor.u32 v2, v34;
	v5 =	vadd.f32 v6, v5  }
0x56d: {  	v37 =	vmov s20;
	v36 =	vor.u32 v1, v12;
	v6 =	vld.idx.msk [tilespmem:v9+s30+$0x0], $0xffff  }
0x56e: {  	s23 =	simm.s32 $0xAE;
	v12 =	vshll.u32 v37, $0x3;
	v9 =	vor.u32 v2, v36;
	v5 =	vadd.f32 v7, v5  }
0x56f: {  	v39 =	vmov s23;
	v38 =	vor.u32 v1, v12;
	v7 =	vld.idx.msk [tilespmem:v10+s30+$0x0], $0xffff  }
0x570: {  	s24 =	simm.s32 $0xB0;
	v12 =	vshll.u32 v39, $0x3;
	v10 =	vor.u32 v2, v38;
	v5 =	vadd.f32 v8, v5  }
0x571: {  	v41 =	vmov s24;
	v40 =	vor.u32 v1, v12;
	v8 =	vld.idx.msk [tilespmem:v11+s30+$0x0], $0xffff  }
0x572: {  	s26 =	simm.s32 $0xB2;
	v12 =	vshll.u32 v41, $0x3;
	v11 =	vor.u32 v2, v40;
	v5 =	vadd.f32 v6, v5  }
0x573: {  	v43 =	vmov s26;
	v42 =	vor.u32 v1, v12;
	v6 =	vld.idx.msk [tilespmem:v9+s30+$0x0], $0xffff  }
0x574: {  	s12 =	simm.s32 $0xB4;
	v12 =	vshll.u32 v43, $0x3;
	v9 =	vor.u32 v2, v42;
	v5 =	vadd.f32 v7, v5  }
0x575: {  	v45 =	vmov s12;
	v44 =	vor.u32 v1, v12;
	v7 =	vld.idx.msk [tilespmem:v10+s30+$0x0], $0xffff  }
0x576: {  	s20 =	simm.s32 $0xB6;
	v12 =	vshll.u32 v45, $0x3;
	v10 =	vor.u32 v2, v44;
	v5 =	vadd.f32 v8, v5  }
0x577: {  	v47 =	vmov s20;
	v46 =	vor.u32 v1, v12;
	v8 =	vld.idx.msk [tilespmem:v11+s30+$0x0], $0xffff  }
0x578: {  	s23 =	simm.s32 $0xB8;
	v12 =	vshll.u32 v47, $0x3;
	v11 =	vor.u32 v2, v46;
	v5 =	vadd.f32 v6, v5  }
0x579: {  	v49 =	vmov s23;
	v48 =	vor.u32 v1, v12;
	v6 =	vld.idx.msk [tilespmem:v9+s30+$0x0], $0xffff  }
0x57a: {  	s24 =	simm.s32 $0xBA;
	v12 =	vshll.u32 v49, $0x3;
	v9 =	vor.u32 v2, v48;
	v5 =	vadd.f32 v7, v5  }
0x57b: {  	v51 =	vmov s24;
	v50 =	vor.u32 v1, v12;
	v7 =	vld.idx.msk [tilespmem:v10+s30+$0x0], $0xffff  }
0x57c: {  	s26 =	simm.s32 $0xBC;
	v12 =	vshll.u32 v51, $0x3;
	v10 =	vor.u32 v2, v50;
	v5 =	vadd.f32 v8, v5  }
0x57d: {  	v53 =	vmov s26;
	v52 =	vor.u32 v1, v12;
	v8 =	vld.idx.msk [tilespmem:v11+s30+$0x0], $0xffff  }
0x57e: {  	s12 =	simm.s32 $0xBE;
	v12 =	vshll.u32 v53, $0x3;
	v11 =	vor.u32 v2, v52;
	v5 =	vadd.f32 v6, v5  }
0x57f: {  	v55 =	vmov s12;
	v54 =	vor.u32 v1, v12;
	v6 =	vld.idx.msk [tilespmem:v9+s30+$0x0], $0xffff  }
0x580: {  	s20 =	simm.s32 $0xC0;
	v12 =	vshll.u32 v55, $0x3;
	v9 =	vor.u32 v2, v54;
	v5 =	vadd.f32 v7, v5  }
0x581: {  	v57 =	vmov s20;
	v56 =	vor.u32 v1, v12;
	v7 =	vld.idx.msk [tilespmem:v10+s30+$0x0], $0xffff  }
0x582: {  	s23 =	simm.s32 $0xC2;
	v12 =	vshll.u32 v57, $0x3;
	v10 =	vor.u32 v2, v56;
	v5 =	vadd.f32 v8, v5  }
0x583: {  	v59 =	vmov s23;
	v58 =	vor.u32 v1, v12;
	v8 =	vld.idx.msk [tilespmem:v11+s30+$0x0], $0xffff  }
0x584: {  	s24 =	simm.s32 $0xC4;
	v12 =	vshll.u32 v59, $0x3;
	v11 =	vor.u32 v2, v58;
	v5 =	vadd.f32 v6, v5  }
0x585: {  	v61 =	vmov s24;
	v60 =	vor.u32 v1, v12;
	v6 =	vld.idx.msk [tilespmem:v9+s30+$0x0], $0xffff  }
0x586: {  	s26 =	simm.s32 $0xC6;
	v12 =	vshll.u32 v61, $0x3;
	v9 =	vor.u32 v2, v60;
	v5 =	vadd.f32 v7, v5  }
0x587: {  	v63 =	vmov s26;
	v62 =	vor.u32 v1, v12;
	v7 =	vld.idx.msk [tilespmem:v10+s30+$0x0], $0xffff  }
0x588: {  	v12 =	vshll.u32 v63, $0x3;
	v10 =	vor.u32 v2, v62;
	v5 =	vadd.f32 v8, v5  }
0x589: {  	v15 =	vor.u32 v1, v12;
	v8 =	vld.idx.msk [tilespmem:v11+s30+$0x0], $0xffff  }
0x58a: {  	v11 =	vor.u32 v2, v15;
	v5 =	vadd.f32 v6, v5  }
0x58b: {  	v6 =	vld.idx.msk [tilespmem:v9+s30+$0x0], $0xffff  }
0x58c: {  	v5 =	vadd.f32 v7, v5  }
0x58d: {  	v7 =	vld.idx.msk [tilespmem:v10+s30+$0x0], $0xffff  }
0x58e: {  	v5 =	vadd.f32 v8, v5  }
0x58f: {  	v8 =	vld.idx.msk [tilespmem:v11+s30+$0x0], $0xffff  }
0x590: {  	v5 =	vadd.f32 v6, v5;
	_ =	sdelay $0x1  }
0x591: {  	s12 =	simm.s32 $0xC8;
	v5 =	vadd.f32 v7, v5  }
0x592: {  	v6 =	vmov s12  }
0x593: {  	s20 =	simm.s32 $0xCA;
	v6 =	vshll.u32 v6, $0x3;
	v5 =	vadd.f32 v8, v5  }
0x594: {  	v6 =	vor.u32 v1, v6;
	v7 =	vmov s20;
	v8 =	vor.u32 s21, v4  }
0x595: {  	s23 =	simm.s32 $0xCC;
	v6 =	vor.u32 v2, v6;
	v7 =	vshll.u32 v7, $0x3;
	v16 =	vperm.xlane v5, v3  }
0x596: {  	v17 =	vmov s23;
	v7 =	vor.u32 v1, v7  }
0x597: {  	s24 =	simm.s32 $0xCE;
	v10 =	vshll.u32 v17, $0x3;
	v7 =	vor.u32 v2, v7;
	v5 =	vadd.f32 v16, v5  }
0x598: {  	v19 =	vmov s24;
	v18 =	vor.u32 v1, v10  }
0x599: {  	s26 =	simm.s32 $0xD0;
	v10 =	vshll.u32 v19, $0x3;
	v9 =	vor.u32 v2, v18;
	[tilespmem:v8+s18+$0x0] =	vst.idx.msk $0xf, v5  }
0x59a: {  	v8 =	vmov s26;
	v5 =	vld.idx.msk [tilespmem:v6+s30+$0x0], $0xffff;
	v6 =	vor.u32 v1, v10  }
0x59b: {  	s12 =	simm.s32 $0xD2;
	v8 =	vshll.u32 v8, $0x3;
	v6 =	vor.u32 v2, v6  }
0x59c: {  	v20 =	vmov s12;
	v7 =	vld.idx.msk [tilespmem:v7+s30+$0x0], $0xffff;
	v8 =	vor.u32 v1, v8  }
0x59d: {  	s20 =	simm.s32 $0xD4;
	v10 =	vshll.u32 v20, $0x3;
	v8 =	vor.u32 v2, v8  }
0x59e: {  	v21 =	vmov s20;
	v9 =	vld.idx.msk [tilespmem:v9+s30+$0x0], $0xffff;
	v10 =	vor.u32 v1, v10  }
0x59f: {  	s23 =	simm.s32 $0xD6;
	v11 =	vshll.u32 v21, $0x3;
	v10 =	vor.u32 v2, v10;
	v5 =	vadd.f32 $0.0e+00, v5  }
0x5a0: {  	v22 =	vmov s23;
	v11 =	vor.u32 v1, v11;
	v6 =	vld.idx.msk [tilespmem:v6+s30+$0x0], $0xffff  }
0x5a1: {  	s24 =	simm.s32 $0xD8;
	v12 =	vshll.u32 v22, $0x3;
	v11 =	vor.u32 v2, v11;
	v5 =	vadd.f32 v7, v5  }
0x5a2: {  	v23 =	vmov s24;
	v7 =	vld.idx.msk [tilespmem:v8+s30+$0x0], $0xffff;
	v8 =	vor.u32 v1, v12  }
0x5a3: {  	s26 =	simm.s32 $0xDA;
	v12 =	vshll.u32 v23, $0x3;
	v8 =	vor.u32 v2, v8;
	v5 =	vadd.f32 v9, v5  }
0x5a4: {  	v26 =	vmov s26;
	v24 =	vld.idx.msk [tilespmem:v10+s30+$0x0], $0xffff;
	v25 =	vor.u32 v1, v12  }
0x5a5: {  	s12 =	simm.s32 $0xDC;
	v12 =	vshll.u32 v26, $0x3;
	v10 =	vor.u32 v2, v25;
	v5 =	vadd.f32 v6, v5  }
0x5a6: {  	v28 =	vmov s12;
	v27 =	vor.u32 v1, v12;
	v6 =	vld.idx.msk [tilespmem:v11+s30+$0x0], $0xffff  }
0x5a7: {  	s20 =	simm.s32 $0xDE;
	v12 =	vshll.u32 v28, $0x3;
	v11 =	vor.u32 v2, v27;
	v5 =	vadd.f32 v7, v5  }
0x5a8: {  	v29 =	vmov s20;
	v7 =	vld.idx.msk [tilespmem:v8+s30+$0x0], $0xffff;
	v8 =	vor.u32 v1, v12  }
0x5a9: {  	s23 =	simm.s32 $0xE0;
	v12 =	vshll.u32 v29, $0x3;
	v8 =	vor.u32 v2, v8;
	v5 =	vadd.f32 v24, v5  }
0x5aa: {  	v32 =	vmov s23;
	v30 =	vld.idx.msk [tilespmem:v10+s30+$0x0], $0xffff;
	v31 =	vor.u32 v1, v12  }
0x5ab: {  	s24 =	simm.s32 $0xE2;
	v12 =	vshll.u32 v32, $0x3;
	v10 =	vor.u32 v2, v31;
	v5 =	vadd.f32 v6, v5  }
0x5ac: {  	v34 =	vmov s24;
	v33 =	vor.u32 v1, v12;
	v6 =	vld.idx.msk [tilespmem:v11+s30+$0x0], $0xffff  }
0x5ad: {  	s26 =	simm.s32 $0xE4;
	v12 =	vshll.u32 v34, $0x3;
	v11 =	vor.u32 v2, v33;
	v5 =	vadd.f32 v7, v5  }
0x5ae: {  	v35 =	vmov s26;
	v7 =	vld.idx.msk [tilespmem:v8+s30+$0x0], $0xffff;
	v8 =	vor.u32 v1, v12  }
0x5af: {  	s12 =	simm.s32 $0xE6;
	v12 =	vshll.u32 v35, $0x3;
	v8 =	vor.u32 v2, v8;
	v5 =	vadd.f32 v30, v5  }
0x5b0: {  	v38 =	vmov s12;
	v36 =	vld.idx.msk [tilespmem:v10+s30+$0x0], $0xffff;
	v37 =	vor.u32 v1, v12  }
0x5b1: {  	s20 =	simm.s32 $0xE8;
	v12 =	vshll.u32 v38, $0x3;
	v10 =	vor.u32 v2, v37;
	v5 =	vadd.f32 v6, v5  }
0x5b2: {  	v40 =	vmov s20;
	v39 =	vor.u32 v1, v12;
	v6 =	vld.idx.msk [tilespmem:v11+s30+$0x0], $0xffff  }
0x5b3: {  	s23 =	simm.s32 $0xEA;
	v12 =	vshll.u32 v40, $0x3;
	v11 =	vor.u32 v2, v39;
	v5 =	vadd.f32 v7, v5  }
0x5b4: {  	v41 =	vmov s23;
	v7 =	vld.idx.msk [tilespmem:v8+s30+$0x0], $0xffff;
	v8 =	vor.u32 v1, v12  }
0x5b5: {  	s24 =	simm.s32 $0xEC;
	v12 =	vshll.u32 v41, $0x3;
	v8 =	vor.u32 v2, v8;
	v5 =	vadd.f32 v36, v5  }
0x5b6: {  	v44 =	vmov s24;
	v42 =	vld.idx.msk [tilespmem:v10+s30+$0x0], $0xffff;
	v43 =	vor.u32 v1, v12  }
0x5b7: {  	s26 =	simm.s32 $0xEE;
	v12 =	vshll.u32 v44, $0x3;
	v10 =	vor.u32 v2, v43;
	v5 =	vadd.f32 v6, v5  }
0x5b8: {  	v46 =	vmov s26;
	v45 =	vor.u32 v1, v12;
	v6 =	vld.idx.msk [tilespmem:v11+s30+$0x0], $0xffff  }
0x5b9: {  	s12 =	simm.s32 $0xF0;
	v12 =	vshll.u32 v46, $0x3;
	v11 =	vor.u32 v2, v45;
	v5 =	vadd.f32 v7, v5  }
0x5ba: {  	v47 =	vmov s12;
	v7 =	vld.idx.msk [tilespmem:v8+s30+$0x0], $0xffff;
	v8 =	vor.u32 v1, v12  }
0x5bb: {  	s20 =	simm.s32 $0xF2;
	v12 =	vshll.u32 v47, $0x3;
	v8 =	vor.u32 v2, v8;
	v5 =	vadd.f32 v42, v5  }
0x5bc: {  	v50 =	vmov s20;
	v48 =	vld.idx.msk [tilespmem:v10+s30+$0x0], $0xffff;
	v49 =	vor.u32 v1, v12  }
0x5bd: {  	s23 =	simm.s32 $0xF4;
	v12 =	vshll.u32 v50, $0x3;
	v10 =	vor.u32 v2, v49;
	v5 =	vadd.f32 v6, v5  }
0x5be: {  	v52 =	vmov s23;
	v51 =	vor.u32 v1, v12;
	v6 =	vld.idx.msk [tilespmem:v11+s30+$0x0], $0xffff  }
0x5bf: {  	s24 =	simm.s32 $0xF6;
	v12 =	vshll.u32 v52, $0x3;
	v11 =	vor.u32 v2, v51;
	v5 =	vadd.f32 v7, v5  }
0x5c0: {  	v53 =	vmov s24;
	v7 =	vld.idx.msk [tilespmem:v8+s30+$0x0], $0xffff;
	v8 =	vor.u32 v1, v12  }
0x5c1: {  	s26 =	simm.s32 $0xF8;
	v12 =	vshll.u32 v53, $0x3;
	v8 =	vor.u32 v2, v8;
	v5 =	vadd.f32 v48, v5  }
0x5c2: {  	v56 =	vmov s26;
	v54 =	vld.idx.msk [tilespmem:v10+s30+$0x0], $0xffff;
	v55 =	vor.u32 v1, v12  }
0x5c3: {  	s12 =	simm.s32 $0xFA;
	v12 =	vshll.u32 v56, $0x3;
	v10 =	vor.u32 v2, v55;
	v5 =	vadd.f32 v6, v5  }
0x5c4: {  	v58 =	vmov s12;
	v57 =	vor.u32 v1, v12;
	v6 =	vld.idx.msk [tilespmem:v11+s30+$0x0], $0xffff  }
0x5c5: {  	s20 =	simm.s32 $0xFC;
	v12 =	vshll.u32 v58, $0x3;
	v11 =	vor.u32 v2, v57;
	v5 =	vadd.f32 v7, v5  }
0x5c6: {  	v59 =	vmov s20;
	v7 =	vld.idx.msk [tilespmem:v8+s30+$0x0], $0xffff;
	v8 =	vor.u32 v1, v12  }
0x5c7: {  	s23 =	simm.s32 $0xFE;
	v12 =	vshll.u32 v59, $0x3;
	v8 =	vor.u32 v2, v8;
	v5 =	vadd.f32 v54, v5  }
0x5c8: {  	v62 =	vmov s23;
	v60 =	vld.idx.msk [tilespmem:v10+s30+$0x0], $0xffff;
	v61 =	vor.u32 v1, v12  }
0x5c9: {  	s24 =	simm.s32 $0x100;
	v12 =	vshll.u32 v62, $0x3;
	v10 =	vor.u32 v2, v61;
	v5 =	vadd.f32 v6, v5  }
0x5ca: {  	v16 =	vmov s24;
	v63 =	vor.u32 v1, v12;
	v6 =	vld.idx.msk [tilespmem:v11+s30+$0x0], $0xffff  }
0x5cb: {  	s26 =	simm.s32 $0x102;
	v12 =	vshll.u32 v16, $0x3;
	v11 =	vor.u32 v2, v63;
	v5 =	vadd.f32 v7, v5  }
0x5cc: {  	v17 =	vmov s26;
	v7 =	vld.idx.msk [tilespmem:v8+s30+$0x0], $0xffff;
	v8 =	vor.u32 v1, v12  }
0x5cd: {  	s12 =	simm.s32 $0x104;
	v12 =	vshll.u32 v17, $0x3;
	v8 =	vor.u32 v2, v8;
	v5 =	vadd.f32 v60, v5  }
0x5ce: {  	v20 =	vmov s12;
	v18 =	vld.idx.msk [tilespmem:v10+s30+$0x0], $0xffff;
	v19 =	vor.u32 v1, v12  }
0x5cf: {  	s20 =	simm.s32 $0x106;
	v12 =	vshll.u32 v20, $0x3;
	v10 =	vor.u32 v2, v19;
	v5 =	vadd.f32 v6, v5  }
0x5d0: {  	v22 =	vmov s20;
	v21 =	vor.u32 v1, v12;
	v6 =	vld.idx.msk [tilespmem:v11+s30+$0x0], $0xffff  }
0x5d1: {  	s23 =	simm.s32 $0x108;
	v12 =	vshll.u32 v22, $0x3;
	v11 =	vor.u32 v2, v21;
	v5 =	vadd.f32 v7, v5  }
0x5d2: {  	v23 =	vmov s23;
	v7 =	vld.idx.msk [tilespmem:v8+s30+$0x0], $0xffff;
	v8 =	vor.u32 v1, v12  }
0x5d3: {  	s24 =	simm.s32 $0x10A;
	v12 =	vshll.u32 v23, $0x3;
	v8 =	vor.u32 v2, v8;
	v5 =	vadd.f32 v18, v5  }
0x5d4: {  	v26 =	vmov s24;
	v24 =	vld.idx.msk [tilespmem:v10+s30+$0x0], $0xffff;
	v25 =	vor.u32 v1, v12  }
0x5d5: {  	s26 =	simm.s32 $0x10C;
	v12 =	vshll.u32 v26, $0x3;
	v10 =	vor.u32 v2, v25;
	v5 =	vadd.f32 v6, v5  }
0x5d6: {  	v28 =	vmov s26;
	v27 =	vor.u32 v1, v12;
	v6 =	vld.idx.msk [tilespmem:v11+s30+$0x0], $0xffff  }
0x5d7: {  	s12 =	simm.s32 $0x10E;
	v12 =	vshll.u32 v28, $0x3;
	v11 =	vor.u32 v2, v27;
	v5 =	vadd.f32 v7, v5  }
0x5d8: {  	v29 =	vmov s12;
	v7 =	vld.idx.msk [tilespmem:v8+s30+$0x0], $0xffff;
	v8 =	vor.u32 v1, v12  }
0x5d9: {  	s20 =	simm.s32 $0x110;
	v12 =	vshll.u32 v29, $0x3;
	v8 =	vor.u32 v2, v8;
	v5 =	vadd.f32 v24, v5  }
0x5da: {  	v32 =	vmov s20;
	v30 =	vld.idx.msk [tilespmem:v10+s30+$0x0], $0xffff;
	v31 =	vor.u32 v1, v12  }
0x5db: {  	s23 =	simm.s32 $0x112;
	v12 =	vshll.u32 v32, $0x3;
	v10 =	vor.u32 v2, v31;
	v5 =	vadd.f32 v6, v5  }
0x5dc: {  	v34 =	vmov s23;
	v33 =	vor.u32 v1, v12;
	v6 =	vld.idx.msk [tilespmem:v11+s30+$0x0], $0xffff  }
0x5dd: {  	s24 =	simm.s32 $0x114;
	v12 =	vshll.u32 v34, $0x3;
	v11 =	vor.u32 v2, v33;
	v5 =	vadd.f32 v7, v5  }
0x5de: {  	v35 =	vmov s24;
	v7 =	vld.idx.msk [tilespmem:v8+s30+$0x0], $0xffff;
	v8 =	vor.u32 v1, v12  }
0x5df: {  	s26 =	simm.s32 $0x116;
	v12 =	vshll.u32 v35, $0x3;
	v8 =	vor.u32 v2, v8;
	v5 =	vadd.f32 v30, v5  }
0x5e0: {  	v38 =	vmov s26;
	v36 =	vld.idx.msk [tilespmem:v10+s30+$0x0], $0xffff;
	v37 =	vor.u32 v1, v12  }
0x5e1: {  	s12 =	simm.s32 $0x118;
	v12 =	vshll.u32 v38, $0x3;
	v10 =	vor.u32 v2, v37;
	v5 =	vadd.f32 v6, v5  }
0x5e2: {  	v40 =	vmov s12;
	v39 =	vor.u32 v1, v12;
	v6 =	vld.idx.msk [tilespmem:v11+s30+$0x0], $0xffff  }
0x5e3: {  	s20 =	simm.s32 $0x11A;
	v12 =	vshll.u32 v40, $0x3;
	v11 =	vor.u32 v2, v39;
	v5 =	vadd.f32 v7, v5  }
0x5e4: {  	v41 =	vmov s20;
	v7 =	vld.idx.msk [tilespmem:v8+s30+$0x0], $0xffff;
	v8 =	vor.u32 v1, v12  }
0x5e5: {  	s23 =	simm.s32 $0x11C;
	v12 =	vshll.u32 v41, $0x3;
	v8 =	vor.u32 v2, v8;
	v5 =	vadd.f32 v36, v5  }
0x5e6: {  	v44 =	vmov s23;
	v42 =	vld.idx.msk [tilespmem:v10+s30+$0x0], $0xffff;
	v43 =	vor.u32 v1, v12  }
0x5e7: {  	s24 =	simm.s32 $0x11E;
	v12 =	vshll.u32 v44, $0x3;
	v10 =	vor.u32 v2, v43;
	v5 =	vadd.f32 v6, v5  }
0x5e8: {  	v46 =	vmov s24;
	v45 =	vor.u32 v1, v12;
	v6 =	vld.idx.msk [tilespmem:v11+s30+$0x0], $0xffff  }
0x5e9: {  	s26 =	simm.s32 $0x120;
	v12 =	vshll.u32 v46, $0x3;
	v11 =	vor.u32 v2, v45;
	v5 =	vadd.f32 v7, v5  }
0x5ea: {  	v47 =	vmov s26;
	v7 =	vld.idx.msk [tilespmem:v8+s30+$0x0], $0xffff;
	v8 =	vor.u32 v1, v12  }
0x5eb: {  	s12 =	simm.s32 $0x122;
	v12 =	vshll.u32 v47, $0x3;
	v8 =	vor.u32 v2, v8;
	v5 =	vadd.f32 v42, v5  }
0x5ec: {  	v50 =	vmov s12;
	v48 =	vld.idx.msk [tilespmem:v10+s30+$0x0], $0xffff;
	v49 =	vor.u32 v1, v12  }
0x5ed: {  	s20 =	simm.s32 $0x124;
	v12 =	vshll.u32 v50, $0x3;
	v10 =	vor.u32 v2, v49;
	v5 =	vadd.f32 v6, v5  }
0x5ee: {  	v52 =	vmov s20;
	v51 =	vor.u32 v1, v12;
	v6 =	vld.idx.msk [tilespmem:v11+s30+$0x0], $0xffff  }
0x5ef: {  	s23 =	simm.s32 $0x126;
	v12 =	vshll.u32 v52, $0x3;
	v11 =	vor.u32 v2, v51;
	v5 =	vadd.f32 v7, v5  }
0x5f0: {  	v53 =	vmov s23;
	v7 =	vld.idx.msk [tilespmem:v8+s30+$0x0], $0xffff;
	v8 =	vor.u32 v1, v12  }
0x5f1: {  	s24 =	simm.s32 $0x128;
	v12 =	vshll.u32 v53, $0x3;
	v8 =	vor.u32 v2, v8;
	v5 =	vadd.f32 v48, v5  }
0x5f2: {  	v56 =	vmov s24;
	v54 =	vld.idx.msk [tilespmem:v10+s30+$0x0], $0xffff;
	v55 =	vor.u32 v1, v12  }
0x5f3: {  	s26 =	simm.s32 $0x12A;
	v12 =	vshll.u32 v56, $0x3;
	v10 =	vor.u32 v2, v55;
	v5 =	vadd.f32 v6, v5  }
0x5f4: {  	v58 =	vmov s26;
	v57 =	vor.u32 v1, v12;
	v6 =	vld.idx.msk [tilespmem:v11+s30+$0x0], $0xffff  }
0x5f5: {  	s12 =	simm.s32 $0x12C;
	v12 =	vshll.u32 v58, $0x3;
	v11 =	vor.u32 v2, v57;
	v5 =	vadd.f32 v7, v5  }
0x5f6: {  	v59 =	vmov s12;
	v7 =	vld.idx.msk [tilespmem:v8+s30+$0x0], $0xffff;
	v8 =	vor.u32 v1, v12  }
0x5f7: {  	s20 =	simm.s32 $0x12E;
	v12 =	vshll.u32 v59, $0x3;
	v8 =	vor.u32 v2, v8;
	v5 =	vadd.f32 v54, v5  }
0x5f8: {  	v62 =	vmov s20;
	v60 =	vld.idx.msk [tilespmem:v10+s30+$0x0], $0xffff;
	v61 =	vor.u32 v1, v12  }
0x5f9: {  	s23 =	simm.s32 $0x130;
	v12 =	vshll.u32 v62, $0x3;
	v10 =	vor.u32 v2, v61;
	v5 =	vadd.f32 v6, v5  }
0x5fa: {  	v16 =	vmov s23;
	v63 =	vor.u32 v1, v12;
	v6 =	vld.idx.msk [tilespmem:v11+s30+$0x0], $0xffff  }
0x5fb: {  	s24 =	simm.s32 $0x132;
	v12 =	vshll.u32 v16, $0x3;
	v11 =	vor.u32 v2, v63;
	v5 =	vadd.f32 v7, v5  }
0x5fc: {  	v17 =	vmov s24;
	v7 =	vld.idx.msk [tilespmem:v8+s30+$0x0], $0xffff;
	v8 =	vor.u32 v1, v12  }
0x5fd: {  	s26 =	simm.s32 $0x134;
	v12 =	vshll.u32 v17, $0x3;
	v8 =	vor.u32 v2, v8;
	v5 =	vadd.f32 v60, v5  }
0x5fe: {  	v20 =	vmov s26;
	v18 =	vld.idx.msk [tilespmem:v10+s30+$0x0], $0xffff;
	v19 =	vor.u32 v1, v12  }
0x5ff: {  	s12 =	simm.s32 $0x136;
	v12 =	vshll.u32 v20, $0x3;
	v10 =	vor.u32 v2, v19;
	v5 =	vadd.f32 v6, v5  }
0x600: {  	v22 =	vmov s12;
	v21 =	vor.u32 v1, v12;
	v6 =	vld.idx.msk [tilespmem:v11+s30+$0x0], $0xffff  }
0x601: {  	s20 =	simm.s32 $0x138;
	v12 =	vshll.u32 v22, $0x3;
	v11 =	vor.u32 v2, v21;
	v5 =	vadd.f32 v7, v5  }
0x602: {  	v23 =	vmov s20;
	v7 =	vld.idx.msk [tilespmem:v8+s30+$0x0], $0xffff;
	v8 =	vor.u32 v1, v12  }
0x603: {  	s23 =	simm.s32 $0x13A;
	v12 =	vshll.u32 v23, $0x3;
	v8 =	vor.u32 v2, v8;
	v5 =	vadd.f32 v18, v5  }
0x604: {  	v26 =	vmov s23;
	v24 =	vld.idx.msk [tilespmem:v10+s30+$0x0], $0xffff;
	v25 =	vor.u32 v1, v12  }
0x605: {  	s24 =	simm.s32 $0x13C;
	v12 =	vshll.u32 v26, $0x3;
	v10 =	vor.u32 v2, v25;
	v5 =	vadd.f32 v6, v5  }
0x606: {  	v28 =	vmov s24;
	v27 =	vor.u32 v1, v12;
	v6 =	vld.idx.msk [tilespmem:v11+s30+$0x0], $0xffff  }
0x607: {  	s26 =	simm.s32 $0x13E;
	v12 =	vshll.u32 v28, $0x3;
	v11 =	vor.u32 v2, v27;
	v5 =	vadd.f32 v7, v5  }
0x608: {  	v29 =	vmov s26;
	v7 =	vld.idx.msk [tilespmem:v8+s30+$0x0], $0xffff;
	v8 =	vor.u32 v1, v12  }
0x609: {  	s12 =	simm.s32 $0x140;
	v12 =	vshll.u32 v29, $0x3;
	v8 =	vor.u32 v2, v8;
	v5 =	vadd.f32 v24, v5  }
0x60a: {  	v32 =	vmov s12;
	v30 =	vld.idx.msk [tilespmem:v10+s30+$0x0], $0xffff;
	v31 =	vor.u32 v1, v12  }
0x60b: {  	s20 =	simm.s32 $0x142;
	v12 =	vshll.u32 v32, $0x3;
	v10 =	vor.u32 v2, v31;
	v5 =	vadd.f32 v6, v5  }
0x60c: {  	v34 =	vmov s20;
	v33 =	vor.u32 v1, v12;
	v6 =	vld.idx.msk [tilespmem:v11+s30+$0x0], $0xffff  }
0x60d: {  	s23 =	simm.s32 $0x144;
	v12 =	vshll.u32 v34, $0x3;
	v11 =	vor.u32 v2, v33;
	v5 =	vadd.f32 v7, v5  }
0x60e: {  	v35 =	vmov s23;
	v7 =	vld.idx.msk [tilespmem:v8+s30+$0x0], $0xffff;
	v8 =	vor.u32 v1, v12  }
0x60f: {  	s24 =	simm.s32 $0x146;
	v12 =	vshll.u32 v35, $0x3;
	v8 =	vor.u32 v2, v8;
	v5 =	vadd.f32 v30, v5  }
0x610: {  	v38 =	vmov s24;
	v36 =	vld.idx.msk [tilespmem:v10+s30+$0x0], $0xffff;
	v37 =	vor.u32 v1, v12  }
0x611: {  	s26 =	simm.s32 $0x148;
	v12 =	vshll.u32 v38, $0x3;
	v10 =	vor.u32 v2, v37;
	v5 =	vadd.f32 v6, v5  }
0x612: {  	v40 =	vmov s26;
	v39 =	vor.u32 v1, v12;
	v6 =	vld.idx.msk [tilespmem:v11+s30+$0x0], $0xffff  }
0x613: {  	s12 =	simm.s32 $0x14A;
	v12 =	vshll.u32 v40, $0x3;
	v11 =	vor.u32 v2, v39;
	v5 =	vadd.f32 v7, v5  }
0x614: {  	v41 =	vmov s12;
	v7 =	vld.idx.msk [tilespmem:v8+s30+$0x0], $0xffff;
	v8 =	vor.u32 v1, v12  }
0x615: {  	s20 =	simm.s32 $0x14C;
	v12 =	vshll.u32 v41, $0x3;
	v8 =	vor.u32 v2, v8;
	v5 =	vadd.f32 v36, v5  }
0x616: {  	v44 =	vmov s20;
	v42 =	vld.idx.msk [tilespmem:v10+s30+$0x0], $0xffff;
	v43 =	vor.u32 v1, v12  }
0x617: {  	s23 =	simm.s32 $0x14E;
	v12 =	vshll.u32 v44, $0x3;
	v10 =	vor.u32 v2, v43;
	v5 =	vadd.f32 v6, v5  }
0x618: {  	v46 =	vmov s23;
	v45 =	vor.u32 v1, v12;
	v6 =	vld.idx.msk [tilespmem:v11+s30+$0x0], $0xffff  }
0x619: {  	s24 =	simm.s32 $0x150;
	v12 =	vshll.u32 v46, $0x3;
	v11 =	vor.u32 v2, v45;
	v5 =	vadd.f32 v7, v5  }
0x61a: {  	v47 =	vmov s24;
	v7 =	vld.idx.msk [tilespmem:v8+s30+$0x0], $0xffff;
	v8 =	vor.u32 v1, v12  }
0x61b: {  	s26 =	simm.s32 $0x152;
	v12 =	vshll.u32 v47, $0x3;
	v8 =	vor.u32 v2, v8;
	v5 =	vadd.f32 v42, v5  }
0x61c: {  	v50 =	vmov s26;
	v48 =	vld.idx.msk [tilespmem:v10+s30+$0x0], $0xffff;
	v49 =	vor.u32 v1, v12  }
0x61d: {  	s12 =	simm.s32 $0x154;
	v12 =	vshll.u32 v50, $0x3;
	v10 =	vor.u32 v2, v49;
	v5 =	vadd.f32 v6, v5  }
0x61e: {  	v52 =	vmov s12;
	v51 =	vor.u32 v1, v12;
	v6 =	vld.idx.msk [tilespmem:v11+s30+$0x0], $0xffff  }
0x61f: {  	s20 =	simm.s32 $0x156;
	v12 =	vshll.u32 v52, $0x3;
	v11 =	vor.u32 v2, v51;
	v5 =	vadd.f32 v7, v5  }
0x620: {  	v53 =	vmov s20;
	v7 =	vld.idx.msk [tilespmem:v8+s30+$0x0], $0xffff;
	v8 =	vor.u32 v1, v12  }
0x621: {  	s23 =	simm.s32 $0x158;
	v12 =	vshll.u32 v53, $0x3;
	v8 =	vor.u32 v2, v8;
	v5 =	vadd.f32 v48, v5  }
0x622: {  	v56 =	vmov s23;
	v54 =	vld.idx.msk [tilespmem:v10+s30+$0x0], $0xffff;
	v55 =	vor.u32 v1, v12  }
0x623: {  	s24 =	simm.s32 $0x15A;
	v12 =	vshll.u32 v56, $0x3;
	v10 =	vor.u32 v2, v55;
	v5 =	vadd.f32 v6, v5  }
0x624: {  	v58 =	vmov s24;
	v57 =	vor.u32 v1, v12;
	v6 =	vld.idx.msk [tilespmem:v11+s30+$0x0], $0xffff  }
0x625: {  	s26 =	simm.s32 $0x15C;
	v12 =	vshll.u32 v58, $0x3;
	v11 =	vor.u32 v2, v57;
	v5 =	vadd.f32 v7, v5  }
0x626: {  	v59 =	vmov s26;
	v7 =	vld.idx.msk [tilespmem:v8+s30+$0x0], $0xffff;
	v8 =	vor.u32 v1, v12  }
0x627: {  	s12 =	simm.s32 $0x15E;
	v12 =	vshll.u32 v59, $0x3;
	v8 =	vor.u32 v2, v8;
	v5 =	vadd.f32 v54, v5  }
0x628: {  	v62 =	vmov s12;
	v60 =	vld.idx.msk [tilespmem:v10+s30+$0x0], $0xffff;
	v61 =	vor.u32 v1, v12  }
0x629: {  	s20 =	simm.s32 $0x160;
	v12 =	vshll.u32 v62, $0x3;
	v10 =	vor.u32 v2, v61;
	v5 =	vadd.f32 v6, v5  }
0x62a: {  	v16 =	vmov s20;
	v63 =	vor.u32 v1, v12;
	v6 =	vld.idx.msk [tilespmem:v11+s30+$0x0], $0xffff  }
0x62b: {  	s23 =	simm.s32 $0x162;
	v12 =	vshll.u32 v16, $0x3;
	v11 =	vor.u32 v2, v63;
	v5 =	vadd.f32 v7, v5  }
0x62c: {  	v17 =	vmov s23;
	v7 =	vld.idx.msk [tilespmem:v8+s30+$0x0], $0xffff;
	v8 =	vor.u32 v1, v12  }
0x62d: {  	s24 =	simm.s32 $0x164;
	v12 =	vshll.u32 v17, $0x3;
	v8 =	vor.u32 v2, v8;
	v5 =	vadd.f32 v60, v5  }
0x62e: {  	v20 =	vmov s24;
	v18 =	vld.idx.msk [tilespmem:v10+s30+$0x0], $0xffff;
	v19 =	vor.u32 v1, v12  }
0x62f: {  	s26 =	simm.s32 $0x166;
	v12 =	vshll.u32 v20, $0x3;
	v10 =	vor.u32 v2, v19;
	v5 =	vadd.f32 v6, v5  }
0x630: {  	v22 =	vmov s26;
	v21 =	vor.u32 v1, v12;
	v6 =	vld.idx.msk [tilespmem:v11+s30+$0x0], $0xffff  }
0x631: {  	s12 =	simm.s32 $0x168;
	v12 =	vshll.u32 v22, $0x3;
	v11 =	vor.u32 v2, v21;
	v5 =	vadd.f32 v7, v5  }
0x632: {  	v23 =	vmov s12;
	v7 =	vld.idx.msk [tilespmem:v8+s30+$0x0], $0xffff;
	v8 =	vor.u32 v1, v12  }
0x633: {  	s20 =	simm.s32 $0x16A;
	v12 =	vshll.u32 v23, $0x3;
	v8 =	vor.u32 v2, v8;
	v5 =	vadd.f32 v18, v5  }
0x634: {  	v26 =	vmov s20;
	v24 =	vld.idx.msk [tilespmem:v10+s30+$0x0], $0xffff;
	v25 =	vor.u32 v1, v12  }
0x635: {  	s23 =	simm.s32 $0x16C;
	v12 =	vshll.u32 v26, $0x3;
	v10 =	vor.u32 v2, v25;
	v5 =	vadd.f32 v6, v5  }
0x636: {  	v28 =	vmov s23;
	v27 =	vor.u32 v1, v12;
	v6 =	vld.idx.msk [tilespmem:v11+s30+$0x0], $0xffff  }
0x637: {  	s24 =	simm.s32 $0x16E;
	v12 =	vshll.u32 v28, $0x3;
	v11 =	vor.u32 v2, v27;
	v5 =	vadd.f32 v7, v5  }
0x638: {  	v29 =	vmov s24;
	v7 =	vld.idx.msk [tilespmem:v8+s30+$0x0], $0xffff;
	v8 =	vor.u32 v1, v12  }
0x639: {  	s26 =	simm.s32 $0x170;
	v12 =	vshll.u32 v29, $0x3;
	v8 =	vor.u32 v2, v8;
	v5 =	vadd.f32 v24, v5  }
0x63a: {  	v32 =	vmov s26;
	v30 =	vld.idx.msk [tilespmem:v10+s30+$0x0], $0xffff;
	v31 =	vor.u32 v1, v12  }
0x63b: {  	s12 =	simm.s32 $0x172;
	v12 =	vshll.u32 v32, $0x3;
	v10 =	vor.u32 v2, v31;
	v5 =	vadd.f32 v6, v5  }
0x63c: {  	v34 =	vmov s12;
	v33 =	vor.u32 v1, v12;
	v6 =	vld.idx.msk [tilespmem:v11+s30+$0x0], $0xffff  }
0x63d: {  	s20 =	simm.s32 $0x174;
	v12 =	vshll.u32 v34, $0x3;
	v11 =	vor.u32 v2, v33;
	v5 =	vadd.f32 v7, v5  }
0x63e: {  	v35 =	vmov s20;
	v7 =	vld.idx.msk [tilespmem:v8+s30+$0x0], $0xffff;
	v8 =	vor.u32 v1, v12  }
0x63f: {  	s23 =	simm.s32 $0x176;
	v12 =	vshll.u32 v35, $0x3;
	v8 =	vor.u32 v2, v8;
	v5 =	vadd.f32 v30, v5  }
0x640: {  	v38 =	vmov s23;
	v36 =	vld.idx.msk [tilespmem:v10+s30+$0x0], $0xffff;
	v37 =	vor.u32 v1, v12  }
0x641: {  	s24 =	simm.s32 $0x178;
	v12 =	vshll.u32 v38, $0x3;
	v10 =	vor.u32 v2, v37;
	v5 =	vadd.f32 v6, v5  }
0x642: {  	v40 =	vmov s24;
	v39 =	vor.u32 v1, v12;
	v6 =	vld.idx.msk [tilespmem:v11+s30+$0x0], $0xffff  }
0x643: {  	s26 =	simm.s32 $0x17A;
	v12 =	vshll.u32 v40, $0x3;
	v11 =	vor.u32 v2, v39;
	v5 =	vadd.f32 v7, v5  }
0x644: {  	v41 =	vmov s26;
	v7 =	vld.idx.msk [tilespmem:v8+s30+$0x0], $0xffff;
	v8 =	vor.u32 v1, v12  }
0x645: {  	s12 =	simm.s32 $0x17C;
	v12 =	vshll.u32 v41, $0x3;
	v8 =	vor.u32 v2, v8;
	v5 =	vadd.f32 v36, v5  }
0x646: {  	v44 =	vmov s12;
	v42 =	vld.idx.msk [tilespmem:v10+s30+$0x0], $0xffff;
	v43 =	vor.u32 v1, v12  }
0x647: {  	s20 =	simm.s32 $0x17E;
	v12 =	vshll.u32 v44, $0x3;
	v10 =	vor.u32 v2, v43;
	v5 =	vadd.f32 v6, v5  }
0x648: {  	v46 =	vmov s20;
	v45 =	vor.u32 v1, v12;
	v6 =	vld.idx.msk [tilespmem:v11+s30+$0x0], $0xffff  }
0x649: {  	s23 =	simm.s32 $0x180;
	v12 =	vshll.u32 v46, $0x3;
	v11 =	vor.u32 v2, v45;
	v5 =	vadd.f32 v7, v5  }
0x64a: {  	v47 =	vmov s23;
	v7 =	vld.idx.msk [tilespmem:v8+s30+$0x0], $0xffff;
	v8 =	vor.u32 v1, v12  }
0x64b: {  	s24 =	simm.s32 $0x182;
	v12 =	vshll.u32 v47, $0x3;
	v8 =	vor.u32 v2, v8;
	v5 =	vadd.f32 v42, v5  }
0x64c: {  	v50 =	vmov s24;
	v48 =	vld.idx.msk [tilespmem:v10+s30+$0x0], $0xffff;
	v49 =	vor.u32 v1, v12  }
0x64d: {  	s26 =	simm.s32 $0x184;
	v12 =	vshll.u32 v50, $0x3;
	v10 =	vor.u32 v2, v49;
	v5 =	vadd.f32 v6, v5  }
0x64e: {  	v52 =	vmov s26;
	v51 =	vor.u32 v1, v12;
	v6 =	vld.idx.msk [tilespmem:v11+s30+$0x0], $0xffff  }
0x64f: {  	v12 =	vshll.u32 v52, $0x3;
	v11 =	vor.u32 v2, v51;
	v5 =	vadd.f32 v7, v5  }
0x650: {  	s12 =	simm.s32 $0x186;
	v7 =	vld.idx.msk [tilespmem:v8+s30+$0x0], $0xffff;
	v8 =	vor.u32 v1, v12  }
0x651: {  	v53 =	vmov s12;
	v8 =	vor.u32 v2, v8;
	v5 =	vadd.f32 v48, v5  }
0x652: {  	s20 =	simm.s32 $0x188;
	v12 =	vshll.u32 v53, $0x3;
	v54 =	vld.idx.msk [tilespmem:v10+s30+$0x0], $0xffff  }
0x653: {  	v56 =	vmov s20;
	v55 =	vor.u32 v1, v12;
	v5 =	vadd.f32 v6, v5  }
0x654: {  	s23 =	simm.s32 $0x18A;
	v12 =	vshll.u32 v56, $0x3;
	v10 =	vor.u32 v2, v55;
	v6 =	vld.idx.msk [tilespmem:v11+s30+$0x0], $0xffff  }
0x655: {  	v58 =	vmov s23;
	v57 =	vor.u32 v1, v12;
	v5 =	vadd.f32 v7, v5  }
0x656: {  	v12 =	vshll.u32 v58, $0x3;
	v11 =	vor.u32 v2, v57;
	v7 =	vld.idx.msk [tilespmem:v8+s30+$0x0], $0xffff  }
0x657: {  	s24 =	simm.s32 $0x18C;
	v8 =	vor.u32 v1, v12;
	v5 =	vadd.f32 v54, v5  }
0x658: {  	v59 =	vmov s24;
	v8 =	vor.u32 v2, v8  }
0x659: {  	s26 =	simm.s32 $0x18E;
	v12 =	vshll.u32 v59, $0x3;
	v60 =	vld.idx.msk [tilespmem:v10+s30+$0x0], $0xffff;
	v5 =	vadd.f32 v6, v5  }
0x65a: {  	v62 =	vmov s26;
	v61 =	vor.u32 v1, v12  }
0x65b: {  	v10 =	vor.u32 v2, v61;
	v6 =	vld.idx.msk [tilespmem:v11+s30+$0x0], $0xffff;
	v5 =	vadd.f32 v7, v5;
	v7 =	vshll.u32 v62, $0x3  }
0x65c: {  	v7 =	vor.u32 v1, v7  }
0x65d: {  	v8 =	vld.idx.msk [tilespmem:v8+s30+$0x0], $0xffff;
	v7 =	vor.u32 v2, v7  }
0x65e: {  	v5 =	vadd.f32 v60, v5;
	_ =	sdelay $0x1  }
0x65f: {  	v63 =	vld.idx.msk [tilespmem:v10+s30+$0x0], $0xffff;
	v5 =	vadd.f32 v6, v5;
	_ =	sdelay $0x1  }
0x660: {  	v6 =	vadd.f32 v8, v5;
	v5 =	vld.idx.msk [tilespmem:v7+s30+$0x0], $0xffff;
	_ =	sdelay $0x1  }
0x661: {  	s11 =	simm.s32 $0x190  }
0x662: {  	s20 =	smov.u32 s21;
	s23 =	simm.s32 $0x256;
	s24 =	simm.s32 $0x31E;
	v6 =	vadd.f32 v63, v6  }
.LBB2_13:
0x663: {  	p0 =	sne.s32 s24, $0xC7E;
	v7 =	vmov s11  }
0x664: {  	s11 =	sadd.s32 $0xFFFFFF3C, s23;
	s20 =	sadd.s32 $0x4, s20;
	v7 =	vshll.u32 v7, $0x3;
	v5 =	vadd.f32 v5, v6  }
0x665: {  	v8 =	vor.u32 s20, v4;
	v6 =	vor.u32 v1, v7;
	v7 =	vmov s11  }
0x666: {  	s11 =	sadd.s32 $0xFFFFFF3E, s23;
	v6 =	vor.u32 v2, v6;
	v7 =	vshll.u32 v7, $0x3;
	v9 =	vperm.xlane v5, v3  }
0x667: {  	v10 =	vmov s11;
	v7 =	vor.u32 v1, v7  }
0x668: {  	s11 =	sadd.s32 $0xFFFFFF40, s23;
	v10 =	vshll.u32 v10, $0x3;
	v7 =	vor.u32 v2, v7;
	v5 =	vadd.f32 v9, v5  }
0x669: {  	v9 =	vor.u32 v1, v10;
	v10 =	vmov s11  }
0x66a: {  	s11 =	sadd.s32 $0xFFFFFF42, s23;
	v9 =	vor.u32 v2, v9;
	v10 =	vshll.u32 v10, $0x3;
	[tilespmem:v8+s18+$0x0] =	vst.idx.msk $0xf, v5  }
0x66b: {  	v8 =	vmov s11;
	v5 =	vld.idx.msk [tilespmem:v6+s30+$0x0], $0xffff;
	v6 =	vor.u32 v1, v10  }
0x66c: {  	s11 =	sadd.s32 $0xFFFFFF44, s23;
	v8 =	vshll.u32 v8, $0x3;
	v6 =	vor.u32 v2, v6  }
0x66d: {  	v10 =	vmov s11;
	v8 =	vor.u32 v1, v8;
	v7 =	vld.idx.msk [tilespmem:v7+s30+$0x0], $0xffff  }
0x66e: {  	s11 =	sadd.s32 $0xFFFFFF46, s23;
	v10 =	vshll.u32 v10, $0x3;
	v8 =	vor.u32 v2, v8  }
0x66f: {  	v11 =	vmov s11;
	v10 =	vor.u32 v1, v10;
	v9 =	vld.idx.msk [tilespmem:v9+s30+$0x0], $0xffff  }
0x670: {  	s11 =	sadd.s32 $0xFFFFFF48, s23;
	v11 =	vshll.u32 v11, $0x3;
	v10 =	vor.u32 v2, v10  }
0x671: {  	v12 =	vmov s11;
	v11 =	vor.u32 v1, v11;
	v5 =	vadd.f32 $0.0e+00, v5;
	v6 =	vld.idx.msk [tilespmem:v6+s30+$0x0], $0xffff  }
0x672: {  	s11 =	sadd.s32 $0xFFFFFF4A, s23;
	v12 =	vshll.u32 v12, $0x3;
	v11 =	vor.u32 v2, v11  }
0x673: {  	v5 =	vadd.f32 v7, v5;
	v7 =	vld.idx.msk [tilespmem:v8+s30+$0x0], $0xffff;
	v8 =	vor.u32 v1, v12;
	v12 =	vmov s11  }
0x674: {  	s11 =	sadd.s32 $0xFFFFFF4C, s23;
	v8 =	vor.u32 v2, v8;
	v12 =	vshll.u32 v12, $0x3  }
0x675: {  	v5 =	vadd.f32 v9, v5;
	v9 =	vld.idx.msk [tilespmem:v10+s30+$0x0], $0xffff;
	v10 =	vor.u32 v1, v12;
	v12 =	vmov s11  }
0x676: {  	s11 =	sadd.s32 $0xFFFFFF4E, s23;
	v10 =	vor.u32 v2, v10;
	v12 =	vshll.u32 v12, $0x3  }
0x677: {  	v5 =	vadd.f32 v6, v5;
	v6 =	vld.idx.msk [tilespmem:v11+s30+$0x0], $0xffff;
	v11 =	vor.u32 v1, v12;
	v12 =	vmov s11  }
0x678: {  	s11 =	sadd.s32 $0xFFFFFF50, s23;
	v11 =	vor.u32 v2, v11;
	v12 =	vshll.u32 v12, $0x3  }
0x679: {  	v5 =	vadd.f32 v7, v5;
	v7 =	vld.idx.msk [tilespmem:v8+s30+$0x0], $0xffff;
	v8 =	vor.u32 v1, v12;
	v12 =	vmov s11  }
0x67a: {  	s11 =	sadd.s32 $0xFFFFFF52, s23;
	v8 =	vor.u32 v2, v8;
	v12 =	vshll.u32 v12, $0x3  }
0x67b: {  	v5 =	vadd.f32 v9, v5;
	v9 =	vld.idx.msk [tilespmem:v10+s30+$0x0], $0xffff;
	v10 =	vor.u32 v1, v12;
	v12 =	vmov s11  }
0x67c: {  	s11 =	sadd.s32 $0xFFFFFF54, s23;
	v10 =	vor.u32 v2, v10;
	v12 =	vshll.u32 v12, $0x3  }
0x67d: {  	v5 =	vadd.f32 v6, v5;
	v6 =	vld.idx.msk [tilespmem:v11+s30+$0x0], $0xffff;
	v11 =	vor.u32 v1, v12;
	v12 =	vmov s11  }
0x67e: {  	s11 =	sadd.s32 $0xFFFFFF56, s23;
	v11 =	vor.u32 v2, v11;
	v12 =	vshll.u32 v12, $0x3  }
0x67f: {  	v5 =	vadd.f32 v7, v5;
	v7 =	vld.idx.msk [tilespmem:v8+s30+$0x0], $0xffff;
	v8 =	vor.u32 v1, v12;
	v12 =	vmov s11  }
0x680: {  	s11 =	sadd.s32 $0xFFFFFF58, s23;
	v8 =	vor.u32 v2, v8;
	v12 =	vshll.u32 v12, $0x3  }
0x681: {  	v5 =	vadd.f32 v9, v5;
	v9 =	vld.idx.msk [tilespmem:v10+s30+$0x0], $0xffff;
	v10 =	vor.u32 v1, v12;
	v12 =	vmov s11  }
0x682: {  	s11 =	sadd.s32 $0xFFFFFF5A, s23;
	v10 =	vor.u32 v2, v10;
	v12 =	vshll.u32 v12, $0x3  }
0x683: {  	v5 =	vadd.f32 v6, v5;
	v6 =	vld.idx.msk [tilespmem:v11+s30+$0x0], $0xffff;
	v11 =	vor.u32 v1, v12;
	v12 =	vmov s11  }
0x684: {  	s11 =	sadd.s32 $0xFFFFFF5C, s23;
	v11 =	vor.u32 v2, v11;
	v12 =	vshll.u32 v12, $0x3  }
0x685: {  	v5 =	vadd.f32 v7, v5;
	v7 =	vld.idx.msk [tilespmem:v8+s30+$0x0], $0xffff;
	v8 =	vor.u32 v1, v12;
	v12 =	vmov s11  }
0x686: {  	s11 =	sadd.s32 $0xFFFFFF5E, s23;
	v8 =	vor.u32 v2, v8;
	v12 =	vshll.u32 v12, $0x3  }
0x687: {  	v5 =	vadd.f32 v9, v5;
	v9 =	vld.idx.msk [tilespmem:v10+s30+$0x0], $0xffff;
	v10 =	vor.u32 v1, v12;
	v12 =	vmov s11  }
0x688: {  	s11 =	sadd.s32 $0xFFFFFF60, s23;
	v10 =	vor.u32 v2, v10;
	v12 =	vshll.u32 v12, $0x3  }
0x689: {  	v5 =	vadd.f32 v6, v5;
	v6 =	vld.idx.msk [tilespmem:v11+s30+$0x0], $0xffff;
	v11 =	vor.u32 v1, v12;
	v12 =	vmov s11  }
0x68a: {  	s11 =	sadd.s32 $0xFFFFFF62, s23;
	v11 =	vor.u32 v2, v11;
	v12 =	vshll.u32 v12, $0x3  }
0x68b: {  	v5 =	vadd.f32 v7, v5;
	v7 =	vld.idx.msk [tilespmem:v8+s30+$0x0], $0xffff;
	v8 =	vor.u32 v1, v12;
	v12 =	vmov s11  }
0x68c: {  	s11 =	sadd.s32 $0xFFFFFF64, s23;
	v8 =	vor.u32 v2, v8;
	v12 =	vshll.u32 v12, $0x3  }
0x68d: {  	v5 =	vadd.f32 v9, v5;
	v9 =	vld.idx.msk [tilespmem:v10+s30+$0x0], $0xffff;
	v10 =	vor.u32 v1, v12;
	v12 =	vmov s11  }
0x68e: {  	s11 =	sadd.s32 $0xFFFFFF66, s23;
	v10 =	vor.u32 v2, v10;
	v12 =	vshll.u32 v12, $0x3  }
0x68f: {  	v5 =	vadd.f32 v6, v5;
	v6 =	vld.idx.msk [tilespmem:v11+s30+$0x0], $0xffff;
	v11 =	vor.u32 v1, v12;
	v12 =	vmov s11  }
0x690: {  	s11 =	sadd.s32 $0xFFFFFF68, s23;
	v11 =	vor.u32 v2, v11;
	v12 =	vshll.u32 v12, $0x3  }
0x691: {  	v5 =	vadd.f32 v7, v5;
	v7 =	vld.idx.msk [tilespmem:v8+s30+$0x0], $0xffff;
	v8 =	vor.u32 v1, v12;
	v12 =	vmov s11  }
0x692: {  	s11 =	sadd.s32 $0xFFFFFF6A, s23;
	v8 =	vor.u32 v2, v8;
	v12 =	vshll.u32 v12, $0x3  }
0x693: {  	v5 =	vadd.f32 v9, v5;
	v9 =	vld.idx.msk [tilespmem:v10+s30+$0x0], $0xffff;
	v10 =	vor.u32 v1, v12;
	v12 =	vmov s11  }
0x694: {  	s11 =	sadd.s32 $0xFFFFFF6C, s23;
	v10 =	vor.u32 v2, v10;
	v12 =	vshll.u32 v12, $0x3  }
0x695: {  	v5 =	vadd.f32 v6, v5;
	v6 =	vld.idx.msk [tilespmem:v11+s30+$0x0], $0xffff;
	v11 =	vor.u32 v1, v12;
	v12 =	vmov s11  }
0x696: {  	s11 =	sadd.s32 $0xFFFFFF6E, s23;
	v11 =	vor.u32 v2, v11;
	v12 =	vshll.u32 v12, $0x3  }
0x697: {  	v5 =	vadd.f32 v7, v5;
	v7 =	vld.idx.msk [tilespmem:v8+s30+$0x0], $0xffff;
	v8 =	vor.u32 v1, v12;
	v12 =	vmov s11  }
0x698: {  	s11 =	sadd.s32 $0xFFFFFF70, s23;
	v8 =	vor.u32 v2, v8;
	v12 =	vshll.u32 v12, $0x3  }
0x699: {  	v5 =	vadd.f32 v9, v5;
	v9 =	vld.idx.msk [tilespmem:v10+s30+$0x0], $0xffff;
	v10 =	vor.u32 v1, v12;
	v12 =	vmov s11  }
0x69a: {  	s11 =	sadd.s32 $0xFFFFFF72, s23;
	v10 =	vor.u32 v2, v10;
	v12 =	vshll.u32 v12, $0x3  }
0x69b: {  	v5 =	vadd.f32 v6, v5;
	v6 =	vld.idx.msk [tilespmem:v11+s30+$0x0], $0xffff;
	v11 =	vor.u32 v1, v12;
	v12 =	vmov s11  }
0x69c: {  	s11 =	sadd.s32 $0xFFFFFF74, s23;
	v11 =	vor.u32 v2, v11;
	v12 =	vshll.u32 v12, $0x3  }
0x69d: {  	v5 =	vadd.f32 v7, v5;
	v7 =	vld.idx.msk [tilespmem:v8+s30+$0x0], $0xffff;
	v8 =	vor.u32 v1, v12;
	v12 =	vmov s11  }
0x69e: {  	s11 =	sadd.s32 $0xFFFFFF76, s23;
	v8 =	vor.u32 v2, v8;
	v12 =	vshll.u32 v12, $0x3  }
0x69f: {  	v5 =	vadd.f32 v9, v5;
	v9 =	vld.idx.msk [tilespmem:v10+s30+$0x0], $0xffff;
	v10 =	vor.u32 v1, v12;
	v12 =	vmov s11  }
0x6a0: {  	s11 =	sadd.s32 $0xFFFFFF78, s23;
	v10 =	vor.u32 v2, v10;
	v12 =	vshll.u32 v12, $0x3  }
0x6a1: {  	v5 =	vadd.f32 v6, v5;
	v6 =	vld.idx.msk [tilespmem:v11+s30+$0x0], $0xffff;
	v11 =	vor.u32 v1, v12;
	v12 =	vmov s11  }
0x6a2: {  	s11 =	sadd.s32 $0xFFFFFF7A, s23;
	v11 =	vor.u32 v2, v11;
	v12 =	vshll.u32 v12, $0x3  }
0x6a3: {  	v5 =	vadd.f32 v7, v5;
	v7 =	vld.idx.msk [tilespmem:v8+s30+$0x0], $0xffff;
	v8 =	vor.u32 v1, v12;
	v12 =	vmov s11  }
0x6a4: {  	s11 =	sadd.s32 $0xFFFFFF7C, s23;
	v8 =	vor.u32 v2, v8;
	v12 =	vshll.u32 v12, $0x3  }
0x6a5: {  	v5 =	vadd.f32 v9, v5;
	v9 =	vld.idx.msk [tilespmem:v10+s30+$0x0], $0xffff;
	v10 =	vor.u32 v1, v12;
	v12 =	vmov s11  }
0x6a6: {  	s11 =	sadd.s32 $0xFFFFFF7E, s23;
	v10 =	vor.u32 v2, v10;
	v12 =	vshll.u32 v12, $0x3  }
0x6a7: {  	v5 =	vadd.f32 v6, v5;
	v6 =	vld.idx.msk [tilespmem:v11+s30+$0x0], $0xffff;
	v11 =	vor.u32 v1, v12;
	v12 =	vmov s11  }
0x6a8: {  	s11 =	sadd.s32 $0xFFFFFF80, s23;
	v11 =	vor.u32 v2, v11;
	v12 =	vshll.u32 v12, $0x3  }
0x6a9: {  	v5 =	vadd.f32 v7, v5;
	v7 =	vld.idx.msk [tilespmem:v8+s30+$0x0], $0xffff;
	v8 =	vor.u32 v1, v12;
	v12 =	vmov s11  }
0x6aa: {  	s11 =	sadd.s32 $0xFFFFFF82, s23;
	v8 =	vor.u32 v2, v8;
	v12 =	vshll.u32 v12, $0x3  }
0x6ab: {  	v5 =	vadd.f32 v9, v5;
	v9 =	vld.idx.msk [tilespmem:v10+s30+$0x0], $0xffff;
	v10 =	vor.u32 v1, v12;
	v12 =	vmov s11  }
0x6ac: {  	s11 =	sadd.s32 $0xFFFFFF84, s23;
	v10 =	vor.u32 v2, v10;
	v12 =	vshll.u32 v12, $0x3  }
0x6ad: {  	v5 =	vadd.f32 v6, v5;
	v6 =	vld.idx.msk [tilespmem:v11+s30+$0x0], $0xffff;
	v11 =	vor.u32 v1, v12;
	v12 =	vmov s11  }
0x6ae: {  	s11 =	sadd.s32 $0xFFFFFF86, s23;
	v11 =	vor.u32 v2, v11;
	v12 =	vshll.u32 v12, $0x3  }
0x6af: {  	v5 =	vadd.f32 v7, v5;
	v7 =	vld.idx.msk [tilespmem:v8+s30+$0x0], $0xffff;
	v8 =	vor.u32 v1, v12;
	v12 =	vmov s11  }
0x6b0: {  	s11 =	sadd.s32 $0xFFFFFF88, s23;
	v8 =	vor.u32 v2, v8;
	v12 =	vshll.u32 v12, $0x3  }
0x6b1: {  	v5 =	vadd.f32 v9, v5;
	v9 =	vld.idx.msk [tilespmem:v10+s30+$0x0], $0xffff;
	v10 =	vor.u32 v1, v12;
	v12 =	vmov s11  }
0x6b2: {  	s11 =	sadd.s32 $0xFFFFFF8A, s23;
	v10 =	vor.u32 v2, v10;
	v12 =	vshll.u32 v12, $0x3  }
0x6b3: {  	v5 =	vadd.f32 v6, v5;
	v6 =	vld.idx.msk [tilespmem:v11+s30+$0x0], $0xffff;
	v11 =	vor.u32 v1, v12;
	v12 =	vmov s11  }
0x6b4: {  	s11 =	sadd.s32 $0xFFFFFF8C, s23;
	v11 =	vor.u32 v2, v11;
	v12 =	vshll.u32 v12, $0x3  }
0x6b5: {  	v5 =	vadd.f32 v7, v5;
	v7 =	vld.idx.msk [tilespmem:v8+s30+$0x0], $0xffff;
	v8 =	vor.u32 v1, v12;
	v12 =	vmov s11  }
0x6b6: {  	s11 =	sadd.s32 $0xFFFFFF8E, s23;
	v8 =	vor.u32 v2, v8;
	v12 =	vshll.u32 v12, $0x3  }
0x6b7: {  	v5 =	vadd.f32 v9, v5;
	v9 =	vld.idx.msk [tilespmem:v10+s30+$0x0], $0xffff;
	v10 =	vor.u32 v1, v12;
	v12 =	vmov s11  }
0x6b8: {  	s11 =	sadd.s32 $0xFFFFFF90, s23;
	v10 =	vor.u32 v2, v10;
	v12 =	vshll.u32 v12, $0x3  }
0x6b9: {  	v5 =	vadd.f32 v6, v5;
	v6 =	vld.idx.msk [tilespmem:v11+s30+$0x0], $0xffff;
	v11 =	vor.u32 v1, v12;
	v12 =	vmov s11  }
0x6ba: {  	s11 =	sadd.s32 $0xFFFFFF92, s23;
	v11 =	vor.u32 v2, v11;
	v12 =	vshll.u32 v12, $0x3  }
0x6bb: {  	v5 =	vadd.f32 v7, v5;
	v7 =	vld.idx.msk [tilespmem:v8+s30+$0x0], $0xffff;
	v8 =	vor.u32 v1, v12;
	v12 =	vmov s11  }
0x6bc: {  	s11 =	sadd.s32 $0xFFFFFF94, s23;
	v8 =	vor.u32 v2, v8;
	v12 =	vshll.u32 v12, $0x3  }
0x6bd: {  	v5 =	vadd.f32 v9, v5;
	v9 =	vld.idx.msk [tilespmem:v10+s30+$0x0], $0xffff;
	v10 =	vor.u32 v1, v12;
	v12 =	vmov s11  }
0x6be: {  	s11 =	sadd.s32 $0xFFFFFF96, s23;
	v10 =	vor.u32 v2, v10;
	v12 =	vshll.u32 v12, $0x3  }
0x6bf: {  	v5 =	vadd.f32 v6, v5;
	v6 =	vld.idx.msk [tilespmem:v11+s30+$0x0], $0xffff;
	v11 =	vor.u32 v1, v12;
	v12 =	vmov s11  }
0x6c0: {  	s11 =	sadd.s32 $0xFFFFFF98, s23;
	v11 =	vor.u32 v2, v11;
	v12 =	vshll.u32 v12, $0x3  }
0x6c1: {  	v5 =	vadd.f32 v7, v5;
	v7 =	vld.idx.msk [tilespmem:v8+s30+$0x0], $0xffff;
	v8 =	vor.u32 v1, v12;
	v12 =	vmov s11  }
0x6c2: {  	s11 =	sadd.s32 $0xFFFFFF9A, s23;
	v8 =	vor.u32 v2, v8;
	v12 =	vshll.u32 v12, $0x3  }
0x6c3: {  	v5 =	vadd.f32 v9, v5;
	v9 =	vld.idx.msk [tilespmem:v10+s30+$0x0], $0xffff;
	v10 =	vor.u32 v1, v12;
	v12 =	vmov s11  }
0x6c4: {  	s11 =	sadd.s32 $0xFFFFFF9C, s23;
	v10 =	vor.u32 v2, v10;
	v12 =	vshll.u32 v12, $0x3  }
0x6c5: {  	v5 =	vadd.f32 v6, v5;
	v6 =	vld.idx.msk [tilespmem:v11+s30+$0x0], $0xffff;
	v11 =	vor.u32 v1, v12;
	v12 =	vmov s11  }
0x6c6: {  	s11 =	sadd.s32 $0xFFFFFF9E, s23;
	v11 =	vor.u32 v2, v11;
	v12 =	vshll.u32 v12, $0x3  }
0x6c7: {  	v5 =	vadd.f32 v7, v5;
	v7 =	vld.idx.msk [tilespmem:v8+s30+$0x0], $0xffff;
	v8 =	vor.u32 v1, v12;
	v12 =	vmov s11  }
0x6c8: {  	s11 =	sadd.s32 $0xFFFFFFA0, s23;
	v8 =	vor.u32 v2, v8;
	v12 =	vshll.u32 v12, $0x3  }
0x6c9: {  	v5 =	vadd.f32 v9, v5;
	v9 =	vld.idx.msk [tilespmem:v10+s30+$0x0], $0xffff;
	v10 =	vor.u32 v1, v12;
	v12 =	vmov s11  }
0x6ca: {  	s11 =	sadd.s32 $0xFFFFFFA2, s23;
	v10 =	vor.u32 v2, v10;
	v12 =	vshll.u32 v12, $0x3  }
0x6cb: {  	v5 =	vadd.f32 v6, v5;
	v6 =	vld.idx.msk [tilespmem:v11+s30+$0x0], $0xffff;
	v11 =	vor.u32 v1, v12;
	v12 =	vmov s11  }
0x6cc: {  	s11 =	sadd.s32 $0xFFFFFFA4, s23;
	v11 =	vor.u32 v2, v11;
	v12 =	vshll.u32 v12, $0x3  }
0x6cd: {  	v5 =	vadd.f32 v7, v5;
	v7 =	vld.idx.msk [tilespmem:v8+s30+$0x0], $0xffff;
	v8 =	vor.u32 v1, v12;
	v12 =	vmov s11  }
0x6ce: {  	s11 =	sadd.s32 $0xFFFFFFA6, s23;
	v8 =	vor.u32 v2, v8;
	v12 =	vshll.u32 v12, $0x3  }
0x6cf: {  	v5 =	vadd.f32 v9, v5;
	v9 =	vld.idx.msk [tilespmem:v10+s30+$0x0], $0xffff;
	v10 =	vor.u32 v1, v12;
	v12 =	vmov s11  }
0x6d0: {  	s11 =	sadd.s32 $0xFFFFFFA8, s23;
	v10 =	vor.u32 v2, v10;
	v12 =	vshll.u32 v12, $0x3  }
0x6d1: {  	v5 =	vadd.f32 v6, v5;
	v6 =	vld.idx.msk [tilespmem:v11+s30+$0x0], $0xffff;
	v11 =	vor.u32 v1, v12;
	v12 =	vmov s11  }
0x6d2: {  	s11 =	sadd.s32 $0xFFFFFFAA, s23;
	v11 =	vor.u32 v2, v11;
	v12 =	vshll.u32 v12, $0x3  }
0x6d3: {  	v5 =	vadd.f32 v7, v5;
	v7 =	vld.idx.msk [tilespmem:v8+s30+$0x0], $0xffff;
	v8 =	vor.u32 v1, v12;
	v12 =	vmov s11  }
0x6d4: {  	s11 =	sadd.s32 $0xFFFFFFAC, s23;
	v8 =	vor.u32 v2, v8;
	v12 =	vshll.u32 v12, $0x3  }
0x6d5: {  	v5 =	vadd.f32 v9, v5;
	v9 =	vld.idx.msk [tilespmem:v10+s30+$0x0], $0xffff;
	v10 =	vor.u32 v1, v12;
	v12 =	vmov s11  }
0x6d6: {  	s11 =	sadd.s32 $0xFFFFFFAE, s23;
	v10 =	vor.u32 v2, v10;
	v12 =	vshll.u32 v12, $0x3  }
0x6d7: {  	v5 =	vadd.f32 v6, v5;
	v6 =	vld.idx.msk [tilespmem:v11+s30+$0x0], $0xffff;
	v11 =	vor.u32 v1, v12;
	v12 =	vmov s11  }
0x6d8: {  	s11 =	sadd.s32 $0xFFFFFFB0, s23;
	v11 =	vor.u32 v2, v11;
	v12 =	vshll.u32 v12, $0x3  }
0x6d9: {  	v5 =	vadd.f32 v7, v5;
	v7 =	vld.idx.msk [tilespmem:v8+s30+$0x0], $0xffff;
	v8 =	vor.u32 v1, v12;
	v12 =	vmov s11  }
0x6da: {  	s11 =	sadd.s32 $0xFFFFFFB2, s23;
	v8 =	vor.u32 v2, v8;
	v12 =	vshll.u32 v12, $0x3  }
0x6db: {  	v5 =	vadd.f32 v9, v5;
	v9 =	vld.idx.msk [tilespmem:v10+s30+$0x0], $0xffff;
	v10 =	vor.u32 v1, v12;
	v12 =	vmov s11  }
0x6dc: {  	s11 =	sadd.s32 $0xFFFFFFB4, s23;
	v10 =	vor.u32 v2, v10;
	v12 =	vshll.u32 v12, $0x3  }
0x6dd: {  	v5 =	vadd.f32 v6, v5;
	v6 =	vld.idx.msk [tilespmem:v11+s30+$0x0], $0xffff;
	v11 =	vor.u32 v1, v12;
	v12 =	vmov s11  }
0x6de: {  	s11 =	sadd.s32 $0xFFFFFFB6, s23;
	v11 =	vor.u32 v2, v11;
	v12 =	vshll.u32 v12, $0x3  }
0x6df: {  	v5 =	vadd.f32 v7, v5;
	v7 =	vld.idx.msk [tilespmem:v8+s30+$0x0], $0xffff;
	v8 =	vor.u32 v1, v12;
	v12 =	vmov s11  }
0x6e0: {  	s11 =	sadd.s32 $0xFFFFFFB8, s23;
	v8 =	vor.u32 v2, v8;
	v12 =	vshll.u32 v12, $0x3  }
0x6e1: {  	v5 =	vadd.f32 v9, v5;
	v9 =	vld.idx.msk [tilespmem:v10+s30+$0x0], $0xffff;
	v10 =	vor.u32 v1, v12;
	v12 =	vmov s11  }
0x6e2: {  	s11 =	sadd.s32 $0xFFFFFFBA, s23;
	v10 =	vor.u32 v2, v10;
	v12 =	vshll.u32 v12, $0x3  }
0x6e3: {  	v5 =	vadd.f32 v6, v5;
	v6 =	vld.idx.msk [tilespmem:v11+s30+$0x0], $0xffff;
	v11 =	vor.u32 v1, v12;
	v12 =	vmov s11  }
0x6e4: {  	s11 =	sadd.s32 $0xFFFFFFBC, s23;
	v11 =	vor.u32 v2, v11;
	v12 =	vshll.u32 v12, $0x3  }
0x6e5: {  	v5 =	vadd.f32 v7, v5;
	v7 =	vld.idx.msk [tilespmem:v8+s30+$0x0], $0xffff;
	v8 =	vor.u32 v1, v12;
	v12 =	vmov s11  }
0x6e6: {  	s11 =	sadd.s32 $0xFFFFFFBE, s23;
	v8 =	vor.u32 v2, v8;
	v12 =	vshll.u32 v12, $0x3  }
0x6e7: {  	v5 =	vadd.f32 v9, v5;
	v9 =	vld.idx.msk [tilespmem:v10+s30+$0x0], $0xffff;
	v10 =	vor.u32 v1, v12;
	v12 =	vmov s11  }
0x6e8: {  	s11 =	sadd.s32 $0xFFFFFFC0, s23;
	v10 =	vor.u32 v2, v10;
	v12 =	vshll.u32 v12, $0x3  }
0x6e9: {  	v5 =	vadd.f32 v6, v5;
	v6 =	vld.idx.msk [tilespmem:v11+s30+$0x0], $0xffff;
	v11 =	vor.u32 v1, v12;
	v12 =	vmov s11  }
0x6ea: {  	s11 =	sadd.s32 $0xFFFFFFC2, s23;
	v11 =	vor.u32 v2, v11;
	v12 =	vshll.u32 v12, $0x3  }
0x6eb: {  	v5 =	vadd.f32 v7, v5;
	v7 =	vld.idx.msk [tilespmem:v8+s30+$0x0], $0xffff;
	v8 =	vor.u32 v1, v12;
	v12 =	vmov s11  }
0x6ec: {  	s11 =	sadd.s32 $0xFFFFFFC4, s23;
	v8 =	vor.u32 v2, v8;
	v12 =	vshll.u32 v12, $0x3  }
0x6ed: {  	v5 =	vadd.f32 v9, v5;
	v9 =	vld.idx.msk [tilespmem:v10+s30+$0x0], $0xffff;
	v10 =	vor.u32 v1, v12;
	v12 =	vmov s11  }
0x6ee: {  	s11 =	sadd.s32 $0xFFFFFFC6, s23;
	v10 =	vor.u32 v2, v10;
	v12 =	vshll.u32 v12, $0x3  }
0x6ef: {  	v5 =	vadd.f32 v6, v5;
	v6 =	vld.idx.msk [tilespmem:v11+s30+$0x0], $0xffff;
	v11 =	vor.u32 v1, v12;
	v12 =	vmov s11  }
0x6f0: {  	s11 =	sadd.s32 $0xFFFFFFC8, s23;
	v11 =	vor.u32 v2, v11;
	v12 =	vshll.u32 v12, $0x3  }
0x6f1: {  	v5 =	vadd.f32 v7, v5;
	v7 =	vld.idx.msk [tilespmem:v8+s30+$0x0], $0xffff;
	v8 =	vor.u32 v1, v12;
	v12 =	vmov s11  }
0x6f2: {  	s11 =	sadd.s32 $0xFFFFFFCA, s23;
	v8 =	vor.u32 v2, v8;
	v12 =	vshll.u32 v12, $0x3  }
0x6f3: {  	v5 =	vadd.f32 v9, v5;
	v9 =	vld.idx.msk [tilespmem:v10+s30+$0x0], $0xffff;
	v10 =	vor.u32 v1, v12;
	v12 =	vmov s11  }
0x6f4: {  	s11 =	sadd.s32 $0xFFFFFFCC, s23;
	v10 =	vor.u32 v2, v10;
	v12 =	vshll.u32 v12, $0x3  }
0x6f5: {  	v5 =	vadd.f32 v6, v5;
	v6 =	vld.idx.msk [tilespmem:v11+s30+$0x0], $0xffff;
	v11 =	vor.u32 v1, v12;
	v12 =	vmov s11  }
0x6f6: {  	s11 =	sadd.s32 $0xFFFFFFCE, s23;
	v11 =	vor.u32 v2, v11;
	v12 =	vshll.u32 v12, $0x3  }
0x6f7: {  	v5 =	vadd.f32 v7, v5;
	v7 =	vld.idx.msk [tilespmem:v8+s30+$0x0], $0xffff;
	v8 =	vor.u32 v1, v12;
	v12 =	vmov s11  }
0x6f8: {  	s11 =	sadd.s32 $0xFFFFFFD0, s23;
	v8 =	vor.u32 v2, v8;
	v12 =	vshll.u32 v12, $0x3  }
0x6f9: {  	v5 =	vadd.f32 v9, v5;
	v9 =	vld.idx.msk [tilespmem:v10+s30+$0x0], $0xffff;
	v10 =	vor.u32 v1, v12;
	v12 =	vmov s11  }
0x6fa: {  	s11 =	sadd.s32 $0xFFFFFFD2, s23;
	v10 =	vor.u32 v2, v10;
	v12 =	vshll.u32 v12, $0x3  }
0x6fb: {  	v5 =	vadd.f32 v6, v5;
	v6 =	vld.idx.msk [tilespmem:v11+s30+$0x0], $0xffff;
	v11 =	vor.u32 v1, v12;
	v12 =	vmov s11  }
0x6fc: {  	s11 =	sadd.s32 $0xFFFFFFD4, s23;
	v11 =	vor.u32 v2, v11;
	v12 =	vshll.u32 v12, $0x3  }
0x6fd: {  	v5 =	vadd.f32 v7, v5;
	v7 =	vld.idx.msk [tilespmem:v8+s30+$0x0], $0xffff;
	v8 =	vor.u32 v1, v12;
	v12 =	vmov s11  }
0x6fe: {  	s11 =	sadd.s32 $0xFFFFFFD6, s23;
	v8 =	vor.u32 v2, v8;
	v12 =	vshll.u32 v12, $0x3  }
0x6ff: {  	v5 =	vadd.f32 v9, v5;
	v9 =	vld.idx.msk [tilespmem:v10+s30+$0x0], $0xffff;
	v10 =	vor.u32 v1, v12;
	v12 =	vmov s11  }
0x700: {  	s11 =	sadd.s32 $0xFFFFFFD8, s23;
	v10 =	vor.u32 v2, v10;
	v12 =	vshll.u32 v12, $0x3  }
0x701: {  	v5 =	vadd.f32 v6, v5;
	v6 =	vld.idx.msk [tilespmem:v11+s30+$0x0], $0xffff;
	v11 =	vor.u32 v1, v12;
	v12 =	vmov s11  }
0x702: {  	s11 =	sadd.s32 $0xFFFFFFDA, s23;
	v11 =	vor.u32 v2, v11;
	v12 =	vshll.u32 v12, $0x3  }
0x703: {  	v5 =	vadd.f32 v7, v5;
	v7 =	vld.idx.msk [tilespmem:v8+s30+$0x0], $0xffff;
	v8 =	vor.u32 v1, v12;
	v12 =	vmov s11  }
0x704: {  	s11 =	sadd.s32 $0xFFFFFFDC, s23;
	v8 =	vor.u32 v2, v8;
	v12 =	vshll.u32 v12, $0x3  }
0x705: {  	v5 =	vadd.f32 v9, v5;
	v9 =	vld.idx.msk [tilespmem:v10+s30+$0x0], $0xffff;
	v10 =	vor.u32 v1, v12;
	v12 =	vmov s11  }
0x706: {  	s11 =	sadd.s32 $0xFFFFFFDE, s23;
	v10 =	vor.u32 v2, v10;
	v12 =	vshll.u32 v12, $0x3  }
0x707: {  	v5 =	vadd.f32 v6, v5;
	v6 =	vld.idx.msk [tilespmem:v11+s30+$0x0], $0xffff;
	v11 =	vor.u32 v1, v12;
	v12 =	vmov s11  }
0x708: {  	s11 =	sadd.s32 $0xFFFFFFE0, s23;
	v11 =	vor.u32 v2, v11;
	v12 =	vshll.u32 v12, $0x3  }
0x709: {  	v5 =	vadd.f32 v7, v5;
	v7 =	vld.idx.msk [tilespmem:v8+s30+$0x0], $0xffff;
	v8 =	vor.u32 v1, v12;
	v12 =	vmov s11  }
0x70a: {  	s11 =	sadd.s32 $0xFFFFFFE2, s23;
	v8 =	vor.u32 v2, v8;
	v12 =	vshll.u32 v12, $0x3  }
0x70b: {  	v5 =	vadd.f32 v9, v5;
	v9 =	vld.idx.msk [tilespmem:v10+s30+$0x0], $0xffff;
	v10 =	vor.u32 v1, v12;
	v12 =	vmov s11  }
0x70c: {  	s11 =	sadd.s32 $0xFFFFFFE4, s23;
	v10 =	vor.u32 v2, v10;
	v12 =	vshll.u32 v12, $0x3  }
0x70d: {  	v5 =	vadd.f32 v6, v5;
	v6 =	vld.idx.msk [tilespmem:v11+s30+$0x0], $0xffff;
	v11 =	vor.u32 v1, v12;
	v12 =	vmov s11  }
0x70e: {  	s11 =	sadd.s32 $0xFFFFFFE6, s23;
	v11 =	vor.u32 v2, v11;
	v12 =	vshll.u32 v12, $0x3  }
0x70f: {  	v5 =	vadd.f32 v7, v5;
	v7 =	vld.idx.msk [tilespmem:v8+s30+$0x0], $0xffff;
	v8 =	vor.u32 v1, v12;
	v12 =	vmov s11  }
0x710: {  	s11 =	sadd.s32 $0xFFFFFFE8, s23;
	v8 =	vor.u32 v2, v8;
	v12 =	vshll.u32 v12, $0x3  }
0x711: {  	v5 =	vadd.f32 v9, v5;
	v9 =	vld.idx.msk [tilespmem:v10+s30+$0x0], $0xffff;
	v10 =	vor.u32 v1, v12;
	v12 =	vmov s11  }
0x712: {  	s11 =	sadd.s32 $0xFFFFFFEA, s23;
	v10 =	vor.u32 v2, v10;
	v12 =	vshll.u32 v12, $0x3  }
0x713: {  	v5 =	vadd.f32 v6, v5;
	v6 =	vld.idx.msk [tilespmem:v11+s30+$0x0], $0xffff;
	v11 =	vor.u32 v1, v12;
	v12 =	vmov s11  }
0x714: {  	s11 =	sadd.s32 $0xFFFFFFEC, s23;
	v11 =	vor.u32 v2, v11;
	v12 =	vshll.u32 v12, $0x3  }
0x715: {  	v5 =	vadd.f32 v7, v5;
	v7 =	vld.idx.msk [tilespmem:v8+s30+$0x0], $0xffff;
	v8 =	vor.u32 v1, v12;
	v12 =	vmov s11  }
0x716: {  	s11 =	sadd.s32 $0xFFFFFFEE, s23;
	v8 =	vor.u32 v2, v8;
	v12 =	vshll.u32 v12, $0x3  }
0x717: {  	v5 =	vadd.f32 v9, v5;
	v9 =	vld.idx.msk [tilespmem:v10+s30+$0x0], $0xffff;
	v10 =	vor.u32 v1, v12;
	v12 =	vmov s11  }
0x718: {  	s11 =	sadd.s32 $0xFFFFFFF0, s23;
	v10 =	vor.u32 v2, v10;
	v12 =	vshll.u32 v12, $0x3  }
0x719: {  	v5 =	vadd.f32 v6, v5;
	v6 =	vld.idx.msk [tilespmem:v11+s30+$0x0], $0xffff;
	v11 =	vor.u32 v1, v12;
	v12 =	vmov s11  }
0x71a: {  	s11 =	sadd.s32 $0xFFFFFFF2, s23;
	v11 =	vor.u32 v2, v11;
	v12 =	vshll.u32 v12, $0x3  }
0x71b: {  	v5 =	vadd.f32 v7, v5;
	v7 =	vld.idx.msk [tilespmem:v8+s30+$0x0], $0xffff;
	v8 =	vor.u32 v1, v12;
	v12 =	vmov s11  }
0x71c: {  	s11 =	sadd.s32 $0xFFFFFFF4, s23;
	v8 =	vor.u32 v2, v8;
	v12 =	vshll.u32 v12, $0x3  }
0x71d: {  	v5 =	vadd.f32 v9, v5;
	v9 =	vld.idx.msk [tilespmem:v10+s30+$0x0], $0xffff;
	v10 =	vor.u32 v1, v12;
	v12 =	vmov s11  }
0x71e: {  	s11 =	sadd.s32 $0xFFFFFFF6, s23;
	v10 =	vor.u32 v2, v10;
	v12 =	vshll.u32 v12, $0x3  }
0x71f: {  	v5 =	vadd.f32 v6, v5;
	v6 =	vld.idx.msk [tilespmem:v11+s30+$0x0], $0xffff;
	v11 =	vor.u32 v1, v12;
	v12 =	vmov s11  }
0x720: {  	s11 =	sadd.s32 $0xFFFFFFF8, s23;
	v11 =	vor.u32 v2, v11;
	v12 =	vshll.u32 v12, $0x3  }
0x721: {  	v5 =	vadd.f32 v7, v5;
	v7 =	vld.idx.msk [tilespmem:v8+s30+$0x0], $0xffff;
	v8 =	vor.u32 v1, v12;
	v12 =	vmov s11  }
0x722: {  	s11 =	sadd.s32 $0xFFFFFFFA, s23;
	v8 =	vor.u32 v2, v8;
	v12 =	vshll.u32 v12, $0x3  }
0x723: {  	v5 =	vadd.f32 v9, v5;
	v9 =	vld.idx.msk [tilespmem:v10+s30+$0x0], $0xffff;
	v10 =	vor.u32 v1, v12;
	v12 =	vmov s11  }
0x724: {  	s11 =	sadd.s32 $0xFFFFFFFC, s23;
	v10 =	vor.u32 v2, v10;
	v12 =	vshll.u32 v12, $0x3  }
0x725: {  	v5 =	vadd.f32 v6, v5;
	v6 =	vld.idx.msk [tilespmem:v11+s30+$0x0], $0xffff;
	v11 =	vor.u32 v1, v12;
	v12 =	vmov s11  }
0x726: {  	s11 =	sadd.s32 $0xFFFFFFFE, s23;
	v11 =	vor.u32 v2, v11;
	v12 =	vshll.u32 v12, $0x3  }
0x727: {  	v5 =	vadd.f32 v7, v5;
	v7 =	vld.idx.msk [tilespmem:v8+s30+$0x0], $0xffff;
	v8 =	vor.u32 v1, v12;
	v12 =	vmov s11  }
0x728: {  	v8 =	vor.u32 v2, v8;
	v12 =	vshll.u32 v12, $0x3  }
0x729: {  	v5 =	vadd.f32 v9, v5;
	v9 =	vld.idx.msk [tilespmem:v10+s30+$0x0], $0xffff;
	v10 =	vor.u32 v1, v12;
	v12 =	vmov s23;
	s23 =	smov.u32 s24  }
0x72a: {  	v10 =	vor.u32 v2, v10;
	v12 =	vshll.u32 v12, $0x3  }
0x72b: {  	v5 =	vadd.f32 v6, v5;
	v6 =	vld.idx.msk [tilespmem:v11+s30+$0x0], $0xffff;
	v11 =	vor.u32 v1, v12  }
0x72c: {  	v11 =	vor.u32 v2, v11  }
0x72d: {  	v5 =	vadd.f32 v7, v5;
	v7 =	vld.idx.msk [tilespmem:v8+s30+$0x0], $0xffff;
	_ =	sdelay $0x1  }
0x72e: {  	v5 =	vadd.f32 v9, v5;
	v8 =	vld.idx.msk [tilespmem:v10+s30+$0x0], $0xffff;
	_ =	sdelay $0x1  }
.Ltmp5:
0x72f: {  	v6 =	vadd.f32 v6, v5;
	v5 =	vld.idx.msk [tilespmem:v11+s30+$0x0], $0xffff;
	(pc) =	sbr.rel @p0 .LBB2_13-.Ltmp5, $3  }
0x730: {  	_ = 	snop  }
0x731: {  	v6 =	vadd.f32 v7, v6;
	_ =	sdelay $0x1  }
0x732: {  	s24 =	sadd.s32 $0xC8, s24;
	s11 =	sadd.s32 $0xFFFFFF3A, s23;
	v6 =	vadd.f32 v8, v6  }
0x733: {  	v7 =	vmov s11  }
0x734: {  	s12 =	sadd.s32 $0xFFFFFF3C, s23;
	s20 =	sadd.s32 $0x4, s20;
	v7 =	vshll.u32 v7, $0x3;
	v5 =	vadd.f32 v5, v6  }
0x735: {  	v8 =	vor.u32 s20, v4;
	v6 =	vor.u32 v1, v7;
	v7 =	vmov s12  }
0x736: {  	s24 =	sadd.s32 $0xFFFFFF3E, s23;
	v6 =	vor.u32 v2, v6;
	v7 =	vshll.u32 v7, $0x3;
	v9 =	vperm.xlane v5, v3  }
0x737: {  	v10 =	vmov s24;
	v7 =	vor.u32 v1, v7  }
0x738: {  	s26 =	sadd.s32 $0xFFFFFF40, s23;
	v10 =	vshll.u32 v10, $0x3;
	v7 =	vor.u32 v2, v7;
	v5 =	vadd.f32 v9, v5  }
0x739: {  	v36 =	vmov s26;
	v35 =	vor.u32 v1, v10  }
0x73a: {  	s12 =	sadd.s32 $0xFFFFFF42, s23;
	v10 =	vshll.u32 v36, $0x3;
	v9 =	vor.u32 v2, v35;
	[tilespmem:v8+s18+$0x0] =	vst.idx.msk $0xf, v5  }
0x73b: {  	v37 =	vmov s12;
	v5 =	vld.idx.msk [tilespmem:v6+s30+$0x0], $0xffff;
	v6 =	vor.u32 v1, v10  }
0x73c: {  	s24 =	sadd.s32 $0xFFFFFF44, s23;
	v8 =	vshll.u32 v37, $0x3;
	v6 =	vor.u32 v2, v6  }
0x73d: {  	v38 =	vmov s24;
	v8 =	vor.u32 v1, v8;
	v7 =	vld.idx.msk [tilespmem:v7+s30+$0x0], $0xffff  }
0x73e: {  	s26 =	sadd.s32 $0xFFFFFF46, s23;
	v10 =	vshll.u32 v38, $0x3;
	v8 =	vor.u32 v2, v8  }
0x73f: {  	v11 =	vmov s26;
	v10 =	vor.u32 v1, v10;
	v9 =	vld.idx.msk [tilespmem:v9+s30+$0x0], $0xffff  }
0x740: {  	v11 =	vshll.u32 v11, $0x3;
	s12 =	sadd.s32 $0xFFFFFF48, s23;
	v10 =	vor.u32 v2, v10;
	v5 =	vadd.f32 $0.0e+00, v5  }
0x741: {  	v11 =	vor.u32 v1, v11;
	v12 =	vmov s12;
	v6 =	vld.idx.msk [tilespmem:v6+s30+$0x0], $0xffff  }
0x742: {  	s24 =	sadd.s32 $0xFFFFFF4A, s23;
	v11 =	vor.u32 v2, v11;
	v12 =	vshll.u32 v12, $0x3;
	v5 =	vadd.f32 v7, v5  }
0x743: {  	v40 =	vmov s24;
	v39 =	vor.u32 v1, v12;
	v7 =	vld.idx.msk [tilespmem:v8+s30+$0x0], $0xffff  }
0x744: {  	s26 =	sadd.s32 $0xFFFFFF4C, s23;
	v12 =	vshll.u32 v40, $0x3;
	v8 =	vor.u32 v2, v39;
	v5 =	vadd.f32 v9, v5  }
0x745: {  	v43 =	vmov s26;
	v42 =	vor.u32 v1, v12;
	v41 =	vld.idx.msk [tilespmem:v10+s30+$0x0], $0xffff  }
0x746: {  	s12 =	sadd.s32 $0xFFFFFF4E, s23;
	v12 =	vshll.u32 v43, $0x3;
	v10 =	vor.u32 v2, v42;
	v5 =	vadd.f32 v6, v5  }
0x747: {  	v45 =	vmov s12;
	v44 =	vor.u32 v1, v12;
	v6 =	vld.idx.msk [tilespmem:v11+s30+$0x0], $0xffff  }
0x748: {  	s24 =	sadd.s32 $0xFFFFFF50, s23;
	v12 =	vshll.u32 v45, $0x3;
	v11 =	vor.u32 v2, v44;
	v5 =	vadd.f32 v7, v5  }
0x749: {  	v47 =	vmov s24;
	v46 =	vor.u32 v1, v12;
	v7 =	vld.idx.msk [tilespmem:v8+s30+$0x0], $0xffff  }
0x74a: {  	s26 =	sadd.s32 $0xFFFFFF52, s23;
	v12 =	vshll.u32 v47, $0x3;
	v8 =	vor.u32 v2, v46;
	v5 =	vadd.f32 v41, v5  }
0x74b: {  	v50 =	vmov s26;
	v49 =	vor.u32 v1, v12;
	v48 =	vld.idx.msk [tilespmem:v10+s30+$0x0], $0xffff  }
0x74c: {  	s12 =	sadd.s32 $0xFFFFFF54, s23;
	v12 =	vshll.u32 v50, $0x3;
	v10 =	vor.u32 v2, v49;
	v5 =	vadd.f32 v6, v5  }
0x74d: {  	v52 =	vmov s12;
	v51 =	vor.u32 v1, v12;
	v6 =	vld.idx.msk [tilespmem:v11+s30+$0x0], $0xffff  }
0x74e: {  	s24 =	sadd.s32 $0xFFFFFF56, s23;
	v12 =	vshll.u32 v52, $0x3;
	v11 =	vor.u32 v2, v51;
	v5 =	vadd.f32 v7, v5  }
0x74f: {  	v54 =	vmov s24;
	v53 =	vor.u32 v1, v12;
	v7 =	vld.idx.msk [tilespmem:v8+s30+$0x0], $0xffff  }
0x750: {  	s26 =	sadd.s32 $0xFFFFFF58, s23;
	v12 =	vshll.u32 v54, $0x3;
	v8 =	vor.u32 v2, v53;
	v5 =	vadd.f32 v48, v5  }
0x751: {  	v57 =	vmov s26;
	v56 =	vor.u32 v1, v12;
	v55 =	vld.idx.msk [tilespmem:v10+s30+$0x0], $0xffff  }
0x752: {  	s12 =	sadd.s32 $0xFFFFFF5A, s23;
	v12 =	vshll.u32 v57, $0x3;
	v10 =	vor.u32 v2, v56;
	v5 =	vadd.f32 v6, v5  }
0x753: {  	v59 =	vmov s12;
	v58 =	vor.u32 v1, v12;
	v6 =	vld.idx.msk [tilespmem:v11+s30+$0x0], $0xffff  }
0x754: {  	s24 =	sadd.s32 $0xFFFFFF5C, s23;
	v12 =	vshll.u32 v59, $0x3;
	v11 =	vor.u32 v2, v58;
	v5 =	vadd.f32 v7, v5  }
0x755: {  	v61 =	vmov s24;
	v60 =	vor.u32 v1, v12;
	v7 =	vld.idx.msk [tilespmem:v8+s30+$0x0], $0xffff  }
0x756: {  	s26 =	sadd.s32 $0xFFFFFF5E, s23;
	v12 =	vshll.u32 v61, $0x3;
	v8 =	vor.u32 v2, v60;
	v5 =	vadd.f32 v55, v5  }
0x757: {  	v16 =	vmov s26;
	v63 =	vor.u32 v1, v12;
	v62 =	vld.idx.msk [tilespmem:v10+s30+$0x0], $0xffff  }
0x758: {  	s12 =	sadd.s32 $0xFFFFFF60, s23;
	v12 =	vshll.u32 v16, $0x3;
	v10 =	vor.u32 v2, v63;
	v5 =	vadd.f32 v6, v5  }
0x759: {  	v18 =	vmov s12;
	v17 =	vor.u32 v1, v12;
	v6 =	vld.idx.msk [tilespmem:v11+s30+$0x0], $0xffff  }
0x75a: {  	s24 =	sadd.s32 $0xFFFFFF62, s23;
	v12 =	vshll.u32 v18, $0x3;
	v11 =	vor.u32 v2, v17;
	v5 =	vadd.f32 v7, v5  }
0x75b: {  	v20 =	vmov s24;
	v19 =	vor.u32 v1, v12;
	v7 =	vld.idx.msk [tilespmem:v8+s30+$0x0], $0xffff  }
0x75c: {  	s26 =	sadd.s32 $0xFFFFFF64, s23;
	v12 =	vshll.u32 v20, $0x3;
	v8 =	vor.u32 v2, v19;
	v5 =	vadd.f32 v62, v5  }
0x75d: {  	v23 =	vmov s26;
	v22 =	vor.u32 v1, v12;
	v21 =	vld.idx.msk [tilespmem:v10+s30+$0x0], $0xffff  }
0x75e: {  	s12 =	sadd.s32 $0xFFFFFF66, s23;
	v12 =	vshll.u32 v23, $0x3;
	v10 =	vor.u32 v2, v22;
	v5 =	vadd.f32 v6, v5  }
0x75f: {  	v25 =	vmov s12;
	v24 =	vor.u32 v1, v12;
	v6 =	vld.idx.msk [tilespmem:v11+s30+$0x0], $0xffff  }
0x760: {  	s24 =	sadd.s32 $0xFFFFFF68, s23;
	v12 =	vshll.u32 v25, $0x3;
	v11 =	vor.u32 v2, v24;
	v5 =	vadd.f32 v7, v5  }
0x761: {  	v27 =	vmov s24;
	v26 =	vor.u32 v1, v12;
	v7 =	vld.idx.msk [tilespmem:v8+s30+$0x0], $0xffff  }
0x762: {  	s26 =	sadd.s32 $0xFFFFFF6A, s23;
	v12 =	vshll.u32 v27, $0x3;
	v8 =	vor.u32 v2, v26;
	v5 =	vadd.f32 v21, v5  }
0x763: {  	v30 =	vmov s26;
	v29 =	vor.u32 v1, v12;
	v28 =	vld.idx.msk [tilespmem:v10+s30+$0x0], $0xffff  }
0x764: {  	s12 =	sadd.s32 $0xFFFFFF6C, s23;
	v12 =	vshll.u32 v30, $0x3;
	v10 =	vor.u32 v2, v29;
	v5 =	vadd.f32 v6, v5  }
0x765: {  	v32 =	vmov s12;
	v31 =	vor.u32 v1, v12;
	v6 =	vld.idx.msk [tilespmem:v11+s30+$0x0], $0xffff  }
0x766: {  	s24 =	sadd.s32 $0xFFFFFF6E, s23;
	v12 =	vshll.u32 v32, $0x3;
	v11 =	vor.u32 v2, v31;
	v5 =	vadd.f32 v7, v5  }
0x767: {  	v34 =	vmov s24;
	v33 =	vor.u32 v1, v12;
	v7 =	vld.idx.msk [tilespmem:v8+s30+$0x0], $0xffff  }
0x768: {  	s26 =	sadd.s32 $0xFFFFFF70, s23;
	v12 =	vshll.u32 v34, $0x3;
	v8 =	vor.u32 v2, v33;
	v5 =	vadd.f32 v28, v5  }
0x769: {  	v37 =	vmov s26;
	v36 =	vor.u32 v1, v12;
	v35 =	vld.idx.msk [tilespmem:v10+s30+$0x0], $0xffff  }
0x76a: {  	s12 =	sadd.s32 $0xFFFFFF72, s23;
	v12 =	vshll.u32 v37, $0x3;
	v10 =	vor.u32 v2, v36;
	v5 =	vadd.f32 v6, v5  }
0x76b: {  	v39 =	vmov s12;
	v38 =	vor.u32 v1, v12;
	v6 =	vld.idx.msk [tilespmem:v11+s30+$0x0], $0xffff  }
0x76c: {  	s24 =	sadd.s32 $0xFFFFFF74, s23;
	v12 =	vshll.u32 v39, $0x3;
	v11 =	vor.u32 v2, v38;
	v5 =	vadd.f32 v7, v5  }
0x76d: {  	v41 =	vmov s24;
	v40 =	vor.u32 v1, v12;
	v7 =	vld.idx.msk [tilespmem:v8+s30+$0x0], $0xffff  }
0x76e: {  	s26 =	sadd.s32 $0xFFFFFF76, s23;
	v12 =	vshll.u32 v41, $0x3;
	v8 =	vor.u32 v2, v40;
	v5 =	vadd.f32 v35, v5  }
0x76f: {  	v44 =	vmov s26;
	v43 =	vor.u32 v1, v12;
	v42 =	vld.idx.msk [tilespmem:v10+s30+$0x0], $0xffff  }
0x770: {  	s12 =	sadd.s32 $0xFFFFFF78, s23;
	v12 =	vshll.u32 v44, $0x3;
	v10 =	vor.u32 v2, v43;
	v5 =	vadd.f32 v6, v5  }
0x771: {  	v46 =	vmov s12;
	v45 =	vor.u32 v1, v12;
	v6 =	vld.idx.msk [tilespmem:v11+s30+$0x0], $0xffff  }
0x772: {  	s24 =	sadd.s32 $0xFFFFFF7A, s23;
	v12 =	vshll.u32 v46, $0x3;
	v11 =	vor.u32 v2, v45;
	v5 =	vadd.f32 v7, v5  }
0x773: {  	v48 =	vmov s24;
	v47 =	vor.u32 v1, v12;
	v7 =	vld.idx.msk [tilespmem:v8+s30+$0x0], $0xffff  }
0x774: {  	s26 =	sadd.s32 $0xFFFFFF7C, s23;
	v12 =	vshll.u32 v48, $0x3;
	v8 =	vor.u32 v2, v47;
	v5 =	vadd.f32 v42, v5  }
0x775: {  	v51 =	vmov s26;
	v50 =	vor.u32 v1, v12;
	v49 =	vld.idx.msk [tilespmem:v10+s30+$0x0], $0xffff  }
0x776: {  	s12 =	sadd.s32 $0xFFFFFF7E, s23;
	v12 =	vshll.u32 v51, $0x3;
	v10 =	vor.u32 v2, v50;
	v5 =	vadd.f32 v6, v5  }
0x777: {  	v53 =	vmov s12;
	v52 =	vor.u32 v1, v12;
	v6 =	vld.idx.msk [tilespmem:v11+s30+$0x0], $0xffff  }
0x778: {  	s24 =	sadd.s32 $0xFFFFFF80, s23;
	v12 =	vshll.u32 v53, $0x3;
	v11 =	vor.u32 v2, v52;
	v5 =	vadd.f32 v7, v5  }
0x779: {  	v54 =	vor.u32 v1, v12;
	v55 =	vmov s24;
	v7 =	vld.idx.msk [tilespmem:v8+s30+$0x0], $0xffff  }
0x77a: {  	s26 =	sadd.s32 $0xFFFFFF82, s23;
	v12 =	vshll.u32 v55, $0x3;
	v8 =	vor.u32 v2, v54;
	v5 =	vadd.f32 v49, v5  }
0x77b: {  	v58 =	vmov s26;
	v57 =	vor.u32 v1, v12;
	v56 =	vld.idx.msk [tilespmem:v10+s30+$0x0], $0xffff  }
0x77c: {  	s12 =	sadd.s32 $0xFFFFFF84, s23;
	v12 =	vshll.u32 v58, $0x3;
	v10 =	vor.u32 v2, v57;
	v5 =	vadd.f32 v6, v5  }
0x77d: {  	v60 =	vmov s12;
	v59 =	vor.u32 v1, v12;
	v6 =	vld.idx.msk [tilespmem:v11+s30+$0x0], $0xffff  }
0x77e: {  	s24 =	sadd.s32 $0xFFFFFF86, s23;
	v12 =	vshll.u32 v60, $0x3;
	v11 =	vor.u32 v2, v59;
	v5 =	vadd.f32 v7, v5  }
0x77f: {  	v61 =	vor.u32 v1, v12;
	v62 =	vmov s24;
	v7 =	vld.idx.msk [tilespmem:v8+s30+$0x0], $0xffff  }
0x780: {  	s26 =	sadd.s32 $0xFFFFFF88, s23;
	v12 =	vshll.u32 v62, $0x3;
	v8 =	vor.u32 v2, v61;
	v5 =	vadd.f32 v56, v5  }
0x781: {  	v17 =	vmov s26;
	v16 =	vor.u32 v1, v12;
	v63 =	vld.idx.msk [tilespmem:v10+s30+$0x0], $0xffff  }
0x782: {  	s12 =	sadd.s32 $0xFFFFFF8A, s23;
	v12 =	vshll.u32 v17, $0x3;
	v10 =	vor.u32 v2, v16;
	v5 =	vadd.f32 v6, v5  }
0x783: {  	v19 =	vmov s12;
	v18 =	vor.u32 v1, v12;
	v6 =	vld.idx.msk [tilespmem:v11+s30+$0x0], $0xffff  }
0x784: {  	s24 =	sadd.s32 $0xFFFFFF8C, s23;
	v12 =	vshll.u32 v19, $0x3;
	v11 =	vor.u32 v2, v18;
	v5 =	vadd.f32 v7, v5  }
0x785: {  	v20 =	vor.u32 v1, v12;
	v21 =	vmov s24;
	v7 =	vld.idx.msk [tilespmem:v8+s30+$0x0], $0xffff  }
0x786: {  	s26 =	sadd.s32 $0xFFFFFF8E, s23;
	v12 =	vshll.u32 v21, $0x3;
	v8 =	vor.u32 v2, v20;
	v5 =	vadd.f32 v63, v5  }
0x787: {  	v24 =	vmov s26;
	v23 =	vor.u32 v1, v12;
	v22 =	vld.idx.msk [tilespmem:v10+s30+$0x0], $0xffff  }
0x788: {  	s12 =	sadd.s32 $0xFFFFFF90, s23;
	v12 =	vshll.u32 v24, $0x3;
	v10 =	vor.u32 v2, v23;
	v5 =	vadd.f32 v6, v5  }
0x789: {  	v26 =	vmov s12;
	v25 =	vor.u32 v1, v12;
	v6 =	vld.idx.msk [tilespmem:v11+s30+$0x0], $0xffff  }
0x78a: {  	s24 =	sadd.s32 $0xFFFFFF92, s23;
	v12 =	vshll.u32 v26, $0x3;
	v11 =	vor.u32 v2, v25;
	v5 =	vadd.f32 v7, v5  }
0x78b: {  	v27 =	vor.u32 v1, v12;
	v28 =	vmov s24;
	v7 =	vld.idx.msk [tilespmem:v8+s30+$0x0], $0xffff  }
0x78c: {  	s26 =	sadd.s32 $0xFFFFFF94, s23;
	v12 =	vshll.u32 v28, $0x3;
	v8 =	vor.u32 v2, v27;
	v5 =	vadd.f32 v22, v5  }
0x78d: {  	v31 =	vmov s26;
	v30 =	vor.u32 v1, v12;
	v29 =	vld.idx.msk [tilespmem:v10+s30+$0x0], $0xffff  }
0x78e: {  	s12 =	sadd.s32 $0xFFFFFF96, s23;
	v12 =	vshll.u32 v31, $0x3;
	v10 =	vor.u32 v2, v30;
	v5 =	vadd.f32 v6, v5  }
0x78f: {  	v33 =	vmov s12;
	v32 =	vor.u32 v1, v12;
	v6 =	vld.idx.msk [tilespmem:v11+s30+$0x0], $0xffff  }
0x790: {  	s24 =	sadd.s32 $0xFFFFFF98, s23;
	v12 =	vshll.u32 v33, $0x3;
	v11 =	vor.u32 v2, v32;
	v5 =	vadd.f32 v7, v5  }
0x791: {  	v34 =	vor.u32 v1, v12;
	v35 =	vmov s24;
	v7 =	vld.idx.msk [tilespmem:v8+s30+$0x0], $0xffff  }
0x792: {  	s26 =	sadd.s32 $0xFFFFFF9A, s23;
	v12 =	vshll.u32 v35, $0x3;
	v8 =	vor.u32 v2, v34;
	v5 =	vadd.f32 v29, v5  }
0x793: {  	v38 =	vmov s26;
	v37 =	vor.u32 v1, v12;
	v36 =	vld.idx.msk [tilespmem:v10+s30+$0x0], $0xffff  }
0x794: {  	s12 =	sadd.s32 $0xFFFFFF9C, s23;
	v12 =	vshll.u32 v38, $0x3;
	v10 =	vor.u32 v2, v37;
	v5 =	vadd.f32 v6, v5  }
0x795: {  	v40 =	vmov s12;
	v39 =	vor.u32 v1, v12;
	v6 =	vld.idx.msk [tilespmem:v11+s30+$0x0], $0xffff  }
0x796: {  	s24 =	sadd.s32 $0xFFFFFF9E, s23;
	v12 =	vshll.u32 v40, $0x3;
	v11 =	vor.u32 v2, v39;
	v5 =	vadd.f32 v7, v5  }
0x797: {  	v41 =	vor.u32 v1, v12;
	v42 =	vmov s24;
	v7 =	vld.idx.msk [tilespmem:v8+s30+$0x0], $0xffff  }
0x798: {  	s26 =	sadd.s32 $0xFFFFFFA0, s23;
	v12 =	vshll.u32 v42, $0x3;
	v8 =	vor.u32 v2, v41;
	v5 =	vadd.f32 v36, v5  }
0x799: {  	v45 =	vmov s26;
	v44 =	vor.u32 v1, v12;
	v43 =	vld.idx.msk [tilespmem:v10+s30+$0x0], $0xffff  }
0x79a: {  	s12 =	sadd.s32 $0xFFFFFFA2, s23;
	v12 =	vshll.u32 v45, $0x3;
	v10 =	vor.u32 v2, v44;
	v5 =	vadd.f32 v6, v5  }
0x79b: {  	v47 =	vmov s12;
	v46 =	vor.u32 v1, v12;
	v6 =	vld.idx.msk [tilespmem:v11+s30+$0x0], $0xffff  }
0x79c: {  	s24 =	sadd.s32 $0xFFFFFFA4, s23;
	v12 =	vshll.u32 v47, $0x3;
	v11 =	vor.u32 v2, v46;
	v5 =	vadd.f32 v7, v5  }
0x79d: {  	v48 =	vor.u32 v1, v12;
	v49 =	vmov s24;
	v7 =	vld.idx.msk [tilespmem:v8+s30+$0x0], $0xffff  }
0x79e: {  	s26 =	sadd.s32 $0xFFFFFFA6, s23;
	v12 =	vshll.u32 v49, $0x3;
	v8 =	vor.u32 v2, v48;
	v5 =	vadd.f32 v43, v5  }
0x79f: {  	v52 =	vmov s26;
	v51 =	vor.u32 v1, v12;
	v50 =	vld.idx.msk [tilespmem:v10+s30+$0x0], $0xffff  }
0x7a0: {  	s12 =	sadd.s32 $0xFFFFFFA8, s23;
	v12 =	vshll.u32 v52, $0x3;
	v10 =	vor.u32 v2, v51;
	v5 =	vadd.f32 v6, v5  }
0x7a1: {  	v54 =	vmov s12;
	v53 =	vor.u32 v1, v12;
	v6 =	vld.idx.msk [tilespmem:v11+s30+$0x0], $0xffff  }
0x7a2: {  	s24 =	sadd.s32 $0xFFFFFFAA, s23;
	v12 =	vshll.u32 v54, $0x3;
	v11 =	vor.u32 v2, v53;
	v5 =	vadd.f32 v7, v5  }
0x7a3: {  	v55 =	vor.u32 v1, v12;
	v56 =	vmov s24;
	v7 =	vld.idx.msk [tilespmem:v8+s30+$0x0], $0xffff  }
0x7a4: {  	s26 =	sadd.s32 $0xFFFFFFAC, s23;
	v12 =	vshll.u32 v56, $0x3;
	v8 =	vor.u32 v2, v55;
	v5 =	vadd.f32 v50, v5  }
0x7a5: {  	v59 =	vmov s26;
	v58 =	vor.u32 v1, v12;
	v57 =	vld.idx.msk [tilespmem:v10+s30+$0x0], $0xffff  }
0x7a6: {  	s12 =	sadd.s32 $0xFFFFFFAE, s23;
	v12 =	vshll.u32 v59, $0x3;
	v10 =	vor.u32 v2, v58;
	v5 =	vadd.f32 v6, v5  }
0x7a7: {  	v61 =	vmov s12;
	v60 =	vor.u32 v1, v12;
	v6 =	vld.idx.msk [tilespmem:v11+s30+$0x0], $0xffff  }
0x7a8: {  	s24 =	sadd.s32 $0xFFFFFFB0, s23;
	v12 =	vshll.u32 v61, $0x3;
	v11 =	vor.u32 v2, v60;
	v5 =	vadd.f32 v7, v5  }
0x7a9: {  	v62 =	vor.u32 v1, v12;
	v63 =	vmov s24;
	v7 =	vld.idx.msk [tilespmem:v8+s30+$0x0], $0xffff  }
0x7aa: {  	s26 =	sadd.s32 $0xFFFFFFB2, s23;
	v12 =	vshll.u32 v63, $0x3;
	v8 =	vor.u32 v2, v62;
	v5 =	vadd.f32 v57, v5  }
0x7ab: {  	v18 =	vmov s26;
	v17 =	vor.u32 v1, v12;
	v16 =	vld.idx.msk [tilespmem:v10+s30+$0x0], $0xffff  }
0x7ac: {  	s12 =	sadd.s32 $0xFFFFFFB4, s23;
	v12 =	vshll.u32 v18, $0x3;
	v10 =	vor.u32 v2, v17;
	v5 =	vadd.f32 v6, v5  }
0x7ad: {  	v20 =	vmov s12;
	v19 =	vor.u32 v1, v12;
	v6 =	vld.idx.msk [tilespmem:v11+s30+$0x0], $0xffff  }
0x7ae: {  	s24 =	sadd.s32 $0xFFFFFFB6, s23;
	v12 =	vshll.u32 v20, $0x3;
	v11 =	vor.u32 v2, v19;
	v5 =	vadd.f32 v7, v5  }
0x7af: {  	v21 =	vor.u32 v1, v12;
	v22 =	vmov s24;
	v7 =	vld.idx.msk [tilespmem:v8+s30+$0x0], $0xffff  }
0x7b0: {  	s26 =	sadd.s32 $0xFFFFFFB8, s23;
	v12 =	vshll.u32 v22, $0x3;
	v8 =	vor.u32 v2, v21;
	v5 =	vadd.f32 v16, v5  }
0x7b1: {  	v25 =	vmov s26;
	v24 =	vor.u32 v1, v12;
	v23 =	vld.idx.msk [tilespmem:v10+s30+$0x0], $0xffff  }
0x7b2: {  	s12 =	sadd.s32 $0xFFFFFFBA, s23;
	v12 =	vshll.u32 v25, $0x3;
	v10 =	vor.u32 v2, v24;
	v5 =	vadd.f32 v6, v5  }
0x7b3: {  	v27 =	vmov s12;
	v26 =	vor.u32 v1, v12;
	v6 =	vld.idx.msk [tilespmem:v11+s30+$0x0], $0xffff  }
0x7b4: {  	s24 =	sadd.s32 $0xFFFFFFBC, s23;
	v12 =	vshll.u32 v27, $0x3;
	v11 =	vor.u32 v2, v26;
	v5 =	vadd.f32 v7, v5  }
0x7b5: {  	v28 =	vor.u32 v1, v12;
	v29 =	vmov s24;
	v7 =	vld.idx.msk [tilespmem:v8+s30+$0x0], $0xffff  }
0x7b6: {  	s26 =	sadd.s32 $0xFFFFFFBE, s23;
	v12 =	vshll.u32 v29, $0x3;
	v8 =	vor.u32 v2, v28;
	v5 =	vadd.f32 v23, v5  }
0x7b7: {  	v32 =	vmov s26;
	v31 =	vor.u32 v1, v12;
	v30 =	vld.idx.msk [tilespmem:v10+s30+$0x0], $0xffff  }
0x7b8: {  	s12 =	sadd.s32 $0xFFFFFFC0, s23;
	v12 =	vshll.u32 v32, $0x3;
	v10 =	vor.u32 v2, v31;
	v5 =	vadd.f32 v6, v5  }
0x7b9: {  	v34 =	vmov s12;
	v33 =	vor.u32 v1, v12;
	v6 =	vld.idx.msk [tilespmem:v11+s30+$0x0], $0xffff  }
0x7ba: {  	s24 =	sadd.s32 $0xFFFFFFC2, s23;
	v12 =	vshll.u32 v34, $0x3;
	v11 =	vor.u32 v2, v33;
	v5 =	vadd.f32 v7, v5  }
0x7bb: {  	v35 =	vor.u32 v1, v12;
	v36 =	vmov s24;
	v7 =	vld.idx.msk [tilespmem:v8+s30+$0x0], $0xffff  }
0x7bc: {  	s26 =	sadd.s32 $0xFFFFFFC4, s23;
	v12 =	vshll.u32 v36, $0x3;
	v8 =	vor.u32 v2, v35;
	v5 =	vadd.f32 v30, v5  }
0x7bd: {  	v39 =	vmov s26;
	v38 =	vor.u32 v1, v12;
	v37 =	vld.idx.msk [tilespmem:v10+s30+$0x0], $0xffff  }
0x7be: {  	s12 =	sadd.s32 $0xFFFFFFC6, s23;
	v12 =	vshll.u32 v39, $0x3;
	v10 =	vor.u32 v2, v38;
	v5 =	vadd.f32 v6, v5  }
0x7bf: {  	v41 =	vmov s12;
	v40 =	vor.u32 v1, v12;
	v6 =	vld.idx.msk [tilespmem:v11+s30+$0x0], $0xffff  }
0x7c0: {  	s24 =	sadd.s32 $0xFFFFFFC8, s23;
	v12 =	vshll.u32 v41, $0x3;
	v11 =	vor.u32 v2, v40;
	v5 =	vadd.f32 v7, v5  }
0x7c1: {  	v42 =	vor.u32 v1, v12;
	v43 =	vmov s24;
	v7 =	vld.idx.msk [tilespmem:v8+s30+$0x0], $0xffff  }
0x7c2: {  	s26 =	sadd.s32 $0xFFFFFFCA, s23;
	v12 =	vshll.u32 v43, $0x3;
	v8 =	vor.u32 v2, v42;
	v5 =	vadd.f32 v37, v5  }
0x7c3: {  	v46 =	vmov s26;
	v45 =	vor.u32 v1, v12;
	v44 =	vld.idx.msk [tilespmem:v10+s30+$0x0], $0xffff  }
0x7c4: {  	s12 =	sadd.s32 $0xFFFFFFCC, s23;
	v12 =	vshll.u32 v46, $0x3;
	v10 =	vor.u32 v2, v45;
	v5 =	vadd.f32 v6, v5  }
0x7c5: {  	v48 =	vmov s12;
	v47 =	vor.u32 v1, v12;
	v6 =	vld.idx.msk [tilespmem:v11+s30+$0x0], $0xffff  }
0x7c6: {  	s24 =	sadd.s32 $0xFFFFFFCE, s23;
	v12 =	vshll.u32 v48, $0x3;
	v11 =	vor.u32 v2, v47;
	v5 =	vadd.f32 v7, v5  }
0x7c7: {  	v49 =	vor.u32 v1, v12;
	v50 =	vmov s24;
	v7 =	vld.idx.msk [tilespmem:v8+s30+$0x0], $0xffff  }
0x7c8: {  	s26 =	sadd.s32 $0xFFFFFFD0, s23;
	v12 =	vshll.u32 v50, $0x3;
	v8 =	vor.u32 v2, v49;
	v5 =	vadd.f32 v44, v5  }
0x7c9: {  	v53 =	vmov s26;
	v52 =	vor.u32 v1, v12;
	v51 =	vld.idx.msk [tilespmem:v10+s30+$0x0], $0xffff  }
0x7ca: {  	s12 =	sadd.s32 $0xFFFFFFD2, s23;
	v12 =	vshll.u32 v53, $0x3;
	v10 =	vor.u32 v2, v52;
	v5 =	vadd.f32 v6, v5  }
0x7cb: {  	v55 =	vmov s12;
	v54 =	vor.u32 v1, v12;
	v6 =	vld.idx.msk [tilespmem:v11+s30+$0x0], $0xffff  }
0x7cc: {  	s24 =	sadd.s32 $0xFFFFFFD4, s23;
	v12 =	vshll.u32 v55, $0x3;
	v11 =	vor.u32 v2, v54;
	v5 =	vadd.f32 v7, v5  }
0x7cd: {  	v56 =	vor.u32 v1, v12;
	v57 =	vmov s24;
	v7 =	vld.idx.msk [tilespmem:v8+s30+$0x0], $0xffff  }
0x7ce: {  	s26 =	sadd.s32 $0xFFFFFFD6, s23;
	v12 =	vshll.u32 v57, $0x3;
	v8 =	vor.u32 v2, v56;
	v5 =	vadd.f32 v51, v5  }
0x7cf: {  	v60 =	vmov s26;
	v59 =	vor.u32 v1, v12;
	v58 =	vld.idx.msk [tilespmem:v10+s30+$0x0], $0xffff  }
0x7d0: {  	s12 =	sadd.s32 $0xFFFFFFD8, s23;
	v12 =	vshll.u32 v60, $0x3;
	v10 =	vor.u32 v2, v59;
	v5 =	vadd.f32 v6, v5  }
0x7d1: {  	v62 =	vmov s12;
	v61 =	vor.u32 v1, v12;
	v6 =	vld.idx.msk [tilespmem:v11+s30+$0x0], $0xffff  }
0x7d2: {  	s24 =	sadd.s32 $0xFFFFFFDA, s23;
	v12 =	vshll.u32 v62, $0x3;
	v11 =	vor.u32 v2, v61;
	v5 =	vadd.f32 v7, v5  }
0x7d3: {  	v63 =	vor.u32 v1, v12;
	v16 =	vmov s24;
	v7 =	vld.idx.msk [tilespmem:v8+s30+$0x0], $0xffff  }
0x7d4: {  	s26 =	sadd.s32 $0xFFFFFFDC, s23;
	v12 =	vshll.u32 v16, $0x3;
	v8 =	vor.u32 v2, v63;
	v5 =	vadd.f32 v58, v5  }
0x7d5: {  	v19 =	vmov s26;
	v18 =	vor.u32 v1, v12;
	v17 =	vld.idx.msk [tilespmem:v10+s30+$0x0], $0xffff  }
0x7d6: {  	s12 =	sadd.s32 $0xFFFFFFDE, s23;
	v12 =	vshll.u32 v19, $0x3;
	v10 =	vor.u32 v2, v18;
	v5 =	vadd.f32 v6, v5  }
0x7d7: {  	v21 =	vmov s12;
	v20 =	vor.u32 v1, v12;
	v6 =	vld.idx.msk [tilespmem:v11+s30+$0x0], $0xffff  }
0x7d8: {  	s24 =	sadd.s32 $0xFFFFFFE0, s23;
	v12 =	vshll.u32 v21, $0x3;
	v11 =	vor.u32 v2, v20;
	v5 =	vadd.f32 v7, v5  }
0x7d9: {  	v22 =	vor.u32 v1, v12;
	v23 =	vmov s24;
	v7 =	vld.idx.msk [tilespmem:v8+s30+$0x0], $0xffff  }
0x7da: {  	s26 =	sadd.s32 $0xFFFFFFE2, s23;
	v12 =	vshll.u32 v23, $0x3;
	v8 =	vor.u32 v2, v22;
	v5 =	vadd.f32 v17, v5  }
0x7db: {  	v26 =	vmov s26;
	v25 =	vor.u32 v1, v12;
	v24 =	vld.idx.msk [tilespmem:v10+s30+$0x0], $0xffff  }
0x7dc: {  	s12 =	sadd.s32 $0xFFFFFFE4, s23;
	v12 =	vshll.u32 v26, $0x3;
	v10 =	vor.u32 v2, v25;
	v5 =	vadd.f32 v6, v5  }
0x7dd: {  	v28 =	vmov s12;
	v27 =	vor.u32 v1, v12;
	v6 =	vld.idx.msk [tilespmem:v11+s30+$0x0], $0xffff  }
0x7de: {  	s24 =	sadd.s32 $0xFFFFFFE6, s23;
	v12 =	vshll.u32 v28, $0x3;
	v11 =	vor.u32 v2, v27;
	v5 =	vadd.f32 v7, v5  }
0x7df: {  	v29 =	vor.u32 v1, v12;
	v30 =	vmov s24;
	v7 =	vld.idx.msk [tilespmem:v8+s30+$0x0], $0xffff  }
0x7e0: {  	s26 =	sadd.s32 $0xFFFFFFE8, s23;
	v12 =	vshll.u32 v30, $0x3;
	v8 =	vor.u32 v2, v29;
	v5 =	vadd.f32 v24, v5  }
0x7e1: {  	v33 =	vmov s26;
	v32 =	vor.u32 v1, v12;
	v31 =	vld.idx.msk [tilespmem:v10+s30+$0x0], $0xffff  }
0x7e2: {  	s12 =	sadd.s32 $0xFFFFFFEA, s23;
	v12 =	vshll.u32 v33, $0x3;
	v10 =	vor.u32 v2, v32;
	v5 =	vadd.f32 v6, v5  }
0x7e3: {  	v35 =	vmov s12;
	v34 =	vor.u32 v1, v12;
	v6 =	vld.idx.msk [tilespmem:v11+s30+$0x0], $0xffff  }
0x7e4: {  	s24 =	sadd.s32 $0xFFFFFFEC, s23;
	v12 =	vshll.u32 v35, $0x3;
	v11 =	vor.u32 v2, v34;
	v5 =	vadd.f32 v7, v5  }
0x7e5: {  	v36 =	vor.u32 v1, v12;
	v37 =	vmov s24;
	v7 =	vld.idx.msk [tilespmem:v8+s30+$0x0], $0xffff  }
0x7e6: {  	s26 =	sadd.s32 $0xFFFFFFEE, s23;
	v12 =	vshll.u32 v37, $0x3;
	v8 =	vor.u32 v2, v36;
	v5 =	vadd.f32 v31, v5  }
0x7e7: {  	v40 =	vmov s26;
	v39 =	vor.u32 v1, v12;
	v38 =	vld.idx.msk [tilespmem:v10+s30+$0x0], $0xffff  }
0x7e8: {  	s12 =	sadd.s32 $0xFFFFFFF0, s23;
	v12 =	vshll.u32 v40, $0x3;
	v10 =	vor.u32 v2, v39;
	v5 =	vadd.f32 v6, v5  }
0x7e9: {  	v42 =	vmov s12;
	v41 =	vor.u32 v1, v12;
	v6 =	vld.idx.msk [tilespmem:v11+s30+$0x0], $0xffff  }
0x7ea: {  	s24 =	sadd.s32 $0xFFFFFFF2, s23;
	v12 =	vshll.u32 v42, $0x3;
	v11 =	vor.u32 v2, v41;
	v5 =	vadd.f32 v7, v5  }
0x7eb: {  	v43 =	vor.u32 v1, v12;
	v44 =	vmov s24;
	v7 =	vld.idx.msk [tilespmem:v8+s30+$0x0], $0xffff  }
0x7ec: {  	s26 =	sadd.s32 $0xFFFFFFF4, s23;
	v12 =	vshll.u32 v44, $0x3;
	v8 =	vor.u32 v2, v43;
	v5 =	vadd.f32 v38, v5  }
0x7ed: {  	v47 =	vmov s26;
	v46 =	vor.u32 v1, v12;
	v45 =	vld.idx.msk [tilespmem:v10+s30+$0x0], $0xffff  }
0x7ee: {  	s12 =	sadd.s32 $0xFFFFFFF6, s23;
	v12 =	vshll.u32 v47, $0x3;
	v10 =	vor.u32 v2, v46;
	v5 =	vadd.f32 v6, v5  }
0x7ef: {  	v49 =	vmov s12;
	v48 =	vor.u32 v1, v12;
	v6 =	vld.idx.msk [tilespmem:v11+s30+$0x0], $0xffff  }
0x7f0: {  	s24 =	sadd.s32 $0xFFFFFFF8, s23;
	v12 =	vshll.u32 v49, $0x3;
	v11 =	vor.u32 v2, v48;
	v5 =	vadd.f32 v7, v5  }
0x7f1: {  	v50 =	vor.u32 v1, v12;
	v51 =	vmov s24;
	v7 =	vld.idx.msk [tilespmem:v8+s30+$0x0], $0xffff  }
0x7f2: {  	s26 =	sadd.s32 $0xFFFFFFFA, s23;
	v12 =	vshll.u32 v51, $0x3;
	v8 =	vor.u32 v2, v50;
	v5 =	vadd.f32 v45, v5  }
0x7f3: {  	v54 =	vmov s26;
	v53 =	vor.u32 v1, v12;
	v52 =	vld.idx.msk [tilespmem:v10+s30+$0x0], $0xffff  }
0x7f4: {  	s12 =	sadd.s32 $0xFFFFFFFC, s23;
	v12 =	vshll.u32 v54, $0x3;
	v10 =	vor.u32 v2, v53;
	v5 =	vadd.f32 v6, v5  }
0x7f5: {  	v56 =	vmov s12;
	v55 =	vor.u32 v1, v12;
	v6 =	vld.idx.msk [tilespmem:v11+s30+$0x0], $0xffff  }
0x7f6: {  	s24 =	sadd.s32 $0xFFFFFFFE, s23;
	v12 =	vshll.u32 v56, $0x3;
	v11 =	vor.u32 v2, v55;
	v5 =	vadd.f32 v7, v5  }
0x7f7: {  	v57 =	vor.u32 v1, v12;
	v58 =	vmov s24;
	v7 =	vld.idx.msk [tilespmem:v8+s30+$0x0], $0xffff  }
0x7f8: {  	v12 =	vshll.u32 v58, $0x3;
	v8 =	vor.u32 v2, v57;
	v5 =	vadd.f32 v52, v5  }
0x7f9: {  	v61 =	vmov s23;
	v60 =	vor.u32 v1, v12;
	v59 =	vld.idx.msk [tilespmem:v10+s30+$0x0], $0xffff  }
0x7fa: {  	v12 =	vshll.u32 v61, $0x3;
	v10 =	vor.u32 v2, v60;
	v5 =	vadd.f32 v6, v5  }
0x7fb: {  	v62 =	vor.u32 v1, v12;
	v6 =	vld.idx.msk [tilespmem:v11+s30+$0x0], $0xffff  }
0x7fc: {  	v11 =	vor.u32 v2, v62;
	v5 =	vadd.f32 v7, v5  }
0x7fd: {  	v7 =	vld.idx.msk [tilespmem:v8+s30+$0x0], $0xffff  }
0x7fe: {  	v5 =	vadd.f32 v59, v5  }
0x7ff: {  	v63 =	vld.idx.msk [tilespmem:v10+s30+$0x0], $0xffff  }
0x800: {  	v5 =	vadd.f32 v6, v5  }
0x801: {  	v6 =	vld.idx.msk [tilespmem:v11+s30+$0x0], $0xffff  }
0x802: {  	v5 =	vadd.f32 v7, v5;
	_ =	sdelay $0x1  }
0x803: {  	v5 =	vadd.f32 v63, v5;
	_ =	sdelay $0x1  }
0x804: {  	s22 =	sadd.s32 $0x1, s22;
	s26 =	sadd.s32 $0x4, s20;
	v5 =	vadd.f32 v6, v5  }
0x805: {  	p0 =	sne.s32 s22, $0x10;
	v6 =	vor.u32 s26, v4  }
.Ltmp6:
0x806: {  	v7 =	vperm.xlane v5, v3;
	(pc) =	sbr.rel @p0 .LBB2_4-.Ltmp6, $3  }
0x807: {  	_ = 	snop  }
0x808: {  	v5 =	vadd.f32 v7, v5;
	_ =	sdelay $0x1  }
0x809: {  	s25 =	sadd.s32 $0x80, s25;
	s21 =	sadd.s32 $0x80, s21;
	[tilespmem:v6+s18+$0x0] =	vst.idx.msk $0xf, v5  }
0x80a: {  	s11 =	simm.s32 $0x0;
	s12 =	rddreg [dreg:$0x6];
	s20 =	simm.s32 $0x5  }
0x80b: {  	[hbm4b:s12+s11] =	stream.linear.scatter [tilespmem:s18], [sflag:$0x5], $0x800, $0x38;
	[tilespmem:$0x10200] =	vst v63  }
0x80c: {  	_ =	swait.ge [sflag:s20], $0x800  }
0x80d: {  	s21 =	rddreg [dreg:$0x8]  }
0x80e: {  	s26 =	rddreg [dreg:$0x7];
	s21 =	sadd.s32 $0x1, s21  }
0x80f: {  	p0 =	sne.s32 s21, s26  }
.Ltmp7:
0x810: {  	_ = 	snop;
	(pc) =	sbr.rel @p0 .LBB2_1-.Ltmp7, $3  }
0x811: {  	_ =	sdelay $0x1  }
0x812: {  	[sflag:s20] =	ssyncset.done $0x0  }
0x813: {  	[sflag:s20] =	ssyncadd.s32 $0xFFFFF800  }
0x814: {  	_ =	sfence.sel $0x180000  }
0x815: {  	[bflag:$0x0] =	sbarrier.arrive $0xFFFF  }
0x816: {  	_ =	strace $0x90000047  }
0x817: {  	s0 =	stileid.u32;
	[bflag:$0x2] =	sbarrier.arrive $0xFFFF  }
0x818: {  	p0 =	sne.s32 s0, $0x0;
	s0 =	rddreg [dreg:$0x2]  }
0x819: {  	s0 =	sadd.s32 @!p0 $0x100000, s0  }
0x81a: {  	[sflag:s0] =	ssyncadd.tile.s32 @!p0 $0x1;
	_ =	shalt  }
.Lfunc_end2:
_tile_overlayer_lowered:
.L_overlay_start_2:
0x81b: {  	(tag) =	ssettag $0x2  }
0x81c: {  	s0 =	rddreg [dreg:$0x0];
	s2 =	stileid.u32  }
0x81d: {  	s1 =	rddreg [dreg:$0x1];
	p0 =	sne.s32 s2, $0x0  }
0x81e: {  	s3 =	rddreg [dreg:$0x2];
	[bflag:$0x3] =	sbarrier.arrive $0xFFFF;
	s2 =	simm.s32 @!p0 $0x1C05  }
0x81f: {  	[timem:s3], [sflag:s2] =	dma.local @!p0 [hbm:s0], s1  }
0x820: {  	s0 =	simm.s32 @!p0 $0x5  }
0x821: {  	_ =	swait.ge @!p0 [sflag:s0], s1  }
0x822: {  	s1 =	ssub.s32 @!p0 $0x0, s1;
	[sflag:s0] =	ssyncset.done @!p0 $0x0  }
0x823: {  	[sflag:s0] =	ssyncadd.s32 @!p0 s1  }
0x824: {  	[bflag:$0x3] =	sbarrier.arrive $0xFFFF  }
0x825: {  	_ =	shalt  }

</sc_bundles>
